<compile_context>
chip_gen: v7x
topology: tpu7x:2x2x1
jax: 0.10.2.dev20260603
libtpu: 0.0.44.dev20260713+nightly
codegen_flags: <defaults>
</compile_context>

<pallas_src>
import jax
import jax.numpy as jnp
from jax import lax
from jax.experimental import pallas as pl
from jax.experimental.pallas import tpu as pltpu
from jax.experimental.pallas import tpu_sc as plsc

_B = 16384
_D = 32
_NEG = 5
_NC = 2
_NS = 16
_NW = _NC * _NS
_L = 16
_BPW = _B // _NW
_CHUNK = 128
_UC = _BPW // _CHUNK
_JC = _BPW * _NEG // _CHUNK
_NGROUP = _BPW // _L


def _log_sigmoid(x):
    e = jnp.exp(-jnp.abs(x))
    z = e / (e + 2.0)
    z2 = z * z
    p = 1.0 + z2 * (1.0 / 3.0 + z2 * (1.0 / 5.0 + z2 * (
        1.0 / 7.0 + z2 * (1.0 / 9.0 + z2 * (1.0 / 11.0 + z2 * (1.0 / 13.0))))))
    return jnp.minimum(x, 0.0) - 2.0 * z * p


def _sc_body(vertex_hbm, context_hbm, u_hbm, i_hbm, js_hbm, out_hbm,
             u_idx, i_idx, js_idx, v1, v2, ng, acc_buf, sem):
    c = lax.axis_index("c")
    s = lax.axis_index("s")
    wid = s * _NC + c

    pltpu.sync_copy(u_hbm.at[wid], u_idx)
    pltpu.sync_copy(i_hbm.at[wid], i_idx)
    pltpu.sync_copy(js_hbm.at[wid], js_idx)

    copies = []
    for k in range(_UC):
        copies.append(pltpu.async_copy(
            vertex_hbm.at[u_idx.at[k]], v1.at[pl.ds(k * _CHUNK, _CHUNK)], sem))
        copies.append(pltpu.async_copy(
            context_hbm.at[i_idx.at[k]],
            v2.at[pl.ds(k * _CHUNK, _CHUNK)], sem))
    for k in range(_JC):
        copies.append(pltpu.async_copy(
            context_hbm.at[js_idx.at[k]],
            ng.at[pl.ds(k * _CHUNK, _CHUNK)], sem))
    for cp in copies:
        cp.wait()

    lanes = lax.iota(jnp.int32, _L)

    def group_body(g, acc):
        rowb = g * _L + lanes
        rown = rowb * _NEG
        pos = jnp.zeros((_L,), jnp.float32)
        negs = [jnp.zeros((_L,), jnp.float32) for _ in range(_NEG)]
        for d in range(_D):
            dv = (lanes + d) & (_D - 1)
            a = plsc.load_gather(v1, [rowb, dv])
            b = plsc.load_gather(v2, [rowb, dv])
            pos = pos + a * b
            for n in range(_NEG):
                cn = plsc.load_gather(ng, [rown + n, dv])
                negs[n] = negs[n] + a * cn
        tot = _log_sigmoid(pos)
        for n in range(_NEG):
            tot = tot + _log_sigmoid(-negs[n])
        return acc + tot

    acc = lax.fori_loop(0, _NGROUP, group_body, jnp.zeros((_L,), jnp.float32))
    acc_buf[...] = acc
    pltpu.sync_copy(acc_buf, out_hbm.at[pl.ds(wid * _L, _L)])


_sc_gather_loss = pl.kernel(
    _sc_body,
    mesh=plsc.VectorSubcoreMesh(core_axis_name="c", subcore_axis_name="s"),
    out_type=jax.ShapeDtypeStruct((_NW * _L,), jnp.float32),
    compiler_params=pltpu.CompilerParams(
        needs_layout_passes=False,
        use_tc_tiling_on_sc=False,
    ),
    scratch_types=[
        pltpu.VMEM((_UC, _CHUNK), jnp.int32),
        pltpu.VMEM((_UC, _CHUNK), jnp.int32),
        pltpu.VMEM((_JC, _CHUNK), jnp.int32),
        pltpu.VMEM((_BPW, _D), jnp.float32),
        pltpu.VMEM((_BPW, _D), jnp.float32),
        pltpu.VMEM((_BPW * _NEG, _D), jnp.float32),
        pltpu.VMEM((_L,), jnp.float32),
        pltpu.SemaphoreType.DMA,
    ],
)


def _finish_body(p_ref, o_ref):
    o_ref[...] = jnp.broadcast_to(-jnp.sum(p_ref[...]) * (1.0 / _B), (1, 1))


_finish = pl.pallas_call(
    _finish_body,
    out_shape=jax.ShapeDtypeStruct((1, 1), jnp.float32),
)


def kernel(u, i, js, vertex_emb, context_emb):
    u2 = u.astype(jnp.int32).reshape(_NW, _UC, _CHUNK)
    i2 = i.astype(jnp.int32).reshape(_NW, _UC, _CHUNK)
    js2 = js.astype(jnp.int32).reshape(_NW, _JC, _CHUNK)
    partials = _sc_gather_loss(vertex_emb, context_emb, u2, i2, js2)
    return _finish(partials.reshape(1, _NW * _L))[0, 0]

# --- scband reference (transcript-rebuilt; emitter-appended) ---
"""Pipeline reference for scband-line-19774029431530 (READ-ONLY COPY).

The authoritative reference and input builder live on the scoring server;
editing this copy changes nothing except your own understanding.
"""

import jax, jax.numpy as jnp
import numpy as np

USER_SIZE = 200000
ITEM_SIZE = 800000
SIZE = USER_SIZE + ITEM_SIZE
DIM = 32
BATCH = 16384
NEG = 5


def setup_inputs(seed: int = 0) -> dict:
    key = jax.random.key(seed)
    k1, k2, k3, k4, k5 = jax.random.split(key, 5)
    u = jax.random.randint(k1, (BATCH,), 0, SIZE, dtype=jnp.int64 if jax.config.read('jax_enable_x64') else jnp.int32)
    i = jax.random.randint(k2, (BATCH,), 0, SIZE, dtype=u.dtype)
    js = jax.random.randint(k3, (BATCH, NEG), 0, SIZE, dtype=u.dtype)
    # learned parameters: uniform(-0.5, 0.5) / dim, matching the torch init
    vertex_emb = (jax.random.uniform(k4, (SIZE, DIM), dtype=jnp.float32, minval=-0.5, maxval=0.5) / DIM)
    context_emb = (jax.random.uniform(k5, (SIZE, DIM), dtype=jnp.float32, minval=-0.5, maxval=0.5) / DIM)
    return {"u": u, "i": i, "js": js, "vertex_emb": vertex_emb, "context_emb": context_emb}


def reference(u, i, js, vertex_emb, context_emb):
    v1 = jnp.take(vertex_emb, u, axis=0)            # [B, D]
    v2 = jnp.take(context_emb, i, axis=0)           # [B, D]
    negs = -jnp.take(context_emb, js, axis=0)       # [B, NEG, D]
    mulpositivebatch = v1 * v2
    positivebatch = jax.nn.log_sigmoid(jnp.sum(mulpositivebatch, axis=1))  # [B]
    mulnegativebatch = v1[:, None, :] * negs        # [B, NEG, D]
    negtivebatch = jnp.sum(jax.nn.log_sigmoid(jnp.sum(mulnegativebatch, axis=2)), axis=1)  # [B]
    loss = positivebatch + negtivebatch
    return -jnp.mean(loss)

if __name__ == "__main__":
    import jax
    _d = setup_inputs()
    print(jax.jit(kernel)(*tuple(_d.values())))

</pallas_src>

<mosaic_0001>
#map = affine_map<(d0, d1) -> (0, 0)>
#map1 = affine_map<(d0, d1) -> (0, 0, 0)>
#map2 = affine_map<(d0, d1) -> (0)>
module attributes {stable_mosaic.version = 14 : i64} {
  func.func @_sc_body(%arg0: i32, %arg1: i32, %arg2: memref<1000000x32xf32, #tpu.memory_space<hbm>>, %arg3: memref<1000000x32xf32, #tpu.memory_space<hbm>>, %arg4: memref<32x4x128xi32, #tpu.memory_space<hbm>>, %arg5: memref<32x4x128xi32, #tpu.memory_space<hbm>>, %arg6: memref<32x20x128xi32, #tpu.memory_space<hbm>>, %arg7: memref<512xf32, #tpu.memory_space<hbm>>, %arg8: memref<4x128xi32, #tpu.memory_space<vmem>>, %arg9: memref<4x128xi32, #tpu.memory_space<vmem>>, %arg10: memref<20x128xi32, #tpu.memory_space<vmem>>, %arg11: memref<512x32xf32, #tpu.memory_space<vmem>>, %arg12: memref<512x32xf32, #tpu.memory_space<vmem>>, %arg13: memref<2560x32xf32, #tpu.memory_space<vmem>>, %arg14: memref<16xf32, #tpu.memory_space<vmem>>, %arg15: memref<!tpu.dma_semaphore, #tpu.memory_space<semaphore_mem>>) attributes {dimension_semantics = [#tpu.dimension_semantics<core_parallel>, #tpu.dimension_semantics<subcore_parallel>], iteration_bounds = array<i64: 2, 16>, scalar_prefetch = 0 : i64, scratch_operands = 8 : i64, tpu.core_type = #tpu.core_type<sc_vector_subcore>, window_params = [{transform_indices = #map}, {transform_indices = #map}, {transform_indices = #map1}, {transform_indices = #map1}, {transform_indices = #map1}, {transform_indices = #map2}]} {
    %mul3A = arith.constant 2 : i32
    %mul3A_0 = arith.muli %arg1, %mul3A : i32
    %add3A = arith.addi %mul3A_0, %arg0 : i32
    "tpu.region"() ({
      %run_scoped3A = tpu.sem_alloc : memref<!tpu.dma_semaphore, #tpu.memory_space<semaphore_mem>>
      %dma_start3A_568 = arith.constant 0 : i32
      %dma_start3A_569 = arith.constant 0 : i32
      %dma_start3A_570 = tpu.memref_slice %arg4[%add3A, %dma_start3A_568, %dma_start3A_569] : memref<32x4x128xi32, #tpu.memory_space<hbm>> -> memref<1x4x128xi32, #tpu.memory_space<hbm>>
      %dma_start3A_571 = tpu.memref_squeeze %dma_start3A_570 : memref<1x4x128xi32, #tpu.memory_space<hbm>> -> memref<4x128xi32, #tpu.memory_space<hbm>>
      %dma_start3A_572 = arith.constant 0 : i32
      %dma_start3A_573 = arith.constant 0 : i32
      %dma_start3A_574 = tpu.memref_slice %arg4[%add3A, %dma_start3A_572, %dma_start3A_573] : memref<32x4x128xi32, #tpu.memory_space<hbm>> -> memref<1x4x128xi32, #tpu.memory_space<hbm>>
      %dma_start3A_575 = tpu.memref_squeeze %dma_start3A_574 : memref<1x4x128xi32, #tpu.memory_space<hbm>> -> memref<4x128xi32, #tpu.memory_space<hbm>>
      tpu.enqueue_dma source(%dma_start3A_575 : memref<4x128xi32, #tpu.memory_space<hbm>>) target(%arg8 : memref<4x128xi32, #tpu.memory_space<vmem>>) target_semaphore(%run_scoped3A : memref<!tpu.dma_semaphore, #tpu.memory_space<semaphore_mem>>)
      %dma_wait3A_576 = arith.constant 0 : i32
      %dma_wait3A_577 = arith.constant 0 : i32
      %dma_wait3A_578 = tpu.memref_slice %arg4[%add3A, %dma_wait3A_576, %dma_wait3A_577] : memref<32x4x128xi32, #tpu.memory_space<hbm>> -> memref<1x4x128xi32, #tpu.memory_space<hbm>>
      %dma_wait3A_579 = tpu.memref_squeeze %dma_wait3A_578 : memref<1x4x128xi32, #tpu.memory_space<hbm>> -> memref<4x128xi32, #tpu.memory_space<hbm>>
      %dma_wait3A_580 = arith.constant 0 : i32
      %dma_wait3A_581 = arith.constant 0 : i32
      %dma_wait3A_582 = tpu.memref_slice %arg4[%add3A, %dma_wait3A_580, %dma_wait3A_581] : memref<32x4x128xi32, #tpu.memory_space<hbm>> -> memref<1x4x128xi32, #tpu.memory_space<hbm>>
      %dma_wait3A_583 = tpu.memref_squeeze %dma_wait3A_582 : memref<1x4x128xi32, #tpu.memory_space<hbm>> -> memref<4x128xi32, #tpu.memory_space<hbm>>
      tpu.wait_dma2 semaphore(%run_scoped3A : memref<!tpu.dma_semaphore, #tpu.memory_space<semaphore_mem>>) src(%dma_wait3A_583 : memref<4x128xi32, #tpu.memory_space<hbm>>) dst(%arg8 : memref<4x128xi32, #tpu.memory_space<vmem>>)
      tpu.yield
    }) : () -> ()
    "tpu.region"() ({
      %run_scoped3A = tpu.sem_alloc : memref<!tpu.dma_semaphore, #tpu.memory_space<semaphore_mem>>
      %dma_start3A_568 = arith.constant 0 : i32
      %dma_start3A_569 = arith.constant 0 : i32
      %dma_start3A_570 = tpu.memref_slice %arg5[%add3A, %dma_start3A_568, %dma_start3A_569] : memref<32x4x128xi32, #tpu.memory_space<hbm>> -> memref<1x4x128xi32, #tpu.memory_space<hbm>>
      %dma_start3A_571 = tpu.memref_squeeze %dma_start3A_570 : memref<1x4x128xi32, #tpu.memory_space<hbm>> -> memref<4x128xi32, #tpu.memory_space<hbm>>
      %dma_start3A_572 = arith.constant 0 : i32
      %dma_start3A_573 = arith.constant 0 : i32
      %dma_start3A_574 = tpu.memref_slice %arg5[%add3A, %dma_start3A_572, %dma_start3A_573] : memref<32x4x128xi32, #tpu.memory_space<hbm>> -> memref<1x4x128xi32, #tpu.memory_space<hbm>>
      %dma_start3A_575 = tpu.memref_squeeze %dma_start3A_574 : memref<1x4x128xi32, #tpu.memory_space<hbm>> -> memref<4x128xi32, #tpu.memory_space<hbm>>
      tpu.enqueue_dma source(%dma_start3A_575 : memref<4x128xi32, #tpu.memory_space<hbm>>) target(%arg9 : memref<4x128xi32, #tpu.memory_space<vmem>>) target_semaphore(%run_scoped3A : memref<!tpu.dma_semaphore, #tpu.memory_space<semaphore_mem>>)
      %dma_wait3A_576 = arith.constant 0 : i32
      %dma_wait3A_577 = arith.constant 0 : i32
      %dma_wait3A_578 = tpu.memref_slice %arg5[%add3A, %dma_wait3A_576, %dma_wait3A_577] : memref<32x4x128xi32, #tpu.memory_space<hbm>> -> memref<1x4x128xi32, #tpu.memory_space<hbm>>
      %dma_wait3A_579 = tpu.memref_squeeze %dma_wait3A_578 : memref<1x4x128xi32, #tpu.memory_space<hbm>> -> memref<4x128xi32, #tpu.memory_space<hbm>>
      %dma_wait3A_580 = arith.constant 0 : i32
      %dma_wait3A_581 = arith.constant 0 : i32
      %dma_wait3A_582 = tpu.memref_slice %arg5[%add3A, %dma_wait3A_580, %dma_wait3A_581] : memref<32x4x128xi32, #tpu.memory_space<hbm>> -> memref<1x4x128xi32, #tpu.memory_space<hbm>>
      %dma_wait3A_583 = tpu.memref_squeeze %dma_wait3A_582 : memref<1x4x128xi32, #tpu.memory_space<hbm>> -> memref<4x128xi32, #tpu.memory_space<hbm>>
      tpu.wait_dma2 semaphore(%run_scoped3A : memref<!tpu.dma_semaphore, #tpu.memory_space<semaphore_mem>>) src(%dma_wait3A_583 : memref<4x128xi32, #tpu.memory_space<hbm>>) dst(%arg9 : memref<4x128xi32, #tpu.memory_space<vmem>>)
      tpu.yield
    }) : () -> ()
    "tpu.region"() ({
      %run_scoped3A = tpu.sem_alloc : memref<!tpu.dma_semaphore, #tpu.memory_space<semaphore_mem>>
      %dma_start3A_568 = arith.constant 0 : i32
      %dma_start3A_569 = arith.constant 0 : i32
      %dma_start3A_570 = tpu.memref_slice %arg6[%add3A, %dma_start3A_568, %dma_start3A_569] : memref<32x20x128xi32, #tpu.memory_space<hbm>> -> memref<1x20x128xi32, #tpu.memory_space<hbm>>
      %dma_start3A_571 = tpu.memref_squeeze %dma_start3A_570 : memref<1x20x128xi32, #tpu.memory_space<hbm>> -> memref<20x128xi32, #tpu.memory_space<hbm>>
      %dma_start3A_572 = arith.constant 0 : i32
      %dma_start3A_573 = arith.constant 0 : i32
      %dma_start3A_574 = tpu.memref_slice %arg6[%add3A, %dma_start3A_572, %dma_start3A_573] : memref<32x20x128xi32, #tpu.memory_space<hbm>> -> memref<1x20x128xi32, #tpu.memory_space<hbm>>
      %dma_start3A_575 = tpu.memref_squeeze %dma_start3A_574 : memref<1x20x128xi32, #tpu.memory_space<hbm>> -> memref<20x128xi32, #tpu.memory_space<hbm>>
      tpu.enqueue_dma source(%dma_start3A_575 : memref<20x128xi32, #tpu.memory_space<hbm>>) target(%arg10 : memref<20x128xi32, #tpu.memory_space<vmem>>) target_semaphore(%run_scoped3A : memref<!tpu.dma_semaphore, #tpu.memory_space<semaphore_mem>>)
      %dma_wait3A_576 = arith.constant 0 : i32
      %dma_wait3A_577 = arith.constant 0 : i32
      %dma_wait3A_578 = tpu.memref_slice %arg6[%add3A, %dma_wait3A_576, %dma_wait3A_577] : memref<32x20x128xi32, #tpu.memory_space<hbm>> -> memref<1x20x128xi32, #tpu.memory_space<hbm>>
      %dma_wait3A_579 = tpu.memref_squeeze %dma_wait3A_578 : memref<1x20x128xi32, #tpu.memory_space<hbm>> -> memref<20x128xi32, #tpu.memory_space<hbm>>
      %dma_wait3A_580 = arith.constant 0 : i32
      %dma_wait3A_581 = arith.constant 0 : i32
      %dma_wait3A_582 = tpu.memref_slice %arg6[%add3A, %dma_wait3A_580, %dma_wait3A_581] : memref<32x20x128xi32, #tpu.memory_space<hbm>> -> memref<1x20x128xi32, #tpu.memory_space<hbm>>
      %dma_wait3A_583 = tpu.memref_squeeze %dma_wait3A_582 : memref<1x20x128xi32, #tpu.memory_space<hbm>> -> memref<20x128xi32, #tpu.memory_space<hbm>>
      tpu.wait_dma2 semaphore(%run_scoped3A : memref<!tpu.dma_semaphore, #tpu.memory_space<semaphore_mem>>) src(%dma_wait3A_583 : memref<20x128xi32, #tpu.memory_space<hbm>>) dst(%arg10 : memref<20x128xi32, #tpu.memory_space<vmem>>)
      tpu.yield
    }) : () -> ()
    %dma_start3A = arith.constant 0 : i32
    %dma_start3A_1 = arith.constant 0 : i32
    %dma_start3A_2 = arith.constant 0 : i32
    %dma_start3A_3 = tpu.memref_slice %arg11[%dma_start3A_1, %dma_start3A_2] : memref<512x32xf32, #tpu.memory_space<vmem>> -> memref<128x32xf32, #tpu.memory_space<vmem>>
    %dma_start3A_4 = arith.constant 0 : i32
    %dma_start3A_5 = tpu.memref_slice %arg8[%dma_start3A, %dma_start3A_4] : memref<4x128xi32, #tpu.memory_space<vmem>> -> memref<1x128xi32, #tpu.memory_space<vmem>>
    %dma_start3A_6 = tpu.memref_squeeze %dma_start3A_5 : memref<1x128xi32, #tpu.memory_space<vmem>> -> memref<128xi32, #tpu.memory_space<vmem>>
    %dma_start3A_7 = arith.constant 0 : i32
    %dma_start3A_8 = arith.constant 0 : i32
    %dma_start3A_9 = tpu.memref_slice %arg2[%dma_start3A_7, %dma_start3A_8] : memref<1000000x32xf32, #tpu.memory_space<hbm>> -> memref<1000000x32xf32, #tpu.memory_space<hbm>>
    tpu.enqueue_indirect_dma source(%dma_start3A_9 : memref<1000000x32xf32, #tpu.memory_space<hbm>>) target(%dma_start3A_3 : memref<128x32xf32, #tpu.memory_space<vmem>>) offsets(%dma_start3A_6 : memref<128xi32, #tpu.memory_space<vmem>>) semaphore(%arg15 : memref<!tpu.dma_semaphore, #tpu.memory_space<semaphore_mem>>)
    %dma_start3A_10 = arith.constant 0 : i32
    %dma_start3A_11 = arith.constant 0 : i32
    %dma_start3A_12 = arith.constant 0 : i32
    %dma_start3A_13 = tpu.memref_slice %arg12[%dma_start3A_11, %dma_start3A_12] : memref<512x32xf32, #tpu.memory_space<vmem>> -> memref<128x32xf32, #tpu.memory_space<vmem>>
    %dma_start3A_14 = arith.constant 0 : i32
    %dma_start3A_15 = tpu.memref_slice %arg9[%dma_start3A_10, %dma_start3A_14] : memref<4x128xi32, #tpu.memory_space<vmem>> -> memref<1x128xi32, #tpu.memory_space<vmem>>
    %dma_start3A_16 = tpu.memref_squeeze %dma_start3A_15 : memref<1x128xi32, #tpu.memory_space<vmem>> -> memref<128xi32, #tpu.memory_space<vmem>>
    %dma_start3A_17 = arith.constant 0 : i32
    %dma_start3A_18 = arith.constant 0 : i32
    %dma_start3A_19 = tpu.memref_slice %arg3[%dma_start3A_17, %dma_start3A_18] : memref<1000000x32xf32, #tpu.memory_space<hbm>> -> memref<1000000x32xf32, #tpu.memory_space<hbm>>
    tpu.enqueue_indirect_dma source(%dma_start3A_19 : memref<1000000x32xf32, #tpu.memory_space<hbm>>) target(%dma_start3A_13 : memref<128x32xf32, #tpu.memory_space<vmem>>) offsets(%dma_start3A_16 : memref<128xi32, #tpu.memory_space<vmem>>) semaphore(%arg15 : memref<!tpu.dma_semaphore, #tpu.memory_space<semaphore_mem>>)
    %dma_start3A_20 = arith.constant 1 : i32
    %dma_start3A_21 = arith.constant 128 : i32
    %dma_start3A_22 = arith.constant 0 : i32
    %dma_start3A_23 = tpu.memref_slice %arg11[%dma_start3A_21, %dma_start3A_22] : memref<512x32xf32, #tpu.memory_space<vmem>> -> memref<128x32xf32, #tpu.memory_space<vmem>>
    %dma_start3A_24 = arith.constant 0 : i32
    %dma_start3A_25 = tpu.memref_slice %arg8[%dma_start3A_20, %dma_start3A_24] : memref<4x128xi32, #tpu.memory_space<vmem>> -> memref<1x128xi32, #tpu.memory_space<vmem>>
    %dma_start3A_26 = tpu.memref_squeeze %dma_start3A_25 : memref<1x128xi32, #tpu.memory_space<vmem>> -> memref<128xi32, #tpu.memory_space<vmem>>
    %dma_start3A_27 = arith.constant 0 : i32
    %dma_start3A_28 = arith.constant 0 : i32
    %dma_start3A_29 = tpu.memref_slice %arg2[%dma_start3A_27, %dma_start3A_28] : memref<1000000x32xf32, #tpu.memory_space<hbm>> -> memref<1000000x32xf32, #tpu.memory_space<hbm>>
    tpu.enqueue_indirect_dma source(%dma_start3A_29 : memref<1000000x32xf32, #tpu.memory_space<hbm>>) target(%dma_start3A_23 : memref<128x32xf32, #tpu.memory_space<vmem>>) offsets(%dma_start3A_26 : memref<128xi32, #tpu.memory_space<vmem>>) semaphore(%arg15 : memref<!tpu.dma_semaphore, #tpu.memory_space<semaphore_mem>>)
    %dma_start3A_30 = arith.constant 1 : i32
    %dma_start3A_31 = arith.constant 128 : i32
    %dma_start3A_32 = arith.constant 0 : i32
    %dma_start3A_33 = tpu.memref_slice %arg12[%dma_start3A_31, %dma_start3A_32] : memref<512x32xf32, #tpu.memory_space<vmem>> -> memref<128x32xf32, #tpu.memory_space<vmem>>
    %dma_start3A_34 = arith.constant 0 : i32
    %dma_start3A_35 = tpu.memref_slice %arg9[%dma_start3A_30, %dma_start3A_34] : memref<4x128xi32, #tpu.memory_space<vmem>> -> memref<1x128xi32, #tpu.memory_space<vmem>>
    %dma_start3A_36 = tpu.memref_squeeze %dma_start3A_35 : memref<1x128xi32, #tpu.memory_space<vmem>> -> memref<128xi32, #tpu.memory_space<vmem>>
    %dma_start3A_37 = arith.constant 0 : i32
    %dma_start3A_38 = arith.constant 0 : i32
    %dma_start3A_39 = tpu.memref_slice %arg3[%dma_start3A_37, %dma_start3A_38] : memref<1000000x32xf32, #tpu.memory_space<hbm>> -> memref<1000000x32xf32, #tpu.memory_space<hbm>>
    tpu.enqueue_indirect_dma source(%dma_start3A_39 : memref<1000000x32xf32, #tpu.memory_space<hbm>>) target(%dma_start3A_33 : memref<128x32xf32, #tpu.memory_space<vmem>>) offsets(%dma_start3A_36 : memref<128xi32, #tpu.memory_space<vmem>>) semaphore(%arg15 : memref<!tpu.dma_semaphore, #tpu.memory_space<semaphore_mem>>)
    %dma_start3A_40 = arith.constant 2 : i32
    %dma_start3A_41 = arith.constant 256 : i32
    %dma_start3A_42 = arith.constant 0 : i32
    %dma_start3A_43 = tpu.memref_slice %arg11[%dma_start3A_41, %dma_start3A_42] : memref<512x32xf32, #tpu.memory_space<vmem>> -> memref<128x32xf32, #tpu.memory_space<vmem>>
    %dma_start3A_44 = arith.constant 0 : i32
    %dma_start3A_45 = tpu.memref_slice %arg8[%dma_start3A_40, %dma_start3A_44] : memref<4x128xi32, #tpu.memory_space<vmem>> -> memref<1x128xi32, #tpu.memory_space<vmem>>
    %dma_start3A_46 = tpu.memref_squeeze %dma_start3A_45 : memref<1x128xi32, #tpu.memory_space<vmem>> -> memref<128xi32, #tpu.memory_space<vmem>>
    %dma_start3A_47 = arith.constant 0 : i32
    %dma_start3A_48 = arith.constant 0 : i32
    %dma_start3A_49 = tpu.memref_slice %arg2[%dma_start3A_47, %dma_start3A_48] : memref<1000000x32xf32, #tpu.memory_space<hbm>> -> memref<1000000x32xf32, #tpu.memory_space<hbm>>
    tpu.enqueue_indirect_dma source(%dma_start3A_49 : memref<1000000x32xf32, #tpu.memory_space<hbm>>) target(%dma_start3A_43 : memref<128x32xf32, #tpu.memory_space<vmem>>) offsets(%dma_start3A_46 : memref<128xi32, #tpu.memory_space<vmem>>) semaphore(%arg15 : memref<!tpu.dma_semaphore, #tpu.memory_space<semaphore_mem>>)
    %dma_start3A_50 = arith.constant 2 : i32
    %dma_start3A_51 = arith.constant 256 : i32
    %dma_start3A_52 = arith.constant 0 : i32
    %dma_start3A_53 = tpu.memref_slice %arg12[%dma_start3A_51, %dma_start3A_52] : memref<512x32xf32, #tpu.memory_space<vmem>> -> memref<128x32xf32, #tpu.memory_space<vmem>>
    %dma_start3A_54 = arith.constant 0 : i32
    %dma_start3A_55 = tpu.memref_slice %arg9[%dma_start3A_50, %dma_start3A_54] : memref<4x128xi32, #tpu.memory_space<vmem>> -> memref<1x128xi32, #tpu.memory_space<vmem>>
    %dma_start3A_56 = tpu.memref_squeeze %dma_start3A_55 : memref<1x128xi32, #tpu.memory_space<vmem>> -> memref<128xi32, #tpu.memory_space<vmem>>
    %dma_start3A_57 = arith.constant 0 : i32
    %dma_start3A_58 = arith.constant 0 : i32
    %dma_start3A_59 = tpu.memref_slice %arg3[%dma_start3A_57, %dma_start3A_58] : memref<1000000x32xf32, #tpu.memory_space<hbm>> -> memref<1000000x32xf32, #tpu.memory_space<hbm>>
    tpu.enqueue_indirect_dma source(%dma_start3A_59 : memref<1000000x32xf32, #tpu.memory_space<hbm>>) target(%dma_start3A_53 : memref<128x32xf32, #tpu.memory_space<vmem>>) offsets(%dma_start3A_56 : memref<128xi32, #tpu.memory_space<vmem>>) semaphore(%arg15 : memref<!tpu.dma_semaphore, #tpu.memory_space<semaphore_mem>>)
    %dma_start3A_60 = arith.constant 3 : i32
    %dma_start3A_61 = arith.constant 384 : i32
    %dma_start3A_62 = arith.constant 0 : i32
    %dma_start3A_63 = tpu.memref_slice %arg11[%dma_start3A_61, %dma_start3A_62] : memref<512x32xf32, #tpu.memory_space<vmem>> -> memref<128x32xf32, #tpu.memory_space<vmem>>
    %dma_start3A_64 = arith.constant 0 : i32
    %dma_start3A_65 = tpu.memref_slice %arg8[%dma_start3A_60, %dma_start3A_64] : memref<4x128xi32, #tpu.memory_space<vmem>> -> memref<1x128xi32, #tpu.memory_space<vmem>>
    %dma_start3A_66 = tpu.memref_squeeze %dma_start3A_65 : memref<1x128xi32, #tpu.memory_space<vmem>> -> memref<128xi32, #tpu.memory_space<vmem>>
    %dma_start3A_67 = arith.constant 0 : i32
    %dma_start3A_68 = arith.constant 0 : i32
    %dma_start3A_69 = tpu.memref_slice %arg2[%dma_start3A_67, %dma_start3A_68] : memref<1000000x32xf32, #tpu.memory_space<hbm>> -> memref<1000000x32xf32, #tpu.memory_space<hbm>>
    tpu.enqueue_indirect_dma source(%dma_start3A_69 : memref<1000000x32xf32, #tpu.memory_space<hbm>>) target(%dma_start3A_63 : memref<128x32xf32, #tpu.memory_space<vmem>>) offsets(%dma_start3A_66 : memref<128xi32, #tpu.memory_space<vmem>>) semaphore(%arg15 : memref<!tpu.dma_semaphore, #tpu.memory_space<semaphore_mem>>)
    %dma_start3A_70 = arith.constant 3 : i32
    %dma_start3A_71 = arith.constant 384 : i32
    %dma_start3A_72 = arith.constant 0 : i32
    %dma_start3A_73 = tpu.memref_slice %arg12[%dma_start3A_71, %dma_start3A_72] : memref<512x32xf32, #tpu.memory_space<vmem>> -> memref<128x32xf32, #tpu.memory_space<vmem>>
    %dma_start3A_74 = arith.constant 0 : i32
    %dma_start3A_75 = tpu.memref_slice %arg9[%dma_start3A_70, %dma_start3A_74] : memref<4x128xi32, #tpu.memory_space<vmem>> -> memref<1x128xi32, #tpu.memory_space<vmem>>
    %dma_start3A_76 = tpu.memref_squeeze %dma_start3A_75 : memref<1x128xi32, #tpu.memory_space<vmem>> -> memref<128xi32, #tpu.memory_space<vmem>>
    %dma_start3A_77 = arith.constant 0 : i32
    %dma_start3A_78 = arith.constant 0 : i32
    %dma_start3A_79 = tpu.memref_slice %arg3[%dma_start3A_77, %dma_start3A_78] : memref<1000000x32xf32, #tpu.memory_space<hbm>> -> memref<1000000x32xf32, #tpu.memory_space<hbm>>
    tpu.enqueue_indirect_dma source(%dma_start3A_79 : memref<1000000x32xf32, #tpu.memory_space<hbm>>) target(%dma_start3A_73 : memref<128x32xf32, #tpu.memory_space<vmem>>) offsets(%dma_start3A_76 : memref<128xi32, #tpu.memory_space<vmem>>) semaphore(%arg15 : memref<!tpu.dma_semaphore, #tpu.memory_space<semaphore_mem>>)
    %dma_start3A_80 = arith.constant 0 : i32
    %dma_start3A_81 = arith.constant 0 : i32
    %dma_start3A_82 = arith.constant 0 : i32
    %dma_start3A_83 = tpu.memref_slice %arg13[%dma_start3A_81, %dma_start3A_82] : memref<2560x32xf32, #tpu.memory_space<vmem>> -> memref<128x32xf32, #tpu.memory_space<vmem>>
    %dma_start3A_84 = arith.constant 0 : i32
    %dma_start3A_85 = tpu.memref_slice %arg10[%dma_start3A_80, %dma_start3A_84] : memref<20x128xi32, #tpu.memory_space<vmem>> -> memref<1x128xi32, #tpu.memory_space<vmem>>
    %dma_start3A_86 = tpu.memref_squeeze %dma_start3A_85 : memref<1x128xi32, #tpu.memory_space<vmem>> -> memref<128xi32, #tpu.memory_space<vmem>>
    %dma_start3A_87 = arith.constant 0 : i32
    %dma_start3A_88 = arith.constant 0 : i32
    %dma_start3A_89 = tpu.memref_slice %arg3[%dma_start3A_87, %dma_start3A_88] : memref<1000000x32xf32, #tpu.memory_space<hbm>> -> memref<1000000x32xf32, #tpu.memory_space<hbm>>
    tpu.enqueue_indirect_dma source(%dma_start3A_89 : memref<1000000x32xf32, #tpu.memory_space<hbm>>) target(%dma_start3A_83 : memref<128x32xf32, #tpu.memory_space<vmem>>) offsets(%dma_start3A_86 : memref<128xi32, #tpu.memory_space<vmem>>) semaphore(%arg15 : memref<!tpu.dma_semaphore, #tpu.memory_space<semaphore_mem>>)
    %dma_start3A_90 = arith.constant 1 : i32
    %dma_start3A_91 = arith.constant 128 : i32
    %dma_start3A_92 = arith.constant 0 : i32
    %dma_start3A_93 = tpu.memref_slice %arg13[%dma_start3A_91, %dma_start3A_92] : memref<2560x32xf32, #tpu.memory_space<vmem>> -> memref<128x32xf32, #tpu.memory_space<vmem>>
    %dma_start3A_94 = arith.constant 0 : i32
    %dma_start3A_95 = tpu.memref_slice %arg10[%dma_start3A_90, %dma_start3A_94] : memref<20x128xi32, #tpu.memory_space<vmem>> -> memref<1x128xi32, #tpu.memory_space<vmem>>
    %dma_start3A_96 = tpu.memref_squeeze %dma_start3A_95 : memref<1x128xi32, #tpu.memory_space<vmem>> -> memref<128xi32, #tpu.memory_space<vmem>>
    %dma_start3A_97 = arith.constant 0 : i32
    %dma_start3A_98 = arith.constant 0 : i32
    %dma_start3A_99 = tpu.memref_slice %arg3[%dma_start3A_97, %dma_start3A_98] : memref<1000000x32xf32, #tpu.memory_space<hbm>> -> memref<1000000x32xf32, #tpu.memory_space<hbm>>
    tpu.enqueue_indirect_dma source(%dma_start3A_99 : memref<1000000x32xf32, #tpu.memory_space<hbm>>) target(%dma_start3A_93 : memref<128x32xf32, #tpu.memory_space<vmem>>) offsets(%dma_start3A_96 : memref<128xi32, #tpu.memory_space<vmem>>) semaphore(%arg15 : memref<!tpu.dma_semaphore, #tpu.memory_space<semaphore_mem>>)
    %dma_start3A_100 = arith.constant 2 : i32
    %dma_start3A_101 = arith.constant 256 : i32
    %dma_start3A_102 = arith.constant 0 : i32
    %dma_start3A_103 = tpu.memref_slice %arg13[%dma_start3A_101, %dma_start3A_102] : memref<2560x32xf32, #tpu.memory_space<vmem>> -> memref<128x32xf32, #tpu.memory_space<vmem>>
    %dma_start3A_104 = arith.constant 0 : i32
    %dma_start3A_105 = tpu.memref_slice %arg10[%dma_start3A_100, %dma_start3A_104] : memref<20x128xi32, #tpu.memory_space<vmem>> -> memref<1x128xi32, #tpu.memory_space<vmem>>
    %dma_start3A_106 = tpu.memref_squeeze %dma_start3A_105 : memref<1x128xi32, #tpu.memory_space<vmem>> -> memref<128xi32, #tpu.memory_space<vmem>>
    %dma_start3A_107 = arith.constant 0 : i32
    %dma_start3A_108 = arith.constant 0 : i32
    %dma_start3A_109 = tpu.memref_slice %arg3[%dma_start3A_107, %dma_start3A_108] : memref<1000000x32xf32, #tpu.memory_space<hbm>> -> memref<1000000x32xf32, #tpu.memory_space<hbm>>
    tpu.enqueue_indirect_dma source(%dma_start3A_109 : memref<1000000x32xf32, #tpu.memory_space<hbm>>) target(%dma_start3A_103 : memref<128x32xf32, #tpu.memory_space<vmem>>) offsets(%dma_start3A_106 : memref<128xi32, #tpu.memory_space<vmem>>) semaphore(%arg15 : memref<!tpu.dma_semaphore, #tpu.memory_space<semaphore_mem>>)
    %dma_start3A_110 = arith.constant 3 : i32
    %dma_start3A_111 = arith.constant 384 : i32
    %dma_start3A_112 = arith.constant 0 : i32
    %dma_start3A_113 = tpu.memref_slice %arg13[%dma_start3A_111, %dma_start3A_112] : memref<2560x32xf32, #tpu.memory_space<vmem>> -> memref<128x32xf32, #tpu.memory_space<vmem>>
    %dma_start3A_114 = arith.constant 0 : i32
    %dma_start3A_115 = tpu.memref_slice %arg10[%dma_start3A_110, %dma_start3A_114] : memref<20x128xi32, #tpu.memory_space<vmem>> -> memref<1x128xi32, #tpu.memory_space<vmem>>
    %dma_start3A_116 = tpu.memref_squeeze %dma_start3A_115 : memref<1x128xi32, #tpu.memory_space<vmem>> -> memref<128xi32, #tpu.memory_space<vmem>>
    %dma_start3A_117 = arith.constant 0 : i32
    %dma_start3A_118 = arith.constant 0 : i32
    %dma_start3A_119 = tpu.memref_slice %arg3[%dma_start3A_117, %dma_start3A_118] : memref<1000000x32xf32, #tpu.memory_space<hbm>> -> memref<1000000x32xf32, #tpu.memory_space<hbm>>
    tpu.enqueue_indirect_dma source(%dma_start3A_119 : memref<1000000x32xf32, #tpu.memory_space<hbm>>) target(%dma_start3A_113 : memref<128x32xf32, #tpu.memory_space<vmem>>) offsets(%dma_start3A_116 : memref<128xi32, #tpu.memory_space<vmem>>) semaphore(%arg15 : memref<!tpu.dma_semaphore, #tpu.memory_space<semaphore_mem>>)
    %dma_start3A_120 = arith.constant 4 : i32
    %dma_start3A_121 = arith.constant 512 : i32
    %dma_start3A_122 = arith.constant 0 : i32
    %dma_start3A_123 = tpu.memref_slice %arg13[%dma_start3A_121, %dma_start3A_122] : memref<2560x32xf32, #tpu.memory_space<vmem>> -> memref<128x32xf32, #tpu.memory_space<vmem>>
    %dma_start3A_124 = arith.constant 0 : i32
    %dma_start3A_125 = tpu.memref_slice %arg10[%dma_start3A_120, %dma_start3A_124] : memref<20x128xi32, #tpu.memory_space<vmem>> -> memref<1x128xi32, #tpu.memory_space<vmem>>
    %dma_start3A_126 = tpu.memref_squeeze %dma_start3A_125 : memref<1x128xi32, #tpu.memory_space<vmem>> -> memref<128xi32, #tpu.memory_space<vmem>>
    %dma_start3A_127 = arith.constant 0 : i32
    %dma_start3A_128 = arith.constant 0 : i32
    %dma_start3A_129 = tpu.memref_slice %arg3[%dma_start3A_127, %dma_start3A_128] : memref<1000000x32xf32, #tpu.memory_space<hbm>> -> memref<1000000x32xf32, #tpu.memory_space<hbm>>
    tpu.enqueue_indirect_dma source(%dma_start3A_129 : memref<1000000x32xf32, #tpu.memory_space<hbm>>) target(%dma_start3A_123 : memref<128x32xf32, #tpu.memory_space<vmem>>) offsets(%dma_start3A_126 : memref<128xi32, #tpu.memory_space<vmem>>) semaphore(%arg15 : memref<!tpu.dma_semaphore, #tpu.memory_space<semaphore_mem>>)
    %dma_start3A_130 = arith.constant 5 : i32
    %dma_start3A_131 = arith.constant 640 : i32
    %dma_start3A_132 = arith.constant 0 : i32
    %dma_start3A_133 = tpu.memref_slice %arg13[%dma_start3A_131, %dma_start3A_132] : memref<2560x32xf32, #tpu.memory_space<vmem>> -> memref<128x32xf32, #tpu.memory_space<vmem>>
    %dma_start3A_134 = arith.constant 0 : i32
    %dma_start3A_135 = tpu.memref_slice %arg10[%dma_start3A_130, %dma_start3A_134] : memref<20x128xi32, #tpu.memory_space<vmem>> -> memref<1x128xi32, #tpu.memory_space<vmem>>
    %dma_start3A_136 = tpu.memref_squeeze %dma_start3A_135 : memref<1x128xi32, #tpu.memory_space<vmem>> -> memref<128xi32, #tpu.memory_space<vmem>>
    %dma_start3A_137 = arith.constant 0 : i32
    %dma_start3A_138 = arith.constant 0 : i32
    %dma_start3A_139 = tpu.memref_slice %arg3[%dma_start3A_137, %dma_start3A_138] : memref<1000000x32xf32, #tpu.memory_space<hbm>> -> memref<1000000x32xf32, #tpu.memory_space<hbm>>
    tpu.enqueue_indirect_dma source(%dma_start3A_139 : memref<1000000x32xf32, #tpu.memory_space<hbm>>) target(%dma_start3A_133 : memref<128x32xf32, #tpu.memory_space<vmem>>) offsets(%dma_start3A_136 : memref<128xi32, #tpu.memory_space<vmem>>) semaphore(%arg15 : memref<!tpu.dma_semaphore, #tpu.memory_space<semaphore_mem>>)
    %dma_start3A_140 = arith.constant 6 : i32
    %dma_start3A_141 = arith.constant 768 : i32
    %dma_start3A_142 = arith.constant 0 : i32
    %dma_start3A_143 = tpu.memref_slice %arg13[%dma_start3A_141, %dma_start3A_142] : memref<2560x32xf32, #tpu.memory_space<vmem>> -> memref<128x32xf32, #tpu.memory_space<vmem>>
    %dma_start3A_144 = arith.constant 0 : i32
    %dma_start3A_145 = tpu.memref_slice %arg10[%dma_start3A_140, %dma_start3A_144] : memref<20x128xi32, #tpu.memory_space<vmem>> -> memref<1x128xi32, #tpu.memory_space<vmem>>
    %dma_start3A_146 = tpu.memref_squeeze %dma_start3A_145 : memref<1x128xi32, #tpu.memory_space<vmem>> -> memref<128xi32, #tpu.memory_space<vmem>>
    %dma_start3A_147 = arith.constant 0 : i32
    %dma_start3A_148 = arith.constant 0 : i32
    %dma_start3A_149 = tpu.memref_slice %arg3[%dma_start3A_147, %dma_start3A_148] : memref<1000000x32xf32, #tpu.memory_space<hbm>> -> memref<1000000x32xf32, #tpu.memory_space<hbm>>
    tpu.enqueue_indirect_dma source(%dma_start3A_149 : memref<1000000x32xf32, #tpu.memory_space<hbm>>) target(%dma_start3A_143 : memref<128x32xf32, #tpu.memory_space<vmem>>) offsets(%dma_start3A_146 : memref<128xi32, #tpu.memory_space<vmem>>) semaphore(%arg15 : memref<!tpu.dma_semaphore, #tpu.memory_space<semaphore_mem>>)
    %dma_start3A_150 = arith.constant 7 : i32
    %dma_start3A_151 = arith.constant 896 : i32
    %dma_start3A_152 = arith.constant 0 : i32
    %dma_start3A_153 = tpu.memref_slice %arg13[%dma_start3A_151, %dma_start3A_152] : memref<2560x32xf32, #tpu.memory_space<vmem>> -> memref<128x32xf32, #tpu.memory_space<vmem>>
    %dma_start3A_154 = arith.constant 0 : i32
    %dma_start3A_155 = tpu.memref_slice %arg10[%dma_start3A_150, %dma_start3A_154] : memref<20x128xi32, #tpu.memory_space<vmem>> -> memref<1x128xi32, #tpu.memory_space<vmem>>
    %dma_start3A_156 = tpu.memref_squeeze %dma_start3A_155 : memref<1x128xi32, #tpu.memory_space<vmem>> -> memref<128xi32, #tpu.memory_space<vmem>>
    %dma_start3A_157 = arith.constant 0 : i32
    %dma_start3A_158 = arith.constant 0 : i32
    %dma_start3A_159 = tpu.memref_slice %arg3[%dma_start3A_157, %dma_start3A_158] : memref<1000000x32xf32, #tpu.memory_space<hbm>> -> memref<1000000x32xf32, #tpu.memory_space<hbm>>
    tpu.enqueue_indirect_dma source(%dma_start3A_159 : memref<1000000x32xf32, #tpu.memory_space<hbm>>) target(%dma_start3A_153 : memref<128x32xf32, #tpu.memory_space<vmem>>) offsets(%dma_start3A_156 : memref<128xi32, #tpu.memory_space<vmem>>) semaphore(%arg15 : memref<!tpu.dma_semaphore, #tpu.memory_space<semaphore_mem>>)
    %dma_start3A_160 = arith.constant 8 : i32
    %dma_start3A_161 = arith.constant 1024 : i32
    %dma_start3A_162 = arith.constant 0 : i32
    %dma_start3A_163 = tpu.memref_slice %arg13[%dma_start3A_161, %dma_start3A_162] : memref<2560x32xf32, #tpu.memory_space<vmem>> -> memref<128x32xf32, #tpu.memory_space<vmem>>
    %dma_start3A_164 = arith.constant 0 : i32
    %dma_start3A_165 = tpu.memref_slice %arg10[%dma_start3A_160, %dma_start3A_164] : memref<20x128xi32, #tpu.memory_space<vmem>> -> memref<1x128xi32, #tpu.memory_space<vmem>>
    %dma_start3A_166 = tpu.memref_squeeze %dma_start3A_165 : memref<1x128xi32, #tpu.memory_space<vmem>> -> memref<128xi32, #tpu.memory_space<vmem>>
    %dma_start3A_167 = arith.constant 0 : i32
    %dma_start3A_168 = arith.constant 0 : i32
    %dma_start3A_169 = tpu.memref_slice %arg3[%dma_start3A_167, %dma_start3A_168] : memref<1000000x32xf32, #tpu.memory_space<hbm>> -> memref<1000000x32xf32, #tpu.memory_space<hbm>>
    tpu.enqueue_indirect_dma source(%dma_start3A_169 : memref<1000000x32xf32, #tpu.memory_space<hbm>>) target(%dma_start3A_163 : memref<128x32xf32, #tpu.memory_space<vmem>>) offsets(%dma_start3A_166 : memref<128xi32, #tpu.memory_space<vmem>>) semaphore(%arg15 : memref<!tpu.dma_semaphore, #tpu.memory_space<semaphore_mem>>)
    %dma_start3A_170 = arith.constant 9 : i32
    %dma_start3A_171 = arith.constant 1152 : i32
    %dma_start3A_172 = arith.constant 0 : i32
    %dma_start3A_173 = tpu.memref_slice %arg13[%dma_start3A_171, %dma_start3A_172] : memref<2560x32xf32, #tpu.memory_space<vmem>> -> memref<128x32xf32, #tpu.memory_space<vmem>>
    %dma_start3A_174 = arith.constant 0 : i32
    %dma_start3A_175 = tpu.memref_slice %arg10[%dma_start3A_170, %dma_start3A_174] : memref<20x128xi32, #tpu.memory_space<vmem>> -> memref<1x128xi32, #tpu.memory_space<vmem>>
    %dma_start3A_176 = tpu.memref_squeeze %dma_start3A_175 : memref<1x128xi32, #tpu.memory_space<vmem>> -> memref<128xi32, #tpu.memory_space<vmem>>
    %dma_start3A_177 = arith.constant 0 : i32
    %dma_start3A_178 = arith.constant 0 : i32
    %dma_start3A_179 = tpu.memref_slice %arg3[%dma_start3A_177, %dma_start3A_178] : memref<1000000x32xf32, #tpu.memory_space<hbm>> -> memref<1000000x32xf32, #tpu.memory_space<hbm>>
    tpu.enqueue_indirect_dma source(%dma_start3A_179 : memref<1000000x32xf32, #tpu.memory_space<hbm>>) target(%dma_start3A_173 : memref<128x32xf32, #tpu.memory_space<vmem>>) offsets(%dma_start3A_176 : memref<128xi32, #tpu.memory_space<vmem>>) semaphore(%arg15 : memref<!tpu.dma_semaphore, #tpu.memory_space<semaphore_mem>>)
    %dma_start3A_180 = arith.constant 10 : i32
    %dma_start3A_181 = arith.constant 1280 : i32
    %dma_start3A_182 = arith.constant 0 : i32
    %dma_start3A_183 = tpu.memref_slice %arg13[%dma_start3A_181, %dma_start3A_182] : memref<2560x32xf32, #tpu.memory_space<vmem>> -> memref<128x32xf32, #tpu.memory_space<vmem>>
    %dma_start3A_184 = arith.constant 0 : i32
    %dma_start3A_185 = tpu.memref_slice %arg10[%dma_start3A_180, %dma_start3A_184] : memref<20x128xi32, #tpu.memory_space<vmem>> -> memref<1x128xi32, #tpu.memory_space<vmem>>
    %dma_start3A_186 = tpu.memref_squeeze %dma_start3A_185 : memref<1x128xi32, #tpu.memory_space<vmem>> -> memref<128xi32, #tpu.memory_space<vmem>>
    %dma_start3A_187 = arith.constant 0 : i32
    %dma_start3A_188 = arith.constant 0 : i32
    %dma_start3A_189 = tpu.memref_slice %arg3[%dma_start3A_187, %dma_start3A_188] : memref<1000000x32xf32, #tpu.memory_space<hbm>> -> memref<1000000x32xf32, #tpu.memory_space<hbm>>
    tpu.enqueue_indirect_dma source(%dma_start3A_189 : memref<1000000x32xf32, #tpu.memory_space<hbm>>) target(%dma_start3A_183 : memref<128x32xf32, #tpu.memory_space<vmem>>) offsets(%dma_start3A_186 : memref<128xi32, #tpu.memory_space<vmem>>) semaphore(%arg15 : memref<!tpu.dma_semaphore, #tpu.memory_space<semaphore_mem>>)
    %dma_start3A_190 = arith.constant 11 : i32
    %dma_start3A_191 = arith.constant 1408 : i32
    %dma_start3A_192 = arith.constant 0 : i32
    %dma_start3A_193 = tpu.memref_slice %arg13[%dma_start3A_191, %dma_start3A_192] : memref<2560x32xf32, #tpu.memory_space<vmem>> -> memref<128x32xf32, #tpu.memory_space<vmem>>
    %dma_start3A_194 = arith.constant 0 : i32
    %dma_start3A_195 = tpu.memref_slice %arg10[%dma_start3A_190, %dma_start3A_194] : memref<20x128xi32, #tpu.memory_space<vmem>> -> memref<1x128xi32, #tpu.memory_space<vmem>>
    %dma_start3A_196 = tpu.memref_squeeze %dma_start3A_195 : memref<1x128xi32, #tpu.memory_space<vmem>> -> memref<128xi32, #tpu.memory_space<vmem>>
    %dma_start3A_197 = arith.constant 0 : i32
    %dma_start3A_198 = arith.constant 0 : i32
    %dma_start3A_199 = tpu.memref_slice %arg3[%dma_start3A_197, %dma_start3A_198] : memref<1000000x32xf32, #tpu.memory_space<hbm>> -> memref<1000000x32xf32, #tpu.memory_space<hbm>>
    tpu.enqueue_indirect_dma source(%dma_start3A_199 : memref<1000000x32xf32, #tpu.memory_space<hbm>>) target(%dma_start3A_193 : memref<128x32xf32, #tpu.memory_space<vmem>>) offsets(%dma_start3A_196 : memref<128xi32, #tpu.memory_space<vmem>>) semaphore(%arg15 : memref<!tpu.dma_semaphore, #tpu.memory_space<semaphore_mem>>)
    %dma_start3A_200 = arith.constant 12 : i32
    %dma_start3A_201 = arith.constant 1536 : i32
    %dma_start3A_202 = arith.constant 0 : i32
    %dma_start3A_203 = tpu.memref_slice %arg13[%dma_start3A_201, %dma_start3A_202] : memref<2560x32xf32, #tpu.memory_space<vmem>> -> memref<128x32xf32, #tpu.memory_space<vmem>>
    %dma_start3A_204 = arith.constant 0 : i32
    %dma_start3A_205 = tpu.memref_slice %arg10[%dma_start3A_200, %dma_start3A_204] : memref<20x128xi32, #tpu.memory_space<vmem>> -> memref<1x128xi32, #tpu.memory_space<vmem>>
    %dma_start3A_206 = tpu.memref_squeeze %dma_start3A_205 : memref<1x128xi32, #tpu.memory_space<vmem>> -> memref<128xi32, #tpu.memory_space<vmem>>
    %dma_start3A_207 = arith.constant 0 : i32
    %dma_start3A_208 = arith.constant 0 : i32
    %dma_start3A_209 = tpu.memref_slice %arg3[%dma_start3A_207, %dma_start3A_208] : memref<1000000x32xf32, #tpu.memory_space<hbm>> -> memref<1000000x32xf32, #tpu.memory_space<hbm>>
    tpu.enqueue_indirect_dma source(%dma_start3A_209 : memref<1000000x32xf32, #tpu.memory_space<hbm>>) target(%dma_start3A_203 : memref<128x32xf32, #tpu.memory_space<vmem>>) offsets(%dma_start3A_206 : memref<128xi32, #tpu.memory_space<vmem>>) semaphore(%arg15 : memref<!tpu.dma_semaphore, #tpu.memory_space<semaphore_mem>>)
    %dma_start3A_210 = arith.constant 13 : i32
    %dma_start3A_211 = arith.constant 1664 : i32
    %dma_start3A_212 = arith.constant 0 : i32
    %dma_start3A_213 = tpu.memref_slice %arg13[%dma_start3A_211, %dma_start3A_212] : memref<2560x32xf32, #tpu.memory_space<vmem>> -> memref<128x32xf32, #tpu.memory_space<vmem>>
    %dma_start3A_214 = arith.constant 0 : i32
    %dma_start3A_215 = tpu.memref_slice %arg10[%dma_start3A_210, %dma_start3A_214] : memref<20x128xi32, #tpu.memory_space<vmem>> -> memref<1x128xi32, #tpu.memory_space<vmem>>
    %dma_start3A_216 = tpu.memref_squeeze %dma_start3A_215 : memref<1x128xi32, #tpu.memory_space<vmem>> -> memref<128xi32, #tpu.memory_space<vmem>>
    %dma_start3A_217 = arith.constant 0 : i32
    %dma_start3A_218 = arith.constant 0 : i32
    %dma_start3A_219 = tpu.memref_slice %arg3[%dma_start3A_217, %dma_start3A_218] : memref<1000000x32xf32, #tpu.memory_space<hbm>> -> memref<1000000x32xf32, #tpu.memory_space<hbm>>
    tpu.enqueue_indirect_dma source(%dma_start3A_219 : memref<1000000x32xf32, #tpu.memory_space<hbm>>) target(%dma_start3A_213 : memref<128x32xf32, #tpu.memory_space<vmem>>) offsets(%dma_start3A_216 : memref<128xi32, #tpu.memory_space<vmem>>) semaphore(%arg15 : memref<!tpu.dma_semaphore, #tpu.memory_space<semaphore_mem>>)
    %dma_start3A_220 = arith.constant 14 : i32
    %dma_start3A_221 = arith.constant 1792 : i32
    %dma_start3A_222 = arith.constant 0 : i32
    %dma_start3A_223 = tpu.memref_slice %arg13[%dma_start3A_221, %dma_start3A_222] : memref<2560x32xf32, #tpu.memory_space<vmem>> -> memref<128x32xf32, #tpu.memory_space<vmem>>
    %dma_start3A_224 = arith.constant 0 : i32
    %dma_start3A_225 = tpu.memref_slice %arg10[%dma_start3A_220, %dma_start3A_224] : memref<20x128xi32, #tpu.memory_space<vmem>> -> memref<1x128xi32, #tpu.memory_space<vmem>>
    %dma_start3A_226 = tpu.memref_squeeze %dma_start3A_225 : memref<1x128xi32, #tpu.memory_space<vmem>> -> memref<128xi32, #tpu.memory_space<vmem>>
    %dma_start3A_227 = arith.constant 0 : i32
    %dma_start3A_228 = arith.constant 0 : i32
    %dma_start3A_229 = tpu.memref_slice %arg3[%dma_start3A_227, %dma_start3A_228] : memref<1000000x32xf32, #tpu.memory_space<hbm>> -> memref<1000000x32xf32, #tpu.memory_space<hbm>>
    tpu.enqueue_indirect_dma source(%dma_start3A_229 : memref<1000000x32xf32, #tpu.memory_space<hbm>>) target(%dma_start3A_223 : memref<128x32xf32, #tpu.memory_space<vmem>>) offsets(%dma_start3A_226 : memref<128xi32, #tpu.memory_space<vmem>>) semaphore(%arg15 : memref<!tpu.dma_semaphore, #tpu.memory_space<semaphore_mem>>)
    %dma_start3A_230 = arith.constant 15 : i32
    %dma_start3A_231 = arith.constant 1920 : i32
    %dma_start3A_232 = arith.constant 0 : i32
    %dma_start3A_233 = tpu.memref_slice %arg13[%dma_start3A_231, %dma_start3A_232] : memref<2560x32xf32, #tpu.memory_space<vmem>> -> memref<128x32xf32, #tpu.memory_space<vmem>>
    %dma_start3A_234 = arith.constant 0 : i32
    %dma_start3A_235 = tpu.memref_slice %arg10[%dma_start3A_230, %dma_start3A_234] : memref<20x128xi32, #tpu.memory_space<vmem>> -> memref<1x128xi32, #tpu.memory_space<vmem>>
    %dma_start3A_236 = tpu.memref_squeeze %dma_start3A_235 : memref<1x128xi32, #tpu.memory_space<vmem>> -> memref<128xi32, #tpu.memory_space<vmem>>
    %dma_start3A_237 = arith.constant 0 : i32
    %dma_start3A_238 = arith.constant 0 : i32
    %dma_start3A_239 = tpu.memref_slice %arg3[%dma_start3A_237, %dma_start3A_238] : memref<1000000x32xf32, #tpu.memory_space<hbm>> -> memref<1000000x32xf32, #tpu.memory_space<hbm>>
    tpu.enqueue_indirect_dma source(%dma_start3A_239 : memref<1000000x32xf32, #tpu.memory_space<hbm>>) target(%dma_start3A_233 : memref<128x32xf32, #tpu.memory_space<vmem>>) offsets(%dma_start3A_236 : memref<128xi32, #tpu.memory_space<vmem>>) semaphore(%arg15 : memref<!tpu.dma_semaphore, #tpu.memory_space<semaphore_mem>>)
    %dma_start3A_240 = arith.constant 16 : i32
    %dma_start3A_241 = arith.constant 2048 : i32
    %dma_start3A_242 = arith.constant 0 : i32
    %dma_start3A_243 = tpu.memref_slice %arg13[%dma_start3A_241, %dma_start3A_242] : memref<2560x32xf32, #tpu.memory_space<vmem>> -> memref<128x32xf32, #tpu.memory_space<vmem>>
    %dma_start3A_244 = arith.constant 0 : i32
    %dma_start3A_245 = tpu.memref_slice %arg10[%dma_start3A_240, %dma_start3A_244] : memref<20x128xi32, #tpu.memory_space<vmem>> -> memref<1x128xi32, #tpu.memory_space<vmem>>
    %dma_start3A_246 = tpu.memref_squeeze %dma_start3A_245 : memref<1x128xi32, #tpu.memory_space<vmem>> -> memref<128xi32, #tpu.memory_space<vmem>>
    %dma_start3A_247 = arith.constant 0 : i32
    %dma_start3A_248 = arith.constant 0 : i32
    %dma_start3A_249 = tpu.memref_slice %arg3[%dma_start3A_247, %dma_start3A_248] : memref<1000000x32xf32, #tpu.memory_space<hbm>> -> memref<1000000x32xf32, #tpu.memory_space<hbm>>
    tpu.enqueue_indirect_dma source(%dma_start3A_249 : memref<1000000x32xf32, #tpu.memory_space<hbm>>) target(%dma_start3A_243 : memref<128x32xf32, #tpu.memory_space<vmem>>) offsets(%dma_start3A_246 : memref<128xi32, #tpu.memory_space<vmem>>) semaphore(%arg15 : memref<!tpu.dma_semaphore, #tpu.memory_space<semaphore_mem>>)
    %dma_start3A_250 = arith.constant 17 : i32
    %dma_start3A_251 = arith.constant 2176 : i32
    %dma_start3A_252 = arith.constant 0 : i32
    %dma_start3A_253 = tpu.memref_slice %arg13[%dma_start3A_251, %dma_start3A_252] : memref<2560x32xf32, #tpu.memory_space<vmem>> -> memref<128x32xf32, #tpu.memory_space<vmem>>
    %dma_start3A_254 = arith.constant 0 : i32
    %dma_start3A_255 = tpu.memref_slice %arg10[%dma_start3A_250, %dma_start3A_254] : memref<20x128xi32, #tpu.memory_space<vmem>> -> memref<1x128xi32, #tpu.memory_space<vmem>>
    %dma_start3A_256 = tpu.memref_squeeze %dma_start3A_255 : memref<1x128xi32, #tpu.memory_space<vmem>> -> memref<128xi32, #tpu.memory_space<vmem>>
    %dma_start3A_257 = arith.constant 0 : i32
    %dma_start3A_258 = arith.constant 0 : i32
    %dma_start3A_259 = tpu.memref_slice %arg3[%dma_start3A_257, %dma_start3A_258] : memref<1000000x32xf32, #tpu.memory_space<hbm>> -> memref<1000000x32xf32, #tpu.memory_space<hbm>>
    tpu.enqueue_indirect_dma source(%dma_start3A_259 : memref<1000000x32xf32, #tpu.memory_space<hbm>>) target(%dma_start3A_253 : memref<128x32xf32, #tpu.memory_space<vmem>>) offsets(%dma_start3A_256 : memref<128xi32, #tpu.memory_space<vmem>>) semaphore(%arg15 : memref<!tpu.dma_semaphore, #tpu.memory_space<semaphore_mem>>)
    %dma_start3A_260 = arith.constant 18 : i32
    %dma_start3A_261 = arith.constant 2304 : i32
    %dma_start3A_262 = arith.constant 0 : i32
    %dma_start3A_263 = tpu.memref_slice %arg13[%dma_start3A_261, %dma_start3A_262] : memref<2560x32xf32, #tpu.memory_space<vmem>> -> memref<128x32xf32, #tpu.memory_space<vmem>>
    %dma_start3A_264 = arith.constant 0 : i32
    %dma_start3A_265 = tpu.memref_slice %arg10[%dma_start3A_260, %dma_start3A_264] : memref<20x128xi32, #tpu.memory_space<vmem>> -> memref<1x128xi32, #tpu.memory_space<vmem>>
    %dma_start3A_266 = tpu.memref_squeeze %dma_start3A_265 : memref<1x128xi32, #tpu.memory_space<vmem>> -> memref<128xi32, #tpu.memory_space<vmem>>
    %dma_start3A_267 = arith.constant 0 : i32
    %dma_start3A_268 = arith.constant 0 : i32
    %dma_start3A_269 = tpu.memref_slice %arg3[%dma_start3A_267, %dma_start3A_268] : memref<1000000x32xf32, #tpu.memory_space<hbm>> -> memref<1000000x32xf32, #tpu.memory_space<hbm>>
    tpu.enqueue_indirect_dma source(%dma_start3A_269 : memref<1000000x32xf32, #tpu.memory_space<hbm>>) target(%dma_start3A_263 : memref<128x32xf32, #tpu.memory_space<vmem>>) offsets(%dma_start3A_266 : memref<128xi32, #tpu.memory_space<vmem>>) semaphore(%arg15 : memref<!tpu.dma_semaphore, #tpu.memory_space<semaphore_mem>>)
    %dma_start3A_270 = arith.constant 19 : i32
    %dma_start3A_271 = arith.constant 2432 : i32
    %dma_start3A_272 = arith.constant 0 : i32
    %dma_start3A_273 = tpu.memref_slice %arg13[%dma_start3A_271, %dma_start3A_272] : memref<2560x32xf32, #tpu.memory_space<vmem>> -> memref<128x32xf32, #tpu.memory_space<vmem>>
    %dma_start3A_274 = arith.constant 0 : i32
    %dma_start3A_275 = tpu.memref_slice %arg10[%dma_start3A_270, %dma_start3A_274] : memref<20x128xi32, #tpu.memory_space<vmem>> -> memref<1x128xi32, #tpu.memory_space<vmem>>
    %dma_start3A_276 = tpu.memref_squeeze %dma_start3A_275 : memref<1x128xi32, #tpu.memory_space<vmem>> -> memref<128xi32, #tpu.memory_space<vmem>>
    %dma_start3A_277 = arith.constant 0 : i32
    %dma_start3A_278 = arith.constant 0 : i32
    %dma_start3A_279 = tpu.memref_slice %arg3[%dma_start3A_277, %dma_start3A_278] : memref<1000000x32xf32, #tpu.memory_space<hbm>> -> memref<1000000x32xf32, #tpu.memory_space<hbm>>
    tpu.enqueue_indirect_dma source(%dma_start3A_279 : memref<1000000x32xf32, #tpu.memory_space<hbm>>) target(%dma_start3A_273 : memref<128x32xf32, #tpu.memory_space<vmem>>) offsets(%dma_start3A_276 : memref<128xi32, #tpu.memory_space<vmem>>) semaphore(%arg15 : memref<!tpu.dma_semaphore, #tpu.memory_space<semaphore_mem>>)
    %dma_wait3A = arith.constant 0 : i32
    %dma_wait3A_280 = arith.constant 0 : i32
    %dma_wait3A_281 = arith.constant 0 : i32
    %dma_wait3A_282 = tpu.memref_slice %arg11[%dma_wait3A_280, %dma_wait3A_281] : memref<512x32xf32, #tpu.memory_space<vmem>> -> memref<128x32xf32, #tpu.memory_space<vmem>>
    %dma_wait3A_283 = arith.constant 0 : i32
    %dma_wait3A_284 = tpu.memref_slice %arg8[%dma_wait3A, %dma_wait3A_283] : memref<4x128xi32, #tpu.memory_space<vmem>> -> memref<1x128xi32, #tpu.memory_space<vmem>>
    %dma_wait3A_285 = tpu.memref_squeeze %dma_wait3A_284 : memref<1x128xi32, #tpu.memory_space<vmem>> -> memref<128xi32, #tpu.memory_space<vmem>>
    %dma_wait3A_286 = arith.constant 0 : i32
    %dma_wait3A_287 = arith.constant 0 : i32
    %dma_wait3A_288 = tpu.memref_slice %arg2[%dma_wait3A_286, %dma_wait3A_287] : memref<1000000x32xf32, #tpu.memory_space<hbm>> -> memref<1000000x32xf32, #tpu.memory_space<hbm>>
    tpu.wait_indirect_dma semaphore(%arg15 : memref<!tpu.dma_semaphore, #tpu.memory_space<semaphore_mem>>) src(%dma_wait3A_288 : memref<1000000x32xf32, #tpu.memory_space<hbm>>) dst(%dma_wait3A_282 : memref<128x32xf32, #tpu.memory_space<vmem>>)
    %dma_wait3A_289 = arith.constant 0 : i32
    %dma_wait3A_290 = arith.constant 0 : i32
    %dma_wait3A_291 = arith.constant 0 : i32
    %dma_wait3A_292 = tpu.memref_slice %arg12[%dma_wait3A_290, %dma_wait3A_291] : memref<512x32xf32, #tpu.memory_space<vmem>> -> memref<128x32xf32, #tpu.memory_space<vmem>>
    %dma_wait3A_293 = arith.constant 0 : i32
    %dma_wait3A_294 = tpu.memref_slice %arg9[%dma_wait3A_289, %dma_wait3A_293] : memref<4x128xi32, #tpu.memory_space<vmem>> -> memref<1x128xi32, #tpu.memory_space<vmem>>
    %dma_wait3A_295 = tpu.memref_squeeze %dma_wait3A_294 : memref<1x128xi32, #tpu.memory_space<vmem>> -> memref<128xi32, #tpu.memory_space<vmem>>
    %dma_wait3A_296 = arith.constant 0 : i32
    %dma_wait3A_297 = arith.constant 0 : i32
    %dma_wait3A_298 = tpu.memref_slice %arg3[%dma_wait3A_296, %dma_wait3A_297] : memref<1000000x32xf32, #tpu.memory_space<hbm>> -> memref<1000000x32xf32, #tpu.memory_space<hbm>>
    tpu.wait_indirect_dma semaphore(%arg15 : memref<!tpu.dma_semaphore, #tpu.memory_space<semaphore_mem>>) src(%dma_wait3A_298 : memref<1000000x32xf32, #tpu.memory_space<hbm>>) dst(%dma_wait3A_292 : memref<128x32xf32, #tpu.memory_space<vmem>>)
    %dma_wait3A_299 = arith.constant 1 : i32
    %dma_wait3A_300 = arith.constant 128 : i32
    %dma_wait3A_301 = arith.constant 0 : i32
    %dma_wait3A_302 = tpu.memref_slice %arg11[%dma_wait3A_300, %dma_wait3A_301] : memref<512x32xf32, #tpu.memory_space<vmem>> -> memref<128x32xf32, #tpu.memory_space<vmem>>
    %dma_wait3A_303 = arith.constant 0 : i32
    %dma_wait3A_304 = tpu.memref_slice %arg8[%dma_wait3A_299, %dma_wait3A_303] : memref<4x128xi32, #tpu.memory_space<vmem>> -> memref<1x128xi32, #tpu.memory_space<vmem>>
    %dma_wait3A_305 = tpu.memref_squeeze %dma_wait3A_304 : memref<1x128xi32, #tpu.memory_space<vmem>> -> memref<128xi32, #tpu.memory_space<vmem>>
    %dma_wait3A_306 = arith.constant 0 : i32
    %dma_wait3A_307 = arith.constant 0 : i32
    %dma_wait3A_308 = tpu.memref_slice %arg2[%dma_wait3A_306, %dma_wait3A_307] : memref<1000000x32xf32, #tpu.memory_space<hbm>> -> memref<1000000x32xf32, #tpu.memory_space<hbm>>
    tpu.wait_indirect_dma semaphore(%arg15 : memref<!tpu.dma_semaphore, #tpu.memory_space<semaphore_mem>>) src(%dma_wait3A_308 : memref<1000000x32xf32, #tpu.memory_space<hbm>>) dst(%dma_wait3A_302 : memref<128x32xf32, #tpu.memory_space<vmem>>)
    %dma_wait3A_309 = arith.constant 1 : i32
    %dma_wait3A_310 = arith.constant 128 : i32
    %dma_wait3A_311 = arith.constant 0 : i32
    %dma_wait3A_312 = tpu.memref_slice %arg12[%dma_wait3A_310, %dma_wait3A_311] : memref<512x32xf32, #tpu.memory_space<vmem>> -> memref<128x32xf32, #tpu.memory_space<vmem>>
    %dma_wait3A_313 = arith.constant 0 : i32
    %dma_wait3A_314 = tpu.memref_slice %arg9[%dma_wait3A_309, %dma_wait3A_313] : memref<4x128xi32, #tpu.memory_space<vmem>> -> memref<1x128xi32, #tpu.memory_space<vmem>>
    %dma_wait3A_315 = tpu.memref_squeeze %dma_wait3A_314 : memref<1x128xi32, #tpu.memory_space<vmem>> -> memref<128xi32, #tpu.memory_space<vmem>>
    %dma_wait3A_316 = arith.constant 0 : i32
    %dma_wait3A_317 = arith.constant 0 : i32
    %dma_wait3A_318 = tpu.memref_slice %arg3[%dma_wait3A_316, %dma_wait3A_317] : memref<1000000x32xf32, #tpu.memory_space<hbm>> -> memref<1000000x32xf32, #tpu.memory_space<hbm>>
    tpu.wait_indirect_dma semaphore(%arg15 : memref<!tpu.dma_semaphore, #tpu.memory_space<semaphore_mem>>) src(%dma_wait3A_318 : memref<1000000x32xf32, #tpu.memory_space<hbm>>) dst(%dma_wait3A_312 : memref<128x32xf32, #tpu.memory_space<vmem>>)
    %dma_wait3A_319 = arith.constant 2 : i32
    %dma_wait3A_320 = arith.constant 256 : i32
    %dma_wait3A_321 = arith.constant 0 : i32
    %dma_wait3A_322 = tpu.memref_slice %arg11[%dma_wait3A_320, %dma_wait3A_321] : memref<512x32xf32, #tpu.memory_space<vmem>> -> memref<128x32xf32, #tpu.memory_space<vmem>>
    %dma_wait3A_323 = arith.constant 0 : i32
    %dma_wait3A_324 = tpu.memref_slice %arg8[%dma_wait3A_319, %dma_wait3A_323] : memref<4x128xi32, #tpu.memory_space<vmem>> -> memref<1x128xi32, #tpu.memory_space<vmem>>
    %dma_wait3A_325 = tpu.memref_squeeze %dma_wait3A_324 : memref<1x128xi32, #tpu.memory_space<vmem>> -> memref<128xi32, #tpu.memory_space<vmem>>
    %dma_wait3A_326 = arith.constant 0 : i32
    %dma_wait3A_327 = arith.constant 0 : i32
    %dma_wait3A_328 = tpu.memref_slice %arg2[%dma_wait3A_326, %dma_wait3A_327] : memref<1000000x32xf32, #tpu.memory_space<hbm>> -> memref<1000000x32xf32, #tpu.memory_space<hbm>>
    tpu.wait_indirect_dma semaphore(%arg15 : memref<!tpu.dma_semaphore, #tpu.memory_space<semaphore_mem>>) src(%dma_wait3A_328 : memref<1000000x32xf32, #tpu.memory_space<hbm>>) dst(%dma_wait3A_322 : memref<128x32xf32, #tpu.memory_space<vmem>>)
    %dma_wait3A_329 = arith.constant 2 : i32
    %dma_wait3A_330 = arith.constant 256 : i32
    %dma_wait3A_331 = arith.constant 0 : i32
    %dma_wait3A_332 = tpu.memref_slice %arg12[%dma_wait3A_330, %dma_wait3A_331] : memref<512x32xf32, #tpu.memory_space<vmem>> -> memref<128x32xf32, #tpu.memory_space<vmem>>
    %dma_wait3A_333 = arith.constant 0 : i32
    %dma_wait3A_334 = tpu.memref_slice %arg9[%dma_wait3A_329, %dma_wait3A_333] : memref<4x128xi32, #tpu.memory_space<vmem>> -> memref<1x128xi32, #tpu.memory_space<vmem>>
    %dma_wait3A_335 = tpu.memref_squeeze %dma_wait3A_334 : memref<1x128xi32, #tpu.memory_space<vmem>> -> memref<128xi32, #tpu.memory_space<vmem>>
    %dma_wait3A_336 = arith.constant 0 : i32
    %dma_wait3A_337 = arith.constant 0 : i32
    %dma_wait3A_338 = tpu.memref_slice %arg3[%dma_wait3A_336, %dma_wait3A_337] : memref<1000000x32xf32, #tpu.memory_space<hbm>> -> memref<1000000x32xf32, #tpu.memory_space<hbm>>
    tpu.wait_indirect_dma semaphore(%arg15 : memref<!tpu.dma_semaphore, #tpu.memory_space<semaphore_mem>>) src(%dma_wait3A_338 : memref<1000000x32xf32, #tpu.memory_space<hbm>>) dst(%dma_wait3A_332 : memref<128x32xf32, #tpu.memory_space<vmem>>)
    %dma_wait3A_339 = arith.constant 3 : i32
    %dma_wait3A_340 = arith.constant 384 : i32
    %dma_wait3A_341 = arith.constant 0 : i32
    %dma_wait3A_342 = tpu.memref_slice %arg11[%dma_wait3A_340, %dma_wait3A_341] : memref<512x32xf32, #tpu.memory_space<vmem>> -> memref<128x32xf32, #tpu.memory_space<vmem>>
    %dma_wait3A_343 = arith.constant 0 : i32
    %dma_wait3A_344 = tpu.memref_slice %arg8[%dma_wait3A_339, %dma_wait3A_343] : memref<4x128xi32, #tpu.memory_space<vmem>> -> memref<1x128xi32, #tpu.memory_space<vmem>>
    %dma_wait3A_345 = tpu.memref_squeeze %dma_wait3A_344 : memref<1x128xi32, #tpu.memory_space<vmem>> -> memref<128xi32, #tpu.memory_space<vmem>>
    %dma_wait3A_346 = arith.constant 0 : i32
    %dma_wait3A_347 = arith.constant 0 : i32
    %dma_wait3A_348 = tpu.memref_slice %arg2[%dma_wait3A_346, %dma_wait3A_347] : memref<1000000x32xf32, #tpu.memory_space<hbm>> -> memref<1000000x32xf32, #tpu.memory_space<hbm>>
    tpu.wait_indirect_dma semaphore(%arg15 : memref<!tpu.dma_semaphore, #tpu.memory_space<semaphore_mem>>) src(%dma_wait3A_348 : memref<1000000x32xf32, #tpu.memory_space<hbm>>) dst(%dma_wait3A_342 : memref<128x32xf32, #tpu.memory_space<vmem>>)
    %dma_wait3A_349 = arith.constant 3 : i32
    %dma_wait3A_350 = arith.constant 384 : i32
    %dma_wait3A_351 = arith.constant 0 : i32
    %dma_wait3A_352 = tpu.memref_slice %arg12[%dma_wait3A_350, %dma_wait3A_351] : memref<512x32xf32, #tpu.memory_space<vmem>> -> memref<128x32xf32, #tpu.memory_space<vmem>>
    %dma_wait3A_353 = arith.constant 0 : i32
    %dma_wait3A_354 = tpu.memref_slice %arg9[%dma_wait3A_349, %dma_wait3A_353] : memref<4x128xi32, #tpu.memory_space<vmem>> -> memref<1x128xi32, #tpu.memory_space<vmem>>
    %dma_wait3A_355 = tpu.memref_squeeze %dma_wait3A_354 : memref<1x128xi32, #tpu.memory_space<vmem>> -> memref<128xi32, #tpu.memory_space<vmem>>
    %dma_wait3A_356 = arith.constant 0 : i32
    %dma_wait3A_357 = arith.constant 0 : i32
    %dma_wait3A_358 = tpu.memref_slice %arg3[%dma_wait3A_356, %dma_wait3A_357] : memref<1000000x32xf32, #tpu.memory_space<hbm>> -> memref<1000000x32xf32, #tpu.memory_space<hbm>>
    tpu.wait_indirect_dma semaphore(%arg15 : memref<!tpu.dma_semaphore, #tpu.memory_space<semaphore_mem>>) src(%dma_wait3A_358 : memref<1000000x32xf32, #tpu.memory_space<hbm>>) dst(%dma_wait3A_352 : memref<128x32xf32, #tpu.memory_space<vmem>>)
    %dma_wait3A_359 = arith.constant 0 : i32
    %dma_wait3A_360 = arith.constant 0 : i32
    %dma_wait3A_361 = arith.constant 0 : i32
    %dma_wait3A_362 = tpu.memref_slice %arg13[%dma_wait3A_360, %dma_wait3A_361] : memref<2560x32xf32, #tpu.memory_space<vmem>> -> memref<128x32xf32, #tpu.memory_space<vmem>>
    %dma_wait3A_363 = arith.constant 0 : i32
    %dma_wait3A_364 = tpu.memref_slice %arg10[%dma_wait3A_359, %dma_wait3A_363] : memref<20x128xi32, #tpu.memory_space<vmem>> -> memref<1x128xi32, #tpu.memory_space<vmem>>
    %dma_wait3A_365 = tpu.memref_squeeze %dma_wait3A_364 : memref<1x128xi32, #tpu.memory_space<vmem>> -> memref<128xi32, #tpu.memory_space<vmem>>
    %dma_wait3A_366 = arith.constant 0 : i32
    %dma_wait3A_367 = arith.constant 0 : i32
    %dma_wait3A_368 = tpu.memref_slice %arg3[%dma_wait3A_366, %dma_wait3A_367] : memref<1000000x32xf32, #tpu.memory_space<hbm>> -> memref<1000000x32xf32, #tpu.memory_space<hbm>>
    tpu.wait_indirect_dma semaphore(%arg15 : memref<!tpu.dma_semaphore, #tpu.memory_space<semaphore_mem>>) src(%dma_wait3A_368 : memref<1000000x32xf32, #tpu.memory_space<hbm>>) dst(%dma_wait3A_362 : memref<128x32xf32, #tpu.memory_space<vmem>>)
    %dma_wait3A_369 = arith.constant 1 : i32
    %dma_wait3A_370 = arith.constant 128 : i32
    %dma_wait3A_371 = arith.constant 0 : i32
    %dma_wait3A_372 = tpu.memref_slice %arg13[%dma_wait3A_370, %dma_wait3A_371] : memref<2560x32xf32, #tpu.memory_space<vmem>> -> memref<128x32xf32, #tpu.memory_space<vmem>>
    %dma_wait3A_373 = arith.constant 0 : i32
    %dma_wait3A_374 = tpu.memref_slice %arg10[%dma_wait3A_369, %dma_wait3A_373] : memref<20x128xi32, #tpu.memory_space<vmem>> -> memref<1x128xi32, #tpu.memory_space<vmem>>
    %dma_wait3A_375 = tpu.memref_squeeze %dma_wait3A_374 : memref<1x128xi32, #tpu.memory_space<vmem>> -> memref<128xi32, #tpu.memory_space<vmem>>
    %dma_wait3A_376 = arith.constant 0 : i32
    %dma_wait3A_377 = arith.constant 0 : i32
    %dma_wait3A_378 = tpu.memref_slice %arg3[%dma_wait3A_376, %dma_wait3A_377] : memref<1000000x32xf32, #tpu.memory_space<hbm>> -> memref<1000000x32xf32, #tpu.memory_space<hbm>>
    tpu.wait_indirect_dma semaphore(%arg15 : memref<!tpu.dma_semaphore, #tpu.memory_space<semaphore_mem>>) src(%dma_wait3A_378 : memref<1000000x32xf32, #tpu.memory_space<hbm>>) dst(%dma_wait3A_372 : memref<128x32xf32, #tpu.memory_space<vmem>>)
    %dma_wait3A_379 = arith.constant 2 : i32
    %dma_wait3A_380 = arith.constant 256 : i32
    %dma_wait3A_381 = arith.constant 0 : i32
    %dma_wait3A_382 = tpu.memref_slice %arg13[%dma_wait3A_380, %dma_wait3A_381] : memref<2560x32xf32, #tpu.memory_space<vmem>> -> memref<128x32xf32, #tpu.memory_space<vmem>>
    %dma_wait3A_383 = arith.constant 0 : i32
    %dma_wait3A_384 = tpu.memref_slice %arg10[%dma_wait3A_379, %dma_wait3A_383] : memref<20x128xi32, #tpu.memory_space<vmem>> -> memref<1x128xi32, #tpu.memory_space<vmem>>
    %dma_wait3A_385 = tpu.memref_squeeze %dma_wait3A_384 : memref<1x128xi32, #tpu.memory_space<vmem>> -> memref<128xi32, #tpu.memory_space<vmem>>
    %dma_wait3A_386 = arith.constant 0 : i32
    %dma_wait3A_387 = arith.constant 0 : i32
    %dma_wait3A_388 = tpu.memref_slice %arg3[%dma_wait3A_386, %dma_wait3A_387] : memref<1000000x32xf32, #tpu.memory_space<hbm>> -> memref<1000000x32xf32, #tpu.memory_space<hbm>>
    tpu.wait_indirect_dma semaphore(%arg15 : memref<!tpu.dma_semaphore, #tpu.memory_space<semaphore_mem>>) src(%dma_wait3A_388 : memref<1000000x32xf32, #tpu.memory_space<hbm>>) dst(%dma_wait3A_382 : memref<128x32xf32, #tpu.memory_space<vmem>>)
    %dma_wait3A_389 = arith.constant 3 : i32
    %dma_wait3A_390 = arith.constant 384 : i32
    %dma_wait3A_391 = arith.constant 0 : i32
    %dma_wait3A_392 = tpu.memref_slice %arg13[%dma_wait3A_390, %dma_wait3A_391] : memref<2560x32xf32, #tpu.memory_space<vmem>> -> memref<128x32xf32, #tpu.memory_space<vmem>>
    %dma_wait3A_393 = arith.constant 0 : i32
    %dma_wait3A_394 = tpu.memref_slice %arg10[%dma_wait3A_389, %dma_wait3A_393] : memref<20x128xi32, #tpu.memory_space<vmem>> -> memref<1x128xi32, #tpu.memory_space<vmem>>
    %dma_wait3A_395 = tpu.memref_squeeze %dma_wait3A_394 : memref<1x128xi32, #tpu.memory_space<vmem>> -> memref<128xi32, #tpu.memory_space<vmem>>
    %dma_wait3A_396 = arith.constant 0 : i32
    %dma_wait3A_397 = arith.constant 0 : i32
    %dma_wait3A_398 = tpu.memref_slice %arg3[%dma_wait3A_396, %dma_wait3A_397] : memref<1000000x32xf32, #tpu.memory_space<hbm>> -> memref<1000000x32xf32, #tpu.memory_space<hbm>>
    tpu.wait_indirect_dma semaphore(%arg15 : memref<!tpu.dma_semaphore, #tpu.memory_space<semaphore_mem>>) src(%dma_wait3A_398 : memref<1000000x32xf32, #tpu.memory_space<hbm>>) dst(%dma_wait3A_392 : memref<128x32xf32, #tpu.memory_space<vmem>>)
    %dma_wait3A_399 = arith.constant 4 : i32
    %dma_wait3A_400 = arith.constant 512 : i32
    %dma_wait3A_401 = arith.constant 0 : i32
    %dma_wait3A_402 = tpu.memref_slice %arg13[%dma_wait3A_400, %dma_wait3A_401] : memref<2560x32xf32, #tpu.memory_space<vmem>> -> memref<128x32xf32, #tpu.memory_space<vmem>>
    %dma_wait3A_403 = arith.constant 0 : i32
    %dma_wait3A_404 = tpu.memref_slice %arg10[%dma_wait3A_399, %dma_wait3A_403] : memref<20x128xi32, #tpu.memory_space<vmem>> -> memref<1x128xi32, #tpu.memory_space<vmem>>
    %dma_wait3A_405 = tpu.memref_squeeze %dma_wait3A_404 : memref<1x128xi32, #tpu.memory_space<vmem>> -> memref<128xi32, #tpu.memory_space<vmem>>
    %dma_wait3A_406 = arith.constant 0 : i32
    %dma_wait3A_407 = arith.constant 0 : i32
    %dma_wait3A_408 = tpu.memref_slice %arg3[%dma_wait3A_406, %dma_wait3A_407] : memref<1000000x32xf32, #tpu.memory_space<hbm>> -> memref<1000000x32xf32, #tpu.memory_space<hbm>>
    tpu.wait_indirect_dma semaphore(%arg15 : memref<!tpu.dma_semaphore, #tpu.memory_space<semaphore_mem>>) src(%dma_wait3A_408 : memref<1000000x32xf32, #tpu.memory_space<hbm>>) dst(%dma_wait3A_402 : memref<128x32xf32, #tpu.memory_space<vmem>>)
    %dma_wait3A_409 = arith.constant 5 : i32
    %dma_wait3A_410 = arith.constant 640 : i32
    %dma_wait3A_411 = arith.constant 0 : i32
    %dma_wait3A_412 = tpu.memref_slice %arg13[%dma_wait3A_410, %dma_wait3A_411] : memref<2560x32xf32, #tpu.memory_space<vmem>> -> memref<128x32xf32, #tpu.memory_space<vmem>>
    %dma_wait3A_413 = arith.constant 0 : i32
    %dma_wait3A_414 = tpu.memref_slice %arg10[%dma_wait3A_409, %dma_wait3A_413] : memref<20x128xi32, #tpu.memory_space<vmem>> -> memref<1x128xi32, #tpu.memory_space<vmem>>
    %dma_wait3A_415 = tpu.memref_squeeze %dma_wait3A_414 : memref<1x128xi32, #tpu.memory_space<vmem>> -> memref<128xi32, #tpu.memory_space<vmem>>
    %dma_wait3A_416 = arith.constant 0 : i32
    %dma_wait3A_417 = arith.constant 0 : i32
    %dma_wait3A_418 = tpu.memref_slice %arg3[%dma_wait3A_416, %dma_wait3A_417] : memref<1000000x32xf32, #tpu.memory_space<hbm>> -> memref<1000000x32xf32, #tpu.memory_space<hbm>>
    tpu.wait_indirect_dma semaphore(%arg15 : memref<!tpu.dma_semaphore, #tpu.memory_space<semaphore_mem>>) src(%dma_wait3A_418 : memref<1000000x32xf32, #tpu.memory_space<hbm>>) dst(%dma_wait3A_412 : memref<128x32xf32, #tpu.memory_space<vmem>>)
    %dma_wait3A_419 = arith.constant 6 : i32
    %dma_wait3A_420 = arith.constant 768 : i32
    %dma_wait3A_421 = arith.constant 0 : i32
    %dma_wait3A_422 = tpu.memref_slice %arg13[%dma_wait3A_420, %dma_wait3A_421] : memref<2560x32xf32, #tpu.memory_space<vmem>> -> memref<128x32xf32, #tpu.memory_space<vmem>>
    %dma_wait3A_423 = arith.constant 0 : i32
    %dma_wait3A_424 = tpu.memref_slice %arg10[%dma_wait3A_419, %dma_wait3A_423] : memref<20x128xi32, #tpu.memory_space<vmem>> -> memref<1x128xi32, #tpu.memory_space<vmem>>
    %dma_wait3A_425 = tpu.memref_squeeze %dma_wait3A_424 : memref<1x128xi32, #tpu.memory_space<vmem>> -> memref<128xi32, #tpu.memory_space<vmem>>
    %dma_wait3A_426 = arith.constant 0 : i32
    %dma_wait3A_427 = arith.constant 0 : i32
    %dma_wait3A_428 = tpu.memref_slice %arg3[%dma_wait3A_426, %dma_wait3A_427] : memref<1000000x32xf32, #tpu.memory_space<hbm>> -> memref<1000000x32xf32, #tpu.memory_space<hbm>>
    tpu.wait_indirect_dma semaphore(%arg15 : memref<!tpu.dma_semaphore, #tpu.memory_space<semaphore_mem>>) src(%dma_wait3A_428 : memref<1000000x32xf32, #tpu.memory_space<hbm>>) dst(%dma_wait3A_422 : memref<128x32xf32, #tpu.memory_space<vmem>>)
    %dma_wait3A_429 = arith.constant 7 : i32
    %dma_wait3A_430 = arith.constant 896 : i32
    %dma_wait3A_431 = arith.constant 0 : i32
    %dma_wait3A_432 = tpu.memref_slice %arg13[%dma_wait3A_430, %dma_wait3A_431] : memref<2560x32xf32, #tpu.memory_space<vmem>> -> memref<128x32xf32, #tpu.memory_space<vmem>>
    %dma_wait3A_433 = arith.constant 0 : i32
    %dma_wait3A_434 = tpu.memref_slice %arg10[%dma_wait3A_429, %dma_wait3A_433] : memref<20x128xi32, #tpu.memory_space<vmem>> -> memref<1x128xi32, #tpu.memory_space<vmem>>
    %dma_wait3A_435 = tpu.memref_squeeze %dma_wait3A_434 : memref<1x128xi32, #tpu.memory_space<vmem>> -> memref<128xi32, #tpu.memory_space<vmem>>
    %dma_wait3A_436 = arith.constant 0 : i32
    %dma_wait3A_437 = arith.constant 0 : i32
    %dma_wait3A_438 = tpu.memref_slice %arg3[%dma_wait3A_436, %dma_wait3A_437] : memref<1000000x32xf32, #tpu.memory_space<hbm>> -> memref<1000000x32xf32, #tpu.memory_space<hbm>>
    tpu.wait_indirect_dma semaphore(%arg15 : memref<!tpu.dma_semaphore, #tpu.memory_space<semaphore_mem>>) src(%dma_wait3A_438 : memref<1000000x32xf32, #tpu.memory_space<hbm>>) dst(%dma_wait3A_432 : memref<128x32xf32, #tpu.memory_space<vmem>>)
    %dma_wait3A_439 = arith.constant 8 : i32
    %dma_wait3A_440 = arith.constant 1024 : i32
    %dma_wait3A_441 = arith.constant 0 : i32
    %dma_wait3A_442 = tpu.memref_slice %arg13[%dma_wait3A_440, %dma_wait3A_441] : memref<2560x32xf32, #tpu.memory_space<vmem>> -> memref<128x32xf32, #tpu.memory_space<vmem>>
    %dma_wait3A_443 = arith.constant 0 : i32
    %dma_wait3A_444 = tpu.memref_slice %arg10[%dma_wait3A_439, %dma_wait3A_443] : memref<20x128xi32, #tpu.memory_space<vmem>> -> memref<1x128xi32, #tpu.memory_space<vmem>>
    %dma_wait3A_445 = tpu.memref_squeeze %dma_wait3A_444 : memref<1x128xi32, #tpu.memory_space<vmem>> -> memref<128xi32, #tpu.memory_space<vmem>>
    %dma_wait3A_446 = arith.constant 0 : i32
    %dma_wait3A_447 = arith.constant 0 : i32
    %dma_wait3A_448 = tpu.memref_slice %arg3[%dma_wait3A_446, %dma_wait3A_447] : memref<1000000x32xf32, #tpu.memory_space<hbm>> -> memref<1000000x32xf32, #tpu.memory_space<hbm>>
    tpu.wait_indirect_dma semaphore(%arg15 : memref<!tpu.dma_semaphore, #tpu.memory_space<semaphore_mem>>) src(%dma_wait3A_448 : memref<1000000x32xf32, #tpu.memory_space<hbm>>) dst(%dma_wait3A_442 : memref<128x32xf32, #tpu.memory_space<vmem>>)
    %dma_wait3A_449 = arith.constant 9 : i32
    %dma_wait3A_450 = arith.constant 1152 : i32
    %dma_wait3A_451 = arith.constant 0 : i32
    %dma_wait3A_452 = tpu.memref_slice %arg13[%dma_wait3A_450, %dma_wait3A_451] : memref<2560x32xf32, #tpu.memory_space<vmem>> -> memref<128x32xf32, #tpu.memory_space<vmem>>
    %dma_wait3A_453 = arith.constant 0 : i32
    %dma_wait3A_454 = tpu.memref_slice %arg10[%dma_wait3A_449, %dma_wait3A_453] : memref<20x128xi32, #tpu.memory_space<vmem>> -> memref<1x128xi32, #tpu.memory_space<vmem>>
    %dma_wait3A_455 = tpu.memref_squeeze %dma_wait3A_454 : memref<1x128xi32, #tpu.memory_space<vmem>> -> memref<128xi32, #tpu.memory_space<vmem>>
    %dma_wait3A_456 = arith.constant 0 : i32
    %dma_wait3A_457 = arith.constant 0 : i32
    %dma_wait3A_458 = tpu.memref_slice %arg3[%dma_wait3A_456, %dma_wait3A_457] : memref<1000000x32xf32, #tpu.memory_space<hbm>> -> memref<1000000x32xf32, #tpu.memory_space<hbm>>
    tpu.wait_indirect_dma semaphore(%arg15 : memref<!tpu.dma_semaphore, #tpu.memory_space<semaphore_mem>>) src(%dma_wait3A_458 : memref<1000000x32xf32, #tpu.memory_space<hbm>>) dst(%dma_wait3A_452 : memref<128x32xf32, #tpu.memory_space<vmem>>)
    %dma_wait3A_459 = arith.constant 10 : i32
    %dma_wait3A_460 = arith.constant 1280 : i32
    %dma_wait3A_461 = arith.constant 0 : i32
    %dma_wait3A_462 = tpu.memref_slice %arg13[%dma_wait3A_460, %dma_wait3A_461] : memref<2560x32xf32, #tpu.memory_space<vmem>> -> memref<128x32xf32, #tpu.memory_space<vmem>>
    %dma_wait3A_463 = arith.constant 0 : i32
    %dma_wait3A_464 = tpu.memref_slice %arg10[%dma_wait3A_459, %dma_wait3A_463] : memref<20x128xi32, #tpu.memory_space<vmem>> -> memref<1x128xi32, #tpu.memory_space<vmem>>
    %dma_wait3A_465 = tpu.memref_squeeze %dma_wait3A_464 : memref<1x128xi32, #tpu.memory_space<vmem>> -> memref<128xi32, #tpu.memory_space<vmem>>
    %dma_wait3A_466 = arith.constant 0 : i32
    %dma_wait3A_467 = arith.constant 0 : i32
    %dma_wait3A_468 = tpu.memref_slice %arg3[%dma_wait3A_466, %dma_wait3A_467] : memref<1000000x32xf32, #tpu.memory_space<hbm>> -> memref<1000000x32xf32, #tpu.memory_space<hbm>>
    tpu.wait_indirect_dma semaphore(%arg15 : memref<!tpu.dma_semaphore, #tpu.memory_space<semaphore_mem>>) src(%dma_wait3A_468 : memref<1000000x32xf32, #tpu.memory_space<hbm>>) dst(%dma_wait3A_462 : memref<128x32xf32, #tpu.memory_space<vmem>>)
    %dma_wait3A_469 = arith.constant 11 : i32
    %dma_wait3A_470 = arith.constant 1408 : i32
    %dma_wait3A_471 = arith.constant 0 : i32
    %dma_wait3A_472 = tpu.memref_slice %arg13[%dma_wait3A_470, %dma_wait3A_471] : memref<2560x32xf32, #tpu.memory_space<vmem>> -> memref<128x32xf32, #tpu.memory_space<vmem>>
    %dma_wait3A_473 = arith.constant 0 : i32
    %dma_wait3A_474 = tpu.memref_slice %arg10[%dma_wait3A_469, %dma_wait3A_473] : memref<20x128xi32, #tpu.memory_space<vmem>> -> memref<1x128xi32, #tpu.memory_space<vmem>>
    %dma_wait3A_475 = tpu.memref_squeeze %dma_wait3A_474 : memref<1x128xi32, #tpu.memory_space<vmem>> -> memref<128xi32, #tpu.memory_space<vmem>>
    %dma_wait3A_476 = arith.constant 0 : i32
    %dma_wait3A_477 = arith.constant 0 : i32
    %dma_wait3A_478 = tpu.memref_slice %arg3[%dma_wait3A_476, %dma_wait3A_477] : memref<1000000x32xf32, #tpu.memory_space<hbm>> -> memref<1000000x32xf32, #tpu.memory_space<hbm>>
    tpu.wait_indirect_dma semaphore(%arg15 : memref<!tpu.dma_semaphore, #tpu.memory_space<semaphore_mem>>) src(%dma_wait3A_478 : memref<1000000x32xf32, #tpu.memory_space<hbm>>) dst(%dma_wait3A_472 : memref<128x32xf32, #tpu.memory_space<vmem>>)
    %dma_wait3A_479 = arith.constant 12 : i32
    %dma_wait3A_480 = arith.constant 1536 : i32
    %dma_wait3A_481 = arith.constant 0 : i32
    %dma_wait3A_482 = tpu.memref_slice %arg13[%dma_wait3A_480, %dma_wait3A_481] : memref<2560x32xf32, #tpu.memory_space<vmem>> -> memref<128x32xf32, #tpu.memory_space<vmem>>
    %dma_wait3A_483 = arith.constant 0 : i32
    %dma_wait3A_484 = tpu.memref_slice %arg10[%dma_wait3A_479, %dma_wait3A_483] : memref<20x128xi32, #tpu.memory_space<vmem>> -> memref<1x128xi32, #tpu.memory_space<vmem>>
    %dma_wait3A_485 = tpu.memref_squeeze %dma_wait3A_484 : memref<1x128xi32, #tpu.memory_space<vmem>> -> memref<128xi32, #tpu.memory_space<vmem>>
    %dma_wait3A_486 = arith.constant 0 : i32
    %dma_wait3A_487 = arith.constant 0 : i32
    %dma_wait3A_488 = tpu.memref_slice %arg3[%dma_wait3A_486, %dma_wait3A_487] : memref<1000000x32xf32, #tpu.memory_space<hbm>> -> memref<1000000x32xf32, #tpu.memory_space<hbm>>
    tpu.wait_indirect_dma semaphore(%arg15 : memref<!tpu.dma_semaphore, #tpu.memory_space<semaphore_mem>>) src(%dma_wait3A_488 : memref<1000000x32xf32, #tpu.memory_space<hbm>>) dst(%dma_wait3A_482 : memref<128x32xf32, #tpu.memory_space<vmem>>)
    %dma_wait3A_489 = arith.constant 13 : i32
    %dma_wait3A_490 = arith.constant 1664 : i32
    %dma_wait3A_491 = arith.constant 0 : i32
    %dma_wait3A_492 = tpu.memref_slice %arg13[%dma_wait3A_490, %dma_wait3A_491] : memref<2560x32xf32, #tpu.memory_space<vmem>> -> memref<128x32xf32, #tpu.memory_space<vmem>>
    %dma_wait3A_493 = arith.constant 0 : i32
    %dma_wait3A_494 = tpu.memref_slice %arg10[%dma_wait3A_489, %dma_wait3A_493] : memref<20x128xi32, #tpu.memory_space<vmem>> -> memref<1x128xi32, #tpu.memory_space<vmem>>
    %dma_wait3A_495 = tpu.memref_squeeze %dma_wait3A_494 : memref<1x128xi32, #tpu.memory_space<vmem>> -> memref<128xi32, #tpu.memory_space<vmem>>
    %dma_wait3A_496 = arith.constant 0 : i32
    %dma_wait3A_497 = arith.constant 0 : i32
    %dma_wait3A_498 = tpu.memref_slice %arg3[%dma_wait3A_496, %dma_wait3A_497] : memref<1000000x32xf32, #tpu.memory_space<hbm>> -> memref<1000000x32xf32, #tpu.memory_space<hbm>>
    tpu.wait_indirect_dma semaphore(%arg15 : memref<!tpu.dma_semaphore, #tpu.memory_space<semaphore_mem>>) src(%dma_wait3A_498 : memref<1000000x32xf32, #tpu.memory_space<hbm>>) dst(%dma_wait3A_492 : memref<128x32xf32, #tpu.memory_space<vmem>>)
    %dma_wait3A_499 = arith.constant 14 : i32
    %dma_wait3A_500 = arith.constant 1792 : i32
    %dma_wait3A_501 = arith.constant 0 : i32
    %dma_wait3A_502 = tpu.memref_slice %arg13[%dma_wait3A_500, %dma_wait3A_501] : memref<2560x32xf32, #tpu.memory_space<vmem>> -> memref<128x32xf32, #tpu.memory_space<vmem>>
    %dma_wait3A_503 = arith.constant 0 : i32
    %dma_wait3A_504 = tpu.memref_slice %arg10[%dma_wait3A_499, %dma_wait3A_503] : memref<20x128xi32, #tpu.memory_space<vmem>> -> memref<1x128xi32, #tpu.memory_space<vmem>>
    %dma_wait3A_505 = tpu.memref_squeeze %dma_wait3A_504 : memref<1x128xi32, #tpu.memory_space<vmem>> -> memref<128xi32, #tpu.memory_space<vmem>>
    %dma_wait3A_506 = arith.constant 0 : i32
    %dma_wait3A_507 = arith.constant 0 : i32
    %dma_wait3A_508 = tpu.memref_slice %arg3[%dma_wait3A_506, %dma_wait3A_507] : memref<1000000x32xf32, #tpu.memory_space<hbm>> -> memref<1000000x32xf32, #tpu.memory_space<hbm>>
    tpu.wait_indirect_dma semaphore(%arg15 : memref<!tpu.dma_semaphore, #tpu.memory_space<semaphore_mem>>) src(%dma_wait3A_508 : memref<1000000x32xf32, #tpu.memory_space<hbm>>) dst(%dma_wait3A_502 : memref<128x32xf32, #tpu.memory_space<vmem>>)
    %dma_wait3A_509 = arith.constant 15 : i32
    %dma_wait3A_510 = arith.constant 1920 : i32
    %dma_wait3A_511 = arith.constant 0 : i32
    %dma_wait3A_512 = tpu.memref_slice %arg13[%dma_wait3A_510, %dma_wait3A_511] : memref<2560x32xf32, #tpu.memory_space<vmem>> -> memref<128x32xf32, #tpu.memory_space<vmem>>
    %dma_wait3A_513 = arith.constant 0 : i32
    %dma_wait3A_514 = tpu.memref_slice %arg10[%dma_wait3A_509, %dma_wait3A_513] : memref<20x128xi32, #tpu.memory_space<vmem>> -> memref<1x128xi32, #tpu.memory_space<vmem>>
    %dma_wait3A_515 = tpu.memref_squeeze %dma_wait3A_514 : memref<1x128xi32, #tpu.memory_space<vmem>> -> memref<128xi32, #tpu.memory_space<vmem>>
    %dma_wait3A_516 = arith.constant 0 : i32
    %dma_wait3A_517 = arith.constant 0 : i32
    %dma_wait3A_518 = tpu.memref_slice %arg3[%dma_wait3A_516, %dma_wait3A_517] : memref<1000000x32xf32, #tpu.memory_space<hbm>> -> memref<1000000x32xf32, #tpu.memory_space<hbm>>
    tpu.wait_indirect_dma semaphore(%arg15 : memref<!tpu.dma_semaphore, #tpu.memory_space<semaphore_mem>>) src(%dma_wait3A_518 : memref<1000000x32xf32, #tpu.memory_space<hbm>>) dst(%dma_wait3A_512 : memref<128x32xf32, #tpu.memory_space<vmem>>)
    %dma_wait3A_519 = arith.constant 16 : i32
    %dma_wait3A_520 = arith.constant 2048 : i32
    %dma_wait3A_521 = arith.constant 0 : i32
    %dma_wait3A_522 = tpu.memref_slice %arg13[%dma_wait3A_520, %dma_wait3A_521] : memref<2560x32xf32, #tpu.memory_space<vmem>> -> memref<128x32xf32, #tpu.memory_space<vmem>>
    %dma_wait3A_523 = arith.constant 0 : i32
    %dma_wait3A_524 = tpu.memref_slice %arg10[%dma_wait3A_519, %dma_wait3A_523] : memref<20x128xi32, #tpu.memory_space<vmem>> -> memref<1x128xi32, #tpu.memory_space<vmem>>
    %dma_wait3A_525 = tpu.memref_squeeze %dma_wait3A_524 : memref<1x128xi32, #tpu.memory_space<vmem>> -> memref<128xi32, #tpu.memory_space<vmem>>
    %dma_wait3A_526 = arith.constant 0 : i32
    %dma_wait3A_527 = arith.constant 0 : i32
    %dma_wait3A_528 = tpu.memref_slice %arg3[%dma_wait3A_526, %dma_wait3A_527] : memref<1000000x32xf32, #tpu.memory_space<hbm>> -> memref<1000000x32xf32, #tpu.memory_space<hbm>>
    tpu.wait_indirect_dma semaphore(%arg15 : memref<!tpu.dma_semaphore, #tpu.memory_space<semaphore_mem>>) src(%dma_wait3A_528 : memref<1000000x32xf32, #tpu.memory_space<hbm>>) dst(%dma_wait3A_522 : memref<128x32xf32, #tpu.memory_space<vmem>>)
    %dma_wait3A_529 = arith.constant 17 : i32
    %dma_wait3A_530 = arith.constant 2176 : i32
    %dma_wait3A_531 = arith.constant 0 : i32
    %dma_wait3A_532 = tpu.memref_slice %arg13[%dma_wait3A_530, %dma_wait3A_531] : memref<2560x32xf32, #tpu.memory_space<vmem>> -> memref<128x32xf32, #tpu.memory_space<vmem>>
    %dma_wait3A_533 = arith.constant 0 : i32
    %dma_wait3A_534 = tpu.memref_slice %arg10[%dma_wait3A_529, %dma_wait3A_533] : memref<20x128xi32, #tpu.memory_space<vmem>> -> memref<1x128xi32, #tpu.memory_space<vmem>>
    %dma_wait3A_535 = tpu.memref_squeeze %dma_wait3A_534 : memref<1x128xi32, #tpu.memory_space<vmem>> -> memref<128xi32, #tpu.memory_space<vmem>>
    %dma_wait3A_536 = arith.constant 0 : i32
    %dma_wait3A_537 = arith.constant 0 : i32
    %dma_wait3A_538 = tpu.memref_slice %arg3[%dma_wait3A_536, %dma_wait3A_537] : memref<1000000x32xf32, #tpu.memory_space<hbm>> -> memref<1000000x32xf32, #tpu.memory_space<hbm>>
    tpu.wait_indirect_dma semaphore(%arg15 : memref<!tpu.dma_semaphore, #tpu.memory_space<semaphore_mem>>) src(%dma_wait3A_538 : memref<1000000x32xf32, #tpu.memory_space<hbm>>) dst(%dma_wait3A_532 : memref<128x32xf32, #tpu.memory_space<vmem>>)
    %dma_wait3A_539 = arith.constant 18 : i32
    %dma_wait3A_540 = arith.constant 2304 : i32
    %dma_wait3A_541 = arith.constant 0 : i32
    %dma_wait3A_542 = tpu.memref_slice %arg13[%dma_wait3A_540, %dma_wait3A_541] : memref<2560x32xf32, #tpu.memory_space<vmem>> -> memref<128x32xf32, #tpu.memory_space<vmem>>
    %dma_wait3A_543 = arith.constant 0 : i32
    %dma_wait3A_544 = tpu.memref_slice %arg10[%dma_wait3A_539, %dma_wait3A_543] : memref<20x128xi32, #tpu.memory_space<vmem>> -> memref<1x128xi32, #tpu.memory_space<vmem>>
    %dma_wait3A_545 = tpu.memref_squeeze %dma_wait3A_544 : memref<1x128xi32, #tpu.memory_space<vmem>> -> memref<128xi32, #tpu.memory_space<vmem>>
    %dma_wait3A_546 = arith.constant 0 : i32
    %dma_wait3A_547 = arith.constant 0 : i32
    %dma_wait3A_548 = tpu.memref_slice %arg3[%dma_wait3A_546, %dma_wait3A_547] : memref<1000000x32xf32, #tpu.memory_space<hbm>> -> memref<1000000x32xf32, #tpu.memory_space<hbm>>
    tpu.wait_indirect_dma semaphore(%arg15 : memref<!tpu.dma_semaphore, #tpu.memory_space<semaphore_mem>>) src(%dma_wait3A_548 : memref<1000000x32xf32, #tpu.memory_space<hbm>>) dst(%dma_wait3A_542 : memref<128x32xf32, #tpu.memory_space<vmem>>)
    %dma_wait3A_549 = arith.constant 19 : i32
    %dma_wait3A_550 = arith.constant 2432 : i32
    %dma_wait3A_551 = arith.constant 0 : i32
    %dma_wait3A_552 = tpu.memref_slice %arg13[%dma_wait3A_550, %dma_wait3A_551] : memref<2560x32xf32, #tpu.memory_space<vmem>> -> memref<128x32xf32, #tpu.memory_space<vmem>>
    %dma_wait3A_553 = arith.constant 0 : i32
    %dma_wait3A_554 = tpu.memref_slice %arg10[%dma_wait3A_549, %dma_wait3A_553] : memref<20x128xi32, #tpu.memory_space<vmem>> -> memref<1x128xi32, #tpu.memory_space<vmem>>
    %dma_wait3A_555 = tpu.memref_squeeze %dma_wait3A_554 : memref<1x128xi32, #tpu.memory_space<vmem>> -> memref<128xi32, #tpu.memory_space<vmem>>
    %dma_wait3A_556 = arith.constant 0 : i32
    %dma_wait3A_557 = arith.constant 0 : i32
    %dma_wait3A_558 = tpu.memref_slice %arg3[%dma_wait3A_556, %dma_wait3A_557] : memref<1000000x32xf32, #tpu.memory_space<hbm>> -> memref<1000000x32xf32, #tpu.memory_space<hbm>>
    tpu.wait_indirect_dma semaphore(%arg15 : memref<!tpu.dma_semaphore, #tpu.memory_space<semaphore_mem>>) src(%dma_wait3A_558 : memref<1000000x32xf32, #tpu.memory_space<hbm>>) dst(%dma_wait3A_552 : memref<128x32xf32, #tpu.memory_space<vmem>>)
    %iota3A = tpu.iota {dimensions = array<i32: 0>} : vector<16xi32>
    %broadcast_in_dim3A = arith.constant 0.000000e+00 : f32
    %broadcast_in_dim3A_559 = vector.broadcast %broadcast_in_dim3A : f32 to vector<16xf32>
    %scan3A = arith.constant 0 : i32
    %scan3A_560 = arith.constant 32 : i32
    %scan3A_561 = arith.addi %scan3A, %scan3A_560 : i32
    %scan3A_562 = arith.constant 1 : i32
    %scan3A_563 = scf.for %scan3A_568 = %scan3A to %scan3A_561 step %scan3A_562 iter_args(%scan3A_569 = %broadcast_in_dim3A_559) -> (vector<16xf32>)  : i32 {
      %mul3A_570 = arith.constant 16 : i32
      %mul3A_571 = arith.muli %scan3A_568, %mul3A_570 : i32
      %add3A_572 = vector.broadcast %mul3A_571 : i32 to vector<16xi32>
      %add3A_573 = arith.addi %add3A_572, %iota3A : vector<16xi32>
      %mul3A_574 = arith.constant 5 : i32
      %mul3A_575 = vector.broadcast %mul3A_574 : i32 to vector<16xi32>
      %mul3A_576 = arith.muli %add3A_573, %mul3A_575 : vector<16xi32>
      %broadcast_in_dim3A_577 = arith.constant 0.000000e+00 : f32
      %broadcast_in_dim3A_578 = vector.broadcast %broadcast_in_dim3A_577 : f32 to vector<16xf32>
      %broadcast_in_dim3A_579 = arith.constant 0.000000e+00 : f32
      %broadcast_in_dim3A_580 = vector.broadcast %broadcast_in_dim3A_579 : f32 to vector<16xf32>
      %broadcast_in_dim3A_581 = arith.constant 0.000000e+00 : f32
      %broadcast_in_dim3A_582 = vector.broadcast %broadcast_in_dim3A_581 : f32 to vector<16xf32>
      %broadcast_in_dim3A_583 = arith.constant 0.000000e+00 : f32
      %broadcast_in_dim3A_584 = vector.broadcast %broadcast_in_dim3A_583 : f32 to vector<16xf32>
      %broadcast_in_dim3A_585 = arith.constant 0.000000e+00 : f32
      %broadcast_in_dim3A_586 = vector.broadcast %broadcast_in_dim3A_585 : f32 to vector<16xf32>
      %broadcast_in_dim3A_587 = arith.constant 0.000000e+00 : f32
      %broadcast_in_dim3A_588 = vector.broadcast %broadcast_in_dim3A_587 : f32 to vector<16xf32>
      %add3A_589 = arith.constant 0 : i32
      %add3A_590 = vector.broadcast %add3A_589 : i32 to vector<16xi32>
      %add3A_591 = arith.addi %iota3A, %add3A_590 : vector<16xi32>
      %and3A = arith.constant 31 : i32
      %and3A_592 = vector.broadcast %and3A : i32 to vector<16xi32>
      %and3A_593 = arith.andi %add3A_591, %and3A_592 : vector<16xi32>
      %gather3A = tpu.vector_load_idx %arg11[%add3A_573, %and3A_593] : memref<512x32xf32, #tpu.memory_space<vmem>>[vector<16xi32>, vector<16xi32>], vector<16xf32>,
      %gather3A_594 = tpu.vector_load_idx %arg12[%add3A_573, %and3A_593] : memref<512x32xf32, #tpu.memory_space<vmem>>[vector<16xi32>, vector<16xi32>], vector<16xf32>,
      %mul3A_595 = arith.mulf %gather3A, %gather3A_594 : vector<16xf32>
      %add3A_596 = arith.addf %broadcast_in_dim3A_578, %mul3A_595 : vector<16xf32>
      %add3A_597 = arith.constant 0 : i32
      %add3A_598 = vector.broadcast %add3A_597 : i32 to vector<16xi32>
      %add3A_599 = arith.addi %mul3A_576, %add3A_598 : vector<16xi32>
      %gather3A_600 = tpu.vector_load_idx %arg13[%add3A_599, %and3A_593] : memref<2560x32xf32, #tpu.memory_space<vmem>>[vector<16xi32>, vector<16xi32>], vector<16xf32>,
      %mul3A_601 = arith.mulf %gather3A, %gather3A_600 : vector<16xf32>
      %add3A_602 = arith.addf %broadcast_in_dim3A_580, %mul3A_601 : vector<16xf32>
      %add3A_603 = arith.constant 1 : i32
      %add3A_604 = vector.broadcast %add3A_603 : i32 to vector<16xi32>
      %add3A_605 = arith.addi %mul3A_576, %add3A_604 : vector<16xi32>
      %gather3A_606 = tpu.vector_load_idx %arg13[%add3A_605, %and3A_593] : memref<2560x32xf32, #tpu.memory_space<vmem>>[vector<16xi32>, vector<16xi32>], vector<16xf32>,
      %mul3A_607 = arith.mulf %gather3A, %gather3A_606 : vector<16xf32>
      %add3A_608 = arith.addf %broadcast_in_dim3A_582, %mul3A_607 : vector<16xf32>
      %add3A_609 = arith.constant 2 : i32
      %add3A_610 = vector.broadcast %add3A_609 : i32 to vector<16xi32>
      %add3A_611 = arith.addi %mul3A_576, %add3A_610 : vector<16xi32>
      %gather3A_612 = tpu.vector_load_idx %arg13[%add3A_611, %and3A_593] : memref<2560x32xf32, #tpu.memory_space<vmem>>[vector<16xi32>, vector<16xi32>], vector<16xf32>,
      %mul3A_613 = arith.mulf %gather3A, %gather3A_612 : vector<16xf32>
      %add3A_614 = arith.addf %broadcast_in_dim3A_584, %mul3A_613 : vector<16xf32>
      %add3A_615 = arith.constant 3 : i32
      %add3A_616 = vector.broadcast %add3A_615 : i32 to vector<16xi32>
      %add3A_617 = arith.addi %mul3A_576, %add3A_616 : vector<16xi32>
      %gather3A_618 = tpu.vector_load_idx %arg13[%add3A_617, %and3A_593] : memref<2560x32xf32, #tpu.memory_space<vmem>>[vector<16xi32>, vector<16xi32>], vector<16xf32>,
      %mul3A_619 = arith.mulf %gather3A, %gather3A_618 : vector<16xf32>
      %add3A_620 = arith.addf %broadcast_in_dim3A_586, %mul3A_619 : vector<16xf32>
      %add3A_621 = arith.constant 4 : i32
      %add3A_622 = vector.broadcast %add3A_621 : i32 to vector<16xi32>
      %add3A_623 = arith.addi %mul3A_576, %add3A_622 : vector<16xi32>
      %gather3A_624 = tpu.vector_load_idx %arg13[%add3A_623, %and3A_593] : memref<2560x32xf32, #tpu.memory_space<vmem>>[vector<16xi32>, vector<16xi32>], vector<16xf32>,
      %mul3A_625 = arith.mulf %gather3A, %gather3A_624 : vector<16xf32>
      %add3A_626 = arith.addf %broadcast_in_dim3A_588, %mul3A_625 : vector<16xf32>
      %add3A_627 = arith.constant 1 : i32
      %add3A_628 = vector.broadcast %add3A_627 : i32 to vector<16xi32>
      %add3A_629 = arith.addi %iota3A, %add3A_628 : vector<16xi32>
      %and3A_630 = arith.constant 31 : i32
      %and3A_631 = vector.broadcast %and3A_630 : i32 to vector<16xi32>
      %and3A_632 = arith.andi %add3A_629, %and3A_631 : vector<16xi32>
      %gather3A_633 = tpu.vector_load_idx %arg11[%add3A_573, %and3A_632] : memref<512x32xf32, #tpu.memory_space<vmem>>[vector<16xi32>, vector<16xi32>], vector<16xf32>,
      %gather3A_634 = tpu.vector_load_idx %arg12[%add3A_573, %and3A_632] : memref<512x32xf32, #tpu.memory_space<vmem>>[vector<16xi32>, vector<16xi32>], vector<16xf32>,
      %mul3A_635 = arith.mulf %gather3A_633, %gather3A_634 : vector<16xf32>
      %add3A_636 = arith.addf %add3A_596, %mul3A_635 : vector<16xf32>
      %add3A_637 = arith.constant 0 : i32
      %add3A_638 = vector.broadcast %add3A_637 : i32 to vector<16xi32>
      %add3A_639 = arith.addi %mul3A_576, %add3A_638 : vector<16xi32>
      %gather3A_640 = tpu.vector_load_idx %arg13[%add3A_639, %and3A_632] : memref<2560x32xf32, #tpu.memory_space<vmem>>[vector<16xi32>, vector<16xi32>], vector<16xf32>,
      %mul3A_641 = arith.mulf %gather3A_633, %gather3A_640 : vector<16xf32>
      %add3A_642 = arith.addf %add3A_602, %mul3A_641 : vector<16xf32>
      %add3A_643 = arith.constant 1 : i32
      %add3A_644 = vector.broadcast %add3A_643 : i32 to vector<16xi32>
      %add3A_645 = arith.addi %mul3A_576, %add3A_644 : vector<16xi32>
      %gather3A_646 = tpu.vector_load_idx %arg13[%add3A_645, %and3A_632] : memref<2560x32xf32, #tpu.memory_space<vmem>>[vector<16xi32>, vector<16xi32>], vector<16xf32>,
      %mul3A_647 = arith.mulf %gather3A_633, %gather3A_646 : vector<16xf32>
      %add3A_648 = arith.addf %add3A_608, %mul3A_647 : vector<16xf32>
      %add3A_649 = arith.constant 2 : i32
      %add3A_650 = vector.broadcast %add3A_649 : i32 to vector<16xi32>
      %add3A_651 = arith.addi %mul3A_576, %add3A_650 : vector<16xi32>
      %gather3A_652 = tpu.vector_load_idx %arg13[%add3A_651, %and3A_632] : memref<2560x32xf32, #tpu.memory_space<vmem>>[vector<16xi32>, vector<16xi32>], vector<16xf32>,
      %mul3A_653 = arith.mulf %gather3A_633, %gather3A_652 : vector<16xf32>
      %add3A_654 = arith.addf %add3A_614, %mul3A_653 : vector<16xf32>
      %add3A_655 = arith.constant 3 : i32
      %add3A_656 = vector.broadcast %add3A_655 : i32 to vector<16xi32>
      %add3A_657 = arith.addi %mul3A_576, %add3A_656 : vector<16xi32>
      %gather3A_658 = tpu.vector_load_idx %arg13[%add3A_657, %and3A_632] : memref<2560x32xf32, #tpu.memory_space<vmem>>[vector<16xi32>, vector<16xi32>], vector<16xf32>,
      %mul3A_659 = arith.mulf %gather3A_633, %gather3A_658 : vector<16xf32>
      %add3A_660 = arith.addf %add3A_620, %mul3A_659 : vector<16xf32>
      %add3A_661 = arith.constant 4 : i32
      %add3A_662 = vector.broadcast %add3A_661 : i32 to vector<16xi32>
      %add3A_663 = arith.addi %mul3A_576, %add3A_662 : vector<16xi32>
      %gather3A_664 = tpu.vector_load_idx %arg13[%add3A_663, %and3A_632] : memref<2560x32xf32, #tpu.memory_space<vmem>>[vector<16xi32>, vector<16xi32>], vector<16xf32>,
      %mul3A_665 = arith.mulf %gather3A_633, %gather3A_664 : vector<16xf32>
      %add3A_666 = arith.addf %add3A_626, %mul3A_665 : vector<16xf32>
      %add3A_667 = arith.constant 2 : i32
      %add3A_668 = vector.broadcast %add3A_667 : i32 to vector<16xi32>
      %add3A_669 = arith.addi %iota3A, %add3A_668 : vector<16xi32>
      %and3A_670 = arith.constant 31 : i32
      %and3A_671 = vector.broadcast %and3A_670 : i32 to vector<16xi32>
      %and3A_672 = arith.andi %add3A_669, %and3A_671 : vector<16xi32>
      %gather3A_673 = tpu.vector_load_idx %arg11[%add3A_573, %and3A_672] : memref<512x32xf32, #tpu.memory_space<vmem>>[vector<16xi32>, vector<16xi32>], vector<16xf32>,
      %gather3A_674 = tpu.vector_load_idx %arg12[%add3A_573, %and3A_672] : memref<512x32xf32, #tpu.memory_space<vmem>>[vector<16xi32>, vector<16xi32>], vector<16xf32>,
      %mul3A_675 = arith.mulf %gather3A_673, %gather3A_674 : vector<16xf32>
      %add3A_676 = arith.addf %add3A_636, %mul3A_675 : vector<16xf32>
      %add3A_677 = arith.constant 0 : i32
      %add3A_678 = vector.broadcast %add3A_677 : i32 to vector<16xi32>
      %add3A_679 = arith.addi %mul3A_576, %add3A_678 : vector<16xi32>
      %gather3A_680 = tpu.vector_load_idx %arg13[%add3A_679, %and3A_672] : memref<2560x32xf32, #tpu.memory_space<vmem>>[vector<16xi32>, vector<16xi32>], vector<16xf32>,
      %mul3A_681 = arith.mulf %gather3A_673, %gather3A_680 : vector<16xf32>
      %add3A_682 = arith.addf %add3A_642, %mul3A_681 : vector<16xf32>
      %add3A_683 = arith.constant 1 : i32
      %add3A_684 = vector.broadcast %add3A_683 : i32 to vector<16xi32>
      %add3A_685 = arith.addi %mul3A_576, %add3A_684 : vector<16xi32>
      %gather3A_686 = tpu.vector_load_idx %arg13[%add3A_685, %and3A_672] : memref<2560x32xf32, #tpu.memory_space<vmem>>[vector<16xi32>, vector<16xi32>], vector<16xf32>,
      %mul3A_687 = arith.mulf %gather3A_673, %gather3A_686 : vector<16xf32>
      %add3A_688 = arith.addf %add3A_648, %mul3A_687 : vector<16xf32>
      %add3A_689 = arith.constant 2 : i32
      %add3A_690 = vector.broadcast %add3A_689 : i32 to vector<16xi32>
      %add3A_691 = arith.addi %mul3A_576, %add3A_690 : vector<16xi32>
      %gather3A_692 = tpu.vector_load_idx %arg13[%add3A_691, %and3A_672] : memref<2560x32xf32, #tpu.memory_space<vmem>>[vector<16xi32>, vector<16xi32>], vector<16xf32>,
      %mul3A_693 = arith.mulf %gather3A_673, %gather3A_692 : vector<16xf32>
      %add3A_694 = arith.addf %add3A_654, %mul3A_693 : vector<16xf32>
      %add3A_695 = arith.constant 3 : i32
      %add3A_696 = vector.broadcast %add3A_695 : i32 to vector<16xi32>
      %add3A_697 = arith.addi %mul3A_576, %add3A_696 : vector<16xi32>
      %gather3A_698 = tpu.vector_load_idx %arg13[%add3A_697, %and3A_672] : memref<2560x32xf32, #tpu.memory_space<vmem>>[vector<16xi32>, vector<16xi32>], vector<16xf32>,
      %mul3A_699 = arith.mulf %gather3A_673, %gather3A_698 : vector<16xf32>
      %add3A_700 = arith.addf %add3A_660, %mul3A_699 : vector<16xf32>
      %add3A_701 = arith.constant 4 : i32
      %add3A_702 = vector.broadcast %add3A_701 : i32 to vector<16xi32>
      %add3A_703 = arith.addi %mul3A_576, %add3A_702 : vector<16xi32>
      %gather3A_704 = tpu.vector_load_idx %arg13[%add3A_703, %and3A_672] : memref<2560x32xf32, #tpu.memory_space<vmem>>[vector<16xi32>, vector<16xi32>], vector<16xf32>,
      %mul3A_705 = arith.mulf %gather3A_673, %gather3A_704 : vector<16xf32>
      %add3A_706 = arith.addf %add3A_666, %mul3A_705 : vector<16xf32>
      %add3A_707 = arith.constant 3 : i32
      %add3A_708 = vector.broadcast %add3A_707 : i32 to vector<16xi32>
      %add3A_709 = arith.addi %iota3A, %add3A_708 : vector<16xi32>
      %and3A_710 = arith.constant 31 : i32
      %and3A_711 = vector.broadcast %and3A_710 : i32 to vector<16xi32>
      %and3A_712 = arith.andi %add3A_709, %and3A_711 : vector<16xi32>
      %gather3A_713 = tpu.vector_load_idx %arg11[%add3A_573, %and3A_712] : memref<512x32xf32, #tpu.memory_space<vmem>>[vector<16xi32>, vector<16xi32>], vector<16xf32>,
      %gather3A_714 = tpu.vector_load_idx %arg12[%add3A_573, %and3A_712] : memref<512x32xf32, #tpu.memory_space<vmem>>[vector<16xi32>, vector<16xi32>], vector<16xf32>,
      %mul3A_715 = arith.mulf %gather3A_713, %gather3A_714 : vector<16xf32>
      %add3A_716 = arith.addf %add3A_676, %mul3A_715 : vector<16xf32>
      %add3A_717 = arith.constant 0 : i32
      %add3A_718 = vector.broadcast %add3A_717 : i32 to vector<16xi32>
      %add3A_719 = arith.addi %mul3A_576, %add3A_718 : vector<16xi32>
      %gather3A_720 = tpu.vector_load_idx %arg13[%add3A_719, %and3A_712] : memref<2560x32xf32, #tpu.memory_space<vmem>>[vector<16xi32>, vector<16xi32>], vector<16xf32>,
      %mul3A_721 = arith.mulf %gather3A_713, %gather3A_720 : vector<16xf32>
      %add3A_722 = arith.addf %add3A_682, %mul3A_721 : vector<16xf32>
      %add3A_723 = arith.constant 1 : i32
      %add3A_724 = vector.broadcast %add3A_723 : i32 to vector<16xi32>
      %add3A_725 = arith.addi %mul3A_576, %add3A_724 : vector<16xi32>
      %gather3A_726 = tpu.vector_load_idx %arg13[%add3A_725, %and3A_712] : memref<2560x32xf32, #tpu.memory_space<vmem>>[vector<16xi32>, vector<16xi32>], vector<16xf32>,
      %mul3A_727 = arith.mulf %gather3A_713, %gather3A_726 : vector<16xf32>
      %add3A_728 = arith.addf %add3A_688, %mul3A_727 : vector<16xf32>
      %add3A_729 = arith.constant 2 : i32
      %add3A_730 = vector.broadcast %add3A_729 : i32 to vector<16xi32>
      %add3A_731 = arith.addi %mul3A_576, %add3A_730 : vector<16xi32>
      %gather3A_732 = tpu.vector_load_idx %arg13[%add3A_731, %and3A_712] : memref<2560x32xf32, #tpu.memory_space<vmem>>[vector<16xi32>, vector<16xi32>], vector<16xf32>,
      %mul3A_733 = arith.mulf %gather3A_713, %gather3A_732 : vector<16xf32>
      %add3A_734 = arith.addf %add3A_694, %mul3A_733 : vector<16xf32>
      %add3A_735 = arith.constant 3 : i32
      %add3A_736 = vector.broadcast %add3A_735 : i32 to vector<16xi32>
      %add3A_737 = arith.addi %mul3A_576, %add3A_736 : vector<16xi32>
      %gather3A_738 = tpu.vector_load_idx %arg13[%add3A_737, %and3A_712] : memref<2560x32xf32, #tpu.memory_space<vmem>>[vector<16xi32>, vector<16xi32>], vector<16xf32>,
      %mul3A_739 = arith.mulf %gather3A_713, %gather3A_738 : vector<16xf32>
      %add3A_740 = arith.addf %add3A_700, %mul3A_739 : vector<16xf32>
      %add3A_741 = arith.constant 4 : i32
      %add3A_742 = vector.broadcast %add3A_741 : i32 to vector<16xi32>
      %add3A_743 = arith.addi %mul3A_576, %add3A_742 : vector<16xi32>
      %gather3A_744 = tpu.vector_load_idx %arg13[%add3A_743, %and3A_712] : memref<2560x32xf32, #tpu.memory_space<vmem>>[vector<16xi32>, vector<16xi32>], vector<16xf32>,
      %mul3A_745 = arith.mulf %gather3A_713, %gather3A_744 : vector<16xf32>
      %add3A_746 = arith.addf %add3A_706, %mul3A_745 : vector<16xf32>
      %add3A_747 = arith.constant 4 : i32
      %add3A_748 = vector.broadcast %add3A_747 : i32 to vector<16xi32>
      %add3A_749 = arith.addi %iota3A, %add3A_748 : vector<16xi32>
      %and3A_750 = arith.constant 31 : i32
      %and3A_751 = vector.broadcast %and3A_750 : i32 to vector<16xi32>
      %and3A_752 = arith.andi %add3A_749, %and3A_751 : vector<16xi32>
      %gather3A_753 = tpu.vector_load_idx %arg11[%add3A_573, %and3A_752] : memref<512x32xf32, #tpu.memory_space<vmem>>[vector<16xi32>, vector<16xi32>], vector<16xf32>,
      %gather3A_754 = tpu.vector_load_idx %arg12[%add3A_573, %and3A_752] : memref<512x32xf32, #tpu.memory_space<vmem>>[vector<16xi32>, vector<16xi32>], vector<16xf32>,
      %mul3A_755 = arith.mulf %gather3A_753, %gather3A_754 : vector<16xf32>
      %add3A_756 = arith.addf %add3A_716, %mul3A_755 : vector<16xf32>
      %add3A_757 = arith.constant 0 : i32
      %add3A_758 = vector.broadcast %add3A_757 : i32 to vector<16xi32>
      %add3A_759 = arith.addi %mul3A_576, %add3A_758 : vector<16xi32>
      %gather3A_760 = tpu.vector_load_idx %arg13[%add3A_759, %and3A_752] : memref<2560x32xf32, #tpu.memory_space<vmem>>[vector<16xi32>, vector<16xi32>], vector<16xf32>,
      %mul3A_761 = arith.mulf %gather3A_753, %gather3A_760 : vector<16xf32>
      %add3A_762 = arith.addf %add3A_722, %mul3A_761 : vector<16xf32>
      %add3A_763 = arith.constant 1 : i32
      %add3A_764 = vector.broadcast %add3A_763 : i32 to vector<16xi32>
      %add3A_765 = arith.addi %mul3A_576, %add3A_764 : vector<16xi32>
      %gather3A_766 = tpu.vector_load_idx %arg13[%add3A_765, %and3A_752] : memref<2560x32xf32, #tpu.memory_space<vmem>>[vector<16xi32>, vector<16xi32>], vector<16xf32>,
      %mul3A_767 = arith.mulf %gather3A_753, %gather3A_766 : vector<16xf32>
      %add3A_768 = arith.addf %add3A_728, %mul3A_767 : vector<16xf32>
      %add3A_769 = arith.constant 2 : i32
      %add3A_770 = vector.broadcast %add3A_769 : i32 to vector<16xi32>
      %add3A_771 = arith.addi %mul3A_576, %add3A_770 : vector<16xi32>
      %gather3A_772 = tpu.vector_load_idx %arg13[%add3A_771, %and3A_752] : memref<2560x32xf32, #tpu.memory_space<vmem>>[vector<16xi32>, vector<16xi32>], vector<16xf32>,
      %mul3A_773 = arith.mulf %gather3A_753, %gather3A_772 : vector<16xf32>
      %add3A_774 = arith.addf %add3A_734, %mul3A_773 : vector<16xf32>
      %add3A_775 = arith.constant 3 : i32
      %add3A_776 = vector.broadcast %add3A_775 : i32 to vector<16xi32>
      %add3A_777 = arith.addi %mul3A_576, %add3A_776 : vector<16xi32>
      %gather3A_778 = tpu.vector_load_idx %arg13[%add3A_777, %and3A_752] : memref<2560x32xf32, #tpu.memory_space<vmem>>[vector<16xi32>, vector<16xi32>], vector<16xf32>,
      %mul3A_779 = arith.mulf %gather3A_753, %gather3A_778 : vector<16xf32>
      %add3A_780 = arith.addf %add3A_740, %mul3A_779 : vector<16xf32>
      %add3A_781 = arith.constant 4 : i32
      %add3A_782 = vector.broadcast %add3A_781 : i32 to vector<16xi32>
      %add3A_783 = arith.addi %mul3A_576, %add3A_782 : vector<16xi32>
      %gather3A_784 = tpu.vector_load_idx %arg13[%add3A_783, %and3A_752] : memref<2560x32xf32, #tpu.memory_space<vmem>>[vector<16xi32>, vector<16xi32>], vector<16xf32>,
      %mul3A_785 = arith.mulf %gather3A_753, %gather3A_784 : vector<16xf32>
      %add3A_786 = arith.addf %add3A_746, %mul3A_785 : vector<16xf32>
      %add3A_787 = arith.constant 5 : i32
      %add3A_788 = vector.broadcast %add3A_787 : i32 to vector<16xi32>
      %add3A_789 = arith.addi %iota3A, %add3A_788 : vector<16xi32>
      %and3A_790 = arith.constant 31 : i32
      %and3A_791 = vector.broadcast %and3A_790 : i32 to vector<16xi32>
      %and3A_792 = arith.andi %add3A_789, %and3A_791 : vector<16xi32>
      %gather3A_793 = tpu.vector_load_idx %arg11[%add3A_573, %and3A_792] : memref<512x32xf32, #tpu.memory_space<vmem>>[vector<16xi32>, vector<16xi32>], vector<16xf32>,
      %gather3A_794 = tpu.vector_load_idx %arg12[%add3A_573, %and3A_792] : memref<512x32xf32, #tpu.memory_space<vmem>>[vector<16xi32>, vector<16xi32>], vector<16xf32>,
      %mul3A_795 = arith.mulf %gather3A_793, %gather3A_794 : vector<16xf32>
      %add3A_796 = arith.addf %add3A_756, %mul3A_795 : vector<16xf32>
      %add3A_797 = arith.constant 0 : i32
      %add3A_798 = vector.broadcast %add3A_797 : i32 to vector<16xi32>
      %add3A_799 = arith.addi %mul3A_576, %add3A_798 : vector<16xi32>
      %gather3A_800 = tpu.vector_load_idx %arg13[%add3A_799, %and3A_792] : memref<2560x32xf32, #tpu.memory_space<vmem>>[vector<16xi32>, vector<16xi32>], vector<16xf32>,
      %mul3A_801 = arith.mulf %gather3A_793, %gather3A_800 : vector<16xf32>
      %add3A_802 = arith.addf %add3A_762, %mul3A_801 : vector<16xf32>
      %add3A_803 = arith.constant 1 : i32
      %add3A_804 = vector.broadcast %add3A_803 : i32 to vector<16xi32>
      %add3A_805 = arith.addi %mul3A_576, %add3A_804 : vector<16xi32>
      %gather3A_806 = tpu.vector_load_idx %arg13[%add3A_805, %and3A_792] : memref<2560x32xf32, #tpu.memory_space<vmem>>[vector<16xi32>, vector<16xi32>], vector<16xf32>,
      %mul3A_807 = arith.mulf %gather3A_793, %gather3A_806 : vector<16xf32>
      %add3A_808 = arith.addf %add3A_768, %mul3A_807 : vector<16xf32>
      %add3A_809 = arith.constant 2 : i32
      %add3A_810 = vector.broadcast %add3A_809 : i32 to vector<16xi32>
      %add3A_811 = arith.addi %mul3A_576, %add3A_810 : vector<16xi32>
      %gather3A_812 = tpu.vector_load_idx %arg13[%add3A_811, %and3A_792] : memref<2560x32xf32, #tpu.memory_space<vmem>>[vector<16xi32>, vector<16xi32>], vector<16xf32>,
      %mul3A_813 = arith.mulf %gather3A_793, %gather3A_812 : vector<16xf32>
      %add3A_814 = arith.addf %add3A_774, %mul3A_813 : vector<16xf32>
      %add3A_815 = arith.constant 3 : i32
      %add3A_816 = vector.broadcast %add3A_815 : i32 to vector<16xi32>
      %add3A_817 = arith.addi %mul3A_576, %add3A_816 : vector<16xi32>
      %gather3A_818 = tpu.vector_load_idx %arg13[%add3A_817, %and3A_792] : memref<2560x32xf32, #tpu.memory_space<vmem>>[vector<16xi32>, vector<16xi32>], vector<16xf32>,
      %mul3A_819 = arith.mulf %gather3A_793, %gather3A_818 : vector<16xf32>
      %add3A_820 = arith.addf %add3A_780, %mul3A_819 : vector<16xf32>
      %add3A_821 = arith.constant 4 : i32
      %add3A_822 = vector.broadcast %add3A_821 : i32 to vector<16xi32>
      %add3A_823 = arith.addi %mul3A_576, %add3A_822 : vector<16xi32>
      %gather3A_824 = tpu.vector_load_idx %arg13[%add3A_823, %and3A_792] : memref<2560x32xf32, #tpu.memory_space<vmem>>[vector<16xi32>, vector<16xi32>], vector<16xf32>,
      %mul3A_825 = arith.mulf %gather3A_793, %gather3A_824 : vector<16xf32>
      %add3A_826 = arith.addf %add3A_786, %mul3A_825 : vector<16xf32>
      %add3A_827 = arith.constant 6 : i32
      %add3A_828 = vector.broadcast %add3A_827 : i32 to vector<16xi32>
      %add3A_829 = arith.addi %iota3A, %add3A_828 : vector<16xi32>
      %and3A_830 = arith.constant 31 : i32
      %and3A_831 = vector.broadcast %and3A_830 : i32 to vector<16xi32>
      %and3A_832 = arith.andi %add3A_829, %and3A_831 : vector<16xi32>
      %gather3A_833 = tpu.vector_load_idx %arg11[%add3A_573, %and3A_832] : memref<512x32xf32, #tpu.memory_space<vmem>>[vector<16xi32>, vector<16xi32>], vector<16xf32>,
      %gather3A_834 = tpu.vector_load_idx %arg12[%add3A_573, %and3A_832] : memref<512x32xf32, #tpu.memory_space<vmem>>[vector<16xi32>, vector<16xi32>], vector<16xf32>,
      %mul3A_835 = arith.mulf %gather3A_833, %gather3A_834 : vector<16xf32>
      %add3A_836 = arith.addf %add3A_796, %mul3A_835 : vector<16xf32>
      %add3A_837 = arith.constant 0 : i32
      %add3A_838 = vector.broadcast %add3A_837 : i32 to vector<16xi32>
      %add3A_839 = arith.addi %mul3A_576, %add3A_838 : vector<16xi32>
      %gather3A_840 = tpu.vector_load_idx %arg13[%add3A_839, %and3A_832] : memref<2560x32xf32, #tpu.memory_space<vmem>>[vector<16xi32>, vector<16xi32>], vector<16xf32>,
      %mul3A_841 = arith.mulf %gather3A_833, %gather3A_840 : vector<16xf32>
      %add3A_842 = arith.addf %add3A_802, %mul3A_841 : vector<16xf32>
      %add3A_843 = arith.constant 1 : i32
      %add3A_844 = vector.broadcast %add3A_843 : i32 to vector<16xi32>
      %add3A_845 = arith.addi %mul3A_576, %add3A_844 : vector<16xi32>
      %gather3A_846 = tpu.vector_load_idx %arg13[%add3A_845, %and3A_832] : memref<2560x32xf32, #tpu.memory_space<vmem>>[vector<16xi32>, vector<16xi32>], vector<16xf32>,
      %mul3A_847 = arith.mulf %gather3A_833, %gather3A_846 : vector<16xf32>
      %add3A_848 = arith.addf %add3A_808, %mul3A_847 : vector<16xf32>
      %add3A_849 = arith.constant 2 : i32
      %add3A_850 = vector.broadcast %add3A_849 : i32 to vector<16xi32>
      %add3A_851 = arith.addi %mul3A_576, %add3A_850 : vector<16xi32>
      %gather3A_852 = tpu.vector_load_idx %arg13[%add3A_851, %and3A_832] : memref<2560x32xf32, #tpu.memory_space<vmem>>[vector<16xi32>, vector<16xi32>], vector<16xf32>,
      %mul3A_853 = arith.mulf %gather3A_833, %gather3A_852 : vector<16xf32>
      %add3A_854 = arith.addf %add3A_814, %mul3A_853 : vector<16xf32>
      %add3A_855 = arith.constant 3 : i32
      %add3A_856 = vector.broadcast %add3A_855 : i32 to vector<16xi32>
      %add3A_857 = arith.addi %mul3A_576, %add3A_856 : vector<16xi32>
      %gather3A_858 = tpu.vector_load_idx %arg13[%add3A_857, %and3A_832] : memref<2560x32xf32, #tpu.memory_space<vmem>>[vector<16xi32>, vector<16xi32>], vector<16xf32>,
      %mul3A_859 = arith.mulf %gather3A_833, %gather3A_858 : vector<16xf32>
      %add3A_860 = arith.addf %add3A_820, %mul3A_859 : vector<16xf32>
      %add3A_861 = arith.constant 4 : i32
      %add3A_862 = vector.broadcast %add3A_861 : i32 to vector<16xi32>
      %add3A_863 = arith.addi %mul3A_576, %add3A_862 : vector<16xi32>
      %gather3A_864 = tpu.vector_load_idx %arg13[%add3A_863, %and3A_832] : memref<2560x32xf32, #tpu.memory_space<vmem>>[vector<16xi32>, vector<16xi32>], vector<16xf32>,
      %mul3A_865 = arith.mulf %gather3A_833, %gather3A_864 : vector<16xf32>
      %add3A_866 = arith.addf %add3A_826, %mul3A_865 : vector<16xf32>
      %add3A_867 = arith.constant 7 : i32
      %add3A_868 = vector.broadcast %add3A_867 : i32 to vector<16xi32>
      %add3A_869 = arith.addi %iota3A, %add3A_868 : vector<16xi32>
      %and3A_870 = arith.constant 31 : i32
      %and3A_871 = vector.broadcast %and3A_870 : i32 to vector<16xi32>
      %and3A_872 = arith.andi %add3A_869, %and3A_871 : vector<16xi32>
      %gather3A_873 = tpu.vector_load_idx %arg11[%add3A_573, %and3A_872] : memref<512x32xf32, #tpu.memory_space<vmem>>[vector<16xi32>, vector<16xi32>], vector<16xf32>,
      %gather3A_874 = tpu.vector_load_idx %arg12[%add3A_573, %and3A_872] : memref<512x32xf32, #tpu.memory_space<vmem>>[vector<16xi32>, vector<16xi32>], vector<16xf32>,
      %mul3A_875 = arith.mulf %gather3A_873, %gather3A_874 : vector<16xf32>
      %add3A_876 = arith.addf %add3A_836, %mul3A_875 : vector<16xf32>
      %add3A_877 = arith.constant 0 : i32
      %add3A_878 = vector.broadcast %add3A_877 : i32 to vector<16xi32>
      %add3A_879 = arith.addi %mul3A_576, %add3A_878 : vector<16xi32>
      %gather3A_880 = tpu.vector_load_idx %arg13[%add3A_879, %and3A_872] : memref<2560x32xf32, #tpu.memory_space<vmem>>[vector<16xi32>, vector<16xi32>], vector<16xf32>,
      %mul3A_881 = arith.mulf %gather3A_873, %gather3A_880 : vector<16xf32>
      %add3A_882 = arith.addf %add3A_842, %mul3A_881 : vector<16xf32>
      %add3A_883 = arith.constant 1 : i32
      %add3A_884 = vector.broadcast %add3A_883 : i32 to vector<16xi32>
      %add3A_885 = arith.addi %mul3A_576, %add3A_884 : vector<16xi32>
      %gather3A_886 = tpu.vector_load_idx %arg13[%add3A_885, %and3A_872] : memref<2560x32xf32, #tpu.memory_space<vmem>>[vector<16xi32>, vector<16xi32>], vector<16xf32>,
      %mul3A_887 = arith.mulf %gather3A_873, %gather3A_886 : vector<16xf32>
      %add3A_888 = arith.addf %add3A_848, %mul3A_887 : vector<16xf32>
      %add3A_889 = arith.constant 2 : i32
      %add3A_890 = vector.broadcast %add3A_889 : i32 to vector<16xi32>
      %add3A_891 = arith.addi %mul3A_576, %add3A_890 : vector<16xi32>
      %gather3A_892 = tpu.vector_load_idx %arg13[%add3A_891, %and3A_872] : memref<2560x32xf32, #tpu.memory_space<vmem>>[vector<16xi32>, vector<16xi32>], vector<16xf32>,
      %mul3A_893 = arith.mulf %gather3A_873, %gather3A_892 : vector<16xf32>
      %add3A_894 = arith.addf %add3A_854, %mul3A_893 : vector<16xf32>
      %add3A_895 = arith.constant 3 : i32
      %add3A_896 = vector.broadcast %add3A_895 : i32 to vector<16xi32>
      %add3A_897 = arith.addi %mul3A_576, %add3A_896 : vector<16xi32>
      %gather3A_898 = tpu.vector_load_idx %arg13[%add3A_897, %and3A_872] : memref<2560x32xf32, #tpu.memory_space<vmem>>[vector<16xi32>, vector<16xi32>], vector<16xf32>,
      %mul3A_899 = arith.mulf %gather3A_873, %gather3A_898 : vector<16xf32>
      %add3A_900 = arith.addf %add3A_860, %mul3A_899 : vector<16xf32>
      %add3A_901 = arith.constant 4 : i32
      %add3A_902 = vector.broadcast %add3A_901 : i32 to vector<16xi32>
      %add3A_903 = arith.addi %mul3A_576, %add3A_902 : vector<16xi32>
      %gather3A_904 = tpu.vector_load_idx %arg13[%add3A_903, %and3A_872] : memref<2560x32xf32, #tpu.memory_space<vmem>>[vector<16xi32>, vector<16xi32>], vector<16xf32>,
      %mul3A_905 = arith.mulf %gather3A_873, %gather3A_904 : vector<16xf32>
      %add3A_906 = arith.addf %add3A_866, %mul3A_905 : vector<16xf32>
      %add3A_907 = arith.constant 8 : i32
      %add3A_908 = vector.broadcast %add3A_907 : i32 to vector<16xi32>
      %add3A_909 = arith.addi %iota3A, %add3A_908 : vector<16xi32>
      %and3A_910 = arith.constant 31 : i32
      %and3A_911 = vector.broadcast %and3A_910 : i32 to vector<16xi32>
      %and3A_912 = arith.andi %add3A_909, %and3A_911 : vector<16xi32>
      %gather3A_913 = tpu.vector_load_idx %arg11[%add3A_573, %and3A_912] : memref<512x32xf32, #tpu.memory_space<vmem>>[vector<16xi32>, vector<16xi32>], vector<16xf32>,
      %gather3A_914 = tpu.vector_load_idx %arg12[%add3A_573, %and3A_912] : memref<512x32xf32, #tpu.memory_space<vmem>>[vector<16xi32>, vector<16xi32>], vector<16xf32>,
      %mul3A_915 = arith.mulf %gather3A_913, %gather3A_914 : vector<16xf32>
      %add3A_916 = arith.addf %add3A_876, %mul3A_915 : vector<16xf32>
      %add3A_917 = arith.constant 0 : i32
      %add3A_918 = vector.broadcast %add3A_917 : i32 to vector<16xi32>
      %add3A_919 = arith.addi %mul3A_576, %add3A_918 : vector<16xi32>
      %gather3A_920 = tpu.vector_load_idx %arg13[%add3A_919, %and3A_912] : memref<2560x32xf32, #tpu.memory_space<vmem>>[vector<16xi32>, vector<16xi32>], vector<16xf32>,
      %mul3A_921 = arith.mulf %gather3A_913, %gather3A_920 : vector<16xf32>
      %add3A_922 = arith.addf %add3A_882, %mul3A_921 : vector<16xf32>
      %add3A_923 = arith.constant 1 : i32
      %add3A_924 = vector.broadcast %add3A_923 : i32 to vector<16xi32>
      %add3A_925 = arith.addi %mul3A_576, %add3A_924 : vector<16xi32>
      %gather3A_926 = tpu.vector_load_idx %arg13[%add3A_925, %and3A_912] : memref<2560x32xf32, #tpu.memory_space<vmem>>[vector<16xi32>, vector<16xi32>], vector<16xf32>,
      %mul3A_927 = arith.mulf %gather3A_913, %gather3A_926 : vector<16xf32>
      %add3A_928 = arith.addf %add3A_888, %mul3A_927 : vector<16xf32>
      %add3A_929 = arith.constant 2 : i32
      %add3A_930 = vector.broadcast %add3A_929 : i32 to vector<16xi32>
      %add3A_931 = arith.addi %mul3A_576, %add3A_930 : vector<16xi32>
      %gather3A_932 = tpu.vector_load_idx %arg13[%add3A_931, %and3A_912] : memref<2560x32xf32, #tpu.memory_space<vmem>>[vector<16xi32>, vector<16xi32>], vector<16xf32>,
      %mul3A_933 = arith.mulf %gather3A_913, %gather3A_932 : vector<16xf32>
      %add3A_934 = arith.addf %add3A_894, %mul3A_933 : vector<16xf32>
      %add3A_935 = arith.constant 3 : i32
      %add3A_936 = vector.broadcast %add3A_935 : i32 to vector<16xi32>
      %add3A_937 = arith.addi %mul3A_576, %add3A_936 : vector<16xi32>
      %gather3A_938 = tpu.vector_load_idx %arg13[%add3A_937, %and3A_912] : memref<2560x32xf32, #tpu.memory_space<vmem>>[vector<16xi32>, vector<16xi32>], vector<16xf32>,
      %mul3A_939 = arith.mulf %gather3A_913, %gather3A_938 : vector<16xf32>
      %add3A_940 = arith.addf %add3A_900, %mul3A_939 : vector<16xf32>
      %add3A_941 = arith.constant 4 : i32
      %add3A_942 = vector.broadcast %add3A_941 : i32 to vector<16xi32>
      %add3A_943 = arith.addi %mul3A_576, %add3A_942 : vector<16xi32>
      %gather3A_944 = tpu.vector_load_idx %arg13[%add3A_943, %and3A_912] : memref<2560x32xf32, #tpu.memory_space<vmem>>[vector<16xi32>, vector<16xi32>], vector<16xf32>,
      %mul3A_945 = arith.mulf %gather3A_913, %gather3A_944 : vector<16xf32>
      %add3A_946 = arith.addf %add3A_906, %mul3A_945 : vector<16xf32>
      %add3A_947 = arith.constant 9 : i32
      %add3A_948 = vector.broadcast %add3A_947 : i32 to vector<16xi32>
      %add3A_949 = arith.addi %iota3A, %add3A_948 : vector<16xi32>
      %and3A_950 = arith.constant 31 : i32
      %and3A_951 = vector.broadcast %and3A_950 : i32 to vector<16xi32>
      %and3A_952 = arith.andi %add3A_949, %and3A_951 : vector<16xi32>
      %gather3A_953 = tpu.vector_load_idx %arg11[%add3A_573, %and3A_952] : memref<512x32xf32, #tpu.memory_space<vmem>>[vector<16xi32>, vector<16xi32>], vector<16xf32>,
      %gather3A_954 = tpu.vector_load_idx %arg12[%add3A_573, %and3A_952] : memref<512x32xf32, #tpu.memory_space<vmem>>[vector<16xi32>, vector<16xi32>], vector<16xf32>,
      %mul3A_955 = arith.mulf %gather3A_953, %gather3A_954 : vector<16xf32>
      %add3A_956 = arith.addf %add3A_916, %mul3A_955 : vector<16xf32>
      %add3A_957 = arith.constant 0 : i32
      %add3A_958 = vector.broadcast %add3A_957 : i32 to vector<16xi32>
      %add3A_959 = arith.addi %mul3A_576, %add3A_958 : vector<16xi32>
      %gather3A_960 = tpu.vector_load_idx %arg13[%add3A_959, %and3A_952] : memref<2560x32xf32, #tpu.memory_space<vmem>>[vector<16xi32>, vector<16xi32>], vector<16xf32>,
      %mul3A_961 = arith.mulf %gather3A_953, %gather3A_960 : vector<16xf32>
      %add3A_962 = arith.addf %add3A_922, %mul3A_961 : vector<16xf32>
      %add3A_963 = arith.constant 1 : i32
      %add3A_964 = vector.broadcast %add3A_963 : i32 to vector<16xi32>
      %add3A_965 = arith.addi %mul3A_576, %add3A_964 : vector<16xi32>
      %gather3A_966 = tpu.vector_load_idx %arg13[%add3A_965, %and3A_952] : memref<2560x32xf32, #tpu.memory_space<vmem>>[vector<16xi32>, vector<16xi32>], vector<16xf32>,
      %mul3A_967 = arith.mulf %gather3A_953, %gather3A_966 : vector<16xf32>
      %add3A_968 = arith.addf %add3A_928, %mul3A_967 : vector<16xf32>
      %add3A_969 = arith.constant 2 : i32
      %add3A_970 = vector.broadcast %add3A_969 : i32 to vector<16xi32>
      %add3A_971 = arith.addi %mul3A_576, %add3A_970 : vector<16xi32>
      %gather3A_972 = tpu.vector_load_idx %arg13[%add3A_971, %and3A_952] : memref<2560x32xf32, #tpu.memory_space<vmem>>[vector<16xi32>, vector<16xi32>], vector<16xf32>,
      %mul3A_973 = arith.mulf %gather3A_953, %gather3A_972 : vector<16xf32>
      %add3A_974 = arith.addf %add3A_934, %mul3A_973 : vector<16xf32>
      %add3A_975 = arith.constant 3 : i32
      %add3A_976 = vector.broadcast %add3A_975 : i32 to vector<16xi32>
      %add3A_977 = arith.addi %mul3A_576, %add3A_976 : vector<16xi32>
      %gather3A_978 = tpu.vector_load_idx %arg13[%add3A_977, %and3A_952] : memref<2560x32xf32, #tpu.memory_space<vmem>>[vector<16xi32>, vector<16xi32>], vector<16xf32>,
      %mul3A_979 = arith.mulf %gather3A_953, %gather3A_978 : vector<16xf32>
      %add3A_980 = arith.addf %add3A_940, %mul3A_979 : vector<16xf32>
      %add3A_981 = arith.constant 4 : i32
      %add3A_982 = vector.broadcast %add3A_981 : i32 to vector<16xi32>
      %add3A_983 = arith.addi %mul3A_576, %add3A_982 : vector<16xi32>
      %gather3A_984 = tpu.vector_load_idx %arg13[%add3A_983, %and3A_952] : memref<2560x32xf32, #tpu.memory_space<vmem>>[vector<16xi32>, vector<16xi32>], vector<16xf32>,
      %mul3A_985 = arith.mulf %gather3A_953, %gather3A_984 : vector<16xf32>
      %add3A_986 = arith.addf %add3A_946, %mul3A_985 : vector<16xf32>
      %add3A_987 = arith.constant 10 : i32
      %add3A_988 = vector.broadcast %add3A_987 : i32 to vector<16xi32>
      %add3A_989 = arith.addi %iota3A, %add3A_988 : vector<16xi32>
      %and3A_990 = arith.constant 31 : i32
      %and3A_991 = vector.broadcast %and3A_990 : i32 to vector<16xi32>
      %and3A_992 = arith.andi %add3A_989, %and3A_991 : vector<16xi32>
      %gather3A_993 = tpu.vector_load_idx %arg11[%add3A_573, %and3A_992] : memref<512x32xf32, #tpu.memory_space<vmem>>[vector<16xi32>, vector<16xi32>], vector<16xf32>,
      %gather3A_994 = tpu.vector_load_idx %arg12[%add3A_573, %and3A_992] : memref<512x32xf32, #tpu.memory_space<vmem>>[vector<16xi32>, vector<16xi32>], vector<16xf32>,
      %mul3A_995 = arith.mulf %gather3A_993, %gather3A_994 : vector<16xf32>
      %add3A_996 = arith.addf %add3A_956, %mul3A_995 : vector<16xf32>
      %add3A_997 = arith.constant 0 : i32
      %add3A_998 = vector.broadcast %add3A_997 : i32 to vector<16xi32>
      %add3A_999 = arith.addi %mul3A_576, %add3A_998 : vector<16xi32>
      %gather3A_1000 = tpu.vector_load_idx %arg13[%add3A_999, %and3A_992] : memref<2560x32xf32, #tpu.memory_space<vmem>>[vector<16xi32>, vector<16xi32>], vector<16xf32>,
      %mul3A_1001 = arith.mulf %gather3A_993, %gather3A_1000 : vector<16xf32>
      %add3A_1002 = arith.addf %add3A_962, %mul3A_1001 : vector<16xf32>
      %add3A_1003 = arith.constant 1 : i32
      %add3A_1004 = vector.broadcast %add3A_1003 : i32 to vector<16xi32>
      %add3A_1005 = arith.addi %mul3A_576, %add3A_1004 : vector<16xi32>
      %gather3A_1006 = tpu.vector_load_idx %arg13[%add3A_1005, %and3A_992] : memref<2560x32xf32, #tpu.memory_space<vmem>>[vector<16xi32>, vector<16xi32>], vector<16xf32>,
      %mul3A_1007 = arith.mulf %gather3A_993, %gather3A_1006 : vector<16xf32>
      %add3A_1008 = arith.addf %add3A_968, %mul3A_1007 : vector<16xf32>
      %add3A_1009 = arith.constant 2 : i32
      %add3A_1010 = vector.broadcast %add3A_1009 : i32 to vector<16xi32>
      %add3A_1011 = arith.addi %mul3A_576, %add3A_1010 : vector<16xi32>
      %gather3A_1012 = tpu.vector_load_idx %arg13[%add3A_1011, %and3A_992] : memref<2560x32xf32, #tpu.memory_space<vmem>>[vector<16xi32>, vector<16xi32>], vector<16xf32>,
      %mul3A_1013 = arith.mulf %gather3A_993, %gather3A_1012 : vector<16xf32>
      %add3A_1014 = arith.addf %add3A_974, %mul3A_1013 : vector<16xf32>
      %add3A_1015 = arith.constant 3 : i32
      %add3A_1016 = vector.broadcast %add3A_1015 : i32 to vector<16xi32>
      %add3A_1017 = arith.addi %mul3A_576, %add3A_1016 : vector<16xi32>
      %gather3A_1018 = tpu.vector_load_idx %arg13[%add3A_1017, %and3A_992] : memref<2560x32xf32, #tpu.memory_space<vmem>>[vector<16xi32>, vector<16xi32>], vector<16xf32>,
      %mul3A_1019 = arith.mulf %gather3A_993, %gather3A_1018 : vector<16xf32>
      %add3A_1020 = arith.addf %add3A_980, %mul3A_1019 : vector<16xf32>
      %add3A_1021 = arith.constant 4 : i32
      %add3A_1022 = vector.broadcast %add3A_1021 : i32 to vector<16xi32>
      %add3A_1023 = arith.addi %mul3A_576, %add3A_1022 : vector<16xi32>
      %gather3A_1024 = tpu.vector_load_idx %arg13[%add3A_1023, %and3A_992] : memref<2560x32xf32, #tpu.memory_space<vmem>>[vector<16xi32>, vector<16xi32>], vector<16xf32>,
      %mul3A_1025 = arith.mulf %gather3A_993, %gather3A_1024 : vector<16xf32>
      %add3A_1026 = arith.addf %add3A_986, %mul3A_1025 : vector<16xf32>
      %add3A_1027 = arith.constant 11 : i32
      %add3A_1028 = vector.broadcast %add3A_1027 : i32 to vector<16xi32>
      %add3A_1029 = arith.addi %iota3A, %add3A_1028 : vector<16xi32>
      %and3A_1030 = arith.constant 31 : i32
      %and3A_1031 = vector.broadcast %and3A_1030 : i32 to vector<16xi32>
      %and3A_1032 = arith.andi %add3A_1029, %and3A_1031 : vector<16xi32>
      %gather3A_1033 = tpu.vector_load_idx %arg11[%add3A_573, %and3A_1032] : memref<512x32xf32, #tpu.memory_space<vmem>>[vector<16xi32>, vector<16xi32>], vector<16xf32>,
      %gather3A_1034 = tpu.vector_load_idx %arg12[%add3A_573, %and3A_1032] : memref<512x32xf32, #tpu.memory_space<vmem>>[vector<16xi32>, vector<16xi32>], vector<16xf32>,
      %mul3A_1035 = arith.mulf %gather3A_1033, %gather3A_1034 : vector<16xf32>
      %add3A_1036 = arith.addf %add3A_996, %mul3A_1035 : vector<16xf32>
      %add3A_1037 = arith.constant 0 : i32
      %add3A_1038 = vector.broadcast %add3A_1037 : i32 to vector<16xi32>
      %add3A_1039 = arith.addi %mul3A_576, %add3A_1038 : vector<16xi32>
      %gather3A_1040 = tpu.vector_load_idx %arg13[%add3A_1039, %and3A_1032] : memref<2560x32xf32, #tpu.memory_space<vmem>>[vector<16xi32>, vector<16xi32>], vector<16xf32>,
      %mul3A_1041 = arith.mulf %gather3A_1033, %gather3A_1040 : vector<16xf32>
      %add3A_1042 = arith.addf %add3A_1002, %mul3A_1041 : vector<16xf32>
      %add3A_1043 = arith.constant 1 : i32
      %add3A_1044 = vector.broadcast %add3A_1043 : i32 to vector<16xi32>
      %add3A_1045 = arith.addi %mul3A_576, %add3A_1044 : vector<16xi32>
      %gather3A_1046 = tpu.vector_load_idx %arg13[%add3A_1045, %and3A_1032] : memref<2560x32xf32, #tpu.memory_space<vmem>>[vector<16xi32>, vector<16xi32>], vector<16xf32>,
      %mul3A_1047 = arith.mulf %gather3A_1033, %gather3A_1046 : vector<16xf32>
      %add3A_1048 = arith.addf %add3A_1008, %mul3A_1047 : vector<16xf32>
      %add3A_1049 = arith.constant 2 : i32
      %add3A_1050 = vector.broadcast %add3A_1049 : i32 to vector<16xi32>
      %add3A_1051 = arith.addi %mul3A_576, %add3A_1050 : vector<16xi32>
      %gather3A_1052 = tpu.vector_load_idx %arg13[%add3A_1051, %and3A_1032] : memref<2560x32xf32, #tpu.memory_space<vmem>>[vector<16xi32>, vector<16xi32>], vector<16xf32>,
      %mul3A_1053 = arith.mulf %gather3A_1033, %gather3A_1052 : vector<16xf32>
      %add3A_1054 = arith.addf %add3A_1014, %mul3A_1053 : vector<16xf32>
      %add3A_1055 = arith.constant 3 : i32
      %add3A_1056 = vector.broadcast %add3A_1055 : i32 to vector<16xi32>
      %add3A_1057 = arith.addi %mul3A_576, %add3A_1056 : vector<16xi32>
      %gather3A_1058 = tpu.vector_load_idx %arg13[%add3A_1057, %and3A_1032] : memref<2560x32xf32, #tpu.memory_space<vmem>>[vector<16xi32>, vector<16xi32>], vector<16xf32>,
      %mul3A_1059 = arith.mulf %gather3A_1033, %gather3A_1058 : vector<16xf32>
      %add3A_1060 = arith.addf %add3A_1020, %mul3A_1059 : vector<16xf32>
      %add3A_1061 = arith.constant 4 : i32
      %add3A_1062 = vector.broadcast %add3A_1061 : i32 to vector<16xi32>
      %add3A_1063 = arith.addi %mul3A_576, %add3A_1062 : vector<16xi32>
      %gather3A_1064 = tpu.vector_load_idx %arg13[%add3A_1063, %and3A_1032] : memref<2560x32xf32, #tpu.memory_space<vmem>>[vector<16xi32>, vector<16xi32>], vector<16xf32>,
      %mul3A_1065 = arith.mulf %gather3A_1033, %gather3A_1064 : vector<16xf32>
      %add3A_1066 = arith.addf %add3A_1026, %mul3A_1065 : vector<16xf32>
      %add3A_1067 = arith.constant 12 : i32
      %add3A_1068 = vector.broadcast %add3A_1067 : i32 to vector<16xi32>
      %add3A_1069 = arith.addi %iota3A, %add3A_1068 : vector<16xi32>
      %and3A_1070 = arith.constant 31 : i32
      %and3A_1071 = vector.broadcast %and3A_1070 : i32 to vector<16xi32>
      %and3A_1072 = arith.andi %add3A_1069, %and3A_1071 : vector<16xi32>
      %gather3A_1073 = tpu.vector_load_idx %arg11[%add3A_573, %and3A_1072] : memref<512x32xf32, #tpu.memory_space<vmem>>[vector<16xi32>, vector<16xi32>], vector<16xf32>,
      %gather3A_1074 = tpu.vector_load_idx %arg12[%add3A_573, %and3A_1072] : memref<512x32xf32, #tpu.memory_space<vmem>>[vector<16xi32>, vector<16xi32>], vector<16xf32>,
      %mul3A_1075 = arith.mulf %gather3A_1073, %gather3A_1074 : vector<16xf32>
      %add3A_1076 = arith.addf %add3A_1036, %mul3A_1075 : vector<16xf32>
      %add3A_1077 = arith.constant 0 : i32
      %add3A_1078 = vector.broadcast %add3A_1077 : i32 to vector<16xi32>
      %add3A_1079 = arith.addi %mul3A_576, %add3A_1078 : vector<16xi32>
      %gather3A_1080 = tpu.vector_load_idx %arg13[%add3A_1079, %and3A_1072] : memref<2560x32xf32, #tpu.memory_space<vmem>>[vector<16xi32>, vector<16xi32>], vector<16xf32>,
      %mul3A_1081 = arith.mulf %gather3A_1073, %gather3A_1080 : vector<16xf32>
      %add3A_1082 = arith.addf %add3A_1042, %mul3A_1081 : vector<16xf32>
      %add3A_1083 = arith.constant 1 : i32
      %add3A_1084 = vector.broadcast %add3A_1083 : i32 to vector<16xi32>
      %add3A_1085 = arith.addi %mul3A_576, %add3A_1084 : vector<16xi32>
      %gather3A_1086 = tpu.vector_load_idx %arg13[%add3A_1085, %and3A_1072] : memref<2560x32xf32, #tpu.memory_space<vmem>>[vector<16xi32>, vector<16xi32>], vector<16xf32>,
      %mul3A_1087 = arith.mulf %gather3A_1073, %gather3A_1086 : vector<16xf32>
      %add3A_1088 = arith.addf %add3A_1048, %mul3A_1087 : vector<16xf32>
      %add3A_1089 = arith.constant 2 : i32
      %add3A_1090 = vector.broadcast %add3A_1089 : i32 to vector<16xi32>
      %add3A_1091 = arith.addi %mul3A_576, %add3A_1090 : vector<16xi32>
      %gather3A_1092 = tpu.vector_load_idx %arg13[%add3A_1091, %and3A_1072] : memref<2560x32xf32, #tpu.memory_space<vmem>>[vector<16xi32>, vector<16xi32>], vector<16xf32>,
      %mul3A_1093 = arith.mulf %gather3A_1073, %gather3A_1092 : vector<16xf32>
      %add3A_1094 = arith.addf %add3A_1054, %mul3A_1093 : vector<16xf32>
      %add3A_1095 = arith.constant 3 : i32
      %add3A_1096 = vector.broadcast %add3A_1095 : i32 to vector<16xi32>
      %add3A_1097 = arith.addi %mul3A_576, %add3A_1096 : vector<16xi32>
      %gather3A_1098 = tpu.vector_load_idx %arg13[%add3A_1097, %and3A_1072] : memref<2560x32xf32, #tpu.memory_space<vmem>>[vector<16xi32>, vector<16xi32>], vector<16xf32>,
      %mul3A_1099 = arith.mulf %gather3A_1073, %gather3A_1098 : vector<16xf32>
      %add3A_1100 = arith.addf %add3A_1060, %mul3A_1099 : vector<16xf32>
      %add3A_1101 = arith.constant 4 : i32
      %add3A_1102 = vector.broadcast %add3A_1101 : i32 to vector<16xi32>
      %add3A_1103 = arith.addi %mul3A_576, %add3A_1102 : vector<16xi32>
      %gather3A_1104 = tpu.vector_load_idx %arg13[%add3A_1103, %and3A_1072] : memref<2560x32xf32, #tpu.memory_space<vmem>>[vector<16xi32>, vector<16xi32>], vector<16xf32>,
      %mul3A_1105 = arith.mulf %gather3A_1073, %gather3A_1104 : vector<16xf32>
      %add3A_1106 = arith.addf %add3A_1066, %mul3A_1105 : vector<16xf32>
      %add3A_1107 = arith.constant 13 : i32
      %add3A_1108 = vector.broadcast %add3A_1107 : i32 to vector<16xi32>
      %add3A_1109 = arith.addi %iota3A, %add3A_1108 : vector<16xi32>
      %and3A_1110 = arith.constant 31 : i32
      %and3A_1111 = vector.broadcast %and3A_1110 : i32 to vector<16xi32>
      %and3A_1112 = arith.andi %add3A_1109, %and3A_1111 : vector<16xi32>
      %gather3A_1113 = tpu.vector_load_idx %arg11[%add3A_573, %and3A_1112] : memref<512x32xf32, #tpu.memory_space<vmem>>[vector<16xi32>, vector<16xi32>], vector<16xf32>,
      %gather3A_1114 = tpu.vector_load_idx %arg12[%add3A_573, %and3A_1112] : memref<512x32xf32, #tpu.memory_space<vmem>>[vector<16xi32>, vector<16xi32>], vector<16xf32>,
      %mul3A_1115 = arith.mulf %gather3A_1113, %gather3A_1114 : vector<16xf32>
      %add3A_1116 = arith.addf %add3A_1076, %mul3A_1115 : vector<16xf32>
      %add3A_1117 = arith.constant 0 : i32
      %add3A_1118 = vector.broadcast %add3A_1117 : i32 to vector<16xi32>
      %add3A_1119 = arith.addi %mul3A_576, %add3A_1118 : vector<16xi32>
      %gather3A_1120 = tpu.vector_load_idx %arg13[%add3A_1119, %and3A_1112] : memref<2560x32xf32, #tpu.memory_space<vmem>>[vector<16xi32>, vector<16xi32>], vector<16xf32>,
      %mul3A_1121 = arith.mulf %gather3A_1113, %gather3A_1120 : vector<16xf32>
      %add3A_1122 = arith.addf %add3A_1082, %mul3A_1121 : vector<16xf32>
      %add3A_1123 = arith.constant 1 : i32
      %add3A_1124 = vector.broadcast %add3A_1123 : i32 to vector<16xi32>
      %add3A_1125 = arith.addi %mul3A_576, %add3A_1124 : vector<16xi32>
      %gather3A_1126 = tpu.vector_load_idx %arg13[%add3A_1125, %and3A_1112] : memref<2560x32xf32, #tpu.memory_space<vmem>>[vector<16xi32>, vector<16xi32>], vector<16xf32>,
      %mul3A_1127 = arith.mulf %gather3A_1113, %gather3A_1126 : vector<16xf32>
      %add3A_1128 = arith.addf %add3A_1088, %mul3A_1127 : vector<16xf32>
      %add3A_1129 = arith.constant 2 : i32
      %add3A_1130 = vector.broadcast %add3A_1129 : i32 to vector<16xi32>
      %add3A_1131 = arith.addi %mul3A_576, %add3A_1130 : vector<16xi32>
      %gather3A_1132 = tpu.vector_load_idx %arg13[%add3A_1131, %and3A_1112] : memref<2560x32xf32, #tpu.memory_space<vmem>>[vector<16xi32>, vector<16xi32>], vector<16xf32>,
      %mul3A_1133 = arith.mulf %gather3A_1113, %gather3A_1132 : vector<16xf32>
      %add3A_1134 = arith.addf %add3A_1094, %mul3A_1133 : vector<16xf32>
      %add3A_1135 = arith.constant 3 : i32
      %add3A_1136 = vector.broadcast %add3A_1135 : i32 to vector<16xi32>
      %add3A_1137 = arith.addi %mul3A_576, %add3A_1136 : vector<16xi32>
      %gather3A_1138 = tpu.vector_load_idx %arg13[%add3A_1137, %and3A_1112] : memref<2560x32xf32, #tpu.memory_space<vmem>>[vector<16xi32>, vector<16xi32>], vector<16xf32>,
      %mul3A_1139 = arith.mulf %gather3A_1113, %gather3A_1138 : vector<16xf32>
      %add3A_1140 = arith.addf %add3A_1100, %mul3A_1139 : vector<16xf32>
      %add3A_1141 = arith.constant 4 : i32
      %add3A_1142 = vector.broadcast %add3A_1141 : i32 to vector<16xi32>
      %add3A_1143 = arith.addi %mul3A_576, %add3A_1142 : vector<16xi32>
      %gather3A_1144 = tpu.vector_load_idx %arg13[%add3A_1143, %and3A_1112] : memref<2560x32xf32, #tpu.memory_space<vmem>>[vector<16xi32>, vector<16xi32>], vector<16xf32>,
      %mul3A_1145 = arith.mulf %gather3A_1113, %gather3A_1144 : vector<16xf32>
      %add3A_1146 = arith.addf %add3A_1106, %mul3A_1145 : vector<16xf32>
      %add3A_1147 = arith.constant 14 : i32
      %add3A_1148 = vector.broadcast %add3A_1147 : i32 to vector<16xi32>
      %add3A_1149 = arith.addi %iota3A, %add3A_1148 : vector<16xi32>
      %and3A_1150 = arith.constant 31 : i32
      %and3A_1151 = vector.broadcast %and3A_1150 : i32 to vector<16xi32>
      %and3A_1152 = arith.andi %add3A_1149, %and3A_1151 : vector<16xi32>
      %gather3A_1153 = tpu.vector_load_idx %arg11[%add3A_573, %and3A_1152] : memref<512x32xf32, #tpu.memory_space<vmem>>[vector<16xi32>, vector<16xi32>], vector<16xf32>,
      %gather3A_1154 = tpu.vector_load_idx %arg12[%add3A_573, %and3A_1152] : memref<512x32xf32, #tpu.memory_space<vmem>>[vector<16xi32>, vector<16xi32>], vector<16xf32>,
      %mul3A_1155 = arith.mulf %gather3A_1153, %gather3A_1154 : vector<16xf32>
      %add3A_1156 = arith.addf %add3A_1116, %mul3A_1155 : vector<16xf32>
      %add3A_1157 = arith.constant 0 : i32
      %add3A_1158 = vector.broadcast %add3A_1157 : i32 to vector<16xi32>
      %add3A_1159 = arith.addi %mul3A_576, %add3A_1158 : vector<16xi32>
      %gather3A_1160 = tpu.vector_load_idx %arg13[%add3A_1159, %and3A_1152] : memref<2560x32xf32, #tpu.memory_space<vmem>>[vector<16xi32>, vector<16xi32>], vector<16xf32>,
      %mul3A_1161 = arith.mulf %gather3A_1153, %gather3A_1160 : vector<16xf32>
      %add3A_1162 = arith.addf %add3A_1122, %mul3A_1161 : vector<16xf32>
      %add3A_1163 = arith.constant 1 : i32
      %add3A_1164 = vector.broadcast %add3A_1163 : i32 to vector<16xi32>
      %add3A_1165 = arith.addi %mul3A_576, %add3A_1164 : vector<16xi32>
      %gather3A_1166 = tpu.vector_load_idx %arg13[%add3A_1165, %and3A_1152] : memref<2560x32xf32, #tpu.memory_space<vmem>>[vector<16xi32>, vector<16xi32>], vector<16xf32>,
      %mul3A_1167 = arith.mulf %gather3A_1153, %gather3A_1166 : vector<16xf32>
      %add3A_1168 = arith.addf %add3A_1128, %mul3A_1167 : vector<16xf32>
      %add3A_1169 = arith.constant 2 : i32
      %add3A_1170 = vector.broadcast %add3A_1169 : i32 to vector<16xi32>
      %add3A_1171 = arith.addi %mul3A_576, %add3A_1170 : vector<16xi32>
      %gather3A_1172 = tpu.vector_load_idx %arg13[%add3A_1171, %and3A_1152] : memref<2560x32xf32, #tpu.memory_space<vmem>>[vector<16xi32>, vector<16xi32>], vector<16xf32>,
      %mul3A_1173 = arith.mulf %gather3A_1153, %gather3A_1172 : vector<16xf32>
      %add3A_1174 = arith.addf %add3A_1134, %mul3A_1173 : vector<16xf32>
      %add3A_1175 = arith.constant 3 : i32
      %add3A_1176 = vector.broadcast %add3A_1175 : i32 to vector<16xi32>
      %add3A_1177 = arith.addi %mul3A_576, %add3A_1176 : vector<16xi32>
      %gather3A_1178 = tpu.vector_load_idx %arg13[%add3A_1177, %and3A_1152] : memref<2560x32xf32, #tpu.memory_space<vmem>>[vector<16xi32>, vector<16xi32>], vector<16xf32>,
      %mul3A_1179 = arith.mulf %gather3A_1153, %gather3A_1178 : vector<16xf32>
      %add3A_1180 = arith.addf %add3A_1140, %mul3A_1179 : vector<16xf32>
      %add3A_1181 = arith.constant 4 : i32
      %add3A_1182 = vector.broadcast %add3A_1181 : i32 to vector<16xi32>
      %add3A_1183 = arith.addi %mul3A_576, %add3A_1182 : vector<16xi32>
      %gather3A_1184 = tpu.vector_load_idx %arg13[%add3A_1183, %and3A_1152] : memref<2560x32xf32, #tpu.memory_space<vmem>>[vector<16xi32>, vector<16xi32>], vector<16xf32>,
      %mul3A_1185 = arith.mulf %gather3A_1153, %gather3A_1184 : vector<16xf32>
      %add3A_1186 = arith.addf %add3A_1146, %mul3A_1185 : vector<16xf32>
      %add3A_1187 = arith.constant 15 : i32
      %add3A_1188 = vector.broadcast %add3A_1187 : i32 to vector<16xi32>
      %add3A_1189 = arith.addi %iota3A, %add3A_1188 : vector<16xi32>
      %and3A_1190 = arith.constant 31 : i32
      %and3A_1191 = vector.broadcast %and3A_1190 : i32 to vector<16xi32>
      %and3A_1192 = arith.andi %add3A_1189, %and3A_1191 : vector<16xi32>
      %gather3A_1193 = tpu.vector_load_idx %arg11[%add3A_573, %and3A_1192] : memref<512x32xf32, #tpu.memory_space<vmem>>[vector<16xi32>, vector<16xi32>], vector<16xf32>,
      %gather3A_1194 = tpu.vector_load_idx %arg12[%add3A_573, %and3A_1192] : memref<512x32xf32, #tpu.memory_space<vmem>>[vector<16xi32>, vector<16xi32>], vector<16xf32>,
      %mul3A_1195 = arith.mulf %gather3A_1193, %gather3A_1194 : vector<16xf32>
      %add3A_1196 = arith.addf %add3A_1156, %mul3A_1195 : vector<16xf32>
      %add3A_1197 = arith.constant 0 : i32
      %add3A_1198 = vector.broadcast %add3A_1197 : i32 to vector<16xi32>
      %add3A_1199 = arith.addi %mul3A_576, %add3A_1198 : vector<16xi32>
      %gather3A_1200 = tpu.vector_load_idx %arg13[%add3A_1199, %and3A_1192] : memref<2560x32xf32, #tpu.memory_space<vmem>>[vector<16xi32>, vector<16xi32>], vector<16xf32>,
      %mul3A_1201 = arith.mulf %gather3A_1193, %gather3A_1200 : vector<16xf32>
      %add3A_1202 = arith.addf %add3A_1162, %mul3A_1201 : vector<16xf32>
      %add3A_1203 = arith.constant 1 : i32
      %add3A_1204 = vector.broadcast %add3A_1203 : i32 to vector<16xi32>
      %add3A_1205 = arith.addi %mul3A_576, %add3A_1204 : vector<16xi32>
      %gather3A_1206 = tpu.vector_load_idx %arg13[%add3A_1205, %and3A_1192] : memref<2560x32xf32, #tpu.memory_space<vmem>>[vector<16xi32>, vector<16xi32>], vector<16xf32>,
      %mul3A_1207 = arith.mulf %gather3A_1193, %gather3A_1206 : vector<16xf32>
      %add3A_1208 = arith.addf %add3A_1168, %mul3A_1207 : vector<16xf32>
      %add3A_1209 = arith.constant 2 : i32
      %add3A_1210 = vector.broadcast %add3A_1209 : i32 to vector<16xi32>
      %add3A_1211 = arith.addi %mul3A_576, %add3A_1210 : vector<16xi32>
      %gather3A_1212 = tpu.vector_load_idx %arg13[%add3A_1211, %and3A_1192] : memref<2560x32xf32, #tpu.memory_space<vmem>>[vector<16xi32>, vector<16xi32>], vector<16xf32>,
      %mul3A_1213 = arith.mulf %gather3A_1193, %gather3A_1212 : vector<16xf32>
      %add3A_1214 = arith.addf %add3A_1174, %mul3A_1213 : vector<16xf32>
      %add3A_1215 = arith.constant 3 : i32
      %add3A_1216 = vector.broadcast %add3A_1215 : i32 to vector<16xi32>
      %add3A_1217 = arith.addi %mul3A_576, %add3A_1216 : vector<16xi32>
      %gather3A_1218 = tpu.vector_load_idx %arg13[%add3A_1217, %and3A_1192] : memref<2560x32xf32, #tpu.memory_space<vmem>>[vector<16xi32>, vector<16xi32>], vector<16xf32>,
      %mul3A_1219 = arith.mulf %gather3A_1193, %gather3A_1218 : vector<16xf32>
      %add3A_1220 = arith.addf %add3A_1180, %mul3A_1219 : vector<16xf32>
      %add3A_1221 = arith.constant 4 : i32
      %add3A_1222 = vector.broadcast %add3A_1221 : i32 to vector<16xi32>
      %add3A_1223 = arith.addi %mul3A_576, %add3A_1222 : vector<16xi32>
      %gather3A_1224 = tpu.vector_load_idx %arg13[%add3A_1223, %and3A_1192] : memref<2560x32xf32, #tpu.memory_space<vmem>>[vector<16xi32>, vector<16xi32>], vector<16xf32>,
      %mul3A_1225 = arith.mulf %gather3A_1193, %gather3A_1224 : vector<16xf32>
      %add3A_1226 = arith.addf %add3A_1186, %mul3A_1225 : vector<16xf32>
      %add3A_1227 = arith.constant 16 : i32
      %add3A_1228 = vector.broadcast %add3A_1227 : i32 to vector<16xi32>
      %add3A_1229 = arith.addi %iota3A, %add3A_1228 : vector<16xi32>
      %and3A_1230 = arith.constant 31 : i32
      %and3A_1231 = vector.broadcast %and3A_1230 : i32 to vector<16xi32>
      %and3A_1232 = arith.andi %add3A_1229, %and3A_1231 : vector<16xi32>
      %gather3A_1233 = tpu.vector_load_idx %arg11[%add3A_573, %and3A_1232] : memref<512x32xf32, #tpu.memory_space<vmem>>[vector<16xi32>, vector<16xi32>], vector<16xf32>,
      %gather3A_1234 = tpu.vector_load_idx %arg12[%add3A_573, %and3A_1232] : memref<512x32xf32, #tpu.memory_space<vmem>>[vector<16xi32>, vector<16xi32>], vector<16xf32>,
      %mul3A_1235 = arith.mulf %gather3A_1233, %gather3A_1234 : vector<16xf32>
      %add3A_1236 = arith.addf %add3A_1196, %mul3A_1235 : vector<16xf32>
      %add3A_1237 = arith.constant 0 : i32
      %add3A_1238 = vector.broadcast %add3A_1237 : i32 to vector<16xi32>
      %add3A_1239 = arith.addi %mul3A_576, %add3A_1238 : vector<16xi32>
      %gather3A_1240 = tpu.vector_load_idx %arg13[%add3A_1239, %and3A_1232] : memref<2560x32xf32, #tpu.memory_space<vmem>>[vector<16xi32>, vector<16xi32>], vector<16xf32>,
      %mul3A_1241 = arith.mulf %gather3A_1233, %gather3A_1240 : vector<16xf32>
      %add3A_1242 = arith.addf %add3A_1202, %mul3A_1241 : vector<16xf32>
      %add3A_1243 = arith.constant 1 : i32
      %add3A_1244 = vector.broadcast %add3A_1243 : i32 to vector<16xi32>
      %add3A_1245 = arith.addi %mul3A_576, %add3A_1244 : vector<16xi32>
      %gather3A_1246 = tpu.vector_load_idx %arg13[%add3A_1245, %and3A_1232] : memref<2560x32xf32, #tpu.memory_space<vmem>>[vector<16xi32>, vector<16xi32>], vector<16xf32>,
      %mul3A_1247 = arith.mulf %gather3A_1233, %gather3A_1246 : vector<16xf32>
      %add3A_1248 = arith.addf %add3A_1208, %mul3A_1247 : vector<16xf32>
      %add3A_1249 = arith.constant 2 : i32
      %add3A_1250 = vector.broadcast %add3A_1249 : i32 to vector<16xi32>
      %add3A_1251 = arith.addi %mul3A_576, %add3A_1250 : vector<16xi32>
      %gather3A_1252 = tpu.vector_load_idx %arg13[%add3A_1251, %and3A_1232] : memref<2560x32xf32, #tpu.memory_space<vmem>>[vector<16xi32>, vector<16xi32>], vector<16xf32>,
      %mul3A_1253 = arith.mulf %gather3A_1233, %gather3A_1252 : vector<16xf32>
      %add3A_1254 = arith.addf %add3A_1214, %mul3A_1253 : vector<16xf32>
      %add3A_1255 = arith.constant 3 : i32
      %add3A_1256 = vector.broadcast %add3A_1255 : i32 to vector<16xi32>
      %add3A_1257 = arith.addi %mul3A_576, %add3A_1256 : vector<16xi32>
      %gather3A_1258 = tpu.vector_load_idx %arg13[%add3A_1257, %and3A_1232] : memref<2560x32xf32, #tpu.memory_space<vmem>>[vector<16xi32>, vector<16xi32>], vector<16xf32>,
      %mul3A_1259 = arith.mulf %gather3A_1233, %gather3A_1258 : vector<16xf32>
      %add3A_1260 = arith.addf %add3A_1220, %mul3A_1259 : vector<16xf32>
      %add3A_1261 = arith.constant 4 : i32
      %add3A_1262 = vector.broadcast %add3A_1261 : i32 to vector<16xi32>
      %add3A_1263 = arith.addi %mul3A_576, %add3A_1262 : vector<16xi32>
      %gather3A_1264 = tpu.vector_load_idx %arg13[%add3A_1263, %and3A_1232] : memref<2560x32xf32, #tpu.memory_space<vmem>>[vector<16xi32>, vector<16xi32>], vector<16xf32>,
      %mul3A_1265 = arith.mulf %gather3A_1233, %gather3A_1264 : vector<16xf32>
      %add3A_1266 = arith.addf %add3A_1226, %mul3A_1265 : vector<16xf32>
      %add3A_1267 = arith.constant 17 : i32
      %add3A_1268 = vector.broadcast %add3A_1267 : i32 to vector<16xi32>
      %add3A_1269 = arith.addi %iota3A, %add3A_1268 : vector<16xi32>
      %and3A_1270 = arith.constant 31 : i32
      %and3A_1271 = vector.broadcast %and3A_1270 : i32 to vector<16xi32>
      %and3A_1272 = arith.andi %add3A_1269, %and3A_1271 : vector<16xi32>
      %gather3A_1273 = tpu.vector_load_idx %arg11[%add3A_573, %and3A_1272] : memref<512x32xf32, #tpu.memory_space<vmem>>[vector<16xi32>, vector<16xi32>], vector<16xf32>,
      %gather3A_1274 = tpu.vector_load_idx %arg12[%add3A_573, %and3A_1272] : memref<512x32xf32, #tpu.memory_space<vmem>>[vector<16xi32>, vector<16xi32>], vector<16xf32>,
      %mul3A_1275 = arith.mulf %gather3A_1273, %gather3A_1274 : vector<16xf32>
      %add3A_1276 = arith.addf %add3A_1236, %mul3A_1275 : vector<16xf32>
      %add3A_1277 = arith.constant 0 : i32
      %add3A_1278 = vector.broadcast %add3A_1277 : i32 to vector<16xi32>
      %add3A_1279 = arith.addi %mul3A_576, %add3A_1278 : vector<16xi32>
      %gather3A_1280 = tpu.vector_load_idx %arg13[%add3A_1279, %and3A_1272] : memref<2560x32xf32, #tpu.memory_space<vmem>>[vector<16xi32>, vector<16xi32>], vector<16xf32>,
      %mul3A_1281 = arith.mulf %gather3A_1273, %gather3A_1280 : vector<16xf32>
      %add3A_1282 = arith.addf %add3A_1242, %mul3A_1281 : vector<16xf32>
      %add3A_1283 = arith.constant 1 : i32
      %add3A_1284 = vector.broadcast %add3A_1283 : i32 to vector<16xi32>
      %add3A_1285 = arith.addi %mul3A_576, %add3A_1284 : vector<16xi32>
      %gather3A_1286 = tpu.vector_load_idx %arg13[%add3A_1285, %and3A_1272] : memref<2560x32xf32, #tpu.memory_space<vmem>>[vector<16xi32>, vector<16xi32>], vector<16xf32>,
      %mul3A_1287 = arith.mulf %gather3A_1273, %gather3A_1286 : vector<16xf32>
      %add3A_1288 = arith.addf %add3A_1248, %mul3A_1287 : vector<16xf32>
      %add3A_1289 = arith.constant 2 : i32
      %add3A_1290 = vector.broadcast %add3A_1289 : i32 to vector<16xi32>
      %add3A_1291 = arith.addi %mul3A_576, %add3A_1290 : vector<16xi32>
      %gather3A_1292 = tpu.vector_load_idx %arg13[%add3A_1291, %and3A_1272] : memref<2560x32xf32, #tpu.memory_space<vmem>>[vector<16xi32>, vector<16xi32>], vector<16xf32>,
      %mul3A_1293 = arith.mulf %gather3A_1273, %gather3A_1292 : vector<16xf32>
      %add3A_1294 = arith.addf %add3A_1254, %mul3A_1293 : vector<16xf32>
      %add3A_1295 = arith.constant 3 : i32
      %add3A_1296 = vector.broadcast %add3A_1295 : i32 to vector<16xi32>
      %add3A_1297 = arith.addi %mul3A_576, %add3A_1296 : vector<16xi32>
      %gather3A_1298 = tpu.vector_load_idx %arg13[%add3A_1297, %and3A_1272] : memref<2560x32xf32, #tpu.memory_space<vmem>>[vector<16xi32>, vector<16xi32>], vector<16xf32>,
      %mul3A_1299 = arith.mulf %gather3A_1273, %gather3A_1298 : vector<16xf32>
      %add3A_1300 = arith.addf %add3A_1260, %mul3A_1299 : vector<16xf32>
      %add3A_1301 = arith.constant 4 : i32
      %add3A_1302 = vector.broadcast %add3A_1301 : i32 to vector<16xi32>
      %add3A_1303 = arith.addi %mul3A_576, %add3A_1302 : vector<16xi32>
      %gather3A_1304 = tpu.vector_load_idx %arg13[%add3A_1303, %and3A_1272] : memref<2560x32xf32, #tpu.memory_space<vmem>>[vector<16xi32>, vector<16xi32>], vector<16xf32>,
      %mul3A_1305 = arith.mulf %gather3A_1273, %gather3A_1304 : vector<16xf32>
      %add3A_1306 = arith.addf %add3A_1266, %mul3A_1305 : vector<16xf32>
      %add3A_1307 = arith.constant 18 : i32
      %add3A_1308 = vector.broadcast %add3A_1307 : i32 to vector<16xi32>
      %add3A_1309 = arith.addi %iota3A, %add3A_1308 : vector<16xi32>
      %and3A_1310 = arith.constant 31 : i32
      %and3A_1311 = vector.broadcast %and3A_1310 : i32 to vector<16xi32>
      %and3A_1312 = arith.andi %add3A_1309, %and3A_1311 : vector<16xi32>
      %gather3A_1313 = tpu.vector_load_idx %arg11[%add3A_573, %and3A_1312] : memref<512x32xf32, #tpu.memory_space<vmem>>[vector<16xi32>, vector<16xi32>], vector<16xf32>,
      %gather3A_1314 = tpu.vector_load_idx %arg12[%add3A_573, %and3A_1312] : memref<512x32xf32, #tpu.memory_space<vmem>>[vector<16xi32>, vector<16xi32>], vector<16xf32>,
      %mul3A_1315 = arith.mulf %gather3A_1313, %gather3A_1314 : vector<16xf32>
      %add3A_1316 = arith.addf %add3A_1276, %mul3A_1315 : vector<16xf32>
      %add3A_1317 = arith.constant 0 : i32
      %add3A_1318 = vector.broadcast %add3A_1317 : i32 to vector<16xi32>
      %add3A_1319 = arith.addi %mul3A_576, %add3A_1318 : vector<16xi32>
      %gather3A_1320 = tpu.vector_load_idx %arg13[%add3A_1319, %and3A_1312] : memref<2560x32xf32, #tpu.memory_space<vmem>>[vector<16xi32>, vector<16xi32>], vector<16xf32>,
      %mul3A_1321 = arith.mulf %gather3A_1313, %gather3A_1320 : vector<16xf32>
      %add3A_1322 = arith.addf %add3A_1282, %mul3A_1321 : vector<16xf32>
      %add3A_1323 = arith.constant 1 : i32
      %add3A_1324 = vector.broadcast %add3A_1323 : i32 to vector<16xi32>
      %add3A_1325 = arith.addi %mul3A_576, %add3A_1324 : vector<16xi32>
      %gather3A_1326 = tpu.vector_load_idx %arg13[%add3A_1325, %and3A_1312] : memref<2560x32xf32, #tpu.memory_space<vmem>>[vector<16xi32>, vector<16xi32>], vector<16xf32>,
      %mul3A_1327 = arith.mulf %gather3A_1313, %gather3A_1326 : vector<16xf32>
      %add3A_1328 = arith.addf %add3A_1288, %mul3A_1327 : vector<16xf32>
      %add3A_1329 = arith.constant 2 : i32
      %add3A_1330 = vector.broadcast %add3A_1329 : i32 to vector<16xi32>
      %add3A_1331 = arith.addi %mul3A_576, %add3A_1330 : vector<16xi32>
      %gather3A_1332 = tpu.vector_load_idx %arg13[%add3A_1331, %and3A_1312] : memref<2560x32xf32, #tpu.memory_space<vmem>>[vector<16xi32>, vector<16xi32>], vector<16xf32>,
      %mul3A_1333 = arith.mulf %gather3A_1313, %gather3A_1332 : vector<16xf32>
      %add3A_1334 = arith.addf %add3A_1294, %mul3A_1333 : vector<16xf32>
      %add3A_1335 = arith.constant 3 : i32
      %add3A_1336 = vector.broadcast %add3A_1335 : i32 to vector<16xi32>
      %add3A_1337 = arith.addi %mul3A_576, %add3A_1336 : vector<16xi32>
      %gather3A_1338 = tpu.vector_load_idx %arg13[%add3A_1337, %and3A_1312] : memref<2560x32xf32, #tpu.memory_space<vmem>>[vector<16xi32>, vector<16xi32>], vector<16xf32>,
      %mul3A_1339 = arith.mulf %gather3A_1313, %gather3A_1338 : vector<16xf32>
      %add3A_1340 = arith.addf %add3A_1300, %mul3A_1339 : vector<16xf32>
      %add3A_1341 = arith.constant 4 : i32
      %add3A_1342 = vector.broadcast %add3A_1341 : i32 to vector<16xi32>
      %add3A_1343 = arith.addi %mul3A_576, %add3A_1342 : vector<16xi32>
      %gather3A_1344 = tpu.vector_load_idx %arg13[%add3A_1343, %and3A_1312] : memref<2560x32xf32, #tpu.memory_space<vmem>>[vector<16xi32>, vector<16xi32>], vector<16xf32>,
      %mul3A_1345 = arith.mulf %gather3A_1313, %gather3A_1344 : vector<16xf32>
      %add3A_1346 = arith.addf %add3A_1306, %mul3A_1345 : vector<16xf32>
      %add3A_1347 = arith.constant 19 : i32
      %add3A_1348 = vector.broadcast %add3A_1347 : i32 to vector<16xi32>
      %add3A_1349 = arith.addi %iota3A, %add3A_1348 : vector<16xi32>
      %and3A_1350 = arith.constant 31 : i32
      %and3A_1351 = vector.broadcast %and3A_1350 : i32 to vector<16xi32>
      %and3A_1352 = arith.andi %add3A_1349, %and3A_1351 : vector<16xi32>
      %gather3A_1353 = tpu.vector_load_idx %arg11[%add3A_573, %and3A_1352] : memref<512x32xf32, #tpu.memory_space<vmem>>[vector<16xi32>, vector<16xi32>], vector<16xf32>,
      %gather3A_1354 = tpu.vector_load_idx %arg12[%add3A_573, %and3A_1352] : memref<512x32xf32, #tpu.memory_space<vmem>>[vector<16xi32>, vector<16xi32>], vector<16xf32>,
      %mul3A_1355 = arith.mulf %gather3A_1353, %gather3A_1354 : vector<16xf32>
      %add3A_1356 = arith.addf %add3A_1316, %mul3A_1355 : vector<16xf32>
      %add3A_1357 = arith.constant 0 : i32
      %add3A_1358 = vector.broadcast %add3A_1357 : i32 to vector<16xi32>
      %add3A_1359 = arith.addi %mul3A_576, %add3A_1358 : vector<16xi32>
      %gather3A_1360 = tpu.vector_load_idx %arg13[%add3A_1359, %and3A_1352] : memref<2560x32xf32, #tpu.memory_space<vmem>>[vector<16xi32>, vector<16xi32>], vector<16xf32>,
      %mul3A_1361 = arith.mulf %gather3A_1353, %gather3A_1360 : vector<16xf32>
      %add3A_1362 = arith.addf %add3A_1322, %mul3A_1361 : vector<16xf32>
      %add3A_1363 = arith.constant 1 : i32
      %add3A_1364 = vector.broadcast %add3A_1363 : i32 to vector<16xi32>
      %add3A_1365 = arith.addi %mul3A_576, %add3A_1364 : vector<16xi32>
      %gather3A_1366 = tpu.vector_load_idx %arg13[%add3A_1365, %and3A_1352] : memref<2560x32xf32, #tpu.memory_space<vmem>>[vector<16xi32>, vector<16xi32>], vector<16xf32>,
      %mul3A_1367 = arith.mulf %gather3A_1353, %gather3A_1366 : vector<16xf32>
      %add3A_1368 = arith.addf %add3A_1328, %mul3A_1367 : vector<16xf32>
      %add3A_1369 = arith.constant 2 : i32
      %add3A_1370 = vector.broadcast %add3A_1369 : i32 to vector<16xi32>
      %add3A_1371 = arith.addi %mul3A_576, %add3A_1370 : vector<16xi32>
      %gather3A_1372 = tpu.vector_load_idx %arg13[%add3A_1371, %and3A_1352] : memref<2560x32xf32, #tpu.memory_space<vmem>>[vector<16xi32>, vector<16xi32>], vector<16xf32>,
      %mul3A_1373 = arith.mulf %gather3A_1353, %gather3A_1372 : vector<16xf32>
      %add3A_1374 = arith.addf %add3A_1334, %mul3A_1373 : vector<16xf32>
      %add3A_1375 = arith.constant 3 : i32
      %add3A_1376 = vector.broadcast %add3A_1375 : i32 to vector<16xi32>
      %add3A_1377 = arith.addi %mul3A_576, %add3A_1376 : vector<16xi32>
      %gather3A_1378 = tpu.vector_load_idx %arg13[%add3A_1377, %and3A_1352] : memref<2560x32xf32, #tpu.memory_space<vmem>>[vector<16xi32>, vector<16xi32>], vector<16xf32>,
      %mul3A_1379 = arith.mulf %gather3A_1353, %gather3A_1378 : vector<16xf32>
      %add3A_1380 = arith.addf %add3A_1340, %mul3A_1379 : vector<16xf32>
      %add3A_1381 = arith.constant 4 : i32
      %add3A_1382 = vector.broadcast %add3A_1381 : i32 to vector<16xi32>
      %add3A_1383 = arith.addi %mul3A_576, %add3A_1382 : vector<16xi32>
      %gather3A_1384 = tpu.vector_load_idx %arg13[%add3A_1383, %and3A_1352] : memref<2560x32xf32, #tpu.memory_space<vmem>>[vector<16xi32>, vector<16xi32>], vector<16xf32>,
      %mul3A_1385 = arith.mulf %gather3A_1353, %gather3A_1384 : vector<16xf32>
      %add3A_1386 = arith.addf %add3A_1346, %mul3A_1385 : vector<16xf32>
      %add3A_1387 = arith.constant 20 : i32
      %add3A_1388 = vector.broadcast %add3A_1387 : i32 to vector<16xi32>
      %add3A_1389 = arith.addi %iota3A, %add3A_1388 : vector<16xi32>
      %and3A_1390 = arith.constant 31 : i32
      %and3A_1391 = vector.broadcast %and3A_1390 : i32 to vector<16xi32>
      %and3A_1392 = arith.andi %add3A_1389, %and3A_1391 : vector<16xi32>
      %gather3A_1393 = tpu.vector_load_idx %arg11[%add3A_573, %and3A_1392] : memref<512x32xf32, #tpu.memory_space<vmem>>[vector<16xi32>, vector<16xi32>], vector<16xf32>,
      %gather3A_1394 = tpu.vector_load_idx %arg12[%add3A_573, %and3A_1392] : memref<512x32xf32, #tpu.memory_space<vmem>>[vector<16xi32>, vector<16xi32>], vector<16xf32>,
      %mul3A_1395 = arith.mulf %gather3A_1393, %gather3A_1394 : vector<16xf32>
      %add3A_1396 = arith.addf %add3A_1356, %mul3A_1395 : vector<16xf32>
      %add3A_1397 = arith.constant 0 : i32
      %add3A_1398 = vector.broadcast %add3A_1397 : i32 to vector<16xi32>
      %add3A_1399 = arith.addi %mul3A_576, %add3A_1398 : vector<16xi32>
      %gather3A_1400 = tpu.vector_load_idx %arg13[%add3A_1399, %and3A_1392] : memref<2560x32xf32, #tpu.memory_space<vmem>>[vector<16xi32>, vector<16xi32>], vector<16xf32>,
      %mul3A_1401 = arith.mulf %gather3A_1393, %gather3A_1400 : vector<16xf32>
      %add3A_1402 = arith.addf %add3A_1362, %mul3A_1401 : vector<16xf32>
      %add3A_1403 = arith.constant 1 : i32
      %add3A_1404 = vector.broadcast %add3A_1403 : i32 to vector<16xi32>
      %add3A_1405 = arith.addi %mul3A_576, %add3A_1404 : vector<16xi32>
      %gather3A_1406 = tpu.vector_load_idx %arg13[%add3A_1405, %and3A_1392] : memref<2560x32xf32, #tpu.memory_space<vmem>>[vector<16xi32>, vector<16xi32>], vector<16xf32>,
      %mul3A_1407 = arith.mulf %gather3A_1393, %gather3A_1406 : vector<16xf32>
      %add3A_1408 = arith.addf %add3A_1368, %mul3A_1407 : vector<16xf32>
      %add3A_1409 = arith.constant 2 : i32
      %add3A_1410 = vector.broadcast %add3A_1409 : i32 to vector<16xi32>
      %add3A_1411 = arith.addi %mul3A_576, %add3A_1410 : vector<16xi32>
      %gather3A_1412 = tpu.vector_load_idx %arg13[%add3A_1411, %and3A_1392] : memref<2560x32xf32, #tpu.memory_space<vmem>>[vector<16xi32>, vector<16xi32>], vector<16xf32>,
      %mul3A_1413 = arith.mulf %gather3A_1393, %gather3A_1412 : vector<16xf32>
      %add3A_1414 = arith.addf %add3A_1374, %mul3A_1413 : vector<16xf32>
      %add3A_1415 = arith.constant 3 : i32
      %add3A_1416 = vector.broadcast %add3A_1415 : i32 to vector<16xi32>
      %add3A_1417 = arith.addi %mul3A_576, %add3A_1416 : vector<16xi32>
      %gather3A_1418 = tpu.vector_load_idx %arg13[%add3A_1417, %and3A_1392] : memref<2560x32xf32, #tpu.memory_space<vmem>>[vector<16xi32>, vector<16xi32>], vector<16xf32>,
      %mul3A_1419 = arith.mulf %gather3A_1393, %gather3A_1418 : vector<16xf32>
      %add3A_1420 = arith.addf %add3A_1380, %mul3A_1419 : vector<16xf32>
      %add3A_1421 = arith.constant 4 : i32
      %add3A_1422 = vector.broadcast %add3A_1421 : i32 to vector<16xi32>
      %add3A_1423 = arith.addi %mul3A_576, %add3A_1422 : vector<16xi32>
      %gather3A_1424 = tpu.vector_load_idx %arg13[%add3A_1423, %and3A_1392] : memref<2560x32xf32, #tpu.memory_space<vmem>>[vector<16xi32>, vector<16xi32>], vector<16xf32>,
      %mul3A_1425 = arith.mulf %gather3A_1393, %gather3A_1424 : vector<16xf32>
      %add3A_1426 = arith.addf %add3A_1386, %mul3A_1425 : vector<16xf32>
      %add3A_1427 = arith.constant 21 : i32
      %add3A_1428 = vector.broadcast %add3A_1427 : i32 to vector<16xi32>
      %add3A_1429 = arith.addi %iota3A, %add3A_1428 : vector<16xi32>
      %and3A_1430 = arith.constant 31 : i32
      %and3A_1431 = vector.broadcast %and3A_1430 : i32 to vector<16xi32>
      %and3A_1432 = arith.andi %add3A_1429, %and3A_1431 : vector<16xi32>
      %gather3A_1433 = tpu.vector_load_idx %arg11[%add3A_573, %and3A_1432] : memref<512x32xf32, #tpu.memory_space<vmem>>[vector<16xi32>, vector<16xi32>], vector<16xf32>,
      %gather3A_1434 = tpu.vector_load_idx %arg12[%add3A_573, %and3A_1432] : memref<512x32xf32, #tpu.memory_space<vmem>>[vector<16xi32>, vector<16xi32>], vector<16xf32>,
      %mul3A_1435 = arith.mulf %gather3A_1433, %gather3A_1434 : vector<16xf32>
      %add3A_1436 = arith.addf %add3A_1396, %mul3A_1435 : vector<16xf32>
      %add3A_1437 = arith.constant 0 : i32
      %add3A_1438 = vector.broadcast %add3A_1437 : i32 to vector<16xi32>
      %add3A_1439 = arith.addi %mul3A_576, %add3A_1438 : vector<16xi32>
      %gather3A_1440 = tpu.vector_load_idx %arg13[%add3A_1439, %and3A_1432] : memref<2560x32xf32, #tpu.memory_space<vmem>>[vector<16xi32>, vector<16xi32>], vector<16xf32>,
      %mul3A_1441 = arith.mulf %gather3A_1433, %gather3A_1440 : vector<16xf32>
      %add3A_1442 = arith.addf %add3A_1402, %mul3A_1441 : vector<16xf32>
      %add3A_1443 = arith.constant 1 : i32
      %add3A_1444 = vector.broadcast %add3A_1443 : i32 to vector<16xi32>
      %add3A_1445 = arith.addi %mul3A_576, %add3A_1444 : vector<16xi32>
      %gather3A_1446 = tpu.vector_load_idx %arg13[%add3A_1445, %and3A_1432] : memref<2560x32xf32, #tpu.memory_space<vmem>>[vector<16xi32>, vector<16xi32>], vector<16xf32>,
      %mul3A_1447 = arith.mulf %gather3A_1433, %gather3A_1446 : vector<16xf32>
      %add3A_1448 = arith.addf %add3A_1408, %mul3A_1447 : vector<16xf32>
      %add3A_1449 = arith.constant 2 : i32
      %add3A_1450 = vector.broadcast %add3A_1449 : i32 to vector<16xi32>
      %add3A_1451 = arith.addi %mul3A_576, %add3A_1450 : vector<16xi32>
      %gather3A_1452 = tpu.vector_load_idx %arg13[%add3A_1451, %and3A_1432] : memref<2560x32xf32, #tpu.memory_space<vmem>>[vector<16xi32>, vector<16xi32>], vector<16xf32>,
      %mul3A_1453 = arith.mulf %gather3A_1433, %gather3A_1452 : vector<16xf32>
      %add3A_1454 = arith.addf %add3A_1414, %mul3A_1453 : vector<16xf32>
      %add3A_1455 = arith.constant 3 : i32
      %add3A_1456 = vector.broadcast %add3A_1455 : i32 to vector<16xi32>
      %add3A_1457 = arith.addi %mul3A_576, %add3A_1456 : vector<16xi32>
      %gather3A_1458 = tpu.vector_load_idx %arg13[%add3A_1457, %and3A_1432] : memref<2560x32xf32, #tpu.memory_space<vmem>>[vector<16xi32>, vector<16xi32>], vector<16xf32>,
      %mul3A_1459 = arith.mulf %gather3A_1433, %gather3A_1458 : vector<16xf32>
      %add3A_1460 = arith.addf %add3A_1420, %mul3A_1459 : vector<16xf32>
      %add3A_1461 = arith.constant 4 : i32
      %add3A_1462 = vector.broadcast %add3A_1461 : i32 to vector<16xi32>
      %add3A_1463 = arith.addi %mul3A_576, %add3A_1462 : vector<16xi32>
      %gather3A_1464 = tpu.vector_load_idx %arg13[%add3A_1463, %and3A_1432] : memref<2560x32xf32, #tpu.memory_space<vmem>>[vector<16xi32>, vector<16xi32>], vector<16xf32>,
      %mul3A_1465 = arith.mulf %gather3A_1433, %gather3A_1464 : vector<16xf32>
      %add3A_1466 = arith.addf %add3A_1426, %mul3A_1465 : vector<16xf32>
      %add3A_1467 = arith.constant 22 : i32
      %add3A_1468 = vector.broadcast %add3A_1467 : i32 to vector<16xi32>
      %add3A_1469 = arith.addi %iota3A, %add3A_1468 : vector<16xi32>
      %and3A_1470 = arith.constant 31 : i32
      %and3A_1471 = vector.broadcast %and3A_1470 : i32 to vector<16xi32>
      %and3A_1472 = arith.andi %add3A_1469, %and3A_1471 : vector<16xi32>
      %gather3A_1473 = tpu.vector_load_idx %arg11[%add3A_573, %and3A_1472] : memref<512x32xf32, #tpu.memory_space<vmem>>[vector<16xi32>, vector<16xi32>], vector<16xf32>,
      %gather3A_1474 = tpu.vector_load_idx %arg12[%add3A_573, %and3A_1472] : memref<512x32xf32, #tpu.memory_space<vmem>>[vector<16xi32>, vector<16xi32>], vector<16xf32>,
      %mul3A_1475 = arith.mulf %gather3A_1473, %gather3A_1474 : vector<16xf32>
      %add3A_1476 = arith.addf %add3A_1436, %mul3A_1475 : vector<16xf32>
      %add3A_1477 = arith.constant 0 : i32
      %add3A_1478 = vector.broadcast %add3A_1477 : i32 to vector<16xi32>
      %add3A_1479 = arith.addi %mul3A_576, %add3A_1478 : vector<16xi32>
      %gather3A_1480 = tpu.vector_load_idx %arg13[%add3A_1479, %and3A_1472] : memref<2560x32xf32, #tpu.memory_space<vmem>>[vector<16xi32>, vector<16xi32>], vector<16xf32>,
      %mul3A_1481 = arith.mulf %gather3A_1473, %gather3A_1480 : vector<16xf32>
      %add3A_1482 = arith.addf %add3A_1442, %mul3A_1481 : vector<16xf32>
      %add3A_1483 = arith.constant 1 : i32
      %add3A_1484 = vector.broadcast %add3A_1483 : i32 to vector<16xi32>
      %add3A_1485 = arith.addi %mul3A_576, %add3A_1484 : vector<16xi32>
      %gather3A_1486 = tpu.vector_load_idx %arg13[%add3A_1485, %and3A_1472] : memref<2560x32xf32, #tpu.memory_space<vmem>>[vector<16xi32>, vector<16xi32>], vector<16xf32>,
      %mul3A_1487 = arith.mulf %gather3A_1473, %gather3A_1486 : vector<16xf32>
      %add3A_1488 = arith.addf %add3A_1448, %mul3A_1487 : vector<16xf32>
      %add3A_1489 = arith.constant 2 : i32
      %add3A_1490 = vector.broadcast %add3A_1489 : i32 to vector<16xi32>
      %add3A_1491 = arith.addi %mul3A_576, %add3A_1490 : vector<16xi32>
      %gather3A_1492 = tpu.vector_load_idx %arg13[%add3A_1491, %and3A_1472] : memref<2560x32xf32, #tpu.memory_space<vmem>>[vector<16xi32>, vector<16xi32>], vector<16xf32>,
      %mul3A_1493 = arith.mulf %gather3A_1473, %gather3A_1492 : vector<16xf32>
      %add3A_1494 = arith.addf %add3A_1454, %mul3A_1493 : vector<16xf32>
      %add3A_1495 = arith.constant 3 : i32
      %add3A_1496 = vector.broadcast %add3A_1495 : i32 to vector<16xi32>
      %add3A_1497 = arith.addi %mul3A_576, %add3A_1496 : vector<16xi32>
      %gather3A_1498 = tpu.vector_load_idx %arg13[%add3A_1497, %and3A_1472] : memref<2560x32xf32, #tpu.memory_space<vmem>>[vector<16xi32>, vector<16xi32>], vector<16xf32>,
      %mul3A_1499 = arith.mulf %gather3A_1473, %gather3A_1498 : vector<16xf32>
      %add3A_1500 = arith.addf %add3A_1460, %mul3A_1499 : vector<16xf32>
      %add3A_1501 = arith.constant 4 : i32
      %add3A_1502 = vector.broadcast %add3A_1501 : i32 to vector<16xi32>
      %add3A_1503 = arith.addi %mul3A_576, %add3A_1502 : vector<16xi32>
      %gather3A_1504 = tpu.vector_load_idx %arg13[%add3A_1503, %and3A_1472] : memref<2560x32xf32, #tpu.memory_space<vmem>>[vector<16xi32>, vector<16xi32>], vector<16xf32>,
      %mul3A_1505 = arith.mulf %gather3A_1473, %gather3A_1504 : vector<16xf32>
      %add3A_1506 = arith.addf %add3A_1466, %mul3A_1505 : vector<16xf32>
      %add3A_1507 = arith.constant 23 : i32
      %add3A_1508 = vector.broadcast %add3A_1507 : i32 to vector<16xi32>
      %add3A_1509 = arith.addi %iota3A, %add3A_1508 : vector<16xi32>
      %and3A_1510 = arith.constant 31 : i32
      %and3A_1511 = vector.broadcast %and3A_1510 : i32 to vector<16xi32>
      %and3A_1512 = arith.andi %add3A_1509, %and3A_1511 : vector<16xi32>
      %gather3A_1513 = tpu.vector_load_idx %arg11[%add3A_573, %and3A_1512] : memref<512x32xf32, #tpu.memory_space<vmem>>[vector<16xi32>, vector<16xi32>], vector<16xf32>,
      %gather3A_1514 = tpu.vector_load_idx %arg12[%add3A_573, %and3A_1512] : memref<512x32xf32, #tpu.memory_space<vmem>>[vector<16xi32>, vector<16xi32>], vector<16xf32>,
      %mul3A_1515 = arith.mulf %gather3A_1513, %gather3A_1514 : vector<16xf32>
      %add3A_1516 = arith.addf %add3A_1476, %mul3A_1515 : vector<16xf32>
      %add3A_1517 = arith.constant 0 : i32
      %add3A_1518 = vector.broadcast %add3A_1517 : i32 to vector<16xi32>
      %add3A_1519 = arith.addi %mul3A_576, %add3A_1518 : vector<16xi32>
      %gather3A_1520 = tpu.vector_load_idx %arg13[%add3A_1519, %and3A_1512] : memref<2560x32xf32, #tpu.memory_space<vmem>>[vector<16xi32>, vector<16xi32>], vector<16xf32>,
      %mul3A_1521 = arith.mulf %gather3A_1513, %gather3A_1520 : vector<16xf32>
      %add3A_1522 = arith.addf %add3A_1482, %mul3A_1521 : vector<16xf32>
      %add3A_1523 = arith.constant 1 : i32
      %add3A_1524 = vector.broadcast %add3A_1523 : i32 to vector<16xi32>
      %add3A_1525 = arith.addi %mul3A_576, %add3A_1524 : vector<16xi32>
      %gather3A_1526 = tpu.vector_load_idx %arg13[%add3A_1525, %and3A_1512] : memref<2560x32xf32, #tpu.memory_space<vmem>>[vector<16xi32>, vector<16xi32>], vector<16xf32>,
      %mul3A_1527 = arith.mulf %gather3A_1513, %gather3A_1526 : vector<16xf32>
      %add3A_1528 = arith.addf %add3A_1488, %mul3A_1527 : vector<16xf32>
      %add3A_1529 = arith.constant 2 : i32
      %add3A_1530 = vector.broadcast %add3A_1529 : i32 to vector<16xi32>
      %add3A_1531 = arith.addi %mul3A_576, %add3A_1530 : vector<16xi32>
      %gather3A_1532 = tpu.vector_load_idx %arg13[%add3A_1531, %and3A_1512] : memref<2560x32xf32, #tpu.memory_space<vmem>>[vector<16xi32>, vector<16xi32>], vector<16xf32>,
      %mul3A_1533 = arith.mulf %gather3A_1513, %gather3A_1532 : vector<16xf32>
      %add3A_1534 = arith.addf %add3A_1494, %mul3A_1533 : vector<16xf32>
      %add3A_1535 = arith.constant 3 : i32
      %add3A_1536 = vector.broadcast %add3A_1535 : i32 to vector<16xi32>
      %add3A_1537 = arith.addi %mul3A_576, %add3A_1536 : vector<16xi32>
      %gather3A_1538 = tpu.vector_load_idx %arg13[%add3A_1537, %and3A_1512] : memref<2560x32xf32, #tpu.memory_space<vmem>>[vector<16xi32>, vector<16xi32>], vector<16xf32>,
      %mul3A_1539 = arith.mulf %gather3A_1513, %gather3A_1538 : vector<16xf32>
      %add3A_1540 = arith.addf %add3A_1500, %mul3A_1539 : vector<16xf32>
      %add3A_1541 = arith.constant 4 : i32
      %add3A_1542 = vector.broadcast %add3A_1541 : i32 to vector<16xi32>
      %add3A_1543 = arith.addi %mul3A_576, %add3A_1542 : vector<16xi32>
      %gather3A_1544 = tpu.vector_load_idx %arg13[%add3A_1543, %and3A_1512] : memref<2560x32xf32, #tpu.memory_space<vmem>>[vector<16xi32>, vector<16xi32>], vector<16xf32>,
      %mul3A_1545 = arith.mulf %gather3A_1513, %gather3A_1544 : vector<16xf32>
      %add3A_1546 = arith.addf %add3A_1506, %mul3A_1545 : vector<16xf32>
      %add3A_1547 = arith.constant 24 : i32
      %add3A_1548 = vector.broadcast %add3A_1547 : i32 to vector<16xi32>
      %add3A_1549 = arith.addi %iota3A, %add3A_1548 : vector<16xi32>
      %and3A_1550 = arith.constant 31 : i32
      %and3A_1551 = vector.broadcast %and3A_1550 : i32 to vector<16xi32>
      %and3A_1552 = arith.andi %add3A_1549, %and3A_1551 : vector<16xi32>
      %gather3A_1553 = tpu.vector_load_idx %arg11[%add3A_573, %and3A_1552] : memref<512x32xf32, #tpu.memory_space<vmem>>[vector<16xi32>, vector<16xi32>], vector<16xf32>,
      %gather3A_1554 = tpu.vector_load_idx %arg12[%add3A_573, %and3A_1552] : memref<512x32xf32, #tpu.memory_space<vmem>>[vector<16xi32>, vector<16xi32>], vector<16xf32>,
      %mul3A_1555 = arith.mulf %gather3A_1553, %gather3A_1554 : vector<16xf32>
      %add3A_1556 = arith.addf %add3A_1516, %mul3A_1555 : vector<16xf32>
      %add3A_1557 = arith.constant 0 : i32
      %add3A_1558 = vector.broadcast %add3A_1557 : i32 to vector<16xi32>
      %add3A_1559 = arith.addi %mul3A_576, %add3A_1558 : vector<16xi32>
      %gather3A_1560 = tpu.vector_load_idx %arg13[%add3A_1559, %and3A_1552] : memref<2560x32xf32, #tpu.memory_space<vmem>>[vector<16xi32>, vector<16xi32>], vector<16xf32>,
      %mul3A_1561 = arith.mulf %gather3A_1553, %gather3A_1560 : vector<16xf32>
      %add3A_1562 = arith.addf %add3A_1522, %mul3A_1561 : vector<16xf32>
      %add3A_1563 = arith.constant 1 : i32
      %add3A_1564 = vector.broadcast %add3A_1563 : i32 to vector<16xi32>
      %add3A_1565 = arith.addi %mul3A_576, %add3A_1564 : vector<16xi32>
      %gather3A_1566 = tpu.vector_load_idx %arg13[%add3A_1565, %and3A_1552] : memref<2560x32xf32, #tpu.memory_space<vmem>>[vector<16xi32>, vector<16xi32>], vector<16xf32>,
      %mul3A_1567 = arith.mulf %gather3A_1553, %gather3A_1566 : vector<16xf32>
      %add3A_1568 = arith.addf %add3A_1528, %mul3A_1567 : vector<16xf32>
      %add3A_1569 = arith.constant 2 : i32
      %add3A_1570 = vector.broadcast %add3A_1569 : i32 to vector<16xi32>
      %add3A_1571 = arith.addi %mul3A_576, %add3A_1570 : vector<16xi32>
      %gather3A_1572 = tpu.vector_load_idx %arg13[%add3A_1571, %and3A_1552] : memref<2560x32xf32, #tpu.memory_space<vmem>>[vector<16xi32>, vector<16xi32>], vector<16xf32>,
      %mul3A_1573 = arith.mulf %gather3A_1553, %gather3A_1572 : vector<16xf32>
      %add3A_1574 = arith.addf %add3A_1534, %mul3A_1573 : vector<16xf32>
      %add3A_1575 = arith.constant 3 : i32
      %add3A_1576 = vector.broadcast %add3A_1575 : i32 to vector<16xi32>
      %add3A_1577 = arith.addi %mul3A_576, %add3A_1576 : vector<16xi32>
      %gather3A_1578 = tpu.vector_load_idx %arg13[%add3A_1577, %and3A_1552] : memref<2560x32xf32, #tpu.memory_space<vmem>>[vector<16xi32>, vector<16xi32>], vector<16xf32>,
      %mul3A_1579 = arith.mulf %gather3A_1553, %gather3A_1578 : vector<16xf32>
      %add3A_1580 = arith.addf %add3A_1540, %mul3A_1579 : vector<16xf32>
      %add3A_1581 = arith.constant 4 : i32
      %add3A_1582 = vector.broadcast %add3A_1581 : i32 to vector<16xi32>
      %add3A_1583 = arith.addi %mul3A_576, %add3A_1582 : vector<16xi32>
      %gather3A_1584 = tpu.vector_load_idx %arg13[%add3A_1583, %and3A_1552] : memref<2560x32xf32, #tpu.memory_space<vmem>>[vector<16xi32>, vector<16xi32>], vector<16xf32>,
      %mul3A_1585 = arith.mulf %gather3A_1553, %gather3A_1584 : vector<16xf32>
      %add3A_1586 = arith.addf %add3A_1546, %mul3A_1585 : vector<16xf32>
      %add3A_1587 = arith.constant 25 : i32
      %add3A_1588 = vector.broadcast %add3A_1587 : i32 to vector<16xi32>
      %add3A_1589 = arith.addi %iota3A, %add3A_1588 : vector<16xi32>
      %and3A_1590 = arith.constant 31 : i32
      %and3A_1591 = vector.broadcast %and3A_1590 : i32 to vector<16xi32>
      %and3A_1592 = arith.andi %add3A_1589, %and3A_1591 : vector<16xi32>
      %gather3A_1593 = tpu.vector_load_idx %arg11[%add3A_573, %and3A_1592] : memref<512x32xf32, #tpu.memory_space<vmem>>[vector<16xi32>, vector<16xi32>], vector<16xf32>,
      %gather3A_1594 = tpu.vector_load_idx %arg12[%add3A_573, %and3A_1592] : memref<512x32xf32, #tpu.memory_space<vmem>>[vector<16xi32>, vector<16xi32>], vector<16xf32>,
      %mul3A_1595 = arith.mulf %gather3A_1593, %gather3A_1594 : vector<16xf32>
      %add3A_1596 = arith.addf %add3A_1556, %mul3A_1595 : vector<16xf32>
      %add3A_1597 = arith.constant 0 : i32
      %add3A_1598 = vector.broadcast %add3A_1597 : i32 to vector<16xi32>
      %add3A_1599 = arith.addi %mul3A_576, %add3A_1598 : vector<16xi32>
      %gather3A_1600 = tpu.vector_load_idx %arg13[%add3A_1599, %and3A_1592] : memref<2560x32xf32, #tpu.memory_space<vmem>>[vector<16xi32>, vector<16xi32>], vector<16xf32>,
      %mul3A_1601 = arith.mulf %gather3A_1593, %gather3A_1600 : vector<16xf32>
      %add3A_1602 = arith.addf %add3A_1562, %mul3A_1601 : vector<16xf32>
      %add3A_1603 = arith.constant 1 : i32
      %add3A_1604 = vector.broadcast %add3A_1603 : i32 to vector<16xi32>
      %add3A_1605 = arith.addi %mul3A_576, %add3A_1604 : vector<16xi32>
      %gather3A_1606 = tpu.vector_load_idx %arg13[%add3A_1605, %and3A_1592] : memref<2560x32xf32, #tpu.memory_space<vmem>>[vector<16xi32>, vector<16xi32>], vector<16xf32>,
      %mul3A_1607 = arith.mulf %gather3A_1593, %gather3A_1606 : vector<16xf32>
      %add3A_1608 = arith.addf %add3A_1568, %mul3A_1607 : vector<16xf32>
      %add3A_1609 = arith.constant 2 : i32
      %add3A_1610 = vector.broadcast %add3A_1609 : i32 to vector<16xi32>
      %add3A_1611 = arith.addi %mul3A_576, %add3A_1610 : vector<16xi32>
      %gather3A_1612 = tpu.vector_load_idx %arg13[%add3A_1611, %and3A_1592] : memref<2560x32xf32, #tpu.memory_space<vmem>>[vector<16xi32>, vector<16xi32>], vector<16xf32>,
      %mul3A_1613 = arith.mulf %gather3A_1593, %gather3A_1612 : vector<16xf32>
      %add3A_1614 = arith.addf %add3A_1574, %mul3A_1613 : vector<16xf32>
      %add3A_1615 = arith.constant 3 : i32
      %add3A_1616 = vector.broadcast %add3A_1615 : i32 to vector<16xi32>
      %add3A_1617 = arith.addi %mul3A_576, %add3A_1616 : vector<16xi32>
      %gather3A_1618 = tpu.vector_load_idx %arg13[%add3A_1617, %and3A_1592] : memref<2560x32xf32, #tpu.memory_space<vmem>>[vector<16xi32>, vector<16xi32>], vector<16xf32>,
      %mul3A_1619 = arith.mulf %gather3A_1593, %gather3A_1618 : vector<16xf32>
      %add3A_1620 = arith.addf %add3A_1580, %mul3A_1619 : vector<16xf32>
      %add3A_1621 = arith.constant 4 : i32
      %add3A_1622 = vector.broadcast %add3A_1621 : i32 to vector<16xi32>
      %add3A_1623 = arith.addi %mul3A_576, %add3A_1622 : vector<16xi32>
      %gather3A_1624 = tpu.vector_load_idx %arg13[%add3A_1623, %and3A_1592] : memref<2560x32xf32, #tpu.memory_space<vmem>>[vector<16xi32>, vector<16xi32>], vector<16xf32>,
      %mul3A_1625 = arith.mulf %gather3A_1593, %gather3A_1624 : vector<16xf32>
      %add3A_1626 = arith.addf %add3A_1586, %mul3A_1625 : vector<16xf32>
      %add3A_1627 = arith.constant 26 : i32
      %add3A_1628 = vector.broadcast %add3A_1627 : i32 to vector<16xi32>
      %add3A_1629 = arith.addi %iota3A, %add3A_1628 : vector<16xi32>
      %and3A_1630 = arith.constant 31 : i32
      %and3A_1631 = vector.broadcast %and3A_1630 : i32 to vector<16xi32>
      %and3A_1632 = arith.andi %add3A_1629, %and3A_1631 : vector<16xi32>
      %gather3A_1633 = tpu.vector_load_idx %arg11[%add3A_573, %and3A_1632] : memref<512x32xf32, #tpu.memory_space<vmem>>[vector<16xi32>, vector<16xi32>], vector<16xf32>,
      %gather3A_1634 = tpu.vector_load_idx %arg12[%add3A_573, %and3A_1632] : memref<512x32xf32, #tpu.memory_space<vmem>>[vector<16xi32>, vector<16xi32>], vector<16xf32>,
      %mul3A_1635 = arith.mulf %gather3A_1633, %gather3A_1634 : vector<16xf32>
      %add3A_1636 = arith.addf %add3A_1596, %mul3A_1635 : vector<16xf32>
      %add3A_1637 = arith.constant 0 : i32
      %add3A_1638 = vector.broadcast %add3A_1637 : i32 to vector<16xi32>
      %add3A_1639 = arith.addi %mul3A_576, %add3A_1638 : vector<16xi32>
      %gather3A_1640 = tpu.vector_load_idx %arg13[%add3A_1639, %and3A_1632] : memref<2560x32xf32, #tpu.memory_space<vmem>>[vector<16xi32>, vector<16xi32>], vector<16xf32>,
      %mul3A_1641 = arith.mulf %gather3A_1633, %gather3A_1640 : vector<16xf32>
      %add3A_1642 = arith.addf %add3A_1602, %mul3A_1641 : vector<16xf32>
      %add3A_1643 = arith.constant 1 : i32
      %add3A_1644 = vector.broadcast %add3A_1643 : i32 to vector<16xi32>
      %add3A_1645 = arith.addi %mul3A_576, %add3A_1644 : vector<16xi32>
      %gather3A_1646 = tpu.vector_load_idx %arg13[%add3A_1645, %and3A_1632] : memref<2560x32xf32, #tpu.memory_space<vmem>>[vector<16xi32>, vector<16xi32>], vector<16xf32>,
      %mul3A_1647 = arith.mulf %gather3A_1633, %gather3A_1646 : vector<16xf32>
      %add3A_1648 = arith.addf %add3A_1608, %mul3A_1647 : vector<16xf32>
      %add3A_1649 = arith.constant 2 : i32
      %add3A_1650 = vector.broadcast %add3A_1649 : i32 to vector<16xi32>
      %add3A_1651 = arith.addi %mul3A_576, %add3A_1650 : vector<16xi32>
      %gather3A_1652 = tpu.vector_load_idx %arg13[%add3A_1651, %and3A_1632] : memref<2560x32xf32, #tpu.memory_space<vmem>>[vector<16xi32>, vector<16xi32>], vector<16xf32>,
      %mul3A_1653 = arith.mulf %gather3A_1633, %gather3A_1652 : vector<16xf32>
      %add3A_1654 = arith.addf %add3A_1614, %mul3A_1653 : vector<16xf32>
      %add3A_1655 = arith.constant 3 : i32
      %add3A_1656 = vector.broadcast %add3A_1655 : i32 to vector<16xi32>
      %add3A_1657 = arith.addi %mul3A_576, %add3A_1656 : vector<16xi32>
      %gather3A_1658 = tpu.vector_load_idx %arg13[%add3A_1657, %and3A_1632] : memref<2560x32xf32, #tpu.memory_space<vmem>>[vector<16xi32>, vector<16xi32>], vector<16xf32>,
      %mul3A_1659 = arith.mulf %gather3A_1633, %gather3A_1658 : vector<16xf32>
      %add3A_1660 = arith.addf %add3A_1620, %mul3A_1659 : vector<16xf32>
      %add3A_1661 = arith.constant 4 : i32
      %add3A_1662 = vector.broadcast %add3A_1661 : i32 to vector<16xi32>
      %add3A_1663 = arith.addi %mul3A_576, %add3A_1662 : vector<16xi32>
      %gather3A_1664 = tpu.vector_load_idx %arg13[%add3A_1663, %and3A_1632] : memref<2560x32xf32, #tpu.memory_space<vmem>>[vector<16xi32>, vector<16xi32>], vector<16xf32>,
      %mul3A_1665 = arith.mulf %gather3A_1633, %gather3A_1664 : vector<16xf32>
      %add3A_1666 = arith.addf %add3A_1626, %mul3A_1665 : vector<16xf32>
      %add3A_1667 = arith.constant 27 : i32
      %add3A_1668 = vector.broadcast %add3A_1667 : i32 to vector<16xi32>
      %add3A_1669 = arith.addi %iota3A, %add3A_1668 : vector<16xi32>
      %and3A_1670 = arith.constant 31 : i32
      %and3A_1671 = vector.broadcast %and3A_1670 : i32 to vector<16xi32>
      %and3A_1672 = arith.andi %add3A_1669, %and3A_1671 : vector<16xi32>
      %gather3A_1673 = tpu.vector_load_idx %arg11[%add3A_573, %and3A_1672] : memref<512x32xf32, #tpu.memory_space<vmem>>[vector<16xi32>, vector<16xi32>], vector<16xf32>,
      %gather3A_1674 = tpu.vector_load_idx %arg12[%add3A_573, %and3A_1672] : memref<512x32xf32, #tpu.memory_space<vmem>>[vector<16xi32>, vector<16xi32>], vector<16xf32>,
      %mul3A_1675 = arith.mulf %gather3A_1673, %gather3A_1674 : vector<16xf32>
      %add3A_1676 = arith.addf %add3A_1636, %mul3A_1675 : vector<16xf32>
      %add3A_1677 = arith.constant 0 : i32
      %add3A_1678 = vector.broadcast %add3A_1677 : i32 to vector<16xi32>
      %add3A_1679 = arith.addi %mul3A_576, %add3A_1678 : vector<16xi32>
      %gather3A_1680 = tpu.vector_load_idx %arg13[%add3A_1679, %and3A_1672] : memref<2560x32xf32, #tpu.memory_space<vmem>>[vector<16xi32>, vector<16xi32>], vector<16xf32>,
      %mul3A_1681 = arith.mulf %gather3A_1673, %gather3A_1680 : vector<16xf32>
      %add3A_1682 = arith.addf %add3A_1642, %mul3A_1681 : vector<16xf32>
      %add3A_1683 = arith.constant 1 : i32
      %add3A_1684 = vector.broadcast %add3A_1683 : i32 to vector<16xi32>
      %add3A_1685 = arith.addi %mul3A_576, %add3A_1684 : vector<16xi32>
      %gather3A_1686 = tpu.vector_load_idx %arg13[%add3A_1685, %and3A_1672] : memref<2560x32xf32, #tpu.memory_space<vmem>>[vector<16xi32>, vector<16xi32>], vector<16xf32>,
      %mul3A_1687 = arith.mulf %gather3A_1673, %gather3A_1686 : vector<16xf32>
      %add3A_1688 = arith.addf %add3A_1648, %mul3A_1687 : vector<16xf32>
      %add3A_1689 = arith.constant 2 : i32
      %add3A_1690 = vector.broadcast %add3A_1689 : i32 to vector<16xi32>
      %add3A_1691 = arith.addi %mul3A_576, %add3A_1690 : vector<16xi32>
      %gather3A_1692 = tpu.vector_load_idx %arg13[%add3A_1691, %and3A_1672] : memref<2560x32xf32, #tpu.memory_space<vmem>>[vector<16xi32>, vector<16xi32>], vector<16xf32>,
      %mul3A_1693 = arith.mulf %gather3A_1673, %gather3A_1692 : vector<16xf32>
      %add3A_1694 = arith.addf %add3A_1654, %mul3A_1693 : vector<16xf32>
      %add3A_1695 = arith.constant 3 : i32
      %add3A_1696 = vector.broadcast %add3A_1695 : i32 to vector<16xi32>
      %add3A_1697 = arith.addi %mul3A_576, %add3A_1696 : vector<16xi32>
      %gather3A_1698 = tpu.vector_load_idx %arg13[%add3A_1697, %and3A_1672] : memref<2560x32xf32, #tpu.memory_space<vmem>>[vector<16xi32>, vector<16xi32>], vector<16xf32>,
      %mul3A_1699 = arith.mulf %gather3A_1673, %gather3A_1698 : vector<16xf32>
      %add3A_1700 = arith.addf %add3A_1660, %mul3A_1699 : vector<16xf32>
      %add3A_1701 = arith.constant 4 : i32
      %add3A_1702 = vector.broadcast %add3A_1701 : i32 to vector<16xi32>
      %add3A_1703 = arith.addi %mul3A_576, %add3A_1702 : vector<16xi32>
      %gather3A_1704 = tpu.vector_load_idx %arg13[%add3A_1703, %and3A_1672] : memref<2560x32xf32, #tpu.memory_space<vmem>>[vector<16xi32>, vector<16xi32>], vector<16xf32>,
      %mul3A_1705 = arith.mulf %gather3A_1673, %gather3A_1704 : vector<16xf32>
      %add3A_1706 = arith.addf %add3A_1666, %mul3A_1705 : vector<16xf32>
      %add3A_1707 = arith.constant 28 : i32
      %add3A_1708 = vector.broadcast %add3A_1707 : i32 to vector<16xi32>
      %add3A_1709 = arith.addi %iota3A, %add3A_1708 : vector<16xi32>
      %and3A_1710 = arith.constant 31 : i32
      %and3A_1711 = vector.broadcast %and3A_1710 : i32 to vector<16xi32>
      %and3A_1712 = arith.andi %add3A_1709, %and3A_1711 : vector<16xi32>
      %gather3A_1713 = tpu.vector_load_idx %arg11[%add3A_573, %and3A_1712] : memref<512x32xf32, #tpu.memory_space<vmem>>[vector<16xi32>, vector<16xi32>], vector<16xf32>,
      %gather3A_1714 = tpu.vector_load_idx %arg12[%add3A_573, %and3A_1712] : memref<512x32xf32, #tpu.memory_space<vmem>>[vector<16xi32>, vector<16xi32>], vector<16xf32>,
      %mul3A_1715 = arith.mulf %gather3A_1713, %gather3A_1714 : vector<16xf32>
      %add3A_1716 = arith.addf %add3A_1676, %mul3A_1715 : vector<16xf32>
      %add3A_1717 = arith.constant 0 : i32
      %add3A_1718 = vector.broadcast %add3A_1717 : i32 to vector<16xi32>
      %add3A_1719 = arith.addi %mul3A_576, %add3A_1718 : vector<16xi32>
      %gather3A_1720 = tpu.vector_load_idx %arg13[%add3A_1719, %and3A_1712] : memref<2560x32xf32, #tpu.memory_space<vmem>>[vector<16xi32>, vector<16xi32>], vector<16xf32>,
      %mul3A_1721 = arith.mulf %gather3A_1713, %gather3A_1720 : vector<16xf32>
      %add3A_1722 = arith.addf %add3A_1682, %mul3A_1721 : vector<16xf32>
      %add3A_1723 = arith.constant 1 : i32
      %add3A_1724 = vector.broadcast %add3A_1723 : i32 to vector<16xi32>
      %add3A_1725 = arith.addi %mul3A_576, %add3A_1724 : vector<16xi32>
      %gather3A_1726 = tpu.vector_load_idx %arg13[%add3A_1725, %and3A_1712] : memref<2560x32xf32, #tpu.memory_space<vmem>>[vector<16xi32>, vector<16xi32>], vector<16xf32>,
      %mul3A_1727 = arith.mulf %gather3A_1713, %gather3A_1726 : vector<16xf32>
      %add3A_1728 = arith.addf %add3A_1688, %mul3A_1727 : vector<16xf32>
      %add3A_1729 = arith.constant 2 : i32
      %add3A_1730 = vector.broadcast %add3A_1729 : i32 to vector<16xi32>
      %add3A_1731 = arith.addi %mul3A_576, %add3A_1730 : vector<16xi32>
      %gather3A_1732 = tpu.vector_load_idx %arg13[%add3A_1731, %and3A_1712] : memref<2560x32xf32, #tpu.memory_space<vmem>>[vector<16xi32>, vector<16xi32>], vector<16xf32>,
      %mul3A_1733 = arith.mulf %gather3A_1713, %gather3A_1732 : vector<16xf32>
      %add3A_1734 = arith.addf %add3A_1694, %mul3A_1733 : vector<16xf32>
      %add3A_1735 = arith.constant 3 : i32
      %add3A_1736 = vector.broadcast %add3A_1735 : i32 to vector<16xi32>
      %add3A_1737 = arith.addi %mul3A_576, %add3A_1736 : vector<16xi32>
      %gather3A_1738 = tpu.vector_load_idx %arg13[%add3A_1737, %and3A_1712] : memref<2560x32xf32, #tpu.memory_space<vmem>>[vector<16xi32>, vector<16xi32>], vector<16xf32>,
      %mul3A_1739 = arith.mulf %gather3A_1713, %gather3A_1738 : vector<16xf32>
      %add3A_1740 = arith.addf %add3A_1700, %mul3A_1739 : vector<16xf32>
      %add3A_1741 = arith.constant 4 : i32
      %add3A_1742 = vector.broadcast %add3A_1741 : i32 to vector<16xi32>
      %add3A_1743 = arith.addi %mul3A_576, %add3A_1742 : vector<16xi32>
      %gather3A_1744 = tpu.vector_load_idx %arg13[%add3A_1743, %and3A_1712] : memref<2560x32xf32, #tpu.memory_space<vmem>>[vector<16xi32>, vector<16xi32>], vector<16xf32>,
      %mul3A_1745 = arith.mulf %gather3A_1713, %gather3A_1744 : vector<16xf32>
      %add3A_1746 = arith.addf %add3A_1706, %mul3A_1745 : vector<16xf32>
      %add3A_1747 = arith.constant 29 : i32
      %add3A_1748 = vector.broadcast %add3A_1747 : i32 to vector<16xi32>
      %add3A_1749 = arith.addi %iota3A, %add3A_1748 : vector<16xi32>
      %and3A_1750 = arith.constant 31 : i32
      %and3A_1751 = vector.broadcast %and3A_1750 : i32 to vector<16xi32>
      %and3A_1752 = arith.andi %add3A_1749, %and3A_1751 : vector<16xi32>
      %gather3A_1753 = tpu.vector_load_idx %arg11[%add3A_573, %and3A_1752] : memref<512x32xf32, #tpu.memory_space<vmem>>[vector<16xi32>, vector<16xi32>], vector<16xf32>,
      %gather3A_1754 = tpu.vector_load_idx %arg12[%add3A_573, %and3A_1752] : memref<512x32xf32, #tpu.memory_space<vmem>>[vector<16xi32>, vector<16xi32>], vector<16xf32>,
      %mul3A_1755 = arith.mulf %gather3A_1753, %gather3A_1754 : vector<16xf32>
      %add3A_1756 = arith.addf %add3A_1716, %mul3A_1755 : vector<16xf32>
      %add3A_1757 = arith.constant 0 : i32
      %add3A_1758 = vector.broadcast %add3A_1757 : i32 to vector<16xi32>
      %add3A_1759 = arith.addi %mul3A_576, %add3A_1758 : vector<16xi32>
      %gather3A_1760 = tpu.vector_load_idx %arg13[%add3A_1759, %and3A_1752] : memref<2560x32xf32, #tpu.memory_space<vmem>>[vector<16xi32>, vector<16xi32>], vector<16xf32>,
      %mul3A_1761 = arith.mulf %gather3A_1753, %gather3A_1760 : vector<16xf32>
      %add3A_1762 = arith.addf %add3A_1722, %mul3A_1761 : vector<16xf32>
      %add3A_1763 = arith.constant 1 : i32
      %add3A_1764 = vector.broadcast %add3A_1763 : i32 to vector<16xi32>
      %add3A_1765 = arith.addi %mul3A_576, %add3A_1764 : vector<16xi32>
      %gather3A_1766 = tpu.vector_load_idx %arg13[%add3A_1765, %and3A_1752] : memref<2560x32xf32, #tpu.memory_space<vmem>>[vector<16xi32>, vector<16xi32>], vector<16xf32>,
      %mul3A_1767 = arith.mulf %gather3A_1753, %gather3A_1766 : vector<16xf32>
      %add3A_1768 = arith.addf %add3A_1728, %mul3A_1767 : vector<16xf32>
      %add3A_1769 = arith.constant 2 : i32
      %add3A_1770 = vector.broadcast %add3A_1769 : i32 to vector<16xi32>
      %add3A_1771 = arith.addi %mul3A_576, %add3A_1770 : vector<16xi32>
      %gather3A_1772 = tpu.vector_load_idx %arg13[%add3A_1771, %and3A_1752] : memref<2560x32xf32, #tpu.memory_space<vmem>>[vector<16xi32>, vector<16xi32>], vector<16xf32>,
      %mul3A_1773 = arith.mulf %gather3A_1753, %gather3A_1772 : vector<16xf32>
      %add3A_1774 = arith.addf %add3A_1734, %mul3A_1773 : vector<16xf32>
      %add3A_1775 = arith.constant 3 : i32
      %add3A_1776 = vector.broadcast %add3A_1775 : i32 to vector<16xi32>
      %add3A_1777 = arith.addi %mul3A_576, %add3A_1776 : vector<16xi32>
      %gather3A_1778 = tpu.vector_load_idx %arg13[%add3A_1777, %and3A_1752] : memref<2560x32xf32, #tpu.memory_space<vmem>>[vector<16xi32>, vector<16xi32>], vector<16xf32>,
      %mul3A_1779 = arith.mulf %gather3A_1753, %gather3A_1778 : vector<16xf32>
      %add3A_1780 = arith.addf %add3A_1740, %mul3A_1779 : vector<16xf32>
      %add3A_1781 = arith.constant 4 : i32
      %add3A_1782 = vector.broadcast %add3A_1781 : i32 to vector<16xi32>
      %add3A_1783 = arith.addi %mul3A_576, %add3A_1782 : vector<16xi32>
      %gather3A_1784 = tpu.vector_load_idx %arg13[%add3A_1783, %and3A_1752] : memref<2560x32xf32, #tpu.memory_space<vmem>>[vector<16xi32>, vector<16xi32>], vector<16xf32>,
      %mul3A_1785 = arith.mulf %gather3A_1753, %gather3A_1784 : vector<16xf32>
      %add3A_1786 = arith.addf %add3A_1746, %mul3A_1785 : vector<16xf32>
      %add3A_1787 = arith.constant 30 : i32
      %add3A_1788 = vector.broadcast %add3A_1787 : i32 to vector<16xi32>
      %add3A_1789 = arith.addi %iota3A, %add3A_1788 : vector<16xi32>
      %and3A_1790 = arith.constant 31 : i32
      %and3A_1791 = vector.broadcast %and3A_1790 : i32 to vector<16xi32>
      %and3A_1792 = arith.andi %add3A_1789, %and3A_1791 : vector<16xi32>
      %gather3A_1793 = tpu.vector_load_idx %arg11[%add3A_573, %and3A_1792] : memref<512x32xf32, #tpu.memory_space<vmem>>[vector<16xi32>, vector<16xi32>], vector<16xf32>,
      %gather3A_1794 = tpu.vector_load_idx %arg12[%add3A_573, %and3A_1792] : memref<512x32xf32, #tpu.memory_space<vmem>>[vector<16xi32>, vector<16xi32>], vector<16xf32>,
      %mul3A_1795 = arith.mulf %gather3A_1793, %gather3A_1794 : vector<16xf32>
      %add3A_1796 = arith.addf %add3A_1756, %mul3A_1795 : vector<16xf32>
      %add3A_1797 = arith.constant 0 : i32
      %add3A_1798 = vector.broadcast %add3A_1797 : i32 to vector<16xi32>
      %add3A_1799 = arith.addi %mul3A_576, %add3A_1798 : vector<16xi32>
      %gather3A_1800 = tpu.vector_load_idx %arg13[%add3A_1799, %and3A_1792] : memref<2560x32xf32, #tpu.memory_space<vmem>>[vector<16xi32>, vector<16xi32>], vector<16xf32>,
      %mul3A_1801 = arith.mulf %gather3A_1793, %gather3A_1800 : vector<16xf32>
      %add3A_1802 = arith.addf %add3A_1762, %mul3A_1801 : vector<16xf32>
      %add3A_1803 = arith.constant 1 : i32
      %add3A_1804 = vector.broadcast %add3A_1803 : i32 to vector<16xi32>
      %add3A_1805 = arith.addi %mul3A_576, %add3A_1804 : vector<16xi32>
      %gather3A_1806 = tpu.vector_load_idx %arg13[%add3A_1805, %and3A_1792] : memref<2560x32xf32, #tpu.memory_space<vmem>>[vector<16xi32>, vector<16xi32>], vector<16xf32>,
      %mul3A_1807 = arith.mulf %gather3A_1793, %gather3A_1806 : vector<16xf32>
      %add3A_1808 = arith.addf %add3A_1768, %mul3A_1807 : vector<16xf32>
      %add3A_1809 = arith.constant 2 : i32
      %add3A_1810 = vector.broadcast %add3A_1809 : i32 to vector<16xi32>
      %add3A_1811 = arith.addi %mul3A_576, %add3A_1810 : vector<16xi32>
      %gather3A_1812 = tpu.vector_load_idx %arg13[%add3A_1811, %and3A_1792] : memref<2560x32xf32, #tpu.memory_space<vmem>>[vector<16xi32>, vector<16xi32>], vector<16xf32>,
      %mul3A_1813 = arith.mulf %gather3A_1793, %gather3A_1812 : vector<16xf32>
      %add3A_1814 = arith.addf %add3A_1774, %mul3A_1813 : vector<16xf32>
      %add3A_1815 = arith.constant 3 : i32
      %add3A_1816 = vector.broadcast %add3A_1815 : i32 to vector<16xi32>
      %add3A_1817 = arith.addi %mul3A_576, %add3A_1816 : vector<16xi32>
      %gather3A_1818 = tpu.vector_load_idx %arg13[%add3A_1817, %and3A_1792] : memref<2560x32xf32, #tpu.memory_space<vmem>>[vector<16xi32>, vector<16xi32>], vector<16xf32>,
      %mul3A_1819 = arith.mulf %gather3A_1793, %gather3A_1818 : vector<16xf32>
      %add3A_1820 = arith.addf %add3A_1780, %mul3A_1819 : vector<16xf32>
      %add3A_1821 = arith.constant 4 : i32
      %add3A_1822 = vector.broadcast %add3A_1821 : i32 to vector<16xi32>
      %add3A_1823 = arith.addi %mul3A_576, %add3A_1822 : vector<16xi32>
      %gather3A_1824 = tpu.vector_load_idx %arg13[%add3A_1823, %and3A_1792] : memref<2560x32xf32, #tpu.memory_space<vmem>>[vector<16xi32>, vector<16xi32>], vector<16xf32>,
      %mul3A_1825 = arith.mulf %gather3A_1793, %gather3A_1824 : vector<16xf32>
      %add3A_1826 = arith.addf %add3A_1786, %mul3A_1825 : vector<16xf32>
      %add3A_1827 = arith.constant 31 : i32
      %add3A_1828 = vector.broadcast %add3A_1827 : i32 to vector<16xi32>
      %add3A_1829 = arith.addi %iota3A, %add3A_1828 : vector<16xi32>
      %and3A_1830 = arith.constant 31 : i32
      %and3A_1831 = vector.broadcast %and3A_1830 : i32 to vector<16xi32>
      %and3A_1832 = arith.andi %add3A_1829, %and3A_1831 : vector<16xi32>
      %gather3A_1833 = tpu.vector_load_idx %arg11[%add3A_573, %and3A_1832] : memref<512x32xf32, #tpu.memory_space<vmem>>[vector<16xi32>, vector<16xi32>], vector<16xf32>,
      %gather3A_1834 = tpu.vector_load_idx %arg12[%add3A_573, %and3A_1832] : memref<512x32xf32, #tpu.memory_space<vmem>>[vector<16xi32>, vector<16xi32>], vector<16xf32>,
      %mul3A_1835 = arith.mulf %gather3A_1833, %gather3A_1834 : vector<16xf32>
      %add3A_1836 = arith.addf %add3A_1796, %mul3A_1835 : vector<16xf32>
      %add3A_1837 = arith.constant 0 : i32
      %add3A_1838 = vector.broadcast %add3A_1837 : i32 to vector<16xi32>
      %add3A_1839 = arith.addi %mul3A_576, %add3A_1838 : vector<16xi32>
      %gather3A_1840 = tpu.vector_load_idx %arg13[%add3A_1839, %and3A_1832] : memref<2560x32xf32, #tpu.memory_space<vmem>>[vector<16xi32>, vector<16xi32>], vector<16xf32>,
      %mul3A_1841 = arith.mulf %gather3A_1833, %gather3A_1840 : vector<16xf32>
      %add3A_1842 = arith.addf %add3A_1802, %mul3A_1841 : vector<16xf32>
      %add3A_1843 = arith.constant 1 : i32
      %add3A_1844 = vector.broadcast %add3A_1843 : i32 to vector<16xi32>
      %add3A_1845 = arith.addi %mul3A_576, %add3A_1844 : vector<16xi32>
      %gather3A_1846 = tpu.vector_load_idx %arg13[%add3A_1845, %and3A_1832] : memref<2560x32xf32, #tpu.memory_space<vmem>>[vector<16xi32>, vector<16xi32>], vector<16xf32>,
      %mul3A_1847 = arith.mulf %gather3A_1833, %gather3A_1846 : vector<16xf32>
      %add3A_1848 = arith.addf %add3A_1808, %mul3A_1847 : vector<16xf32>
      %add3A_1849 = arith.constant 2 : i32
      %add3A_1850 = vector.broadcast %add3A_1849 : i32 to vector<16xi32>
      %add3A_1851 = arith.addi %mul3A_576, %add3A_1850 : vector<16xi32>
      %gather3A_1852 = tpu.vector_load_idx %arg13[%add3A_1851, %and3A_1832] : memref<2560x32xf32, #tpu.memory_space<vmem>>[vector<16xi32>, vector<16xi32>], vector<16xf32>,
      %mul3A_1853 = arith.mulf %gather3A_1833, %gather3A_1852 : vector<16xf32>
      %add3A_1854 = arith.addf %add3A_1814, %mul3A_1853 : vector<16xf32>
      %add3A_1855 = arith.constant 3 : i32
      %add3A_1856 = vector.broadcast %add3A_1855 : i32 to vector<16xi32>
      %add3A_1857 = arith.addi %mul3A_576, %add3A_1856 : vector<16xi32>
      %gather3A_1858 = tpu.vector_load_idx %arg13[%add3A_1857, %and3A_1832] : memref<2560x32xf32, #tpu.memory_space<vmem>>[vector<16xi32>, vector<16xi32>], vector<16xf32>,
      %mul3A_1859 = arith.mulf %gather3A_1833, %gather3A_1858 : vector<16xf32>
      %add3A_1860 = arith.addf %add3A_1820, %mul3A_1859 : vector<16xf32>
      %add3A_1861 = arith.constant 4 : i32
      %add3A_1862 = vector.broadcast %add3A_1861 : i32 to vector<16xi32>
      %add3A_1863 = arith.addi %mul3A_576, %add3A_1862 : vector<16xi32>
      %gather3A_1864 = tpu.vector_load_idx %arg13[%add3A_1863, %and3A_1832] : memref<2560x32xf32, #tpu.memory_space<vmem>>[vector<16xi32>, vector<16xi32>], vector<16xf32>,
      %mul3A_1865 = arith.mulf %gather3A_1833, %gather3A_1864 : vector<16xf32>
      %add3A_1866 = arith.addf %add3A_1826, %mul3A_1865 : vector<16xf32>
      %abs3A = math.absf %add3A_1836 : vector<16xf32>
      %neg3A = arith.constant 0.000000e+00 : f32
      %neg3A_1867 = vector.broadcast %neg3A : f32 to vector<16xf32>
      %neg3A_1868 = arith.subf %neg3A_1867, %abs3A : vector<16xf32>
      %exp3A = math.exp %neg3A_1868 : vector<16xf32>
      %add3A_1869 = arith.constant 2.000000e+00 : f32
      %add3A_1870 = vector.broadcast %add3A_1869 : f32 to vector<16xf32>
      %add3A_1871 = arith.addf %exp3A, %add3A_1870 : vector<16xf32>
      %div3A = arith.divf %exp3A, %add3A_1871 : vector<16xf32>
      %mul3A_1872 = arith.mulf %div3A, %div3A : vector<16xf32>
      %mul3A_1873 = arith.constant 0.0769230798 : f32
      %mul3A_1874 = vector.broadcast %mul3A_1873 : f32 to vector<16xf32>
      %mul3A_1875 = arith.mulf %mul3A_1872, %mul3A_1874 : vector<16xf32>
      %add3A_1876 = arith.constant 0.0909090936 : f32
      %add3A_1877 = vector.broadcast %add3A_1876 : f32 to vector<16xf32>
      %add3A_1878 = arith.addf %add3A_1877, %mul3A_1875 : vector<16xf32>
      %mul3A_1879 = arith.mulf %mul3A_1872, %add3A_1878 : vector<16xf32>
      %add3A_1880 = arith.constant 0.111111112 : f32
      %add3A_1881 = vector.broadcast %add3A_1880 : f32 to vector<16xf32>
      %add3A_1882 = arith.addf %add3A_1881, %mul3A_1879 : vector<16xf32>
      %mul3A_1883 = arith.mulf %mul3A_1872, %add3A_1882 : vector<16xf32>
      %add3A_1884 = arith.constant 0.142857149 : f32
      %add3A_1885 = vector.broadcast %add3A_1884 : f32 to vector<16xf32>
      %add3A_1886 = arith.addf %add3A_1885, %mul3A_1883 : vector<16xf32>
      %mul3A_1887 = arith.mulf %mul3A_1872, %add3A_1886 : vector<16xf32>
      %add3A_1888 = arith.constant 2.000000e-01 : f32
      %add3A_1889 = vector.broadcast %add3A_1888 : f32 to vector<16xf32>
      %add3A_1890 = arith.addf %add3A_1889, %mul3A_1887 : vector<16xf32>
      %mul3A_1891 = arith.mulf %mul3A_1872, %add3A_1890 : vector<16xf32>
      %add3A_1892 = arith.constant 0.333333343 : f32
      %add3A_1893 = vector.broadcast %add3A_1892 : f32 to vector<16xf32>
      %add3A_1894 = arith.addf %add3A_1893, %mul3A_1891 : vector<16xf32>
      %mul3A_1895 = arith.mulf %mul3A_1872, %add3A_1894 : vector<16xf32>
      %add3A_1896 = arith.constant 1.000000e+00 : f32
      %add3A_1897 = vector.broadcast %add3A_1896 : f32 to vector<16xf32>
      %add3A_1898 = arith.addf %add3A_1897, %mul3A_1895 : vector<16xf32>
      %min3A = arith.constant 0.000000e+00 : f32
      %min3A_1899 = vector.broadcast %min3A : f32 to vector<16xf32>
      %min3A_1900 = arith.minimumf %add3A_1836, %min3A_1899 : vector<16xf32>
      %mul3A_1901 = arith.constant 2.000000e+00 : f32
      %mul3A_1902 = vector.broadcast %mul3A_1901 : f32 to vector<16xf32>
      %mul3A_1903 = arith.mulf %mul3A_1902, %div3A : vector<16xf32>
      %mul3A_1904 = arith.mulf %mul3A_1903, %add3A_1898 : vector<16xf32>
      %sub3A = arith.subf %min3A_1900, %mul3A_1904 : vector<16xf32>
      %neg3A_1905 = arith.constant 0.000000e+00 : f32
      %neg3A_1906 = vector.broadcast %neg3A_1905 : f32 to vector<16xf32>
      %neg3A_1907 = arith.subf %neg3A_1906, %add3A_1842 : vector<16xf32>
      %abs3A_1908 = math.absf %neg3A_1907 : vector<16xf32>
      %neg3A_1909 = arith.constant 0.000000e+00 : f32
      %neg3A_1910 = vector.broadcast %neg3A_1909 : f32 to vector<16xf32>
      %neg3A_1911 = arith.subf %neg3A_1910, %abs3A_1908 : vector<16xf32>
      %exp3A_1912 = math.exp %neg3A_1911 : vector<16xf32>
      %add3A_1913 = arith.constant 2.000000e+00 : f32
      %add3A_1914 = vector.broadcast %add3A_1913 : f32 to vector<16xf32>
      %add3A_1915 = arith.addf %exp3A_1912, %add3A_1914 : vector<16xf32>
      %div3A_1916 = arith.divf %exp3A_1912, %add3A_1915 : vector<16xf32>
      %mul3A_1917 = arith.mulf %div3A_1916, %div3A_1916 : vector<16xf32>
      %mul3A_1918 = arith.constant 0.0769230798 : f32
      %mul3A_1919 = vector.broadcast %mul3A_1918 : f32 to vector<16xf32>
      %mul3A_1920 = arith.mulf %mul3A_1917, %mul3A_1919 : vector<16xf32>
      %add3A_1921 = arith.constant 0.0909090936 : f32
      %add3A_1922 = vector.broadcast %add3A_1921 : f32 to vector<16xf32>
      %add3A_1923 = arith.addf %add3A_1922, %mul3A_1920 : vector<16xf32>
      %mul3A_1924 = arith.mulf %mul3A_1917, %add3A_1923 : vector<16xf32>
      %add3A_1925 = arith.constant 0.111111112 : f32
      %add3A_1926 = vector.broadcast %add3A_1925 : f32 to vector<16xf32>
      %add3A_1927 = arith.addf %add3A_1926, %mul3A_1924 : vector<16xf32>
      %mul3A_1928 = arith.mulf %mul3A_1917, %add3A_1927 : vector<16xf32>
      %add3A_1929 = arith.constant 0.142857149 : f32
      %add3A_1930 = vector.broadcast %add3A_1929 : f32 to vector<16xf32>
      %add3A_1931 = arith.addf %add3A_1930, %mul3A_1928 : vector<16xf32>
      %mul3A_1932 = arith.mulf %mul3A_1917, %add3A_1931 : vector<16xf32>
      %add3A_1933 = arith.constant 2.000000e-01 : f32
      %add3A_1934 = vector.broadcast %add3A_1933 : f32 to vector<16xf32>
      %add3A_1935 = arith.addf %add3A_1934, %mul3A_1932 : vector<16xf32>
      %mul3A_1936 = arith.mulf %mul3A_1917, %add3A_1935 : vector<16xf32>
      %add3A_1937 = arith.constant 0.333333343 : f32
      %add3A_1938 = vector.broadcast %add3A_1937 : f32 to vector<16xf32>
      %add3A_1939 = arith.addf %add3A_1938, %mul3A_1936 : vector<16xf32>
      %mul3A_1940 = arith.mulf %mul3A_1917, %add3A_1939 : vector<16xf32>
      %add3A_1941 = arith.constant 1.000000e+00 : f32
      %add3A_1942 = vector.broadcast %add3A_1941 : f32 to vector<16xf32>
      %add3A_1943 = arith.addf %add3A_1942, %mul3A_1940 : vector<16xf32>
      %min3A_1944 = arith.constant 0.000000e+00 : f32
      %min3A_1945 = vector.broadcast %min3A_1944 : f32 to vector<16xf32>
      %min3A_1946 = arith.minimumf %neg3A_1907, %min3A_1945 : vector<16xf32>
      %mul3A_1947 = arith.constant 2.000000e+00 : f32
      %mul3A_1948 = vector.broadcast %mul3A_1947 : f32 to vector<16xf32>
      %mul3A_1949 = arith.mulf %mul3A_1948, %div3A_1916 : vector<16xf32>
      %mul3A_1950 = arith.mulf %mul3A_1949, %add3A_1943 : vector<16xf32>
      %sub3A_1951 = arith.subf %min3A_1946, %mul3A_1950 : vector<16xf32>
      %add3A_1952 = arith.addf %sub3A, %sub3A_1951 : vector<16xf32>
      %neg3A_1953 = arith.constant 0.000000e+00 : f32
      %neg3A_1954 = vector.broadcast %neg3A_1953 : f32 to vector<16xf32>
      %neg3A_1955 = arith.subf %neg3A_1954, %add3A_1848 : vector<16xf32>
      %abs3A_1956 = math.absf %neg3A_1955 : vector<16xf32>
      %neg3A_1957 = arith.constant 0.000000e+00 : f32
      %neg3A_1958 = vector.broadcast %neg3A_1957 : f32 to vector<16xf32>
      %neg3A_1959 = arith.subf %neg3A_1958, %abs3A_1956 : vector<16xf32>
      %exp3A_1960 = math.exp %neg3A_1959 : vector<16xf32>
      %add3A_1961 = arith.constant 2.000000e+00 : f32
      %add3A_1962 = vector.broadcast %add3A_1961 : f32 to vector<16xf32>
      %add3A_1963 = arith.addf %exp3A_1960, %add3A_1962 : vector<16xf32>
      %div3A_1964 = arith.divf %exp3A_1960, %add3A_1963 : vector<16xf32>
      %mul3A_1965 = arith.mulf %div3A_1964, %div3A_1964 : vector<16xf32>
      %mul3A_1966 = arith.constant 0.0769230798 : f32
      %mul3A_1967 = vector.broadcast %mul3A_1966 : f32 to vector<16xf32>
      %mul3A_1968 = arith.mulf %mul3A_1965, %mul3A_1967 : vector<16xf32>
      %add3A_1969 = arith.constant 0.0909090936 : f32
      %add3A_1970 = vector.broadcast %add3A_1969 : f32 to vector<16xf32>
      %add3A_1971 = arith.addf %add3A_1970, %mul3A_1968 : vector<16xf32>
      %mul3A_1972 = arith.mulf %mul3A_1965, %add3A_1971 : vector<16xf32>
      %add3A_1973 = arith.constant 0.111111112 : f32
      %add3A_1974 = vector.broadcast %add3A_1973 : f32 to vector<16xf32>
      %add3A_1975 = arith.addf %add3A_1974, %mul3A_1972 : vector<16xf32>
      %mul3A_1976 = arith.mulf %mul3A_1965, %add3A_1975 : vector<16xf32>
      %add3A_1977 = arith.constant 0.142857149 : f32
      %add3A_1978 = vector.broadcast %add3A_1977 : f32 to vector<16xf32>
      %add3A_1979 = arith.addf %add3A_1978, %mul3A_1976 : vector<16xf32>
      %mul3A_1980 = arith.mulf %mul3A_1965, %add3A_1979 : vector<16xf32>
      %add3A_1981 = arith.constant 2.000000e-01 : f32
      %add3A_1982 = vector.broadcast %add3A_1981 : f32 to vector<16xf32>
      %add3A_1983 = arith.addf %add3A_1982, %mul3A_1980 : vector<16xf32>
      %mul3A_1984 = arith.mulf %mul3A_1965, %add3A_1983 : vector<16xf32>
      %add3A_1985 = arith.constant 0.333333343 : f32
      %add3A_1986 = vector.broadcast %add3A_1985 : f32 to vector<16xf32>
      %add3A_1987 = arith.addf %add3A_1986, %mul3A_1984 : vector<16xf32>
      %mul3A_1988 = arith.mulf %mul3A_1965, %add3A_1987 : vector<16xf32>
      %add3A_1989 = arith.constant 1.000000e+00 : f32
      %add3A_1990 = vector.broadcast %add3A_1989 : f32 to vector<16xf32>
      %add3A_1991 = arith.addf %add3A_1990, %mul3A_1988 : vector<16xf32>
      %min3A_1992 = arith.constant 0.000000e+00 : f32
      %min3A_1993 = vector.broadcast %min3A_1992 : f32 to vector<16xf32>
      %min3A_1994 = arith.minimumf %neg3A_1955, %min3A_1993 : vector<16xf32>
      %mul3A_1995 = arith.constant 2.000000e+00 : f32
      %mul3A_1996 = vector.broadcast %mul3A_1995 : f32 to vector<16xf32>
      %mul3A_1997 = arith.mulf %mul3A_1996, %div3A_1964 : vector<16xf32>
      %mul3A_1998 = arith.mulf %mul3A_1997, %add3A_1991 : vector<16xf32>
      %sub3A_1999 = arith.subf %min3A_1994, %mul3A_1998 : vector<16xf32>
      %add3A_2000 = arith.addf %add3A_1952, %sub3A_1999 : vector<16xf32>
      %neg3A_2001 = arith.constant 0.000000e+00 : f32
      %neg3A_2002 = vector.broadcast %neg3A_2001 : f32 to vector<16xf32>
      %neg3A_2003 = arith.subf %neg3A_2002, %add3A_1854 : vector<16xf32>
      %abs3A_2004 = math.absf %neg3A_2003 : vector<16xf32>
      %neg3A_2005 = arith.constant 0.000000e+00 : f32
      %neg3A_2006 = vector.broadcast %neg3A_2005 : f32 to vector<16xf32>
      %neg3A_2007 = arith.subf %neg3A_2006, %abs3A_2004 : vector<16xf32>
      %exp3A_2008 = math.exp %neg3A_2007 : vector<16xf32>
      %add3A_2009 = arith.constant 2.000000e+00 : f32
      %add3A_2010 = vector.broadcast %add3A_2009 : f32 to vector<16xf32>
      %add3A_2011 = arith.addf %exp3A_2008, %add3A_2010 : vector<16xf32>
      %div3A_2012 = arith.divf %exp3A_2008, %add3A_2011 : vector<16xf32>
      %mul3A_2013 = arith.mulf %div3A_2012, %div3A_2012 : vector<16xf32>
      %mul3A_2014 = arith.constant 0.0769230798 : f32
      %mul3A_2015 = vector.broadcast %mul3A_2014 : f32 to vector<16xf32>
      %mul3A_2016 = arith.mulf %mul3A_2013, %mul3A_2015 : vector<16xf32>
      %add3A_2017 = arith.constant 0.0909090936 : f32
      %add3A_2018 = vector.broadcast %add3A_2017 : f32 to vector<16xf32>
      %add3A_2019 = arith.addf %add3A_2018, %mul3A_2016 : vector<16xf32>
      %mul3A_2020 = arith.mulf %mul3A_2013, %add3A_2019 : vector<16xf32>
      %add3A_2021 = arith.constant 0.111111112 : f32
      %add3A_2022 = vector.broadcast %add3A_2021 : f32 to vector<16xf32>
      %add3A_2023 = arith.addf %add3A_2022, %mul3A_2020 : vector<16xf32>
      %mul3A_2024 = arith.mulf %mul3A_2013, %add3A_2023 : vector<16xf32>
      %add3A_2025 = arith.constant 0.142857149 : f32
      %add3A_2026 = vector.broadcast %add3A_2025 : f32 to vector<16xf32>
      %add3A_2027 = arith.addf %add3A_2026, %mul3A_2024 : vector<16xf32>
      %mul3A_2028 = arith.mulf %mul3A_2013, %add3A_2027 : vector<16xf32>
      %add3A_2029 = arith.constant 2.000000e-01 : f32
      %add3A_2030 = vector.broadcast %add3A_2029 : f32 to vector<16xf32>
      %add3A_2031 = arith.addf %add3A_2030, %mul3A_2028 : vector<16xf32>
      %mul3A_2032 = arith.mulf %mul3A_2013, %add3A_2031 : vector<16xf32>
      %add3A_2033 = arith.constant 0.333333343 : f32
      %add3A_2034 = vector.broadcast %add3A_2033 : f32 to vector<16xf32>
      %add3A_2035 = arith.addf %add3A_2034, %mul3A_2032 : vector<16xf32>
      %mul3A_2036 = arith.mulf %mul3A_2013, %add3A_2035 : vector<16xf32>
      %add3A_2037 = arith.constant 1.000000e+00 : f32
      %add3A_2038 = vector.broadcast %add3A_2037 : f32 to vector<16xf32>
      %add3A_2039 = arith.addf %add3A_2038, %mul3A_2036 : vector<16xf32>
      %min3A_2040 = arith.constant 0.000000e+00 : f32
      %min3A_2041 = vector.broadcast %min3A_2040 : f32 to vector<16xf32>
      %min3A_2042 = arith.minimumf %neg3A_2003, %min3A_2041 : vector<16xf32>
      %mul3A_2043 = arith.constant 2.000000e+00 : f32
      %mul3A_2044 = vector.broadcast %mul3A_2043 : f32 to vector<16xf32>
      %mul3A_2045 = arith.mulf %mul3A_2044, %div3A_2012 : vector<16xf32>
      %mul3A_2046 = arith.mulf %mul3A_2045, %add3A_2039 : vector<16xf32>
      %sub3A_2047 = arith.subf %min3A_2042, %mul3A_2046 : vector<16xf32>
      %add3A_2048 = arith.addf %add3A_2000, %sub3A_2047 : vector<16xf32>
      %neg3A_2049 = arith.constant 0.000000e+00 : f32
      %neg3A_2050 = vector.broadcast %neg3A_2049 : f32 to vector<16xf32>
      %neg3A_2051 = arith.subf %neg3A_2050, %add3A_1860 : vector<16xf32>
      %abs3A_2052 = math.absf %neg3A_2051 : vector<16xf32>
      %neg3A_2053 = arith.constant 0.000000e+00 : f32
      %neg3A_2054 = vector.broadcast %neg3A_2053 : f32 to vector<16xf32>
      %neg3A_2055 = arith.subf %neg3A_2054, %abs3A_2052 : vector<16xf32>
      %exp3A_2056 = math.exp %neg3A_2055 : vector<16xf32>
      %add3A_2057 = arith.constant 2.000000e+00 : f32
      %add3A_2058 = vector.broadcast %add3A_2057 : f32 to vector<16xf32>
      %add3A_2059 = arith.addf %exp3A_2056, %add3A_2058 : vector<16xf32>
      %div3A_2060 = arith.divf %exp3A_2056, %add3A_2059 : vector<16xf32>
      %mul3A_2061 = arith.mulf %div3A_2060, %div3A_2060 : vector<16xf32>
      %mul3A_2062 = arith.constant 0.0769230798 : f32
      %mul3A_2063 = vector.broadcast %mul3A_2062 : f32 to vector<16xf32>
      %mul3A_2064 = arith.mulf %mul3A_2061, %mul3A_2063 : vector<16xf32>
      %add3A_2065 = arith.constant 0.0909090936 : f32
      %add3A_2066 = vector.broadcast %add3A_2065 : f32 to vector<16xf32>
      %add3A_2067 = arith.addf %add3A_2066, %mul3A_2064 : vector<16xf32>
      %mul3A_2068 = arith.mulf %mul3A_2061, %add3A_2067 : vector<16xf32>
      %add3A_2069 = arith.constant 0.111111112 : f32
      %add3A_2070 = vector.broadcast %add3A_2069 : f32 to vector<16xf32>
      %add3A_2071 = arith.addf %add3A_2070, %mul3A_2068 : vector<16xf32>
      %mul3A_2072 = arith.mulf %mul3A_2061, %add3A_2071 : vector<16xf32>
      %add3A_2073 = arith.constant 0.142857149 : f32
      %add3A_2074 = vector.broadcast %add3A_2073 : f32 to vector<16xf32>
      %add3A_2075 = arith.addf %add3A_2074, %mul3A_2072 : vector<16xf32>
      %mul3A_2076 = arith.mulf %mul3A_2061, %add3A_2075 : vector<16xf32>
      %add3A_2077 = arith.constant 2.000000e-01 : f32
      %add3A_2078 = vector.broadcast %add3A_2077 : f32 to vector<16xf32>
      %add3A_2079 = arith.addf %add3A_2078, %mul3A_2076 : vector<16xf32>
      %mul3A_2080 = arith.mulf %mul3A_2061, %add3A_2079 : vector<16xf32>
      %add3A_2081 = arith.constant 0.333333343 : f32
      %add3A_2082 = vector.broadcast %add3A_2081 : f32 to vector<16xf32>
      %add3A_2083 = arith.addf %add3A_2082, %mul3A_2080 : vector<16xf32>
      %mul3A_2084 = arith.mulf %mul3A_2061, %add3A_2083 : vector<16xf32>
      %add3A_2085 = arith.constant 1.000000e+00 : f32
      %add3A_2086 = vector.broadcast %add3A_2085 : f32 to vector<16xf32>
      %add3A_2087 = arith.addf %add3A_2086, %mul3A_2084 : vector<16xf32>
      %min3A_2088 = arith.constant 0.000000e+00 : f32
      %min3A_2089 = vector.broadcast %min3A_2088 : f32 to vector<16xf32>
      %min3A_2090 = arith.minimumf %neg3A_2051, %min3A_2089 : vector<16xf32>
      %mul3A_2091 = arith.constant 2.000000e+00 : f32
      %mul3A_2092 = vector.broadcast %mul3A_2091 : f32 to vector<16xf32>
      %mul3A_2093 = arith.mulf %mul3A_2092, %div3A_2060 : vector<16xf32>
      %mul3A_2094 = arith.mulf %mul3A_2093, %add3A_2087 : vector<16xf32>
      %sub3A_2095 = arith.subf %min3A_2090, %mul3A_2094 : vector<16xf32>
      %add3A_2096 = arith.addf %add3A_2048, %sub3A_2095 : vector<16xf32>
      %neg3A_2097 = arith.constant 0.000000e+00 : f32
      %neg3A_2098 = vector.broadcast %neg3A_2097 : f32 to vector<16xf32>
      %neg3A_2099 = arith.subf %neg3A_2098, %add3A_1866 : vector<16xf32>
      %abs3A_2100 = math.absf %neg3A_2099 : vector<16xf32>
      %neg3A_2101 = arith.constant 0.000000e+00 : f32
      %neg3A_2102 = vector.broadcast %neg3A_2101 : f32 to vector<16xf32>
      %neg3A_2103 = arith.subf %neg3A_2102, %abs3A_2100 : vector<16xf32>
      %exp3A_2104 = math.exp %neg3A_2103 : vector<16xf32>
      %add3A_2105 = arith.constant 2.000000e+00 : f32
      %add3A_2106 = vector.broadcast %add3A_2105 : f32 to vector<16xf32>
      %add3A_2107 = arith.addf %exp3A_2104, %add3A_2106 : vector<16xf32>
      %div3A_2108 = arith.divf %exp3A_2104, %add3A_2107 : vector<16xf32>
      %mul3A_2109 = arith.mulf %div3A_2108, %div3A_2108 : vector<16xf32>
      %mul3A_2110 = arith.constant 0.0769230798 : f32
      %mul3A_2111 = vector.broadcast %mul3A_2110 : f32 to vector<16xf32>
      %mul3A_2112 = arith.mulf %mul3A_2109, %mul3A_2111 : vector<16xf32>
      %add3A_2113 = arith.constant 0.0909090936 : f32
      %add3A_2114 = vector.broadcast %add3A_2113 : f32 to vector<16xf32>
      %add3A_2115 = arith.addf %add3A_2114, %mul3A_2112 : vector<16xf32>
      %mul3A_2116 = arith.mulf %mul3A_2109, %add3A_2115 : vector<16xf32>
      %add3A_2117 = arith.constant 0.111111112 : f32
      %add3A_2118 = vector.broadcast %add3A_2117 : f32 to vector<16xf32>
      %add3A_2119 = arith.addf %add3A_2118, %mul3A_2116 : vector<16xf32>
      %mul3A_2120 = arith.mulf %mul3A_2109, %add3A_2119 : vector<16xf32>
      %add3A_2121 = arith.constant 0.142857149 : f32
      %add3A_2122 = vector.broadcast %add3A_2121 : f32 to vector<16xf32>
      %add3A_2123 = arith.addf %add3A_2122, %mul3A_2120 : vector<16xf32>
      %mul3A_2124 = arith.mulf %mul3A_2109, %add3A_2123 : vector<16xf32>
      %add3A_2125 = arith.constant 2.000000e-01 : f32
      %add3A_2126 = vector.broadcast %add3A_2125 : f32 to vector<16xf32>
      %add3A_2127 = arith.addf %add3A_2126, %mul3A_2124 : vector<16xf32>
      %mul3A_2128 = arith.mulf %mul3A_2109, %add3A_2127 : vector<16xf32>
      %add3A_2129 = arith.constant 0.333333343 : f32
      %add3A_2130 = vector.broadcast %add3A_2129 : f32 to vector<16xf32>
      %add3A_2131 = arith.addf %add3A_2130, %mul3A_2128 : vector<16xf32>
      %mul3A_2132 = arith.mulf %mul3A_2109, %add3A_2131 : vector<16xf32>
      %add3A_2133 = arith.constant 1.000000e+00 : f32
      %add3A_2134 = vector.broadcast %add3A_2133 : f32 to vector<16xf32>
      %add3A_2135 = arith.addf %add3A_2134, %mul3A_2132 : vector<16xf32>
      %min3A_2136 = arith.constant 0.000000e+00 : f32
      %min3A_2137 = vector.broadcast %min3A_2136 : f32 to vector<16xf32>
      %min3A_2138 = arith.minimumf %neg3A_2099, %min3A_2137 : vector<16xf32>
      %mul3A_2139 = arith.constant 2.000000e+00 : f32
      %mul3A_2140 = vector.broadcast %mul3A_2139 : f32 to vector<16xf32>
      %mul3A_2141 = arith.mulf %mul3A_2140, %div3A_2108 : vector<16xf32>
      %mul3A_2142 = arith.mulf %mul3A_2141, %add3A_2135 : vector<16xf32>
      %sub3A_2143 = arith.subf %min3A_2138, %mul3A_2142 : vector<16xf32>
      %add3A_2144 = arith.addf %add3A_2096, %sub3A_2143 : vector<16xf32>
      %add3A_2145 = arith.addf %scan3A_569, %add3A_2144 : vector<16xf32>
      scf.yield %add3A_2145 : vector<16xf32>
    }
    %scan3A_564 = arith.constant 32 : i32
    %swap3A = arith.constant 0 : index
    %swap3A_565 = tpu.vector_load %arg14[%swap3A] {strides = array<i32>} : memref<16xf32, #tpu.memory_space<vmem>>, vector<16xf32>,
    tpu.vector_store %arg14[%swap3A], %scan3A_563 {strides = array<i32>} : memref<16xf32, #tpu.memory_space<vmem>>, vector<16xf32>,
    %mul3A_566 = arith.constant 16 : i32
    %mul3A_567 = arith.muli %add3A, %mul3A_566 : i32
    "tpu.region"() ({
      %run_scoped3A = tpu.sem_alloc : memref<!tpu.dma_semaphore, #tpu.memory_space<semaphore_mem>>
      %dma_start3A_568 = tpu.memref_slice %arg7[%mul3A_567] : memref<512xf32, #tpu.memory_space<hbm>> -> memref<16xf32, #tpu.memory_space<hbm>>
      %dma_start3A_569 = tpu.memref_slice %arg7[%mul3A_567] : memref<512xf32, #tpu.memory_space<hbm>> -> memref<16xf32, #tpu.memory_space<hbm>>
      tpu.enqueue_dma source(%arg14 : memref<16xf32, #tpu.memory_space<vmem>>) target(%dma_start3A_569 : memref<16xf32, #tpu.memory_space<hbm>>) target_semaphore(%run_scoped3A : memref<!tpu.dma_semaphore, #tpu.memory_space<semaphore_mem>>)
      %dma_wait3A_570 = tpu.memref_slice %arg7[%mul3A_567] : memref<512xf32, #tpu.memory_space<hbm>> -> memref<16xf32, #tpu.memory_space<hbm>>
      %dma_wait3A_571 = tpu.memref_slice %arg7[%mul3A_567] : memref<512xf32, #tpu.memory_space<hbm>> -> memref<16xf32, #tpu.memory_space<hbm>>
      tpu.wait_dma2 semaphore(%run_scoped3A : memref<!tpu.dma_semaphore, #tpu.memory_space<semaphore_mem>>) src(%arg14 : memref<16xf32, #tpu.memory_space<vmem>>) dst(%dma_wait3A_571 : memref<16xf32, #tpu.memory_space<hbm>>)
      tpu.yield
    }) : () -> ()
    return
  }
}

module attributes {stable_mosaic.version = 14 : i64} {
  func.func @_finish_body(%arg0: memref<1x512xf32, #tpu.memory_space<vmem>>, %arg1: memref<1x1xf32, #tpu.memory_space<vmem>>) attributes {dimension_semantics = [], scalar_prefetch = 0 : i64, scratch_operands = 0 : i64, tpu.core_type = #tpu.core_type<tc>} {
    %get3A = arith.constant 0 : index
    %get3A_0 = arith.constant 0 : index
    %get3A_1 = vector.load %arg0[%get3A, %get3A_0] : memref<1x512xf32, #tpu.memory_space<vmem>>, vector<1x512xf32>
    %reduce_sum3A = vector.shape_cast %get3A_1 : vector<1x512xf32> to vector<1x1x512xf32>
    %reduce_sum3A_2 = arith.constant dense<0.000000e+00> : vector<1xf32>
    %reduce_sum3A_3 = vector.multi_reduction <add>, %reduce_sum3A, %reduce_sum3A_2 [1, 2] : vector<1x1x512xf32> to vector<1xf32>
    %reduce_sum3A_4 = vector.shape_cast %reduce_sum3A_3 : vector<1xf32> to vector<1x1x1xf32>
    %reduce_sum3A_5 = vector.extract %reduce_sum3A_4[0, 0, 0] : f32 from vector<1x1x1xf32>
    %neg3A = arith.constant 0.000000e+00 : f32
    %neg3A_6 = arith.subf %neg3A, %reduce_sum3A_5 : f32
    %mul3A = arith.constant 6.10351563E-5 : f32
    %mul3A_7 = arith.mulf %neg3A_6, %mul3A : f32
    %broadcast_in_dim3A = vector.broadcast %mul3A_7 : f32 to vector<1x1xf32>
    %swap3A = arith.constant 0 : index
    %swap3A_8 = arith.constant 0 : index
    %swap3A_9 = vector.load %arg1[%swap3A, %swap3A_8] : memref<1x1xf32, #tpu.memory_space<vmem>>, vector<1x1xf32>
    tpu.vector_store %arg1[%swap3A, %swap3A_8], %broadcast_in_dim3A {strides = array<i32>} : memref<1x1xf32, #tpu.memory_space<vmem>>, vector<1x1xf32>,
    return
  }
}

</mosaic_0001>

<sc_bundles>
// kernel: kernel.4.cloned.1.call-start
scs
__scs_entry_jumppad:
0x0: {  	(pc) =	sbr.rel $0x88, $3  }
0x1: {  	(tag) =	ssettag $0x0;
	lr =	simm.s32 $0x1  }
0x2: {  	[smem:$0x3F9C] =	sst lr;
	_ =	strace $0xD0000000  }
0x3: {  	_ = 	snop  }
0x4: {  	_ = 	snop  }
0x5: {  	_ = 	snop  }
0x6: {  	_ = 	snop  }
0x7: {  	_ = 	snop  }
__scs_overlays_trampoline_lowered:
0x8: {  	[smem:$0x3FAB] =	sst s0  }
0x9: {  	[smem:$0x3FAC] =	sst s1  }
0xa: {  	[smem:$0x3FAD] =	sst s2  }
0xb: {  	[smem:$0x3FAE] =	sst s3  }
0xc: {  	[smem:$0x3FAF] =	sst s4  }
0xd: {  	[smem:$0x3FB0] =	sst s5  }
0xe: {  	[smem:$0x3FB1] =	sst s6  }
0xf: {  	[smem:$0x3FB2] =	sst s7  }
0x10: {  	[smem:$0x3FB3] =	sst s8  }
0x11: {  	[smem:$0x3FB4] =	sst s9;
	s0 =	simm.s32 @!p0 $0x0  }
0x12: {  	s1 =	sld [smem:$0x3F9A];
	s0 =	simm.s32 @p0 $0x1  }
0x13: {  	[smem:$0x3FB5] =	sst s0;
	s0 =	simm.s32 @!p1 $0x0  }
0x14: {  	s2 =	sld [smem:$0x3F99];
	s0 =	simm.s32 @p1 $0x1  }
0x15: {  	[smem:$0x3FB6] =	sst s0;
	s0 =	simm.s32 @!p2 $0x0  }
0x16: {  	s3 =	sld [smem:$0x3FDB];
	s0 =	simm.s32 @p2 $0x1  }
0x17: {  	s4 =	simm.s32 $0x1BF5;
	[smem:$0x3FB8] =	sst s0  }
0x18: {  	s0 =	sld [smem:$0x3F9B];
	_ =	swait.ge [sflag:s4], $0x0  }
0x19: {  	s7 =	sld [smem:$0x3F9C]  }
0x1a: {  	s8 =	sadd.s32 $0xFFFFE003, lr  }
0x1b: {  	s9 =	sadd.s32 $0xFFFFFEF7, lr;
	s5 =	simm.s32 $0xFFFFFFFF;
	p2 =	slt.u32 s8, $0xFFFFF086  }
0x1c: {  	p1 =	slt.u32 s9, $0xF7A;
	s5 =	simm.s32 @!p2 $0x0  }
0x1d: {  	s5 =	simm.s32 @p1 $0x1;
	p0 =	seq.s32 s7, s2  }
0x1e: {  	s7 =	smul.u32 @!p0 $0xF7A, s2;
	p2 =	seq.s32 @!p0 s5, $0x0  }
0x1f: {  	s9 =	smul.u32 $0xF7A, s1;
	s8 =	simm.s32 @!p0 $0x1BF5;
	p2 =	por !p2, p0  }
0x20: {  	[sflag:s8] =	ssyncset.s32 @!p0 $0xFFFFF086;
	s6 =	sadd.s32 @!p0 s3, s7;
	s7 =	simm.s32 @!p0 $0x108  }
0x21: {  	s3 =	sadd.s32 s3, s9;
	s6 =	sadd.s32 @!p0 $0x88, s6;
	s7 =	simm.s32 @p2 $0x1082  }
0x22: {  	[simem:s7], [sflag:s8] =	dma.local @!p0 [hbm:s6], $0xF7A  }
0x23: {  	s9 =	sor.u32 $0xD0000000, s2;
	s6 =	simm.s32 $0x108;
	_ =	swait.ge @!p0 [sflag:s8], $0x0  }
0x24: {  	s3 =	sadd.s32 $0x88, s3;
	s6 =	simm.s32 @!p1 $0x1082;
	[sflag:s4] =	ssyncset.s32 $0xFFFFF086  }
0x25: {  	[simem:s6], [sflag:s4] =	dma.local [hbm:s3], $0xF7A  }
0x26: {  	[smem:$0x3F9C] =	sst s1;
	(tag) =	ssettag s2;
	_ =	strace s9  }
0x27: {  	s1 =	sld [smem:$0x3FAC]  }
0x28: {  	s2 =	sld [smem:$0x3FAD]  }
0x29: {  	s4 =	sld [smem:$0x3FAF]  }
0x2a: {  	p0 =	seq.s32 s5, $0x0;
	s5 =	sld [smem:$0x3FB0]  }
0x2b: {  	s6 =	sld [smem:$0x3FB1]  }
0x2c: {  	s7 =	sld [smem:$0x3FB2]  }
0x2d: {  	s3 =	simm.s32 $0x108;
	s8 =	sld [smem:$0x3FB3]  }
0x2e: {  	s3 =	simm.s32 @!p0 $0x1082;
	s9 =	sld [smem:$0x3FB4]  }
0x2f: {  	lr =	sadd.s32 s0, s3;
	s0 =	sld [smem:$0x3FAB]  }
0x30: {  	s3 =	sld [smem:$0x3FAE]  }
0x31: {  	[smem:$0x3FB7] =	sst s10  }
0x32: {  	s10 =	sld [smem:$0x3FB5];
	_ =	sdelay $0x3  }
0x33: {  	p0 =	seq.s32 s10, $0x1;
	s10 =	sld [smem:$0x3FB7];
	_ =	sdelay $0x3  }
0x34: {  	[smem:$0x3FB7] =	sst s10  }
0x35: {  	s10 =	sld [smem:$0x3FB6];
	_ =	sdelay $0x3  }
0x36: {  	p1 =	seq.s32 s10, $0x1;
	s10 =	sld [smem:$0x3FB7];
	_ =	sdelay $0x3  }
0x37: {  	[smem:$0x3FB7] =	sst s10  }
0x38: {  	s10 =	sld [smem:$0x3FB8]  }
0x39: {  	_ = 	snop;
	(pc) =	sbr.ind lr, $3  }
0x3a: {  	_ = 	snop  }
0x3b: {  	_ = 	snop  }
0x3c: {  	p2 =	seq.s32 s10, $0x1;
	s10 =	sld [smem:$0x3FB7]  }
0x3d: {  	_ =	shalt  }
0x3e: {  	_ =	shalt  }
0x3f: {  	_ =	shalt  }
0x40: {  	_ =	shalt  }
0x41: {  	_ =	shalt  }
0x42: {  	_ =	shalt  }
0x43: {  	_ =	shalt  }
0x44: {  	_ =	shalt  }
0x45: {  	_ =	shalt  }
0x46: {  	_ =	shalt  }
0x47: {  	_ =	shalt  }
0x48: {  	_ =	shalt  }
0x49: {  	_ =	shalt  }
0x4a: {  	_ =	shalt  }
0x4b: {  	_ =	shalt  }
0x4c: {  	_ =	shalt  }
0x4d: {  	_ =	shalt  }
0x4e: {  	_ =	shalt  }
0x4f: {  	_ =	shalt  }
0x50: {  	_ =	shalt  }
0x51: {  	_ =	shalt  }
0x52: {  	_ =	shalt  }
0x53: {  	_ =	shalt  }
0x54: {  	_ =	shalt  }
0x55: {  	_ =	shalt  }
0x56: {  	_ =	shalt  }
0x57: {  	_ =	shalt  }
0x58: {  	_ =	shalt  }
0x59: {  	_ =	shalt  }
0x5a: {  	_ =	shalt  }
0x5b: {  	_ =	shalt  }
0x5c: {  	_ =	shalt  }
0x5d: {  	_ =	shalt  }
0x5e: {  	_ =	shalt  }
0x5f: {  	_ =	shalt  }
0x60: {  	_ =	shalt  }
0x61: {  	_ =	shalt  }
0x62: {  	_ =	shalt  }
0x63: {  	_ =	shalt  }
0x64: {  	_ =	shalt  }
0x65: {  	_ =	shalt  }
0x66: {  	_ =	shalt  }
0x67: {  	_ =	shalt  }
0x68: {  	_ =	shalt  }
0x69: {  	_ =	shalt  }
0x6a: {  	_ =	shalt  }
0x6b: {  	_ =	shalt  }
0x6c: {  	_ =	shalt  }
0x6d: {  	_ =	shalt  }
0x6e: {  	_ =	shalt  }
0x6f: {  	_ =	shalt  }
0x70: {  	_ =	shalt  }
0x71: {  	_ =	shalt  }
0x72: {  	_ =	shalt  }
0x73: {  	_ =	shalt  }
0x74: {  	_ =	shalt  }
0x75: {  	_ =	shalt  }
0x76: {  	_ =	shalt  }
0x77: {  	_ =	shalt  }
0x78: {  	_ =	shalt  }
0x79: {  	_ =	shalt  }
0x7a: {  	_ =	shalt  }
0x7b: {  	_ =	shalt  }
0x7c: {  	_ =	shalt  }
0x7d: {  	_ =	shalt  }
0x7e: {  	_ =	shalt  }
0x7f: {  	_ =	shalt  }
0x80: {  	_ =	shalt  }
0x81: {  	_ =	shalt  }
0x82: {  	_ =	shalt  }
0x83: {  	_ =	shalt  }
0x84: {  	_ =	shalt  }
0x85: {  	_ =	shalt  }
0x86: {  	_ =	shalt  }
0x87: {  	_ =	shalt  }
.Lfunc_end0:
.L_simem_size_0:
called_computation_lowered:
.L_overlay_start_0:
0x88: {  	s2 =	sld [smem:$0x3FD9]  }
0x89: {  	s3 =	sld [smem:$0x3FFE];
	_ =	sdelay $0x1  }
0x8a: {  	s1 =	srdreg.scid  }
0x8b: {  	s0 =	sand.u32 $0x1, s1  }
0x8c: {  	s17 =	sshll.u32 s0, $0xA;
	s2 =	sadd.s32 s3, s2  }
0x8d: {  	s2 =	sadd.s32 s2, s17  }
0x8e: {  	[smem:$0x3FC3] =	sst s2  }
0x8f: {  	_ = 	snop  }
0x90: {  	s2 =	sld [smem:$0x3FC9]  }
0x91: {  	s18 =	sld [smem:$0x3FC8];
	(tm) =	ssettm $0x1  }
0x92: {  	s4 =	sld [smem:$0x3FFB];
	_ =	sdelay $0x3  }
0x93: {  	_ =	strace s4  }
0x94: {  	s4 =	sld [smem:$0x3FFC];
	_ =	sdelay $0x3  }
0x95: {  	_ =	strace s4  }
0x96: {  	s4 =	sld [smem:$0x3FFD];
	_ =	sdelay $0x3  }
0x97: {  	_ =	strace s4  }
0x98: {  	_ =	strace $0x8FFFFFFF  }
0x99: {  	s19 =	sld [smem:$0x3FDB];
	_ =	sdelay $0x1  }
0x9a: {  	s5 =	simm.s32 $_scs_section_size  }
0x9b: {  	s6 =	simm.s32 $_size__tile_overlayer_lowered;
	s7 =	simm.s32 $_tile_overlayer_lowered  }
0x9c: {  	s22 =	simm.s32 $0x1BFF;
	s21 =	sshll.u32 s7, $0x1;
	s4 =	sadd.s32 s5, s19  }
0x9d: {  	s8 =	simm.s32 $0x0;
	s20 =	sshll.u32 s6, $0x1;
	s6 =	sadd.s32 s21, s4  }
0x9e: {  	[timem:s8], [sflag:s22] =	dma.local [hbm:s6], s20  }
0x9f: {  	_ =	swait.ge [sflag:s22], s20  }
0xa0: {  	s5 =	ssub.s32 $0x0, s20;
	[sflag:s22] =	ssyncset.done $0x0  }
0xa1: {  	[sflag:s22] =	ssyncadd.s32 s5;
	_ =	sdelay $0x1  }
0xa2: {  	s23 =	simm.s32 $0x1B8B  }
0xa3: {  	_ =	swait.ge [sflag:s23], $0x1  }
0xa4: {  	[sflag:s23] =	ssyncset.done $0x0  }
0xa5: {  	s25 =	simm.s32 $0x1B8E;
	s24 =	sld [smem:$0x3FFE];
	[sflag:s23] =	ssyncadd.s32 $0xFFFFFFFF  }
0xa6: {  	s26 =	simm.s32 $execute0_lowered;
	[smem:$0x3FD2] =	sst s25  }
0xa7: {  	s6 =	sshll.u32 s26, $0x1;
	_ =	strace $0x80000046;
	[dreg:$0x1] =	wrdreg $0xFFFFFFFF  }
0xa8: {  	s28 =	simm.s32 $_size_execute0_lowered;
	s4 =	sadd.s32 s4, s6;
	[dreg:$0x0] =	wrdreg $0x0  }
0xa9: {  	s6 =	sshll.u32 s28, $0x1;
	[dreg:$0x2] =	wrdreg s4  }
0xaa: {  	[dreg:$0x3] =	wrdreg s6  }
0xab: {  	[dreg:$0x4] =	wrdreg $0xC0  }
0xac: {  	_ =	task [dreg:s8], $0x5FFFF  }
0xad: {  	[dreg:$0x1] =	wrdreg $0xFFFFFFFF  }
0xae: {  	[dreg:$0x0] =	wrdreg $0x60  }
0xaf: {  	[dreg:$0x2] =	wrdreg s24  }
0xb0: {  	[dreg:$0x3] =	wrdreg s2  }
0xb1: {  	[dreg:$0x4] =	wrdreg s18  }
0xb2: {  	[dreg:$0x5] =	wrdreg $0x9  }
0xb3: {  	_ =	task.clear_ibuf [dreg:s8], $0x6FFFF;
	_ =	strace $0x90000046  }
0xb4: {  	s29 =	simm.s32 $0x9;
	_ =	strace $0x80000048  }
0xb5: {  	_ =	swait.ge [sflag:s29], $0x1  }
0xb6: {  	[sflag:s29] =	ssyncadd.s32 $0xFFFFFFFF  }
0xb7: {  	_ =	strace $0x90000048  }
0xb8: {  	_ =	sfence  }
0xb9: {  	s30 =	sld [smem:$0x0];
	_ =	sdelay $0x2  }
0xba: {  	s31 =	sshll.u32 s1, $0xD;
	s1 =	sshrl.u32 s1, $0x2  }
0xbb: {  	s3 =	sand.u32 $0x4000, s31;
	s1 =	sadd.s32 s1, s30  }
0xbc: {  	s0 =	sor.u32 s3, s0;
	s1 =	sshll.u32 s1, $0x11  }
0xbd: {  	s0 =	sor.u32 s1, s0  }
0xbe: {  	s0 =	sadd.s32 $0x8F2B, s0  }
0xbf: {  	[sflag:s0] =	ssyncadd.remote.s32 $0x1  }
0xc0: {  	_ =	sfence.sel $0xFFFF  }
0xc1: {  	[dreg:$0x0] =	wrdreg $0xFFFFFFFF;
	(pc) =	sbr.abs _section_cstart, $3  }
0xc2: {  	[dreg:$0x1] =	wrdreg $0xFFFFFFFF  }
0xc3: {  	_ =	task.clear_ibuf [dreg:s8], $0x2FFFF;
	_ =	strace $0x9FFFFFFF  }
0xc4: {  	(tm) =	ssettm $0x7FFFFFFF  }
0xc5: {  	_ =	shalt  }
tec
execute0_lowered:
.L_overlay_start_1:
0x0: {  	(tag) =	ssettag $0x1  }
0x1: {  	v0 =	vimm.s32 $0x14131211;
	v1 =	vimm.s32 $0x18171615;
	vm0 =	vcmask $0x1F10  }
0x2: {  	v2 =	vimm.s32 $0x38373635;
	v0 =	vunpack.c.0.s8.s32 v0;
	v55 =	vunpack.c.0.s8.s32 v1  }
0x3: {  	v3 =	vimm.s32 $0x58575655;
	v1 =	vimm.s32 $0x1C1B1A19;
	v4 =	vunpack.c.0.s8.s32 v2  }
0x4: {  	v2 =	vimm.s32 $0x54535251;
	v15 =	vsel vm0, v55, v0;
	v0 =	vimm.s32 $0x34333231  }
0x5: {  	v53 =	vunpack.c.0.s8.s32 v1;
	v1 =	vimm.s32 $0x1F1E1D;
	v0 =	vunpack.c.0.s8.s32 v0  }
0x6: {  	v3 =	vunpack.c.0.s8.s32 v3;
	v42 =	vunpack.c.0.s8.s32 v1;
	v1 =	vunpack.c.0.s8.s32 v2  }
0x7: {  	v2 =	vimm.s32 $0x203F3E3D;
	v39 =	vsel vm0, v4, v0;
	v0 =	vimm.s32 $0x3C3B3A39  }
0x8: {  	v61 =	vunpack.c.0.s8.s32 v2;
	v0 =	vunpack.c.0.s8.s32 v0  }
0x9: {  	v2 =	vimm.s32 $0x78777675;
	v7 =	vsel vm0, v3, v1;
	v1 =	vimm.s32 $0x74737271  }
0xa: {  	v26 =	vmovc v3;
	v3 =	vimm.s32 $0x405F5E5D;
	v2 =	vunpack.c.0.s8.s32 v2;
	[tilespmem:$0x1F3C0] =	vst v0;
	v0 =	vimm.s32 $0x5C5B5A59  }
0xb: {  	v1 =	vunpack.c.0.s8.s32 v1;
	v44 =	vunpack.c.0.s8.s32 v0;
	v0 =	vunpack.c.0.s8.s32 v3;
	_ =	sdelay $0x1  }
0xc: {  	v46 =	vsel vm0, v2, v1;
	[tilespmem:$0x1F3D0] =	vst v0;
	v0 =	vimm.s32 $0x7C7B7A79  }
0xd: {  	[tilespmem:$0x1F3E0] =	vst v2;
	v2 =	vimm.s32 $0x98979695;
	v27 =	vunpack.c.0.s8.s32 v0;
	v0 =	vimm.s32 $0x94939291  }
0xe: {  	v24 =	vmov v4;
	v4 =	vunpack.c.0.s8.s32 v2;
	v0 =	vunpack.c.0.s8.s32 v0  }
0xf: {  	v1 =	vimm.s32 $0x607F7E7D  }
0x10: {  	v2 =	vimm.s32 $0x15141312;
	v33 =	vunpack.c.0.s8.s32 v1;
	v0 =	vsel vm0, v4, v0  }
0x11: {  	v3 =	vimm.s32 $0x19181716;
	v1 =	vunpack.c.0.s8.s32 v2;
	[tilespmem:$0x1F400] =	vst v0;
	v0 =	vimm.s32 $0x9C9B9A99  }
0x12: {  	v2 =	vimm.s32 $0x809F9E9D;
	v3 =	vunpack.c.0.s8.s32 v3;
	v0 =	vunpack.c.0.s8.s32 v0  }
0x13: {  	v45 =	vunpack.c.0.s8.s32 v2;
	v2 =	vimm.s32 $0x39383736  }
0x14: {  	v2 =	vunpack.c.0.s8.s32 v2;
	v59 =	vsel vm0, v3, v1;
	[tilespmem:$0x1F410] =	vst v0;
	v0 =	vimm.s32 $0x1D1C1B1A  }
0x15: {  	v1 =	vimm.s32 $0x35343332;
	v60 =	vunpack.c.0.s8.s32 v0;
	v0 =	vimm.s32 $0x3D3C3B3A  }
0x16: {  	v1 =	vunpack.c.0.s8.s32 v1;
	v0 =	vunpack.c.0.s8.s32 v0  }
0x17: {  	[tilespmem:$0x1F430] =	vst v2  }
0x18: {  	v63 =	vsel vm0, v2, v1;
	v2 =	vimm.s32 $0x59585756;
	[tilespmem:$0x1F440] =	vst v0;
	v0 =	vimm.s32 $0x55545352  }
0x19: {  	[tilespmem:$0x1F3F0] =	vst v4;
	v4 =	vunpack.c.0.s8.s32 v2;
	v0 =	vunpack.c.0.s8.s32 v0;
	_ =	sdelay $0x1  }
0x1a: {  	[tilespmem:$0x1F420] =	vst v3;
	v1 =	vimm.s32 $0x21203F3E;
	v0 =	vsel vm0, v4, v0  }
0x1b: {  	v3 =	vimm.s32 $0x1001F1E;
	v1 =	vunpack.c.0.s8.s32 v1;
	[tilespmem:$0x1F470] =	vst v0;
	v0 =	vimm.s32 $0x5D5C5B5A  }
0x1c: {  	v62 =	vunpack.c.0.s8.s32 v3;
	v2 =	vimm.s32 $0x75747372;
	v0 =	vunpack.c.0.s8.s32 v0  }
0x1d: {  	v3 =	vimm.s32 $0x79787776;
	[tilespmem:$0x1F450] =	vst v1;
	v1 =	vunpack.c.0.s8.s32 v2;
	v2 =	vimm.s32 $0x41405F5E  }
0x1e: {  	v3 =	vunpack.c.0.s8.s32 v3;
	[tilespmem:$0x1F480] =	vst v0;
	v0 =	vunpack.c.0.s8.s32 v2;
	_ =	sdelay $0x1  }
0x1f: {  	[tilespmem:$0x1F490] =	vst v0;
	v0 =	vsel vm0, v3, v1  }
0x20: {  	[tilespmem:$0x1F4B0] =	vst v0;
	v0 =	vimm.s32 $0x7D7C7B7A  }
0x21: {  	v0 =	vunpack.c.0.s8.s32 v0  }
0x22: {  	[tilespmem:$0x1F4A0] =	vst v3;
	v3 =	vimm.s32 $0x61607F7E  }
0x23: {  	[tilespmem:$0x1F4C0] =	vst v0;
	v0 =	vunpack.c.0.s8.s32 v3  }
0x24: {  	v2 =	vimm.s32 $0x99989796  }
0x25: {  	v2 =	vunpack.c.0.s8.s32 v2;
	v1 =	vimm.s32 $0x95949392;
	[tilespmem:$0x1F4D0] =	vst v0;
	v0 =	vimm.s32 $0x9D9C9B9A  }
0x26: {  	v1 =	vunpack.c.0.s8.s32 v1;
	v0 =	vunpack.c.0.s8.s32 v0  }
0x27: {  	[tilespmem:$0x1F4E0] =	vst v2  }
0x28: {  	v1 =	vsel vm0, v2, v1;
	v2 =	vimm.s32 $0x1A191817;
	[tilespmem:$0x1F500] =	vst v0;
	v0 =	vimm.s32 $0x16151413  }
0x29: {  	[tilespmem:$0x1F460] =	vst v4;
	v4 =	vunpack.c.0.s8.s32 v2;
	v0 =	vunpack.c.0.s8.s32 v0  }
0x2a: {  	[tilespmem:$0x1F4F0] =	vst v1;
	v1 =	vimm.s32 $0x81809F9E  }
0x2b: {  	v2 =	vimm.s32 $0x36353433;
	v1 =	vunpack.c.0.s8.s32 v1;
	v0 =	vsel vm0, v4, v0  }
0x2c: {  	v3 =	vimm.s32 $0x3A393837;
	[tilespmem:$0x1F530] =	vst v0;
	v0 =	vimm.s32 $0x1E1D1C1B  }
0x2d: {  	v3 =	vunpack.c.0.s8.s32 v3;
	[tilespmem:$0x1F510] =	vst v1;
	v1 =	vunpack.c.0.s8.s32 v2;
	v0 =	vunpack.c.0.s8.s32 v0;
	_ =	sdelay $0x1  }
0x2e: {  	[tilespmem:$0x1F540] =	vst v0;
	v0 =	vsel vm0, v3, v1  }
0x2f: {  	[tilespmem:$0x1F560] =	vst v0;
	v0 =	vimm.s32 $0x3E3D3C3B  }
0x30: {  	v5 =	vimm.s32 $0x1B1A1918;
	v2 =	vimm.s32 $0x201001F;
	v0 =	vunpack.c.0.s8.s32 v0  }
0x31: {  	v5 =	vunpack.c.0.s8.s32 v5;
	[tilespmem:$0x1F550] =	vst v3;
	v6 =	vunpack.c.0.s8.s32 v2;
	v3 =	vimm.s32 $0x2221203F  }
0x32: {  	v2 =	vimm.s32 $0x5A595857;
	v1 =	vimm.s32 $0x56555453;
	[tilespmem:$0x1F570] =	vst v0;
	v0 =	vunpack.c.0.s8.s32 v3  }
0x33: {  	[tilespmem:$0x1F520] =	vst v4;
	v2 =	vunpack.c.0.s8.s32 v2;
	v4 =	vimm.s32 $0x1F1E1D1C;
	v1 =	vunpack.c.0.s8.s32 v1  }
0x34: {  	v9 =	vunpack.c.0.s8.s32 v4;
	v4 =	vimm.s32 $0x17161514;
	[tilespmem:$0x1F580] =	vst v0;
	v0 =	vimm.s32 $0x5E5D5C5B  }
0x35: {  	[tilespmem:$0x1F590] =	vst v2;
	v1 =	vsel vm0, v2, v1;
	v2 =	vimm.s32 $0x7A797877;
	v0 =	vunpack.c.0.s8.s32 v0  }
0x36: {  	v4 =	vunpack.c.0.s8.s32 v4;
	[tilespmem:$0x1F5A0] =	vst v1;
	v1 =	vimm.s32 $0x4241405F;
	v3 =	vimm.s32 $0x32107654  }
0x37: {  	v8 =	vunpack.c.0.s8.s32 v2;
	v3 =	vunpack.c.l.s4.s8 v3;
	[tilespmem:$0x1F5B0] =	vst v0;
	v0 =	vimm.s32 $0x76757473  }
0x38: {  	v2 =	vimm.s32 $0x3020100;
	v1 =	vunpack.c.0.s8.s32 v1;
	v0 =	vunpack.c.0.s8.s32 v0  }
0x39: {  	v2 =	vunpack.c.0.s8.s32 v2;
	v3 =	vunpack.c.0.s8.s32 v3  }
0x3a: {  	[tilespmem:$0x1F5C0] =	vst v1;
	v1 =	vsel vm0, v5, v4;
	v0 =	vsel vm0, v8, v0  }
0x3b: {  	[tilespmem:$0x1F5E0] =	vst v0;
	v0 =	vsel vm0, v2, v9;
	v2 =	vand.u32 $0xF, v3;
	v3 =	vimm.s32 $0x43218765  }
0x3c: {  	v4 =	vimm.s32 $0xB0A0908;
	v3 =	vunpack.c.l.s4.s8 v3;
	v0 =	vcombine.low v1, v0  }
0x3d: {  	vm1 =	vcmask $0x2F10;
	v1 =	vunpack.c.0.s8.s32 v4  }
0x3e: {  	v4 =	vimm.s32 $0xC0B0A09;
	[tilespmem:$0x1F600] =	vst v0;
	v0 =	vsel vm1, v2, v9;
	v2 =	vunpack.c.0.s8.s32 v3  }
0x3f: {  	vm2 =	vcmask $0x3F30;
	v4 =	vunpack.c.0.s8.s32 v4;
	v3 =	vimm.s32 $0x54329876  }
0x40: {  	[tilespmem:$0x1F5F0] =	vst v5;
	v3 =	vunpack.c.l.s4.s8 v3;
	v0 =	vsel vm2, v1, v0;
	v2 =	vand.u32 $0xF, v2  }
0x41: {  	v5 =	vimm.s32 $0x6543A987;
	[tilespmem:$0x1F620] =	vst v0;
	v0 =	vsel vm1, v2, v42  }
0x42: {  	v5 =	vunpack.c.l.s4.s8 v5;
	v1 =	vunpack.c.0.s8.s32 v3;
	v0 =	vsel vm2, v4, v0  }
0x43: {  	[tilespmem:$0x1F630] =	vst v0;
	v0 =	vimm.s32 $0xD0C0B0A  }
0x44: {  	v2 =	vunpack.c.0.s8.s32 v5;
	v1 =	vand.u32 $0xF, v1;
	v0 =	vunpack.c.0.s8.s32 v0  }
0x45: {  	v3 =	vimm.s32 $0xE0D0C0B;
	v1 =	vsel vm1, v1, v62  }
0x46: {  	v3 =	vunpack.c.0.s8.s32 v3;
	v2 =	vand.u32 $0xF, v2;
	v0 =	vsel vm2, v0, v1  }
0x47: {  	[tilespmem:$0x1F640] =	vst v0;
	v0 =	vsel vm1, v2, v6  }
0x48: {  	v0 =	vsel vm2, v3, v0  }
0x49: {  	v1 =	vimm.s32 $0x96959493;
	[tilespmem:$0x1F650] =	vst v0;
	v0 =	vimm.s32 $0x9A999897  }
0x4a: {  	v1 =	vunpack.c.0.s8.s32 v1;
	v2 =	vunpack.c.0.s8.s32 v0  }
0x4b: {  	v4 =	vimm.s32 $0x7E7D7C7B  }
0x4c: {  	v3 =	vunpack.c.0.s8.s32 v4;
	v1 =	vsel vm0, v2, v1  }
0x4d: {  	v0 =	vimm.s32 $0x6261607F;
	[tilespmem:$0x1F690] =	vst v1;
	v1 =	vimm.s32 $0x3B3A3938  }
0x4e: {  	[tilespmem:$0x1F660] =	vst v3;
	v0 =	vunpack.c.0.s8.s32 v0;
	v3 =	vunpack.c.0.s8.s32 v1;
	v1 =	vimm.s32 $0x9E9D9C9B  }
0x4f: {  	[tilespmem:$0x1F680] =	vst v2;
	v1 =	vunpack.c.0.s8.s32 v1  }
0x50: {  	v2 =	vimm.s32 $0x8281809F;
	[tilespmem:$0x1F670] =	vst v0;
	v0 =	vimm.s32 $0x37363534  }
0x51: {  	v0 =	vunpack.c.0.s8.s32 v0;
	[tilespmem:$0x1F6A0] =	vst v1;
	v1 =	vunpack.c.0.s8.s32 v2;
	_ =	sdelay $0x1  }
0x52: {  	v0 =	vsel vm0, v3, v0;
	[tilespmem:$0x1F6B0] =	vst v1;
	v1 =	vimm.s32 $0x57565554  }
0x53: {  	[tilespmem:$0x1F6D0] =	vst v0;
	v0 =	vunpack.c.0.s8.s32 v1;
	v1 =	vimm.s32 $0x5B5A5958  }
0x54: {  	[tilespmem:$0x1F6C0] =	vst v3;
	v3 =	vunpack.c.0.s8.s32 v1;
	v1 =	vimm.s32 $0x3F3E3D3C  }
0x55: {  	v1 =	vunpack.c.0.s8.s32 v1  }
0x56: {  	v2 =	vimm.s32 $0x23222120  }
0x57: {  	[tilespmem:$0x1F6E0] =	vst v1;
	v1 =	vunpack.c.0.s8.s32 v2;
	_ =	sdelay $0x1  }
0x58: {  	v0 =	vsel vm0, v3, v0;
	[tilespmem:$0x1F6F0] =	vst v1;
	v1 =	vimm.s32 $0x77767574  }
0x59: {  	[tilespmem:$0x1F710] =	vst v0;
	v0 =	vunpack.c.0.s8.s32 v1;
	v1 =	vimm.s32 $0x7B7A7978  }
0x5a: {  	[tilespmem:$0x1F700] =	vst v3;
	v3 =	vunpack.c.0.s8.s32 v1;
	v1 =	vimm.s32 $0x5F5E5D5C  }
0x5b: {  	v1 =	vunpack.c.0.s8.s32 v1  }
0x5c: {  	v2 =	vimm.s32 $0x43424140  }
0x5d: {  	[tilespmem:$0x1F720] =	vst v1;
	v1 =	vunpack.c.0.s8.s32 v2;
	_ =	sdelay $0x1  }
0x5e: {  	v0 =	vsel vm0, v3, v0;
	[tilespmem:$0x1F730] =	vst v1;
	v1 =	vimm.s32 $0x7F7E7D7C  }
0x5f: {  	[tilespmem:$0x1F750] =	vst v0;
	v0 =	vunpack.c.0.s8.s32 v1;
	_ =	sdelay $0x1  }
0x60: {  	[tilespmem:$0x1F760] =	vst v0;
	v0 =	vimm.s32 $0x63626160  }
0x61: {  	v0 =	vunpack.c.0.s8.s32 v0;
	_ =	sdelay $0x1  }
0x62: {  	v1 =	vimm.s32 $0x9B9A9998;
	[tilespmem:$0x1F770] =	vst v0;
	v0 =	vimm.s32 $0x97969594  }
0x63: {  	v43 =	vunpack.c.0.s8.s32 v1;
	v1 =	vimm.s32 $0x4030201;
	v0 =	vunpack.c.0.s8.s32 v0  }
0x64: {  	v1 =	vunpack.c.0.s8.s32 v1  }
0x65: {  	v0 =	vsel vm0, v43, v0  }
0x66: {  	[tilespmem:$0x1F780] =	vst v0;
	v0 =	vsel vm0, v1, v42  }
0x67: {  	[tilespmem:$0x1F790] =	vst v0;
	v0 =	vimm.s32 $0x24232221  }
0x68: {  	v2 =	vimm.s32 $0x9F9E9D9C;
	v0 =	vunpack.c.0.s8.s32 v0  }
0x69: {  	v49 =	vunpack.c.0.s8.s32 v2;
	v2 =	vimm.s32 $0x84838281;
	v1 =	vimm.s32 $0x44434241  }
0x6a: {  	v54 =	vunpack.c.0.s8.s32 v1;
	v1 =	vimm.s32 $0x64636261;
	[tilespmem:$0x1F7A0] =	vst v0;
	v0 =	vimm.s32 $0x5040302  }
0x6b: {  	v47 =	vunpack.c.0.s8.s32 v1;
	v1 =	vunpack.c.0.s8.s32 v2;
	v0 =	vunpack.c.0.s8.s32 v0;
	_ =	sdelay $0x1  }
0x6c: {  	[tilespmem:$0x1F7B0] =	vst v1;
	v1 =	vimm.s32 $0x25242322;
	v0 =	vsel vm0, v0, v62  }
0x6d: {  	[tilespmem:$0x1F7C0] =	vst v0;
	v0 =	vunpack.c.0.s8.s32 v1;
	_ =	sdelay $0x1  }
0x6e: {  	[tilespmem:$0x1F7D0] =	vst v0;
	v0 =	vimm.s32 $0x6050403  }
0x6f: {  	v0 =	vunpack.c.0.s8.s32 v0;
	_ =	sdelay $0x1  }
0x70: {  	v1 =	vimm.s32 $0x45444342;
	v0 =	vsel vm0, v0, v6  }
0x71: {  	v1 =	vunpack.c.0.s8.s32 v1;
	[tilespmem:$0x1F810] =	vst v0;
	v0 =	vimm.s32 $0x26252423  }
0x72: {  	v2 =	vimm.s32 $0x65646362;
	v0 =	vunpack.c.0.s8.s32 v0  }
0x73: {  	[tilespmem:$0x1F7E0] =	vst v1;
	v1 =	vunpack.c.0.s8.s32 v2  }
0x74: {  	[tilespmem:$0x1F820] =	vst v0;
	v0 =	vimm.s32 $0x46454443  }
0x75: {  	[tilespmem:$0x1F7F0] =	vst v1;
	v1 =	vimm.s32 $0x85848382;
	v0 =	vunpack.c.0.s8.s32 v0  }
0x76: {  	v37 =	vunpack.c.0.s8.s32 v1;
	v1 =	vimm.s32 $0x76543210  }
0x77: {  	[tilespmem:$0x1F830] =	vst v0;
	v0 =	vunpack.c.l.s4.s8 v1;
	v1 =	vimm.s32 $0x66656463  }
0x78: {  	v1 =	vunpack.c.0.s8.s32 v1  }
0x79: {  	v0 =	vunpack.c.0.s8.s32 v0  }
0x7a: {  	v2 =	vimm.s32 $0x87654321;
	[tilespmem:$0x1F840] =	vst v1  }
0x7b: {  	v1 =	vimm.s32 $0x86858483;
	[tilespmem:$0x1F850] =	vst v0;
	v0 =	vunpack.c.l.s4.s8 v2  }
0x7c: {  	v32 =	vunpack.c.0.s8.s32 v1;
	v1 =	vimm.s32 $0x27262524  }
0x7d: {  	v2 =	vimm.s32 $0x47464544;
	v4 =	vunpack.c.0.s8.s32 v1;
	v0 =	vunpack.c.0.s8.s32 v0  }
0x7e: {  	v41 =	vunpack.c.0.s8.s32 v2;
	v1 =	vimm.s32 $0x87868584;
	v2 =	vimm.s32 $0x98765432  }
0x7f: {  	[tilespmem:$0x1F740] =	vst v3;
	v11 =	vunpack.c.0.s8.s32 v1;
	v1 =	vunpack.c.l.s4.s8 v2;
	v0 =	vand.u32 $0xF, v0  }
0x80: {  	v3 =	vimm.s32 $0x83828180;
	[tilespmem:$0x1F860] =	vst v0;
	v0 =	vimm.s32 $0x48474645  }
0x81: {  	v14 =	vunpack.c.0.s8.s32 v0;
	v0 =	vunpack.c.0.s8.s32 v1;
	v1 =	vimm.s32 $0xA9876543  }
0x82: {  	[tilespmem:$0x1F800] =	vst v6;
	v52 =	vunpack.c.0.s8.s32 v3;
	v3 =	vimm.s32 $0x67666564;
	v1 =	vunpack.c.l.s4.s8 v1  }
0x83: {  	[tilespmem:$0x1F610] =	vst v9;
	v10 =	vunpack.c.0.s8.s32 v3;
	v3 =	vimm.s32 $0x88878685;
	v0 =	vand.u32 $0xF, v0  }
0x84: {  	v17 =	vunpack.c.0.s8.s32 v3;
	v3 =	vimm.s32 $0x89888786;
	[tilespmem:$0x1F870] =	vst v0;
	v0 =	vunpack.c.0.s8.s32 v1  }
0x85: {  	[tilespmem:$0x1F5D0] =	vst v8;
	v38 =	vunpack.c.0.s8.s32 v3;
	v3 =	vimm.s32 $0x2C2B2A29;
	v2 =	vimm.s32 $0x28272625  }
0x86: {  	[tilespmem:$0x1F8D0] =	vst v10;
	v12 =	vunpack.c.0.s8.s32 v2;
	v2 =	vimm.s32 $0x68676665;
	v0 =	vand.u32 $0xF, v0  }
0x87: {  	v16 =	vunpack.c.0.s8.s32 v2;
	v2 =	vimm.s32 $0x29282726;
	[tilespmem:$0x1F880] =	vst v0;
	v0 =	vimm.s32 $0x2A292827  }
0x88: {  	[tilespmem:$0x1F960] =	vst v17;
	v1 =	vimm.s32 $0x49484746;
	v22 =	vunpack.c.0.s8.s32 v0;
	v0 =	vimm.s32 $0x2B2A2928  }
0x89: {  	[tilespmem:$0x1F890] =	vst v4;
	v19 =	vunpack.c.0.s8.s32 v1;
	v1 =	vimm.s32 $0x4A494847;
	v0 =	vunpack.c.0.s8.s32 v0  }
0x8a: {  	[tilespmem:$0x1F8B0] =	vst v41;
	v18 =	vunpack.c.0.s8.s32 v2;
	v23 =	vunpack.c.0.s8.s32 v1;
	v1 =	vimm.s32 $0x6A696867  }
0x8b: {  	[tilespmem:$0x1F8F0] =	vst v11;
	v25 =	vunpack.c.0.s8.s32 v1;
	v1 =	vimm.s32 $0x4B4A4948;
	v0 =	vsel vm0, v0, v4  }
0x8c: {  	v2 =	vimm.s32 $0x69686766;
	[tilespmem:$0x1F8A0] =	vst v0;
	v0 =	vunpack.c.0.s8.s32 v1;
	v1 =	vimm.s32 $0x6B6A6968  }
0x8d: {  	[tilespmem:$0x1F900] =	vst v12;
	v20 =	vunpack.c.0.s8.s32 v2;
	v2 =	vimm.s32 $0x8A898887;
	v1 =	vunpack.c.0.s8.s32 v1  }
0x8e: {  	v3 =	vunpack.c.0.s8.s32 v3;
	[tilespmem:$0x1F940] =	vst v16;
	v48 =	vunpack.c.0.s8.s32 v2;
	v0 =	vsel vm0, v0, v41  }
0x8f: {  	v2 =	vimm.s32 $0x8B8A8988;
	v4 =	vimm.s32 $0x4C4B4A49;
	[tilespmem:$0x1F8C0] =	vst v0;
	v0 =	vsel vm0, v1, v10  }
0x90: {  	v2 =	vunpack.c.0.s8.s32 v2;
	[tilespmem:$0x1F8E0] =	vst v0;
	v0 =	vunpack.c.0.s8.s32 v4  }
0x91: {  	[tilespmem:$0x1F970] =	vst v18;
	v1 =	vsel vm0, v3, v12  }
0x92: {  	v40 =	vsel vm0, v2, v11;
	[tilespmem:$0x1F910] =	vst v1;
	v1 =	vimm.s32 $0x6C6B6A69;
	v0 =	vsel vm0, v0, v14  }
0x93: {  	v2 =	vimm.s32 $0x2D2C2B2A;
	[tilespmem:$0x1F930] =	vst v0;
	v0 =	vunpack.c.0.s8.s32 v1;
	v1 =	vimm.s32 $0x8C8B8A89  }
0x94: {  	[tilespmem:$0x1F920] =	vst v14;
	v2 =	vunpack.c.0.s8.s32 v2;
	v3 =	vimm.s32 $0x4D4C4B4A;
	v1 =	vunpack.c.0.s8.s32 v1  }
0x95: {  	[tilespmem:$0x1F990] =	vst v19;
	v3 =	vunpack.c.0.s8.s32 v3;
	v0 =	vsel vm0, v0, v16  }
0x96: {  	s0 =	rddreg [dreg:$0x0];
	[tilespmem:$0x1F950] =	vst v0;
	v35 =	vsel vm0, v1, v17;
	v1 =	vsel vm0, v2, v18  }
0x97: {  	s1 =	rddreg [dreg:$0x1];
	s2 =	simm.s32 $0x0;
	[tilespmem:$0x1F980] =	vst v1;
	v1 =	vsel vm0, v3, v19  }
0x98: {  	[smem:$0x7FF] =	sst s2;
	[tilespmem:$0x1F9A0] =	vst v1  }
0x99: {  	s6 =	rddreg [dreg:$0x2];
	_ =	strace $0x80000047;
	[tilespmem:$0x1F9B0] =	vst v20  }
0x9a: {  	[tilespmem:$0x1F9C0] =	vst v22  }
0x9b: {  	[tilespmem:$0x1F9E0] =	vst v23  }
0x9c: {  	[tilespmem:$0x1FA00] =	vst v25  }
0x9d: {  	[tilespmem:$0x1FD00] =	vst v26  }
0x9e: {  	[tilespmem:$0x1FD10] =	vst v42  }
0x9f: {  	[tilespmem:$0x1FD20] =	vst v53  }
0xa0: {  	[tilespmem:$0x1FD30] =	vst v7  }
0xa1: {  	[tilespmem:$0x1FD40] =	vst v61  }
0xa2: {  	[tilespmem:$0x1FD50] =	vst v24  }
0xa3: {  	[tilespmem:$0x1FD60] =	vst v15  }
0xa4: {  	[tilespmem:$0x1FD70] =	vst v55  }
0xa5: {  	[tilespmem:$0x1FD80] =	vst v39  }
0xa6: {  	[tilespmem:$0x1FD90] =	vst v46  }
0xa7: {  	[tilespmem:$0x1FDA0] =	vst v59  }
0xa8: {  	[tilespmem:$0x1FDB0] =	vst v60  }
0xa9: {  	[tilespmem:$0x1FDC0] =	vst v62  }
0xaa: {  	[tilespmem:$0x1FDD0] =	vst v63  }
0xab: {  	[tilespmem:$0x1FDE0] =	vst v43  }
0xac: {  	[tilespmem:$0x1FDF0] =	vst v52  }
0xad: {  	[tilespmem:$0x1FE00] =	vst v54  }
0xae: {  	[tilespmem:$0x1FE10] =	vst v47  }
0xaf: {  	[tilespmem:$0x1FE20] =	vst v37  }
0xb0: {  	[tilespmem:$0x1FE30] =	vst v32  }
0xb1: {  	v4 =	vimm.s32 $0x6D6C6B6A;
	[tilespmem:$0x1FE40] =	vst v38  }
0xb2: {  	v0 =	vunpack.c.0.s8.s32 v4;
	[tilespmem:$0x1FE50] =	vst v48  }
0xb3: {  	[tilespmem:$0x1FE60] =	vst v40  }
0xb4: {  	v21 =	vlaneseq.u32;
	v50 =	vsel vm0, v0, v20;
	[tilespmem:$0x1FE70] =	vst v35  }
0xb5: {  	v14 =	vor.u32 $0x60, v21;
	[tilespmem:$0x1FE80] =	vst v50  }
0xb6: {  	v51 =	vor.u32 $0x80, v21;
	[tilespmem:$0x1FEE0] =	vst v14  }
0xb7: {  	v18 =	vadd.s32 $0x1, v21;
	[tilespmem:$0x1FEF0] =	vst v51  }
0xb8: {  	v19 =	vadd.s32 $0x21, v21;
	[tilespmem:$0x1FF00] =	vst v18  }
0xb9: {  	v28 =	vadd.s32 $0x2, v21;
	[tilespmem:$0x1FF10] =	vst v19  }
0xba: {  	v29 =	vadd.s32 $0x22, v21;
	[tilespmem:$0x1FF50] =	vst v28  }
0xbb: {  	v30 =	vadd.s32 $0x42, v21;
	[tilespmem:$0x1FF60] =	vst v29  }
0xbc: {  	v34 =	vadd.s32 $0x62, v21;
	[tilespmem:$0x1FF70] =	vst v30  }
0xbd: {  	v56 =	vadd.s32 $0x82, v21;
	[tilespmem:$0x1FF80] =	vst v34  }
0xbe: {  	v58 =	vadd.s32 $0x3, v21;
	[tilespmem:$0x1FF90] =	vst v56  }
0xbf: {  	[tilespmem:$0x1FFA0] =	vst v58  }
0xc0: {  	[tilespmem:$0x1FFB0] =	vst v49  }
0xc1: {  	v2 =	vimm.s32 $0x4E4D4C4B;
	[tilespmem:$0x1FFC0] =	vst v27  }
0xc2: {  	v2 =	vunpack.c.0.s8.s32 v2;
	[tilespmem:$0x1FFD0] =	vst v33  }
0xc3: {  	[tilespmem:$0x1FFE0] =	vst v44  }
0xc4: {  	v3 =	vimm.s32 $0x6E6D6C6B;
	v2 =	vsel vm0, v2, v23;
	[tilespmem:$0x1FFF0] =	vst v45  }
0xc5: {  	v3 =	vunpack.c.0.s8.s32 v3;
	v20 =	vadd.s32 $0x41, v21;
	[tilespmem:$0x1F9F0] =	vst v2  }
0xc6: {  	v23 =	vadd.s32 $0x61, v21;
	[tilespmem:$0x1FF20] =	vst v20  }
0xc7: {  	v57 =	vsel vm0, v3, v25;
	v3 =	vadd.s32 $0x23, v21;
	[tilespmem:$0x1FF30] =	vst v23  }
0xc8: {  	v1 =	vimm.s32 $0x8D8C8B8A;
	[tilespmem:$0x1FA10] =	vst v3  }
0xc9: {  	v0 =	vunpack.c.0.s8.s32 v1;
	v1 =	vimm.s32 $0x2E2D2C2B;
	v25 =	vadd.s32 $0x81, v21;
	[tilespmem:$0x1FEA0] =	vst v57  }
0xca: {  	v1 =	vunpack.c.0.s8.s32 v1;
	v3 =	vadd.s32 $0x43, v21;
	[tilespmem:$0x1FF40] =	vst v25  }
0xcb: {  	v31 =	vsel vm0, v0, v38;
	[tilespmem:$0x1FA20] =	vst v3  }
0xcc: {  	v0 =	vsel vm0, v1, v22;
	[tilespmem:$0x1FE90] =	vst v31  }
0xcd: {  	v3 =	vadd.s32 $0x63, v21;
	[tilespmem:$0x1F9D0] =	vst v0  }
0xce: {  	v4 =	vimm.s32 $0x8E8D8C8B;
	[tilespmem:$0x1FA30] =	vst v3;
	v3 =	vadd.s32 $0x83, v21  }
0xcf: {  	v0 =	vunpack.c.0.s8.s32 v4;
	v4 =	vor.u32 $0x40, v21;
	[tilespmem:$0x1FA40] =	vst v3  }
0xd0: {  	v3 =	vadd.s32 $0x4, v21;
	[tilespmem:$0x1FED0] =	vst v4  }
0xd1: {  	[tilespmem:$0x1FA50] =	vst v3;
	v3 =	vadd.s32 $0x24, v21  }
0xd2: {  	v36 =	vsel vm0, v0, v48;
	[tilespmem:$0x1FA60] =	vst v3  }
0xd3: {  	v0 =	vor.u32 $0x20, v21;
	[tilespmem:$0x1FEB0] =	vst v36  }
0xd4: {  	v3 =	vadd.s32 $0x44, v21;
	[tilespmem:$0x1FEC0] =	vst v0  }
0xd5: {  	[tilespmem:$0x1FA70] =	vst v3;
	v3 =	vadd.s32 $0x64, v21  }
0xd6: {  	[tilespmem:$0x1FA80] =	vst v3;
	v3 =	vadd.s32 $0x84, v21  }
0xd7: {  	[tilespmem:$0x1FA90] =	vst v3;
	v3 =	vadd.s32 $0x5, v21  }
0xd8: {  	[tilespmem:$0x1FAA0] =	vst v3;
	v3 =	vadd.s32 $0x25, v21  }
0xd9: {  	[tilespmem:$0x1FAB0] =	vst v3;
	v3 =	vadd.s32 $0x45, v21  }
0xda: {  	[tilespmem:$0x1FAC0] =	vst v3;
	v3 =	vadd.s32 $0x65, v21  }
0xdb: {  	[tilespmem:$0x1FAD0] =	vst v3;
	v3 =	vadd.s32 $0x85, v21  }
0xdc: {  	[tilespmem:$0x1FAE0] =	vst v3;
	v3 =	vadd.s32 $0x6, v21  }
0xdd: {  	[tilespmem:$0x1FAF0] =	vst v3;
	v3 =	vadd.s32 $0x26, v21  }
0xde: {  	[tilespmem:$0x1FB00] =	vst v3;
	v3 =	vadd.s32 $0x46, v21  }
0xdf: {  	[tilespmem:$0x1FB10] =	vst v3;
	v3 =	vadd.s32 $0x66, v21  }
0xe0: {  	[tilespmem:$0x1FB20] =	vst v3;
	v3 =	vadd.s32 $0x86, v21  }
0xe1: {  	[tilespmem:$0x1FB30] =	vst v3;
	v3 =	vadd.s32 $0x7, v21  }
0xe2: {  	[tilespmem:$0x1FB40] =	vst v3;
	v3 =	vadd.s32 $0x27, v21  }
0xe3: {  	[tilespmem:$0x1FB50] =	vst v3;
	v3 =	vadd.s32 $0x47, v21  }
0xe4: {  	[tilespmem:$0x1FB60] =	vst v3;
	v3 =	vadd.s32 $0x67, v21  }
0xe5: {  	[tilespmem:$0x1FB70] =	vst v3;
	v3 =	vadd.s32 $0x87, v21  }
0xe6: {  	[tilespmem:$0x1FB80] =	vst v3;
	v3 =	vadd.s32 $0x8, v21  }
0xe7: {  	[tilespmem:$0x1FB90] =	vst v3;
	v3 =	vadd.s32 $0x28, v21  }
0xe8: {  	[tilespmem:$0x1FBA0] =	vst v3;
	v3 =	vadd.s32 $0x48, v21  }
0xe9: {  	[tilespmem:$0x1FBB0] =	vst v3;
	v3 =	vadd.s32 $0x68, v21  }
0xea: {  	[tilespmem:$0x1FBC0] =	vst v3;
	v3 =	vadd.s32 $0x88, v21  }
0xeb: {  	[tilespmem:$0x1FBD0] =	vst v3;
	v3 =	vadd.s32 $0x9, v21  }
0xec: {  	[tilespmem:$0x1FBE0] =	vst v3;
	v3 =	vadd.s32 $0x29, v21  }
0xed: {  	[tilespmem:$0x1FBF0] =	vst v3;
	v3 =	vadd.s32 $0x49, v21  }
0xee: {  	[tilespmem:$0x1FC00] =	vst v3;
	v3 =	vadd.s32 $0x69, v21  }
0xef: {  	[tilespmem:$0x1FC10] =	vst v3;
	v3 =	vadd.s32 $0x89, v21  }
0xf0: {  	s3 =	srdreg.scid;
	s4 =	stileid.u32;
	[tilespmem:$0x1FC20] =	vst v3;
	v3 =	vadd.s32 $0xA, v21  }
0xf1: {  	s11 =	simm.s32 $0x200;
	s12 =	simm.s32 $0x400;
	s13 =	simm.s32 $0x80;
	[tilespmem:$0x1FC30] =	vst v3;
	v3 =	vadd.s32 $0x2A, v21  }
0xf2: {  	s14 =	simm.s32 $0xE00;
	s15 =	simm.s32 $0x4E00;
	s28 =	simm.s32 $0x8E00;
	[tilespmem:$0x1FC40] =	vst v3;
	v3 =	vadd.s32 $0x4A, v21  }
0xf3: {  	s22 =	simm.s32 $0x16E00;
	s23 =	simm.s32 $0xB80;
	s24 =	simm.s32 $0x17E00;
	[tilespmem:$0x1FC50] =	vst v3;
	v3 =	vadd.s32 $0x6A, v21  }
0xf4: {  	s29 =	simm.s32 $0xC80;
	s30 =	simm.s32 $0x19E00;
	s31 =	simm.s32 $0xD00;
	[tilespmem:$0x1FC60] =	vst v3;
	v3 =	vadd.s32 $0x8A, v21  }
0xf5: {  	s16 =	simm.s32 $0x1BE00;
	s17 =	simm.s32 $0x1;
	s18 =	simm.s32 $0x1CE00;
	[tilespmem:$0x1FC70] =	vst v3;
	v3 =	vadd.s32 $0xB, v21  }
0xf6: {  	s19 =	simm.s32 $0x0;
	s5 =	sand.u32 $0x1, s3;
	s25 =	sshll.u32 s4, $0x1;
	[tilespmem:$0x1FC80] =	vst v3;
	v3 =	vadd.s32 $0x2B, v21  }
0xf7: {  	s3 =	sadd.s32 $0x1313600, s0;
	s4 =	sadd.s32 $0xF42C00, s0;
	s7 =	sor.u32 s5, s25;
	[tilespmem:$0x1FC90] =	vst v3;
	v3 =	vadd.s32 $0x4B, v21  }
0xf8: {  	s5 =	ssub.s32 $0x2, s5;
	s25 =	simm.s32 $0xC00;
	s8 =	smul.u32 $0x140, s7;
	[tilespmem:$0x1FCA0] =	vst v3;
	v3 =	vadd.s32 $0x6B, v21  }
0xf9: {  	s9 =	sshll.u32 s7, $0x1;
	s10 =	sshrl.u32 s5, $0x1;
	s7 =	sshll.u32 s7, $0x6;
	[tilespmem:$0x1FCB0] =	vst v3;
	v3 =	vadd.s32 $0x8B, v21  }
0xfa: {  	s26 =	ssub.s32 s5, s10;
	s5 =	sadd.s32 s1, s7;
	s6 =	sadd.s32 s6, s7;
	[tilespmem:$0x1FCC0] =	vst v3;
	v3 =	vadd.s32 $0xC, v21  }
0xfb: {  	s10 =	simm.s32 $0x2;
	s1 =	simm.s32 $0xD80;
	s8 =	sadd.s32 s8, s0;
	[tilespmem:$0x1FCD0] =	vst v3;
	v3 =	vadd.s32 $0x2C, v21  }
0xfc: {  	s0 =	sadd.s32 s9, s0;
	s9 =	smax.u32 s26, $0x1;
	s26 =	simm.s32 $0x18E00;
	[tilespmem:$0x1FCE0] =	vst v3;
	v3 =	vadd.s32 $0x4C, v21  }
0xfd: {  	s7 =	sadd.s32 $0x800, s8;
	s8 =	sadd.s32 $0x3000, s0;
	s0 =	simm.s32 $0x1AE00;
	[tilespmem:$0x1FCF0] =	vst v3  }
.LBB2_1:
0xfe: {  	[tilespmem:s2], [sflag:$0x2] =	stream.linear.gather [hbm4b:s5+s2], $0x200, $0x38;
	[tilespmem:$0x1CE10] =	vst v63  }
0xff: {  	_ =	swait.ge [sflag:s10], $0x200  }
0x100: {  	[sflag:s10] =	ssyncset.done $0x0  }
0x101: {  	[sflag:s10] =	ssyncadd.s32 $0xFFFFFE00  }
0x102: {  	[tilespmem:s11], [sflag:$0x2] =	stream.linear.gather [hbm4b:s6+s2], $0x200, $0x38;
	[tilespmem:$0x1CE10] =	vst v63  }
0x103: {  	_ =	swait.ge [sflag:s10], $0x200  }
0x104: {  	[sflag:s10] =	ssyncset.done $0x0  }
0x105: {  	[sflag:s10] =	ssyncadd.s32 $0xFFFFFE00  }
0x106: {  	[tilespmem:s12], [sflag:$0x2] =	stream.linear.gather [hbm4b:s7+s2], $0xA00, $0x38;
	[tilespmem:$0x1CE10] =	vst v63  }
0x107: {  	_ =	swait.ge [sflag:s10], $0xA00  }
0x108: {  	[sflag:s10] =	ssyncset.done $0x0  }
0x109: {  	[sflag:s10] =	ssyncadd.s32 $0xFFFFF600  }
0x10a: {  	[tilespmem:s14], [sflag:$0x1] =	stream.indirect.gather [hbm4b:s3+s13], $0x20, s2, s13, $0xb8;
	[tilespmem:$0x1CE10] =	vst v63  }
0x10b: {  	_ = 	snop  }
0x10c: {  	[tilespmem:s15], [sflag:$0x1] =	stream.indirect.gather [hbm4b:s4+s13], $0x20, s11, s13, $0xb8;
	[tilespmem:$0x1CE10] =	vst v63  }
0x10d: {  	s20 =	simm.s32 $0x1E00  }
0x10e: {  	[tilespmem:s20], [sflag:$0x1] =	stream.indirect.gather [hbm4b:s3+s13], $0x20, s13, s13, $0xb8;
	[tilespmem:$0x1CE10] =	vst v63  }
0x10f: {  	s21 =	simm.s32 $0x5E00;
	s20 =	simm.s32 $0x280  }
0x110: {  	[tilespmem:s21], [sflag:$0x1] =	stream.indirect.gather [hbm4b:s4+s13], $0x20, s20, s13, $0xb8;
	[tilespmem:$0x1CE10] =	vst v63  }
0x111: {  	s20 =	simm.s32 $0x100;
	s21 =	simm.s32 $0x2E00  }
0x112: {  	[tilespmem:s21], [sflag:$0x1] =	stream.indirect.gather [hbm4b:s3+s13], $0x20, s20, s13, $0xb8;
	[tilespmem:$0x1CE10] =	vst v63  }
0x113: {  	s20 =	simm.s32 $0x300;
	s21 =	simm.s32 $0x6E00  }
0x114: {  	[tilespmem:s21], [sflag:$0x1] =	stream.indirect.gather [hbm4b:s4+s13], $0x20, s20, s13, $0xb8;
	[tilespmem:$0x1CE10] =	vst v63  }
0x115: {  	s20 =	simm.s32 $0x180;
	s21 =	simm.s32 $0x3E00  }
0x116: {  	[tilespmem:s21], [sflag:$0x1] =	stream.indirect.gather [hbm4b:s3+s13], $0x20, s20, s13, $0xb8;
	[tilespmem:$0x1CE10] =	vst v63  }
0x117: {  	s20 =	simm.s32 $0x380;
	s21 =	simm.s32 $0x7E00  }
0x118: {  	[tilespmem:s21], [sflag:$0x1] =	stream.indirect.gather [hbm4b:s4+s13], $0x20, s20, s13, $0xb8;
	[tilespmem:$0x1CE10] =	vst v63  }
0x119: {  	_ = 	snop  }
0x11a: {  	[tilespmem:s28], [sflag:$0x1] =	stream.indirect.gather [hbm4b:s4+s13], $0x20, s12, s13, $0xb8;
	[tilespmem:$0x1CE10] =	vst v63  }
0x11b: {  	s20 =	simm.s32 $0x480;
	s21 =	simm.s32 $0x9E00  }
0x11c: {  	[tilespmem:s21], [sflag:$0x1] =	stream.indirect.gather [hbm4b:s4+s13], $0x20, s20, s13, $0xb8;
	[tilespmem:$0x1CE10] =	vst v63  }
0x11d: {  	s20 =	simm.s32 $0x500;
	s21 =	simm.s32 $0xAE00  }
0x11e: {  	[tilespmem:s21], [sflag:$0x1] =	stream.indirect.gather [hbm4b:s4+s13], $0x20, s20, s13, $0xb8;
	[tilespmem:$0x1CE10] =	vst v63  }
0x11f: {  	s20 =	simm.s32 $0x580;
	s21 =	simm.s32 $0xBE00  }
0x120: {  	[tilespmem:s21], [sflag:$0x1] =	stream.indirect.gather [hbm4b:s4+s13], $0x20, s20, s13, $0xb8;
	[tilespmem:$0x1CE10] =	vst v63  }
0x121: {  	s20 =	simm.s32 $0x600;
	s21 =	simm.s32 $0xCE00  }
0x122: {  	[tilespmem:s21], [sflag:$0x1] =	stream.indirect.gather [hbm4b:s4+s13], $0x20, s20, s13, $0xb8;
	[tilespmem:$0x1CE10] =	vst v63  }
0x123: {  	s20 =	simm.s32 $0x680;
	s21 =	simm.s32 $0xDE00  }
0x124: {  	[tilespmem:s21], [sflag:$0x1] =	stream.indirect.gather [hbm4b:s4+s13], $0x20, s20, s13, $0xb8;
	[tilespmem:$0x1CE10] =	vst v63  }
0x125: {  	s20 =	simm.s32 $0x700;
	s21 =	simm.s32 $0xEE00  }
0x126: {  	[tilespmem:s21], [sflag:$0x1] =	stream.indirect.gather [hbm4b:s4+s13], $0x20, s20, s13, $0xb8;
	[tilespmem:$0x1CE10] =	vst v63  }
0x127: {  	s20 =	simm.s32 $0x780;
	s21 =	simm.s32 $0xFE00  }
0x128: {  	[tilespmem:s21], [sflag:$0x1] =	stream.indirect.gather [hbm4b:s4+s13], $0x20, s20, s13, $0xb8;
	[tilespmem:$0x1CE10] =	vst v63  }
0x129: {  	s20 =	simm.s32 $0x800;
	s21 =	simm.s32 $0x10E00  }
0x12a: {  	[tilespmem:s21], [sflag:$0x1] =	stream.indirect.gather [hbm4b:s4+s13], $0x20, s20, s13, $0xb8;
	[tilespmem:$0x1CE10] =	vst v63  }
0x12b: {  	s20 =	simm.s32 $0x880;
	s21 =	simm.s32 $0x11E00  }
0x12c: {  	[tilespmem:s21], [sflag:$0x1] =	stream.indirect.gather [hbm4b:s4+s13], $0x20, s20, s13, $0xb8;
	[tilespmem:$0x1CE10] =	vst v63  }
0x12d: {  	s20 =	simm.s32 $0x900;
	s21 =	simm.s32 $0x12E00  }
0x12e: {  	[tilespmem:s21], [sflag:$0x1] =	stream.indirect.gather [hbm4b:s4+s13], $0x20, s20, s13, $0xb8;
	[tilespmem:$0x1CE10] =	vst v63  }
0x12f: {  	s20 =	simm.s32 $0x980;
	s21 =	simm.s32 $0x13E00  }
0x130: {  	[tilespmem:s21], [sflag:$0x1] =	stream.indirect.gather [hbm4b:s4+s13], $0x20, s20, s13, $0xb8;
	[tilespmem:$0x1CE10] =	vst v63  }
0x131: {  	s20 =	simm.s32 $0xA00;
	s21 =	simm.s32 $0x14E00  }
0x132: {  	[tilespmem:s21], [sflag:$0x1] =	stream.indirect.gather [hbm4b:s4+s13], $0x20, s20, s13, $0xb8;
	[tilespmem:$0x1CE10] =	vst v63  }
0x133: {  	s20 =	simm.s32 $0xA80;
	s21 =	simm.s32 $0x15E00  }
0x134: {  	[tilespmem:s21], [sflag:$0x1] =	stream.indirect.gather [hbm4b:s4+s13], $0x20, s20, s13, $0xb8;
	[tilespmem:$0x1CE10] =	vst v63  }
0x135: {  	s21 =	simm.s32 $0xB00  }
0x136: {  	[tilespmem:s22], [sflag:$0x1] =	stream.indirect.gather [hbm4b:s4+s13], $0x20, s21, s13, $0xb8;
	[tilespmem:$0x1CE10] =	vst v63  }
0x137: {  	_ = 	snop  }
0x138: {  	[tilespmem:s24], [sflag:$0x1] =	stream.indirect.gather [hbm4b:s4+s13], $0x20, s23, s13, $0xb8;
	[tilespmem:$0x1CE10] =	vst v63  }
0x139: {  	_ = 	snop  }
0x13a: {  	[tilespmem:s26], [sflag:$0x1] =	stream.indirect.gather [hbm4b:s4+s13], $0x20, s25, s13, $0xb8;
	[tilespmem:$0x1CE10] =	vst v63  }
0x13b: {  	_ = 	snop  }
0x13c: {  	[tilespmem:s30], [sflag:$0x1] =	stream.indirect.gather [hbm4b:s4+s13], $0x20, s29, s13, $0xb8;
	[tilespmem:$0x1CE10] =	vst v63  }
0x13d: {  	_ = 	snop  }
0x13e: {  	[tilespmem:s0], [sflag:$0x1] =	stream.indirect.gather [hbm4b:s4+s13], $0x20, s31, s13, $0xb8;
	[tilespmem:$0x1CE10] =	vst v63  }
0x13f: {  	_ = 	snop  }
0x140: {  	[tilespmem:s16], [sflag:$0x1] =	stream.indirect.gather [hbm4b:s4+s13], $0x20, s1, s13, $0xb8;
	[tilespmem:$0x1CE10] =	vst v63  }
0x141: {  	_ =	swait.ge [sflag:s17], $0x1000  }
0x142: {  	[sflag:s17] =	ssyncset.done $0x0  }
0x143: {  	[sflag:s17] =	ssyncadd.s32 $0xFFFFF000  }
0x144: {  	_ =	swait.ge [sflag:s17], $0x1000  }
0x145: {  	[sflag:s17] =	ssyncset.done $0x0  }
0x146: {  	[sflag:s17] =	ssyncadd.s32 $0xFFFFF000  }
0x147: {  	_ =	swait.ge [sflag:s17], $0x1000  }
0x148: {  	[sflag:s17] =	ssyncset.done $0x0  }
0x149: {  	[sflag:s17] =	ssyncadd.s32 $0xFFFFF000  }
0x14a: {  	_ =	swait.ge [sflag:s17], $0x1000  }
0x14b: {  	[sflag:s17] =	ssyncset.done $0x0  }
0x14c: {  	[sflag:s17] =	ssyncadd.s32 $0xFFFFF000  }
0x14d: {  	_ =	swait.ge [sflag:s17], $0x1000  }
0x14e: {  	[sflag:s17] =	ssyncset.done $0x0  }
0x14f: {  	[sflag:s17] =	ssyncadd.s32 $0xFFFFF000  }
0x150: {  	_ =	swait.ge [sflag:s17], $0x1000  }
0x151: {  	[sflag:s17] =	ssyncset.done $0x0  }
0x152: {  	[sflag:s17] =	ssyncadd.s32 $0xFFFFF000  }
0x153: {  	_ =	swait.ge [sflag:s17], $0x1000  }
0x154: {  	[sflag:s17] =	ssyncset.done $0x0  }
0x155: {  	[sflag:s17] =	ssyncadd.s32 $0xFFFFF000  }
0x156: {  	_ =	swait.ge [sflag:s17], $0x1000  }
0x157: {  	[sflag:s17] =	ssyncset.done $0x0  }
0x158: {  	[sflag:s17] =	ssyncadd.s32 $0xFFFFF000  }
0x159: {  	_ =	swait.ge [sflag:s17], $0x1000  }
0x15a: {  	[sflag:s17] =	ssyncset.done $0x0  }
0x15b: {  	[sflag:s17] =	ssyncadd.s32 $0xFFFFF000  }
0x15c: {  	_ =	swait.ge [sflag:s17], $0x1000  }
0x15d: {  	[sflag:s17] =	ssyncset.done $0x0  }
0x15e: {  	[sflag:s17] =	ssyncadd.s32 $0xFFFFF000  }
0x15f: {  	_ =	swait.ge [sflag:s17], $0x1000  }
0x160: {  	[sflag:s17] =	ssyncset.done $0x0  }
0x161: {  	[sflag:s17] =	ssyncadd.s32 $0xFFFFF000  }
0x162: {  	_ =	swait.ge [sflag:s17], $0x1000  }
0x163: {  	[sflag:s17] =	ssyncset.done $0x0  }
0x164: {  	[sflag:s17] =	ssyncadd.s32 $0xFFFFF000  }
0x165: {  	_ =	swait.ge [sflag:s17], $0x1000  }
0x166: {  	[sflag:s17] =	ssyncset.done $0x0  }
0x167: {  	[sflag:s17] =	ssyncadd.s32 $0xFFFFF000  }
0x168: {  	_ =	swait.ge [sflag:s17], $0x1000  }
0x169: {  	[sflag:s17] =	ssyncset.done $0x0  }
0x16a: {  	[sflag:s17] =	ssyncadd.s32 $0xFFFFF000  }
0x16b: {  	_ =	swait.ge [sflag:s17], $0x1000  }
0x16c: {  	[sflag:s17] =	ssyncset.done $0x0  }
0x16d: {  	[sflag:s17] =	ssyncadd.s32 $0xFFFFF000  }
0x16e: {  	_ =	swait.ge [sflag:s17], $0x1000  }
0x16f: {  	[sflag:s17] =	ssyncset.done $0x0  }
0x170: {  	[sflag:s17] =	ssyncadd.s32 $0xFFFFF000  }
0x171: {  	_ =	swait.ge [sflag:s17], $0x1000  }
0x172: {  	[sflag:s17] =	ssyncset.done $0x0  }
0x173: {  	[sflag:s17] =	ssyncadd.s32 $0xFFFFF000  }
0x174: {  	_ =	swait.ge [sflag:s17], $0x1000  }
0x175: {  	[sflag:s17] =	ssyncset.done $0x0  }
0x176: {  	[sflag:s17] =	ssyncadd.s32 $0xFFFFF000  }
0x177: {  	_ =	swait.ge [sflag:s17], $0x1000  }
0x178: {  	[sflag:s17] =	ssyncset.done $0x0  }
0x179: {  	[sflag:s17] =	ssyncadd.s32 $0xFFFFF000  }
0x17a: {  	_ =	swait.ge [sflag:s17], $0x1000  }
0x17b: {  	[sflag:s17] =	ssyncset.done $0x0  }
0x17c: {  	[sflag:s17] =	ssyncadd.s32 $0xFFFFF000  }
0x17d: {  	_ =	swait.ge [sflag:s17], $0x1000  }
0x17e: {  	[sflag:s17] =	ssyncset.done $0x0  }
0x17f: {  	[sflag:s17] =	ssyncadd.s32 $0xFFFFF000  }
0x180: {  	_ =	swait.ge [sflag:s17], $0x1000  }
0x181: {  	[sflag:s17] =	ssyncset.done $0x0  }
0x182: {  	[sflag:s17] =	ssyncadd.s32 $0xFFFFF000  }
0x183: {  	_ =	swait.ge [sflag:s17], $0x1000  }
0x184: {  	[sflag:s17] =	ssyncset.done $0x0  }
0x185: {  	[sflag:s17] =	ssyncadd.s32 $0xFFFFF000  }
0x186: {  	_ =	swait.ge [sflag:s17], $0x1000  }
0x187: {  	[sflag:s17] =	ssyncset.done $0x0  }
0x188: {  	[sflag:s17] =	ssyncadd.s32 $0xFFFFF000  }
0x189: {  	_ =	swait.ge [sflag:s17], $0x1000  }
0x18a: {  	[sflag:s17] =	ssyncset.done $0x0  }
0x18b: {  	[sflag:s17] =	ssyncadd.s32 $0xFFFFF000  }
0x18c: {  	_ =	swait.ge [sflag:s17], $0x1000  }
0x18d: {  	[sflag:s17] =	ssyncset.done $0x0  }
0x18e: {  	[sflag:s17] =	ssyncadd.s32 $0xFFFFF000  }
0x18f: {  	_ =	swait.ge [sflag:s17], $0x1000  }
0x190: {  	[sflag:s17] =	ssyncset.done $0x0  }
0x191: {  	[sflag:s17] =	ssyncadd.s32 $0xFFFFF000  }
0x192: {  	_ =	swait.ge [sflag:s17], $0x1000  }
0x193: {  	[sflag:s17] =	ssyncset.done $0x0  }
0x194: {  	v3 =	vimm.f32 $0.0e+00;
	s20 =	simm.s32 $0x0;
	[sflag:s17] =	ssyncadd.s32 $0xFFFFF000  }
.LBB2_2:
0x195: {  	_ = 	snop  }
0x196: {  	[tilespmem:$0x1F3B0] =	vst v3;
	v3 =	vor.u32 s20, v21  }
0x197: {  	v8 =	vmul.u32 $0xA0, v3;
	_ =	sdelay $0x1  }
0x198: {  	v9 =	vadd.s32 v0, v8;
	v0 =	vld [tilespmem:$0x1FEE0];
	_ =	sdelay $0x4  }
0x199: {  	v14 =	vadd.s32 v0, v8;
	v0 =	vld [tilespmem:$0x1FEF0];
	_ =	sdelay $0x4  }
0x19a: {  	v16 =	vadd.s32 v0, v8;
	v0 =	vld [tilespmem:$0x1FF00];
	_ =	sdelay $0x3  }
0x19b: {  	v11 =	vshll.u32 v3, $0x5  }
0x19c: {  	v17 =	vor.u32 v18, v11;
	v18 =	vor.u32 v0, v8;
	v0 =	vld [tilespmem:$0x1FF10];
	_ =	sdelay $0x4  }
0x19d: {  	v19 =	vadd.s32 v0, v8;
	v0 =	vld [tilespmem:$0x1FF20];
	_ =	sdelay $0x4  }
0x19e: {  	v20 =	vadd.s32 v0, v8;
	v0 =	vld [tilespmem:$0x1FF30];
	_ =	sdelay $0x4  }
0x19f: {  	v23 =	vadd.s32 v0, v8;
	v0 =	vld [tilespmem:$0x1FF40];
	_ =	sdelay $0x4  }
0x1a0: {  	v25 =	vadd.s32 v0, v8;
	v0 =	vld [tilespmem:$0x1FF50];
	_ =	sdelay $0x4  }
0x1a1: {  	v26 =	vor.u32 v28, v11;
	v28 =	vor.u32 v0, v8;
	v0 =	vld [tilespmem:$0x1FF60];
	_ =	sdelay $0x4  }
0x1a2: {  	v29 =	vadd.s32 v0, v8;
	v0 =	vld [tilespmem:$0x1FF70];
	_ =	sdelay $0x4  }
0x1a3: {  	v30 =	vadd.s32 v0, v8;
	v0 =	vld [tilespmem:$0x1FA10];
	_ =	sdelay $0x4  }
0x1a4: {  	v37 =	vadd.s32 v0, v8;
	v0 =	vld [tilespmem:$0x1FA20];
	_ =	sdelay $0x4  }
0x1a5: {  	v38 =	vadd.s32 v0, v8;
	v0 =	vld [tilespmem:$0x1FA30];
	_ =	sdelay $0x4  }
0x1a6: {  	v43 =	vadd.s32 v0, v8;
	v0 =	vld [tilespmem:$0x1FA40];
	_ =	sdelay $0x4  }
0x1a7: {  	v47 =	vadd.s32 v0, v8;
	v0 =	vld [tilespmem:$0x1FA50];
	_ =	sdelay $0x4  }
0x1a8: {  	v48 =	vor.u32 v0, v11;
	v50 =	vor.u32 v0, v8;
	v0 =	vld [tilespmem:$0x1FA60];
	_ =	sdelay $0x4  }
0x1a9: {  	v54 =	vadd.s32 v0, v8;
	v0 =	vld [tilespmem:$0x1FA70];
	_ =	sdelay $0x2  }
0x1aa: {  	v6 =	vor.u32 v21, v11  }
0x1ab: {  	v3 =	vor.u32 v21, v8  }
0x1ac: {  	v40 =	vadd.s32 v56, v8;
	v56 =	vadd.s32 v0, v8;
	v0 =	vld [tilespmem:$0x1FA80];
	_ =	sdelay $0x2  }
0x1ad: {  	v12 =	vld.idx.msk [tilespmem:v6+s14+$0x0], $0xffff  }
0x1ae: {  	v3 =	vld.idx.msk [tilespmem:v3+s28+$0x0], $0xffff  }
0x1af: {  	v57 =	vadd.s32 v0, v8;
	v0 =	vld [tilespmem:$0x1FA90]  }
0x1b0: {  	v10 =	vadd.s32 v4, v8;
	v22 =	vld.idx.msk [tilespmem:v17+s14+$0x0], $0xffff  }
0x1b1: {  	v18 =	vld.idx.msk [tilespmem:v18+s28+$0x0], $0xffff  }
0x1b2: {  	v19 =	vld.idx.msk [tilespmem:v19+s28+$0x0], $0xffff  }
0x1b3: {  	v35 =	vor.u32 v58, v11;
	v20 =	vld.idx.msk [tilespmem:v20+s28+$0x0], $0xffff  }
0x1b4: {  	v36 =	vor.u32 v58, v8;
	v3 =	vmul.f32 v3, v12;
	v58 =	vadd.s32 v0, v8;
	v0 =	vld [tilespmem:$0x1FAA0]  }
0x1b5: {  	v10 =	vld.idx.msk [tilespmem:v10+s28+$0x0], $0xffff  }
0x1b6: {  	v3 =	vadd.f32 $0.0e+00, v3;
	v18 =	vmul.f32 v18, v22  }
0x1b7: {  	v6 =	vld.idx.msk [tilespmem:v6+s15+$0x0], $0xffff  }
0x1b8: {  	v3 =	vadd.f32 v18, v3;
	v18 =	vmul.f32 v19, v22;
	v19 =	vmul.f32 v20, v22;
	v20 =	vld.idx.msk [tilespmem:v54+s28+$0x0], $0xffff  }
0x1b9: {  	v41 =	vor.u32 v0, v11;
	v54 =	vor.u32 v0, v8;
	v0 =	vld [tilespmem:$0x1FAB0]  }
0x1ba: {  	v14 =	vld.idx.msk [tilespmem:v14+s28+$0x0], $0xffff;
	v10 =	vmul.f32 v10, v12  }
0x1bb: {  	v9 =	vld.idx.msk [tilespmem:v9+s28+$0x0], $0xffff  }
0x1bc: {  	v32 =	vadd.s32 v34, v8;
	v10 =	vadd.f32 $0.0e+00, v10;
	v23 =	vld.idx.msk [tilespmem:v23+s28+$0x0], $0xffff  }
0x1bd: {  	v17 =	vld.idx.msk [tilespmem:v17+s15+$0x0], $0xffff  }
0x1be: {  	v10 =	vadd.f32 v19, v10;
	v19 =	vadd.s32 v0, v8;
	v0 =	vld [tilespmem:$0x1FAC0]  }
0x1bf: {  	v31 =	vld.idx.msk [tilespmem:v26+s14+$0x0], $0xffff;
	v14 =	vmul.f32 v14, v12  }
0x1c0: {  	v26 =	vld.idx.msk [tilespmem:v26+s15+$0x0], $0xffff  }
0x1c1: {  	v32 =	vld.idx.msk [tilespmem:v32+s28+$0x0], $0xffff;
	v14 =	vadd.f32 $0.0e+00, v14;
	v23 =	vmul.f32 v23, v22  }
0x1c2: {  	v16 =	vld.idx.msk [tilespmem:v16+s28+$0x0], $0xffff  }
0x1c3: {  	v9 =	vmul.f32 v9, v12;
	v14 =	vadd.f32 v23, v14;
	v23 =	vadd.s32 v0, v8;
	v0 =	vld [tilespmem:$0x1FAD0]  }
0x1c4: {  	v6 =	vmul.f32 v6, v12;
	v25 =	vld.idx.msk [tilespmem:v25+s28+$0x0], $0xffff  }
0x1c5: {  	v9 =	vadd.f32 $0.0e+00, v9;
	v28 =	vld.idx.msk [tilespmem:v28+s28+$0x0], $0xffff  }
0x1c6: {  	v6 =	vadd.f32 $0.0e+00, v6;
	v29 =	vld.idx.msk [tilespmem:v29+s28+$0x0], $0xffff  }
0x1c7: {  	v12 =	vmul.f32 v16, v12;
	v16 =	vmul.f32 v17, v22;
	v9 =	vadd.f32 v18, v9;
	v18 =	vld.idx.msk [tilespmem:v57+s28+$0x0], $0xffff  }
0x1c8: {  	v57 =	vadd.s32 v0, v8;
	v0 =	vld [tilespmem:$0x1FAE0]  }
0x1c9: {  	v6 =	vadd.f32 v16, v6;
	v16 =	vld.idx.msk [tilespmem:v50+s28+$0x0], $0xffff  }
0x1ca: {  	v22 =	vmul.f32 v25, v22;
	v25 =	vld.idx.msk [tilespmem:v56+s28+$0x0], $0xffff  }
0x1cb: {  	v56 =	vld.idx.msk [tilespmem:v41+s14+$0x0], $0xffff  }
0x1cc: {  	v50 =	vld.idx.msk [tilespmem:v41+s15+$0x0], $0xffff  }
0x1cd: {  	v41 =	vadd.s32 v0, v8;
	v0 =	vld [tilespmem:$0x1FAF0]  }
0x1ce: {  	v34 =	vld.idx.msk [tilespmem:v40+s28+$0x0], $0xffff  }
0x1cf: {  	v28 =	vmul.f32 v28, v31;
	v30 =	vld.idx.msk [tilespmem:v30+s28+$0x0], $0xffff;
	v29 =	vmul.f32 v29, v31  }
0x1d0: {  	v40 =	vld.idx.msk [tilespmem:v35+s14+$0x0], $0xffff  }
0x1d1: {  	v35 =	vld.idx.msk [tilespmem:v35+s15+$0x0], $0xffff;
	v3 =	vadd.f32 v28, v3;
	v9 =	vadd.f32 v29, v9  }
0x1d2: {  	v29 =	vmul.f32 v32, v31;
	v28 =	vor.u32 v0, v11;
	v32 =	vor.u32 v0, v8;
	v0 =	vld [tilespmem:$0x1FB00];
	_ =	sdelay $0x1  }
0x1d3: {  	v30 =	vmul.f32 v30, v31;
	_ =	sdelay $0x1  }
0x1d4: {  	v26 =	vmul.f32 v26, v31;
	v10 =	vadd.f32 v30, v10  }
0x1d5: {  	v30 =	vmul.f32 v34, v31;
	v31 =	vmul.f32 v35, v40;
	v35 =	vadd.s32 v0, v8;
	v0 =	vld [tilespmem:$0x1FB10];
	_ =	sdelay $0x2  }
0x1d6: {  	v6 =	vadd.f32 v26, v6;
	_ =	sdelay $0x1  }
0x1d7: {  	v6 =	vadd.f32 v31, v6;
	v31 =	vadd.s32 v0, v8;
	v0 =	vld [tilespmem:$0x1FB20];
	_ =	sdelay $0x2  }
0x1d8: {  	v36 =	vld.idx.msk [tilespmem:v36+s28+$0x0], $0xffff  }
0x1d9: {  	v37 =	vld.idx.msk [tilespmem:v37+s28+$0x0], $0xffff  }
0x1da: {  	v51 =	vadd.s32 v0, v8;
	v0 =	vld [tilespmem:$0x1FB30];
	_ =	sdelay $0x1  }
0x1db: {  	v12 =	vadd.f32 $0.0e+00, v12;
	v47 =	vld.idx.msk [tilespmem:v47+s28+$0x0], $0xffff  }
0x1dc: {  	v14 =	vadd.f32 v29, v14;
	v29 =	vmul.f32 v36, v40  }
0x1dd: {  	v12 =	vadd.f32 v22, v12;
	v34 =	vld.idx.msk [tilespmem:v57+s28+$0x0], $0xffff  }
0x1de: {  	v3 =	vadd.f32 v29, v3;
	v29 =	vmul.f32 v37, v40;
	v57 =	vadd.s32 v0, v8;
	v0 =	vld [tilespmem:$0x1FB40]  }
0x1df: {  	v17 =	vld.idx.msk [tilespmem:v48+s14+$0x0], $0xffff  }
0x1e0: {  	v12 =	vadd.f32 v30, v12;
	v9 =	vadd.f32 v29, v9;
	v48 =	vld.idx.msk [tilespmem:v48+s15+$0x0], $0xffff;
	v29 =	vmul.f32 v47, v40  }
0x1e1: {  	v22 =	vld.idx.msk [tilespmem:v58+s28+$0x0], $0xffff  }
0x1e2: {  	v12 =	vadd.f32 v29, v12;
	v29 =	vld.idx.msk [tilespmem:v31+s28+$0x0], $0xffff  }
0x1e3: {  	v58 =	vor.u32 v0, v11;
	v31 =	vor.u32 v0, v8;
	v0 =	vld [tilespmem:$0x1FB50];
	_ =	sdelay $0x4  }
0x1e4: {  	v47 =	vmul.f32 v48, v17;
	v48 =	vadd.s32 v0, v8;
	v0 =	vld [tilespmem:$0x1FB60];
	_ =	sdelay $0x3  }
0x1e5: {  	v37 =	vld.idx.msk [tilespmem:v51+s28+$0x0], $0xffff  }
0x1e6: {  	v51 =	vadd.s32 v0, v8;
	v0 =	vld [tilespmem:$0x1FB70]  }
0x1e7: {  	v38 =	vld.idx.msk [tilespmem:v38+s28+$0x0], $0xffff;
	_ =	sdelay $0x2  }
0x1e8: {  	v26 =	vld.idx.msk [tilespmem:v54+s28+$0x0], $0xffff  }
0x1e9: {  	v54 =	vadd.s32 v0, v8;
	v0 =	vld [tilespmem:$0x1FB80]  }
0x1ea: {  	v38 =	vmul.f32 v38, v40;
	v16 =	vmul.f32 v16, v17;
	_ =	sdelay $0x1  }
0x1eb: {  	v10 =	vadd.f32 v38, v10;
	v3 =	vadd.f32 v16, v3;
	v16 =	vmul.f32 v25, v17;
	_ =	sdelay $0x1  }
0x1ec: {  	v10 =	vadd.f32 v16, v10;
	v16 =	vmul.f32 v22, v17;
	v22 =	vadd.s32 v0, v8;
	v0 =	vld [tilespmem:$0x1FB90]  }
0x1ed: {  	v20 =	vmul.f32 v20, v17;
	v19 =	vld.idx.msk [tilespmem:v19+s28+$0x0], $0xffff  }
0x1ee: {  	v25 =	vld.idx.msk [tilespmem:v57+s28+$0x0], $0xffff  }
0x1ef: {  	v9 =	vadd.f32 v20, v9;
	v20 =	vld.idx.msk [tilespmem:v58+s14+$0x0], $0xffff  }
0x1f0: {  	v18 =	vmul.f32 v18, v17;
	v17 =	vld.idx.msk [tilespmem:v58+s15+$0x0], $0xffff  }
0x1f1: {  	v57 =	vor.u32 v0, v11;
	v58 =	vor.u32 v0, v8;
	v0 =	vld [tilespmem:$0x1FBA0];
	_ =	sdelay $0x2  }
0x1f2: {  	v19 =	vmul.f32 v19, v56;
	_ =	sdelay $0x1  }
0x1f3: {  	v9 =	vadd.f32 v19, v9;
	v19 =	vadd.s32 v0, v8;
	v0 =	vld [tilespmem:$0x1FBB0]  }
0x1f4: {  	v43 =	vld.idx.msk [tilespmem:v43+s28+$0x0], $0xffff;
	_ =	sdelay $0x2  }
0x1f5: {  	v12 =	vadd.f32 v16, v12;
	v16 =	vmul.f32 v26, v56;
	v26 =	vld.idx.msk [tilespmem:v48+s28+$0x0], $0xffff  }
0x1f6: {  	v48 =	vadd.s32 v0, v8;
	v0 =	vld [tilespmem:$0x1FBC0]  }
0x1f7: {  	v43 =	vmul.f32 v43, v40;
	_ =	sdelay $0x1  }
0x1f8: {  	v14 =	vadd.f32 v43, v14;
	_ =	sdelay $0x1  }
0x1f9: {  	v14 =	vadd.f32 v18, v14;
	v18 =	vmul.f32 v50, v56;
	v50 =	vadd.s32 v0, v8;
	v0 =	vld [tilespmem:$0x1FBD0];
	_ =	sdelay $0x1  }
0x1fa: {  	v23 =	vld.idx.msk [tilespmem:v23+s28+$0x0], $0xffff  }
0x1fb: {  	v30 =	vld.idx.msk [tilespmem:v41+s28+$0x0], $0xffff  }
0x1fc: {  	v3 =	vadd.f32 v16, v3;
	v16 =	vld.idx.msk [tilespmem:v54+s28+$0x0], $0xffff  }
0x1fd: {  	v6 =	vadd.f32 v47, v6;
	v54 =	vadd.s32 v0, v8;
	v0 =	vld [tilespmem:$0x1FBE0]  }
0x1fe: {  	v36 =	vld.idx.msk [tilespmem:v28+s14+$0x0], $0xffff  }
0x1ff: {  	v6 =	vadd.f32 v18, v6;
	v18 =	vmul.f32 v23, v56;
	v23 =	vld.idx.msk [tilespmem:v51+s28+$0x0], $0xffff  }
0x200: {  	v30 =	vmul.f32 v30, v56;
	v43 =	vld.idx.msk [tilespmem:v57+s14+$0x0], $0xffff  }
0x201: {  	v51 =	vld.idx.msk [tilespmem:v57+s15+$0x0], $0xffff  }
0x202: {  	v12 =	vadd.f32 v30, v12;
	v30 =	vor.u32 v0, v11;
	v57 =	vor.u32 v0, v8;
	v0 =	vld [tilespmem:$0x1FBF0];
	_ =	sdelay $0x1  }
0x203: {  	v28 =	vld.idx.msk [tilespmem:v28+s15+$0x0], $0xffff  }
0x204: {  	v10 =	vadd.f32 v18, v10;
	v29 =	vmul.f32 v29, v36;
	_ =	sdelay $0x1  }
0x205: {  	v10 =	vadd.f32 v29, v10;
	v29 =	vadd.s32 v0, v8;
	v0 =	vld [tilespmem:$0x1FC00];
	_ =	sdelay $0x1  }
0x206: {  	v28 =	vmul.f32 v28, v36  }
0x207: {  	v32 =	vld.idx.msk [tilespmem:v32+s28+$0x0], $0xffff  }
0x208: {  	v6 =	vadd.f32 v28, v6;
	v28 =	vld.idx.msk [tilespmem:v58+s28+$0x0], $0xffff  }
0x209: {  	v58 =	vadd.s32 v0, v8;
	v0 =	vld [tilespmem:$0x1FC10];
	_ =	sdelay $0x1  }
0x20a: {  	v35 =	vld.idx.msk [tilespmem:v35+s28+$0x0], $0xffff  }
0x20b: {  	v18 =	vmul.f32 v34, v56  }
0x20c: {  	v34 =	vld.idx.msk [tilespmem:v48+s28+$0x0], $0xffff  }
0x20d: {  	v14 =	vadd.f32 v18, v14;
	v18 =	vmul.f32 v32, v36;
	v48 =	vadd.s32 v0, v8;
	v0 =	vld [tilespmem:$0x1FC20];
	_ =	sdelay $0x1  }
0x20e: {  	v3 =	vadd.f32 v18, v3;
	v18 =	vmul.f32 v35, v36  }
0x20f: {  	v31 =	vld.idx.msk [tilespmem:v31+s28+$0x0], $0xffff  }
0x210: {  	v9 =	vadd.f32 v18, v9;
	v18 =	vld.idx.msk [tilespmem:v50+s28+$0x0], $0xffff  }
0x211: {  	v50 =	vadd.s32 v0, v8;
	v0 =	vld [tilespmem:$0x1FC30];
	_ =	sdelay $0x1  }
0x212: {  	v23 =	vmul.f32 v23, v20  }
0x213: {  	v31 =	vmul.f32 v31, v20;
	v22 =	vld.idx.msk [tilespmem:v22+s28+$0x0], $0xffff  }
0x214: {  	v10 =	vadd.f32 v23, v10;
	v23 =	vld.idx.msk [tilespmem:v29+s28+$0x0], $0xffff  }
0x215: {  	v3 =	vadd.f32 v31, v3;
	v31 =	vor.u32 v0, v11;
	v29 =	vor.u32 v0, v8;
	v0 =	vld [tilespmem:$0x1FC40];
	_ =	sdelay $0x2  }
0x216: {  	v17 =	vmul.f32 v17, v20  }
0x217: {  	v26 =	vmul.f32 v26, v20;
	v16 =	vmul.f32 v16, v20  }
0x218: {  	v20 =	vmul.f32 v22, v20;
	v22 =	vmul.f32 v51, v43;
	v51 =	vadd.s32 v0, v8;
	v0 =	vld [tilespmem:$0x1FC50];
	_ =	sdelay $0x2  }
0x219: {  	v6 =	vadd.f32 v17, v6;
	_ =	sdelay $0x1  }
0x21a: {  	v6 =	vadd.f32 v22, v6;
	v22 =	vadd.s32 v0, v8;
	v0 =	vld [tilespmem:$0x1FC60];
	_ =	sdelay $0x1  }
0x21b: {  	v25 =	vmul.f32 v25, v36  }
0x21c: {  	v19 =	vld.idx.msk [tilespmem:v19+s28+$0x0], $0xffff  }
0x21d: {  	v56 =	vmul.f32 v37, v36;
	v12 =	vadd.f32 v25, v12;
	v25 =	vld.idx.msk [tilespmem:v54+s28+$0x0], $0xffff  }
0x21e: {  	v54 =	vadd.s32 v0, v8;
	v0 =	vld [tilespmem:$0x1FC70]  }
0x21f: {  	v14 =	vadd.f32 v56, v14;
	_ =	sdelay $0x1  }
0x220: {  	v14 =	vadd.f32 v16, v14;
	v16 =	vmul.f32 v28, v43;
	v47 =	vld.idx.msk [tilespmem:v30+s14+$0x0], $0xffff  }
0x221: {  	v9 =	vadd.f32 v26, v9;
	v17 =	vld.idx.msk [tilespmem:v57+s28+$0x0], $0xffff  }
0x222: {  	v3 =	vadd.f32 v16, v3;
	v16 =	vmul.f32 v19, v43;
	v56 =	vadd.s32 v0, v8;
	v0 =	vld [tilespmem:$0x1FC80];
	_ =	sdelay $0x1  }
0x223: {  	v12 =	vadd.f32 v20, v12;
	v9 =	vadd.f32 v16, v9;
	v16 =	vmul.f32 v25, v43  }
0x224: {  	v25 =	vld.idx.msk [tilespmem:v29+s28+$0x0], $0xffff  }
0x225: {  	v12 =	vadd.f32 v16, v12;
	v16 =	vmul.f32 v17, v47;
	v17 =	vld.idx.msk [tilespmem:v22+s28+$0x0], $0xffff  }
0x226: {  	v29 =	vor.u32 v0, v11;
	v22 =	vor.u32 v0, v8;
	v0 =	vld [tilespmem:$0x1FC90];
	_ =	sdelay $0x4  }
0x227: {  	v57 =	vadd.s32 v0, v8;
	v0 =	vld [tilespmem:$0x1FCA0];
	_ =	sdelay $0x2  }
0x228: {  	v30 =	vld.idx.msk [tilespmem:v30+s15+$0x0], $0xffff  }
0x229: {  	v26 =	vld.idx.msk [tilespmem:v58+s28+$0x0], $0xffff  }
0x22a: {  	v58 =	vadd.s32 v0, v8;
	v0 =	vld [tilespmem:$0x1FCB0];
	_ =	sdelay $0x1  }
0x22b: {  	v18 =	vmul.f32 v18, v43;
	v28 =	vld.idx.msk [tilespmem:v48+s28+$0x0], $0xffff  }
0x22c: {  	v20 =	vld.idx.msk [tilespmem:v50+s28+$0x0], $0xffff  }
0x22d: {  	v14 =	vadd.f32 v18, v14;
	v18 =	vmul.f32 v30, v47;
	v19 =	vld.idx.msk [tilespmem:v31+s14+$0x0], $0xffff  }
0x22e: {  	v34 =	vmul.f32 v34, v43;
	v36 =	vadd.s32 v0, v8;
	v0 =	vld [tilespmem:$0x1FCC0]  }
0x22f: {  	v6 =	vadd.f32 v18, v6;
	v18 =	vmul.f32 v23, v47;
	v31 =	vld.idx.msk [tilespmem:v31+s15+$0x0], $0xffff  }
0x230: {  	v10 =	vadd.f32 v34, v10;
	v3 =	vadd.f32 v16, v3;
	v16 =	vmul.f32 v26, v47;
	v23 =	vld.idx.msk [tilespmem:v54+s28+$0x0], $0xffff  }
0x231: {  	v9 =	vadd.f32 v18, v9;
	v18 =	vmul.f32 v28, v47;
	v28 =	vld.idx.msk [tilespmem:v29+s14+$0x0], $0xffff  }
0x232: {  	v10 =	vadd.f32 v16, v10;
	v16 =	vmul.f32 v20, v47;
	v20 =	vld.idx.msk [tilespmem:v29+s15+$0x0], $0xffff  }
0x233: {  	v29 =	vadd.s32 v0, v8;
	v0 =	vld [tilespmem:$0x1FCD0]  }
0x234: {  	v14 =	vadd.f32 v18, v14;
	v18 =	vmul.f32 v31, v19  }
0x235: {  	v30 =	vld.idx.msk [tilespmem:v51+s28+$0x0], $0xffff  }
0x236: {  	v6 =	vadd.f32 v18, v6;
	v26 =	vld.idx.msk [tilespmem:v56+s28+$0x0], $0xffff;
	v18 =	vmul.f32 v23, v19;
	_ =	sdelay $0x1  }
0x237: {  	v14 =	vadd.f32 v18, v14;
	v31 =	vor.u32 v0, v11;
	v18 =	vor.u32 v0, v8;
	v0 =	vld [tilespmem:$0x1FCE0]  }
0x238: {  	v12 =	vadd.f32 v16, v12;
	v16 =	vmul.f32 v25, v19;
	v22 =	vld.idx.msk [tilespmem:v22+s28+$0x0], $0xffff  }
0x239: {  	v25 =	vmul.f32 v30, v19;
	v17 =	vmul.f32 v17, v19;
	v30 =	vld.idx.msk [tilespmem:v57+s28+$0x0], $0xffff  }
0x23a: {  	v3 =	vadd.f32 v16, v3;
	v16 =	vmul.f32 v26, v19;
	v19 =	vld.idx.msk [tilespmem:v36+s28+$0x0], $0xffff  }
0x23b: {  	v10 =	vadd.f32 v17, v10;
	v17 =	vld.idx.msk [tilespmem:v29+s28+$0x0], $0xffff  }
0x23c: {  	v9 =	vadd.f32 v25, v9;
	v25 =	vadd.s32 v0, v8;
	v0 =	vld [tilespmem:$0x1FCF0]  }
0x23d: {  	v12 =	vadd.f32 v16, v12;
	v16 =	vmul.f32 v20, v28;
	v20 =	vld.idx.msk [tilespmem:v31+s14+$0x0], $0xffff  }
0x23e: {  	v22 =	vmul.f32 v22, v28;
	v26 =	vld.idx.msk [tilespmem:v31+s15+$0x0], $0xffff;
	v31 =	vadd.s32 $0x6C, v21  }
0x23f: {  	v6 =	vadd.f32 v16, v6;
	v23 =	vld.idx.msk [tilespmem:v58+s28+$0x0], $0xffff;
	v16 =	vadd.s32 v31, v8;
	v31 =	vadd.s32 $0x8C, v21  }
0x240: {  	v3 =	vadd.f32 v22, v3;
	v22 =	vmul.f32 v30, v28;
	v30 =	vadd.s32 v31, v8  }
0x241: {  	v19 =	vmul.f32 v19, v28;
	v31 =	vadd.s32 $0xD, v21;
	v29 =	vadd.s32 v0, v8  }
0x242: {  	v9 =	vadd.f32 v22, v9;
	v22 =	vld.idx.msk [tilespmem:v25+s28+$0x0], $0xffff;
	v25 =	vor.u32 v31, v11  }
0x243: {  	v14 =	vadd.f32 v19, v14;
	v18 =	vld.idx.msk [tilespmem:v18+s28+$0x0], $0xffff;
	v17 =	vmul.f32 v17, v28;
	v19 =	vmul.f32 v26, v20  }
0x244: {  	v23 =	vmul.f32 v23, v28;
	v28 =	vadd.s32 $0x4D, v21;
	v16 =	vld.idx.msk [tilespmem:v16+s28+$0x0], $0xffff  }
0x245: {  	v12 =	vadd.f32 v17, v12;
	v17 =	vor.u32 v31, v8;
	v6 =	vadd.f32 v19, v6;
	v19 =	vld.idx.msk [tilespmem:v30+s28+$0x0], $0xffff  }
0x246: {  	v10 =	vadd.f32 v23, v10;
	v28 =	vadd.s32 v28, v8;
	v26 =	vadd.s32 $0x2D, v21;
	v23 =	vld.idx.msk [tilespmem:v29+s28+$0x0], $0xffff  }
0x247: {  	v37 =	vadd.s32 $0xE, v21;
	v26 =	vadd.s32 v26, v8;
	v29 =	vadd.s32 $0x6D, v21;
	v30 =	vld.idx.msk [tilespmem:v25+s14+$0x0], $0xffff  }
0x248: {  	v18 =	vmul.f32 v18, v20;
	v31 =	vadd.s32 $0x8D, v21;
	v25 =	vld.idx.msk [tilespmem:v25+s15+$0x0], $0xffff;
	v29 =	vadd.s32 v29, v8  }
0x249: {  	v4 =	vld [tilespmem:$0x1F3C0];
	v31 =	vadd.s32 v31, v8;
	v22 =	vmul.f32 v22, v20;
	v16 =	vmul.f32 v16, v20  }
0x24a: {  	v3 =	vadd.f32 v18, v3;
	v18 =	vor.u32 v37, v11;
	v17 =	vld.idx.msk [tilespmem:v17+s28+$0x0], $0xffff;
	v19 =	vmul.f32 v19, v20  }
0x24b: {  	v9 =	vadd.f32 v22, v9;
	v22 =	vor.u32 v37, v8;
	v14 =	vadd.f32 v16, v14;
	v16 =	vld.idx.msk [tilespmem:v28+s28+$0x0], $0xffff  }
0x24c: {  	v12 =	vadd.f32 v19, v12;
	v23 =	vmul.f32 v23, v20;
	v20 =	vld.idx.msk [tilespmem:v26+s28+$0x0], $0xffff;
	v26 =	vadd.s32 $0x4E, v21  }
0x24d: {  	v25 =	vmul.f32 v25, v30;
	v19 =	vld.idx.msk [tilespmem:v29+s28+$0x0], $0xffff;
	v26 =	vadd.s32 v26, v8;
	v29 =	vadd.s32 $0x6E, v21  }
0x24e: {  	v40 =	vadd.s32 $0xF, v21;
	v28 =	vld.idx.msk [tilespmem:v31+s28+$0x0], $0xffff;
	v29 =	vadd.s32 v29, v8  }
0x24f: {  	v31 =	vld.idx.msk [tilespmem:v18+s14+$0x0], $0xffff;
	v6 =	vadd.f32 v25, v6;
	v25 =	vor.u32 v40, v11  }
0x250: {  	v18 =	vld.idx.msk [tilespmem:v18+s15+$0x0], $0xffff;
	v10 =	vadd.f32 v23, v10;
	v23 =	vadd.s32 $0x2E, v21;
	v16 =	vmul.f32 v16, v30  }
0x251: {  	v38 =	vadd.s32 $0x8E, v21;
	v41 =	vadd.s32 $0x6F, v21;
	v22 =	vld.idx.msk [tilespmem:v22+s28+$0x0], $0xffff;
	v23 =	vadd.s32 v23, v8  }
0x252: {  	v32 =	vadd.s32 v38, v8;
	v20 =	vmul.f32 v20, v30;
	v10 =	vadd.f32 v16, v10;
	v16 =	vld.idx.msk [tilespmem:v26+s28+$0x0], $0xffff  }
0x253: {  	v47 =	vadd.s32 $0x8F, v21;
	v17 =	vmul.f32 v17, v30;
	v28 =	vmul.f32 v28, v30;
	v26 =	vld.idx.msk [tilespmem:v29+s28+$0x0], $0xffff  }
0x254: {  	v9 =	vadd.f32 v20, v9;
	v20 =	vor.u32 v40, v8;
	v29 =	vadd.s32 $0x4F, v21;
	v43 =	vld.idx.msk [tilespmem:v25+s14+$0x0], $0xffff  }
0x255: {  	v35 =	vadd.s32 v47, v8;
	v3 =	vadd.f32 v17, v3;
	v25 =	vld.idx.msk [tilespmem:v25+s15+$0x0], $0xffff;
	v29 =	vadd.s32 v29, v8  }
0x256: {  	v18 =	vmul.f32 v18, v31;
	v12 =	vadd.f32 v28, v12;
	v17 =	vld.idx.msk [tilespmem:v23+s28+$0x0], $0xffff;
	v23 =	vadd.s32 $0x2F, v21  }
0x257: {  	v28 =	vor.u32 $0x30, v21;
	v19 =	vmul.f32 v19, v30;
	v30 =	vld.idx.msk [tilespmem:v32+s28+$0x0], $0xffff;
	v23 =	vadd.s32 v23, v8  }
0x258: {  	v32 =	vadd.s32 v41, v8;
	v28 =	vadd.s32 v28, v8;
	v41 =	vld [tilespmem:$0x1F3D0];
	v22 =	vmul.f32 v22, v31  }
0x259: {  	v48 =	vor.u32 $0x10, v21;
	v14 =	vadd.f32 v19, v14;
	v16 =	vmul.f32 v16, v31;
	v19 =	vld.idx.msk [tilespmem:v20+s28+$0x0], $0xffff  }
0x25a: {  	v6 =	vadd.f32 v18, v6;
	v3 =	vadd.f32 v22, v3;
	v20 =	vor.u32 v48, v11;
	v22 =	vld.idx.msk [tilespmem:v29+s28+$0x0], $0xffff  }
0x25b: {  	v25 =	vmul.f32 v25, v43;
	v10 =	vadd.f32 v16, v10;
	v16 =	vmul.f32 v26, v31;
	v26 =	vld.idx.msk [tilespmem:v35+s28+$0x0], $0xffff  }
0x25c: {  	v17 =	vmul.f32 v17, v31;
	v29 =	vor.u32 $0x50, v21;
	v18 =	vld.idx.msk [tilespmem:v23+s28+$0x0], $0xffff;
	v23 =	vor.u32 v48, v8  }
0x25d: {  	v50 =	vor.u32 $0x70, v21;
	v29 =	vadd.s32 v29, v8;
	v6 =	vadd.f32 v25, v6;
	v25 =	vld.idx.msk [tilespmem:v28+s28+$0x0], $0xffff  }
0x25e: {  	v9 =	vadd.f32 v17, v9;
	v17 =	vld.idx.msk [tilespmem:v32+s28+$0x0], $0xffff;
	v32 =	vadd.s32 v50, v8  }
0x25f: {  	v30 =	vmul.f32 v30, v31;
	v31 =	vld.idx.msk [tilespmem:v20+s14+$0x0], $0xffff  }
0x260: {  	v51 =	vor.u32 $0x90, v21;
	v20 =	vld.idx.msk [tilespmem:v20+s15+$0x0], $0xffff;
	v19 =	vmul.f32 v19, v43  }
0x261: {  	v14 =	vadd.f32 v16, v14;
	v16 =	vld.idx.msk [tilespmem:v23+s28+$0x0], $0xffff;
	v23 =	vadd.s32 v51, v8;
	v18 =	vmul.f32 v18, v43  }
0x262: {  	v12 =	vadd.f32 v30, v12;
	v28 =	vld.idx.msk [tilespmem:v29+s28+$0x0], $0xffff;
	v3 =	vadd.f32 v19, v3  }
0x263: {  	v19 =	vmul.f32 v26, v43;
	v17 =	vmul.f32 v17, v43;
	v9 =	vadd.f32 v18, v9;
	v18 =	vld.idx.msk [tilespmem:v32+s28+$0x0], $0xffff  }
0x264: {  	v56 =	vsel vm0, v42, v53;
	v22 =	vmul.f32 v22, v43  }
0x265: {  	v14 =	vadd.f32 v17, v14;
	v17 =	vadd.f32 v19, v12;
	v19 =	vmul.f32 v20, v31  }
0x266: {  	v58 =	vcombine.low v15, v56;
	v0 =	vsel vm0, v61, v4;
	v10 =	vadd.f32 v22, v10;
	v12 =	vld.idx.msk [tilespmem:v23+s28+$0x0], $0xffff  }
0x267: {  	v22 =	vmul.f32 v25, v31;
	v23 =	vmul.f32 v28, v31;
	v6 =	vadd.f32 v19, v6  }
0x268: {  	v1 =	vld [tilespmem:$0x1F410];
	[tilespmem:$0x1F2A0] =	vst v0;
	v19 =	vcombine.low v39, v0;
	v0 =	vsel vm0, v41, v44;
	v18 =	vmul.f32 v18, v31  }
0x269: {  	v15 =	vld [tilespmem:$0x1F450];
	[tilespmem:$0x1F2D0] =	vst v0;
	v10 =	vadd.f32 v23, v10;
	v23 =	vcombine.low v7, v0;
	v0 =	vsel vm0, v33, v27  }
0x26a: {  	[tilespmem:$0x1F2E0] =	vst v0;
	v18 =	vadd.f32 v18, v14;
	v14 =	vcombine.low v46, v0;
	v0 =	vld [tilespmem:$0x1F400]  }
0x26b: {  	v9 =	vadd.f32 v22, v9;
	v22 =	vmul.f32 v12, v31;
	v12 =	vld [tilespmem:$0x1F440];
	_ =	sdelay $0x2  }
0x26c: {  	v5 =	vsel vm0, v45, v1  }
0x26d: {  	v24 =	vld [tilespmem:$0x1F490];
	v29 =	vor.u32 v58, v11;
	v28 =	vcombine.low v0, v5  }
0x26e: {  	[tilespmem:$0x1F360] =	vst v5;
	v54 =	vsel vm0, v62, v60;
	v30 =	vadd.s32 v14, v8;
	v5 =	vld [tilespmem:$0x1F480];
	v0 =	vsel vm0, v15, v12  }
0x26f: {  	v14 =	vand.u32 $0xFF, v28;
	v28 =	vcombine.low v59, v54;
	[tilespmem:$0x1F2B0] =	vst v0;
	v59 =	vcombine.low v63, v0;
	v0 =	vld [tilespmem:$0x1F470]  }
0x270: {  	v13 =	vld [tilespmem:$0x1F4C0]  }
0x271: {  	v51 =	vld [tilespmem:$0x1F4D0];
	v16 =	vmul.f32 v16, v31  }
0x272: {  	v25 =	vld.idx.msk [tilespmem:v29+s14+$0x0], $0xffff  }
0x273: {  	v16 =	vadd.f32 v16, v3;
	v3 =	vld.idx.msk [tilespmem:v29+s15+$0x0], $0xffff;
	v2 =	vsel vm0, v24, v5  }
0x274: {  	v60 =	vcombine.low v0, v2;
	v0 =	vld [tilespmem:$0x1F4B0];
	_ =	sdelay $0x2  }
0x275: {  	v21 =	vld [tilespmem:$0x1F500]  }
0x276: {  	v27 =	vld [tilespmem:$0x1F510];
	v29 =	vmul.f32 v3, v25;
	v3 =	vsel vm0, v51, v13  }
0x277: {  	v62 =	vcombine.low v0, v3;
	v0 =	vld [tilespmem:$0x1F4F0];
	_ =	sdelay $0x3  }
0x278: {  	v19 =	vadd.s32 v19, v8;
	[tilespmem:$0x1F2F0] =	vst v2;
	v2 =	vsel vm0, v27, v21  }
0x279: {  	v63 =	vcombine.low v0, v2;
	v0 =	vld [tilespmem:$0x1F800]  }
0x27a: {  	[tilespmem:$0x1F370] =	vst v2;
	v2 =	vld [tilespmem:$0x1F540]  }
0x27b: {  	v20 =	vor.u32 v58, v8;
	_ =	sdelay $0x1  }
0x27c: {  	v17 =	vadd.f32 v22, v17;
	v22 =	vadd.f32 v29, v6;
	v6 =	vld.idx.msk [tilespmem:v19+s28+$0x0], $0xffff;
	_ =	sdelay $0x1  }
0x27d: {  	v47 =	vsel vm0, v0, v2;
	v0 =	vld [tilespmem:$0x1F530]  }
0x27e: {  	v20 =	vld.idx.msk [tilespmem:v20+s28+$0x0], $0xffff;
	_ =	sdelay $0x1  }
0x27f: {  	v33 =	vmul.f32 v6, v25;
	v6 =	vld [tilespmem:$0x1F580]  }
0x280: {  	[tilespmem:$0x1F310] =	vst v3;
	v3 =	vld [tilespmem:$0x1F570]  }
0x281: {  	v45 =	vcombine.low v0, v47;
	v0 =	vld [tilespmem:$0x1F560]  }
0x282: {  	v20 =	vmul.f32 v20, v25  }
0x283: {  	v23 =	vadd.s32 v23, v8  }
0x284: {  	v57 =	vadd.f32 v20, v16;
	v20 =	vld [tilespmem:$0x1F5C0]  }
0x285: {  	v19 =	vadd.s32 v14, v8;
	v14 =	vld [tilespmem:$0x1F5B0];
	v7 =	vsel vm0, v6, v3  }
0x286: {  	v40 =	vcombine.low v0, v7;
	v0 =	vld [tilespmem:$0x1F5A0];
	_ =	sdelay $0x1  }
0x287: {  	v35 =	vld.idx.msk [tilespmem:v23+s28+$0x0], $0xffff  }
0x288: {  	v23 =	vld [tilespmem:$0x1F670]  }
0x289: {  	v16 =	vld [tilespmem:$0x1F660];
	[tilespmem:$0x1F2C0] =	vst v7;
	v7 =	vsel vm0, v20, v14  }
0x28a: {  	v42 =	vcombine.low v0, v7;
	v0 =	vld [tilespmem:$0x1F5E0];
	_ =	sdelay $0x2  }
0x28b: {  	v26 =	vld [tilespmem:$0x1F6A0]  }
0x28c: {  	v29 =	vor.u32 v28, v11;
	v32 =	vor.u32 v28, v8;
	v28 =	vld [tilespmem:$0x1F6B0];
	v31 =	vsel vm0, v23, v16  }
0x28d: {  	v44 =	vcombine.low v0, v31;
	v0 =	vld [tilespmem:$0x1F690];
	_ =	sdelay $0x1  }
0x28e: {  	v30 =	vld.idx.msk [tilespmem:v30+s28+$0x0], $0xffff;
	v38 =	vand.u32 $0xFF, v63  }
0x28f: {  	v19 =	vld.idx.msk [tilespmem:v19+s28+$0x0], $0xffff;
	v46 =	vadd.s32 v38, v8  }
0x290: {  	v58 =	vld.idx.msk [tilespmem:v32+s28+$0x0], $0xffff;
	[tilespmem:$0x1F300] =	vst v7;
	v7 =	vsel vm0, v28, v26  }
0x291: {  	v32 =	vor.u32 v45, v11;
	v50 =	vor.u32 v45, v8;
	v45 =	vcombine.low v0, v7;
	v0 =	vld [tilespmem:$0x1F600];
	_ =	sdelay $0x1  }
0x292: {  	v35 =	vmul.f32 v35, v25;
	v9 =	vadd.f32 v33, v9;
	v33 =	vld [tilespmem:$0x1F6E0]  }
0x293: {  	v30 =	vmul.f32 v30, v25;
	v19 =	vmul.f32 v19, v25;
	v25 =	vld.idx.msk [tilespmem:v46+s28+$0x0], $0xffff  }
0x294: {  	[tilespmem:$0x1F330] =	vst v31;
	v36 =	vadd.s32 v60, v8;
	v60 =	vadd.s32 v42, v8;
	v31 =	vld [tilespmem:$0x1F6F0]  }
0x295: {  	v46 =	vand.u32 $0xFF, v45;
	v42 =	vor.u32 v0, v11;
	v45 =	vor.u32 v0, v8;
	v0 =	vld [tilespmem:$0x1F6D0]  }
0x296: {  	v38 =	vld [tilespmem:$0x1F720]  }
0x297: {  	v10 =	vadd.f32 v35, v10;
	v35 =	vld.idx.msk [tilespmem:v32+s14+$0x0], $0xffff  }
0x298: {  	v18 =	vadd.f32 v30, v18;
	v30 =	vld.idx.msk [tilespmem:v32+s15+$0x0], $0xffff  }
0x299: {  	v34 =	vadd.s32 v59, v8;
	v32 =	vld [tilespmem:$0x1F730];
	v59 =	vsel vm0, v31, v33  }
0x29a: {  	v39 =	vadd.s32 v44, v8;
	v44 =	vcombine.low v0, v59;
	v0 =	vld [tilespmem:$0x1F710];
	_ =	sdelay $0x2  }
0x29b: {  	v43 =	vld [tilespmem:$0x1F760]  }
0x29c: {  	v37 =	vadd.s32 v62, v8;
	v62 =	vadd.s32 v40, v8;
	v40 =	vld [tilespmem:$0x1F770];
	[tilespmem:$0x1F380] =	vst v7;
	v7 =	vsel vm0, v32, v38  }
0x29d: {  	v63 =	vadd.s32 v46, v8;
	v46 =	vcombine.low v0, v7;
	v0 =	vld [tilespmem:$0x1F750];
	_ =	sdelay $0x3  }
0x29e: {  	v17 =	vadd.f32 v19, v17;
	v19 =	vsel vm0, v40, v43  }
0x29f: {  	[tilespmem:$0x1F320] =	vst v7;
	v7 =	vsel vm0, v52, v49;
	v49 =	vcombine.low v0, v19;
	v0 =	vld [tilespmem:$0x1F780]  }
0x2a0: {  	v48 =	vld.idx.msk [tilespmem:v29+s14+$0x0], $0xffff  }
0x2a1: {  	v29 =	vld.idx.msk [tilespmem:v29+s15+$0x0], $0xffff  }
0x2a2: {  	v34 =	vld.idx.msk [tilespmem:v34+s28+$0x0], $0xffff  }
0x2a3: {  	v37 =	vld.idx.msk [tilespmem:v37+s28+$0x0], $0xffff  }
0x2a4: {  	v52 =	vcombine.low v0, v7;
	v0 =	vld [tilespmem:$0x1F790]  }
0x2a5: {  	v50 =	vld.idx.msk [tilespmem:v50+s28+$0x0], $0xffff  }
0x2a6: {  	v29 =	vmul.f32 v29, v48;
	v62 =	vld.idx.msk [tilespmem:v62+s28+$0x0], $0xffff  }
0x2a7: {  	v53 =	vsel vm0, v53, v55;
	v60 =	vld.idx.msk [tilespmem:v60+s28+$0x0], $0xffff  }
0x2a8: {  	v22 =	vadd.f32 v29, v22;
	v29 =	vmul.f32 v34, v48;
	v39 =	vld.idx.msk [tilespmem:v39+s28+$0x0], $0xffff;
	v49 =	vadd.s32 v49, v8  }
0x2a9: {  	v53 =	vcombine.low v53, v0;
	v0 =	vld [tilespmem:$0x1FD50]  }
0x2aa: {  	v9 =	vadd.f32 v29, v9;
	v29 =	vmul.f32 v37, v48;
	v63 =	vld.idx.msk [tilespmem:v63+s28+$0x0], $0xffff  }
0x2ab: {  	v58 =	vmul.f32 v58, v48;
	v55 =	vld.idx.msk [tilespmem:v42+s14+$0x0], $0xffff  }
0x2ac: {  	v18 =	vadd.f32 v29, v18;
	v25 =	vmul.f32 v25, v48;
	v34 =	vld.idx.msk [tilespmem:v42+s15+$0x0], $0xffff;
	v52 =	vand.u32 $0xFF, v52  }
0x2ad: {  	v29 =	vld.idx.msk [tilespmem:v49+s28+$0x0], $0xffff;
	v42 =	vadd.s32 v52, v8;
	v52 =	vadd.f32 v58, v57;
	v57 =	vor.u32 v53, v11  }
0x2ae: {  	v17 =	vadd.f32 v25, v17;
	v25 =	vmul.f32 v50, v35;
	v50 =	vsel vm0, v4, v0;
	v0 =	vld [tilespmem:$0x1FFE0]  }
0x2af: {  	v30 =	vmul.f32 v30, v35;
	v4 =	vld [tilespmem:$0x1FD00]  }
0x2b0: {  	v39 =	vmul.f32 v39, v35  }
0x2b1: {  	v22 =	vadd.f32 v30, v22  }
0x2b2: {  	v30 =	vmul.f32 v62, v35;
	v18 =	vadd.f32 v39, v18;
	v29 =	vmul.f32 v29, v55;
	v49 =	vld.idx.msk [tilespmem:v57+s14+$0x0], $0xffff  }
0x2b3: {  	v62 =	vmul.f32 v60, v35;
	v35 =	vmul.f32 v63, v35;
	v63 =	vld.idx.msk [tilespmem:v57+s15+$0x0], $0xffff  }
0x2b4: {  	v18 =	vadd.f32 v29, v18;
	v29 =	vsel vm0, v0, v4;
	v0 =	vld [tilespmem:$0x1FE00];
	_ =	sdelay $0x3  }
0x2b5: {  	v9 =	vadd.f32 v30, v9;
	v4 =	vld [tilespmem:$0x1FFC0]  }
0x2b6: {  	v30 =	vmul.f32 v34, v55;
	v34 =	vmul.f32 v63, v49;
	v63 =	vsel vm0, v0, v41;
	v0 =	vld [tilespmem:$0x1F3E0];
	_ =	sdelay $0x1  }
0x2b7: {  	v36 =	vld.idx.msk [tilespmem:v36+s28+$0x0], $0xffff  }
0x2b8: {  	v44 =	vadd.s32 v44, v8  }
0x2b9: {  	v46 =	vadd.s32 v46, v8  }
0x2ba: {  	v25 =	vadd.f32 v25, v52;
	v52 =	vsel vm0, v4, v0;
	v0 =	vld [tilespmem:$0x1FE10]  }
0x2bb: {  	v4 =	vld [tilespmem:$0x1FFD0]  }
0x2bc: {  	v36 =	vmul.f32 v36, v48;
	v45 =	vld.idx.msk [tilespmem:v45+s28+$0x0], $0xffff  }
0x2bd: {  	v37 =	vld.idx.msk [tilespmem:v44+s28+$0x0], $0xffff  }
0x2be: {  	v10 =	vadd.f32 v36, v10;
	v36 =	vld.idx.msk [tilespmem:v46+s28+$0x0], $0xffff  }
0x2bf: {  	[tilespmem:$0x1F340] =	vst v19;
	v19 =	vld [tilespmem:$0x1F7A0]  }
0x2c0: {  	v42 =	vld.idx.msk [tilespmem:v42+s28+$0x0], $0xffff;
	v0 =	vsel vm0, v0, v4  }
0x2c1: {  	v58 =	vor.u32 v53, v8;
	[tilespmem:$0x1F350] =	vst v0;
	v53 =	vcombine.low v52, v0;
	v0 =	vld [tilespmem:$0x1F3F0]  }
0x2c2: {  	v22 =	vadd.f32 v30, v22;
	v30 =	vmul.f32 v37, v55  }
0x2c3: {  	v10 =	vadd.f32 v62, v10;
	v36 =	vmul.f32 v36, v55  }
0x2c4: {  	v9 =	vadd.f32 v30, v9;
	v30 =	vsel vm0, v19, v61  }
0x2c5: {  	v37 =	vadd.f32 v36, v10;
	v10 =	vcombine.low v50, v30;
	v50 =	vld [tilespmem:$0x1F7B0]  }
0x2c6: {  	v45 =	vmul.f32 v45, v55;
	v48 =	vmul.f32 v42, v55;
	v55 =	vsel vm0, v1, v0;
	v0 =	vld [tilespmem:$0x1FFF0];
	_ =	sdelay $0x4  }
0x2c7: {  	v4 =	vld [tilespmem:$0x1F420];
	v0 =	vsel vm0, v50, v0  }
0x2c8: {  	[tilespmem:$0x1F3A0] =	vst v0;
	v57 =	vcombine.low v55, v0;
	v0 =	vld [tilespmem:$0x1FDB0];
	_ =	sdelay $0x3  }
0x2c9: {  	v46 =	vld.idx.msk [tilespmem:v58+s28+$0x0], $0xffff  }
0x2ca: {  	v58 =	vsel vm0, v0, v4;
	v0 =	vld [tilespmem:$0x1F7C0];
	_ =	sdelay $0x4  }
0x2cb: {  	v61 =	vcombine.low v58, v0;
	v0 =	vld [tilespmem:$0x1F430];
	_ =	sdelay $0x4  }
0x2cc: {  	v62 =	vsel vm0, v12, v0;
	v0 =	vld [tilespmem:$0x1F460];
	_ =	sdelay $0x2  }
0x2cd: {  	v44 =	vadd.s32 v10, v8;
	v10 =	vand.u32 $0xFF, v57  }
0x2ce: {  	v52 =	vadd.s32 v10, v8;
	v10 =	vld [tilespmem:$0x1F7E0]  }
0x2cf: {  	v17 =	vadd.f32 v35, v17;
	v35 =	vsel vm0, v5, v0;
	v0 =	vld [tilespmem:$0x1F4A0];
	_ =	sdelay $0x3  }
0x2d0: {  	[tilespmem:$0x1F390] =	vst v7;
	v7 =	vld [tilespmem:$0x1F7D0];
	v29 =	vcombine.low v29, v63  }
0x2d1: {  	v17 =	vadd.f32 v48, v17;
	v48 =	vsel vm0, v10, v24;
	v58 =	vsel vm0, v13, v0;
	v0 =	vld [tilespmem:$0x1F4E0]  }
0x2d2: {  	v60 =	vadd.s32 v29, v8;
	v57 =	vcombine.low v35, v48;
	v35 =	vld [tilespmem:$0x1F7F0]  }
0x2d3: {  	v39 =	vmul.f32 v46, v49;
	v46 =	vadd.s32 v53, v8  }
0x2d4: {  	v44 =	vld.idx.msk [tilespmem:v44+s28+$0x0], $0xffff  }
0x2d5: {  	v1 =	vld [tilespmem:$0x1F5D0]  }
0x2d6: {  	v25 =	vadd.f32 v45, v25;
	v29 =	vsel vm0, v7, v15;
	v41 =	vsel vm0, v21, v0;
	v0 =	vld [tilespmem:$0x1FE20]  }
0x2d7: {  	v45 =	vld.idx.msk [tilespmem:v60+s28+$0x0], $0xffff;
	v53 =	vor.u32 v61, v11;
	v42 =	vcombine.low v62, v29;
	v51 =	vsel vm0, v35, v51  }
0x2d8: {  	v46 =	vld.idx.msk [tilespmem:v46+s28+$0x0], $0xffff;
	v58 =	vcombine.low v58, v51  }
0x2d9: {  	v52 =	vld.idx.msk [tilespmem:v52+s28+$0x0], $0xffff;
	v42 =	vadd.s32 v42, v8  }
0x2da: {  	v24 =	vsel vm0, v16, v1;
	v1 =	vld [tilespmem:$0x1F610];
	v58 =	vadd.s32 v58, v8  }
0x2db: {  	v36 =	vsel vm0, v0, v27;
	v0 =	vld [tilespmem:$0x1F520]  }
0x2dc: {  	v62 =	vld.idx.msk [tilespmem:v53+s14+$0x0], $0xffff  }
0x2dd: {  	v44 =	vmul.f32 v44, v49;
	v53 =	vld.idx.msk [tilespmem:v53+s15+$0x0], $0xffff  }
0x2de: {  	v42 =	vld.idx.msk [tilespmem:v42+s28+$0x0], $0xffff  }
0x2df: {  	v9 =	vadd.f32 v44, v9;
	v58 =	vld.idx.msk [tilespmem:v58+s28+$0x0], $0xffff  }
0x2e0: {  	v44 =	vmul.f32 v46, v49;
	v60 =	vcombine.low v41, v36;
	v41 =	vsel vm0, v2, v0;
	v0 =	vld [tilespmem:$0x1F810]  }
0x2e1: {  	v22 =	vadd.f32 v34, v22;
	v2 =	vld [tilespmem:$0x1F5F0]  }
0x2e2: {  	v18 =	vadd.f32 v44, v18;
	v16 =	vld [tilespmem:$0x1F840];
	v55 =	vor.u32 v61, v8;
	v44 =	vmul.f32 v53, v62  }
0x2e3: {  	v39 =	vadd.f32 v39, v25;
	v12 =	vld [tilespmem:$0x1F8B0];
	v25 =	vand.u32 $0xFF, v60  }
0x2e4: {  	v44 =	vadd.f32 v44, v22;
	v22 =	vmul.f32 v42, v62;
	v27 =	vld [tilespmem:$0x1F820];
	v60 =	vadd.s32 v25, v8  }
0x2e5: {  	v34 =	vcombine.low v41, v0;
	v0 =	vld [tilespmem:$0x1F550]  }
0x2e6: {  	v9 =	vadd.f32 v22, v9;
	v22 =	vmul.f32 v58, v62;
	v4 =	vsel vm0, v1, v2;
	v1 =	vld [tilespmem:$0x1F850]  }
0x2e7: {  	v55 =	vld.idx.msk [tilespmem:v55+s28+$0x0], $0xffff  }
0x2e8: {  	v18 =	vadd.f32 v22, v18;
	v22 =	vld [tilespmem:$0x1FE30];
	v61 =	vor.u32 v34, v11  }
0x2e9: {  	v60 =	vld.idx.msk [tilespmem:v60+s28+$0x0], $0xffff  }
0x2ea: {  	v45 =	vmul.f32 v45, v49;
	v15 =	vor.u32 v34, v8;
	v25 =	vsel vm0, v3, v0;
	v0 =	vld [tilespmem:$0x1F590]  }
0x2eb: {  	v57 =	vadd.s32 v57, v8;
	v34 =	vsel vm0, v27, v6;
	v4 =	vcombine.low v4, v1;
	v1 =	vld [tilespmem:$0x1F860]  }
0x2ec: {  	v41 =	vcombine.low v25, v34;
	v25 =	vld [tilespmem:$0x1F830]  }
0x2ed: {  	v37 =	vadd.f32 v45, v37;
	v45 =	vmul.f32 v52, v49;
	v46 =	vld.idx.msk [tilespmem:v61+s14+$0x0], $0xffff;
	v52 =	vor.u32 v4, v11  }
0x2ee: {  	v49 =	vld.idx.msk [tilespmem:v61+s15+$0x0], $0xffff;
	v4 =	vor.u32 v4, v8  }
0x2ef: {  	v15 =	vld.idx.msk [tilespmem:v15+s28+$0x0], $0xffff;
	v41 =	vadd.s32 v41, v8  }
0x2f0: {  	v13 =	vsel vm0, v14, v0;
	v0 =	vld.idx.msk [tilespmem:v57+s28+$0x0], $0xffff;
	v57 =	vsel vm0, v16, v23  }
0x2f1: {  	v53 =	vcombine.low v56, v1;
	v1 =	vld [tilespmem:$0x1F870];
	v24 =	vcombine.low v24, v57  }
0x2f2: {  	v56 =	vld.idx.msk [tilespmem:v52+s14+$0x0], $0xffff  }
0x2f3: {  	v17 =	vadd.f32 v45, v17;
	v4 =	vld.idx.msk [tilespmem:v4+s28+$0x0], $0xffff;
	v24 =	vadd.s32 v24, v8  }
0x2f4: {  	v61 =	vmul.f32 v55, v62;
	v20 =	vsel vm0, v25, v20;
	v45 =	vor.u32 v53, v8;
	v41 =	vld.idx.msk [tilespmem:v41+s28+$0x0], $0xffff  }
0x2f5: {  	v13 =	vcombine.low v13, v20;
	v52 =	vld.idx.msk [tilespmem:v52+s15+$0x0], $0xffff;
	v6 =	vmul.f32 v15, v46  }
0x2f6: {  	v39 =	vadd.f32 v61, v39;
	v0 =	vmul.f32 v0, v62;
	v3 =	vcombine.low v54, v1;
	v1 =	vld [tilespmem:$0x1F880]  }
0x2f7: {  	v14 =	vld [tilespmem:$0x1F8D0];
	v42 =	vor.u32 v53, v11;
	v49 =	vmul.f32 v49, v46;
	v13 =	vadd.s32 v13, v8  }
0x2f8: {  	v6 =	vadd.f32 v6, v39;
	v0 =	vadd.f32 v0, v37;
	v4 =	vmul.f32 v4, v56;
	v24 =	vld.idx.msk [tilespmem:v24+s28+$0x0], $0xffff  }
0x2f9: {  	v37 =	vmul.f32 v60, v62;
	v53 =	vor.u32 v3, v11;
	v15 =	vmul.f32 v41, v46;
	v41 =	vld.idx.msk [tilespmem:v45+s28+$0x0], $0xffff  }
0x2fa: {  	v60 =	vsel vm0, v22, v28;
	v45 =	vmul.f32 v52, v56;
	v4 =	vadd.f32 v4, v6;
	v6 =	vld [tilespmem:$0x1F890]  }
0x2fb: {  	v22 =	vadd.f32 v37, v17;
	v17 =	vadd.f32 v49, v44;
	v55 =	vcombine.low v47, v1;
	v1 =	vld [tilespmem:$0x1F680]  }
0x2fc: {  	v13 =	vld.idx.msk [tilespmem:v13+s28+$0x0], $0xffff  }
0x2fd: {  	v17 =	vadd.f32 v45, v17;
	v45 =	vsel vm0, v12, v32;
	v32 =	vld [tilespmem:$0x1F700];
	v61 =	vor.u32 v55, v11  }
0x2fe: {  	v3 =	vor.u32 v3, v8;
	v62 =	vld.idx.msk [tilespmem:v53+s14+$0x0], $0xffff  }
0x2ff: {  	v54 =	vsel vm0, v6, v31;
	v6 =	vld [tilespmem:$0x1F6C0]  }
0x300: {  	v44 =	vld.idx.msk [tilespmem:v53+s15+$0x0], $0xffff;
	v24 =	vmul.f32 v24, v46;
	v47 =	vsel vm0, v26, v1  }
0x301: {  	v13 =	vmul.f32 v13, v46;
	v1 =	vld [tilespmem:$0x1F620];
	v49 =	vcombine.low v47, v60  }
0x302: {  	v37 =	vadd.f32 v24, v18;
	v18 =	vld.idx.msk [tilespmem:v61+s15+$0x0], $0xffff  }
0x303: {  	v15 =	vadd.f32 v15, v9;
	v0 =	vadd.f32 v13, v0;
	v39 =	vand.u32 $0xFF, v49;
	v49 =	vld.idx.msk [tilespmem:v3+s28+$0x0], $0xffff  }
0x304: {  	v3 =	vld.idx.msk [tilespmem:v61+s14+$0x0], $0xffff;
	v13 =	vadd.s32 v39, v8;
	v61 =	vsel vm0, v33, v6;
	v33 =	vsel vm0, v38, v32  }
0x305: {  	v38 =	vmul.f32 v44, v62;
	v44 =	vcombine.low v33, v45;
	v45 =	vsel vm0, v14, v40;
	v14 =	vld [tilespmem:$0x1F740]  }
0x306: {  	v9 =	vor.u32 v1, v11;
	v39 =	vcombine.low v61, v54;
	v61 =	vor.u32 v1, v8;
	v1 =	vld [tilespmem:$0x1F900];
	_ =	sdelay $0x3  }
0x307: {  	v58 =	vld.idx.msk [tilespmem:v42+s14+$0x0], $0xffff  }
0x308: {  	v32 =	vsel vm0, v43, v14;
	v43 =	vsel vm0, v1, v19;
	v1 =	vld [tilespmem:$0x1F2A0]  }
0x309: {  	v42 =	vld.idx.msk [tilespmem:v42+s15+$0x0], $0xffff;
	_ =	sdelay $0x3  }
0x30a: {  	v45 =	vcombine.low v32, v45;
	v32 =	vcombine.low v1, v43;
	v1 =	vld [tilespmem:$0x1F970]  }
0x30b: {  	v42 =	vmul.f32 v42, v58;
	v6 =	vld.idx.msk [tilespmem:v9+s14+$0x0], $0xffff  }
0x30c: {  	v53 =	vld.idx.msk [tilespmem:v9+s15+$0x0], $0xffff  }
0x30d: {  	v17 =	vadd.f32 v42, v17  }
0x30e: {  	v55 =	vor.u32 v55, v8  }
0x30f: {  	v17 =	vadd.f32 v38, v17;
	v33 =	vmul.f32 v18, v3;
	v43 =	vsel vm0, v1, v7;
	v1 =	vld [tilespmem:$0x1F2B0];
	_ =	sdelay $0x1  }
0x310: {  	v42 =	vadd.f32 v33, v17;
	v53 =	vmul.f32 v53, v6;
	_ =	sdelay $0x1  }
0x311: {  	v42 =	vadd.f32 v53, v42;
	v53 =	vld.idx.msk [tilespmem:v55+s28+$0x0], $0xffff  }
0x312: {  	v55 =	vcombine.low v1, v43;
	v1 =	vld [tilespmem:$0x1F9C0];
	_ =	sdelay $0x1  }
0x313: {  	v41 =	vmul.f32 v41, v58  }
0x314: {  	v39 =	vadd.s32 v39, v8  }
0x315: {  	v4 =	vadd.f32 v41, v4;
	v41 =	vadd.s32 v44, v8  }
0x316: {  	v44 =	vadd.s32 v45, v8;
	v45 =	vadd.s32 v32, v8;
	v32 =	vsel vm0, v1, v27;
	v1 =	vld [tilespmem:$0x1F2C0];
	_ =	sdelay $0x1  }
0x317: {  	v13 =	vld.idx.msk [tilespmem:v13+s28+$0x0], $0xffff  }
0x318: {  	v33 =	vmul.f32 v49, v62;
	v39 =	vld.idx.msk [tilespmem:v39+s28+$0x0], $0xffff;
	_ =	sdelay $0x1  }
0x319: {  	v4 =	vadd.f32 v33, v4;
	v33 =	vcombine.low v1, v32;
	v1 =	vld [tilespmem:$0x1F8A0]  }
0x31a: {  	v2 =	vld [tilespmem:$0x1F630];
	_ =	sdelay $0x1  }
0x31b: {  	v5 =	vld [tilespmem:$0x1F640];
	v40 =	vmul.f32 v13, v46;
	v13 =	vmul.f32 v39, v56  }
0x31c: {  	v32 =	vld [tilespmem:$0x1FE00]  }
0x31d: {  	v13 =	vadd.f32 v13, v15;
	v15 =	vcombine.low v59, v1;
	v1 =	vld [tilespmem:$0x1F920]  }
0x31e: {  	v52 =	vor.u32 v2, v11;
	_ =	sdelay $0x2  }
0x31f: {  	v12 =	vld [tilespmem:$0x1F650];
	v24 =	vor.u32 v5, v11  }
0x320: {  	v43 =	vsel vm0, v1, v32;
	v1 =	vld [tilespmem:$0x1F2D0]  }
0x321: {  	v9 =	vld.idx.msk [tilespmem:v52+s14+$0x0], $0xffff  }
0x322: {  	v52 =	vld.idx.msk [tilespmem:v52+s15+$0x0], $0xffff;
	_ =	sdelay $0x1  }
0x323: {  	v18 =	vld.idx.msk [tilespmem:v24+s14+$0x0], $0xffff  }
0x324: {  	v31 =	vcombine.low v1, v43;
	v1 =	vld [tilespmem:$0x1F910]  }
0x325: {  	v47 =	vld.idx.msk [tilespmem:v61+s28+$0x0], $0xffff  }
0x326: {  	v11 =	vor.u32 v12, v11;
	v52 =	vmul.f32 v52, v9;
	v39 =	vld.idx.msk [tilespmem:v44+s28+$0x0], $0xffff  }
0x327: {  	v44 =	vld.idx.msk [tilespmem:v45+s28+$0x0], $0xffff  }
0x328: {  	v42 =	vadd.f32 v52, v42;
	v52 =	vadd.s32 v55, v8;
	v55 =	vld [tilespmem:$0x1FE10];
	v61 =	vadd.s32 v33, v8  }
0x329: {  	v30 =	vcombine.low v30, v1;
	v1 =	vld [tilespmem:$0x1F940]  }
0x32a: {  	v24 =	vld.idx.msk [tilespmem:v24+s15+$0x0], $0xffff  }
0x32b: {  	v17 =	vld.idx.msk [tilespmem:v11+s14+$0x0], $0xffff  }
0x32c: {  	v11 =	vld.idx.msk [tilespmem:v11+s15+$0x0], $0xffff  }
0x32d: {  	v54 =	vmul.f32 v44, v58;
	v44 =	vld.idx.msk [tilespmem:v61+s28+$0x0], $0xffff  }
0x32e: {  	v61 =	vsel vm0, v1, v55;
	v1 =	vld [tilespmem:$0x1F2E0]  }
0x32f: {  	v53 =	vmul.f32 v53, v3;
	_ =	sdelay $0x1  }
0x330: {  	v24 =	vmul.f32 v24, v18;
	v4 =	vadd.f32 v53, v4;
	v52 =	vld.idx.msk [tilespmem:v52+s28+$0x0], $0xffff;
	v33 =	vmul.f32 v47, v6  }
0x331: {  	v49 =	vor.u32 v2, v8;
	v11 =	vmul.f32 v11, v17  }
0x332: {  	v24 =	vadd.f32 v24, v42;
	v4 =	vadd.f32 v33, v4;
	v33 =	vcombine.low v1, v61;
	v1 =	vld [tilespmem:$0x1F980]  }
0x333: {  	v42 =	vor.u32 v5, v8  }
0x334: {  	v11 =	vadd.f32 v11, v24  }
0x335: {  	v24 =	vor.u32 v12, v8;
	v13 =	vadd.f32 v54, v13;
	v26 =	vmul.f32 v52, v62  }
0x336: {  	v49 =	vld.idx.msk [tilespmem:v49+s28+$0x0], $0xffff  }
0x337: {  	v13 =	vadd.f32 v26, v13;
	v26 =	vcombine.low v29, v1;
	v1 =	vld [tilespmem:$0x1F990]  }
0x338: {  	v42 =	vld.idx.msk [tilespmem:v42+s28+$0x0], $0xffff;
	_ =	sdelay $0x1  }
0x339: {  	v24 =	vld.idx.msk [tilespmem:v24+s28+$0x0], $0xffff  }
0x33a: {  	v49 =	vmul.f32 v49, v9  }
0x33b: {  	v29 =	vsel vm0, v1, v10;
	v1 =	vld [tilespmem:$0x1F9E0]  }
0x33c: {  	v42 =	vmul.f32 v42, v18;
	v4 =	vadd.f32 v49, v4;
	_ =	sdelay $0x1  }
0x33d: {  	v24 =	vmul.f32 v24, v17;
	v4 =	vadd.f32 v42, v4;
	_ =	sdelay $0x1  }
0x33e: {  	v4 =	vadd.f32 v24, v4;
	v24 =	vsel vm0, v1, v25;
	v1 =	vld [tilespmem:$0x1F9D0];
	_ =	sdelay $0x4  }
0x33f: {  	v10 =	vadd.s32 v26, v8;
	v26 =	vcombine.low v34, v1;
	v1 =	vld [tilespmem:$0x1F2F0];
	_ =	sdelay $0x4  }
0x340: {  	v28 =	vcombine.low v1, v29;
	v1 =	vld [tilespmem:$0x1F300];
	_ =	sdelay $0x4  }
0x341: {  	v24 =	vcombine.low v1, v24;
	v1 =	vld [tilespmem:$0x1F9B0];
	_ =	sdelay $0x4  }
0x342: {  	v53 =	vsel vm0, v1, v35;
	v1 =	vld [tilespmem:$0x1F310]  }
0x343: {  	v15 =	vadd.s32 v15, v8;
	_ =	sdelay $0x1  }
0x344: {  	v30 =	vadd.s32 v30, v8  }
0x345: {  	v2 =	vld [tilespmem:$0x1F320]  }
0x346: {  	v23 =	vcombine.low v1, v53;
	v1 =	vld [tilespmem:$0x1F8C0]  }
0x347: {  	v15 =	vld.idx.msk [tilespmem:v15+s28+$0x0], $0xffff;
	_ =	sdelay $0x1  }
0x348: {  	v30 =	vld.idx.msk [tilespmem:v30+s28+$0x0], $0xffff;
	v61 =	vmul.f32 v44, v3  }
0x349: {  	v52 =	vld [tilespmem:$0x1FDF0]  }
0x34a: {  	v13 =	vadd.f32 v61, v13;
	v61 =	vcombine.low v2, v1;
	v1 =	vld [tilespmem:$0x1F8F0]  }
0x34b: {  	v15 =	vmul.f32 v15, v6;
	_ =	sdelay $0x1  }
0x34c: {  	v30 =	vmul.f32 v30, v9;
	v13 =	vadd.f32 v15, v13;
	_ =	sdelay $0x1  }
0x34d: {  	v38 =	vand.u32 $0x7FFFFFFF, v11;
	v13 =	vadd.f32 v30, v13;
	v30 =	vsel vm0, v1, v52;
	v1 =	vld [tilespmem:$0x1F930]  }
0x34e: {  	v47 =	vsub.f32 $0.0e+00, v38;
	_ =	sdelay $0x1  }
0x34f: {  	v47 =	vmul.f32 $1.442695020e+00, v47;
	v31 =	vadd.s32 v31, v8;
	_ =	sdelay $0x1  }
0x350: {  	(erf) = vpow2.f32 v47;
	v47 =	vcombine.low v63, v1;
	v1 =	vld [tilespmem:$0x1F9A0]  }
0x351: {  	v41 =	vld.idx.msk [tilespmem:v41+s28+$0x0], $0xffff;
	_ =	sdelay $0x1  }
0x352: {  	v31 =	vld.idx.msk [tilespmem:v31+s28+$0x0], $0xffff;
	_ =	sdelay $0x1  }
0x353: {  	v53 =	vcombine.low v48, v1;
	v1 =	vld [tilespmem:$0x1FA00]  }
0x354: {  	v41 =	vmul.f32 v41, v56;
	_ =	sdelay $0x1  }
0x355: {  	v0 =	vadd.f32 v41, v0;
	v31 =	vmul.f32 v31, v58;
	_ =	sdelay $0x1  }
0x356: {  	v0 =	vadd.f32 v31, v0;
	v31 =	vsel vm0, v1, v16;
	v1 =	vld [tilespmem:$0x1F9F0];
	_ =	sdelay $0x1  }
0x357: {  	v29 =	vadd.s32 v26, v8  }
0x358: {  	v34 =	vadd.s32 v28, v8;
	_ =	sdelay $0x1  }
0x359: {  	v25 =	vcombine.low v20, v1;
	v1 =	vld [tilespmem:$0x1F330]  }
0x35a: {  	v54 =	vld.idx.msk [tilespmem:v10+s28+$0x0], $0xffff  }
0x35b: {  	v29 =	vld.idx.msk [tilespmem:v29+s28+$0x0], $0xffff  }
0x35c: {  	v34 =	vld.idx.msk [tilespmem:v34+s28+$0x0], $0xffff  }
0x35d: {  	v2 =	vld [tilespmem:$0x1F340]  }
0x35e: {  	v20 =	vcombine.low v1, v31;
	v1 =	vld [tilespmem:$0x1F8E0];
	_ =	sdelay $0x1  }
0x35f: {  	v41 =	vmul.f32 v54, v18  }
0x360: {  	v54 =	vmul.f32 v29, v17;
	v29 =	vmul.f32 v34, v62;
	_ =	sdelay $0x1  }
0x361: {  	v0 =	vadd.f32 v29, v0;
	v29 =	vcombine.low v2, v1;
	v1 =	vld [tilespmem:$0x1F960]  }
0x362: {  	v7 =	vld [tilespmem:$0x1FE80];
	v26 =	vsub.f32 $0.0e+00, v4;
	v38 =	vadd.s32 v61, v8  }
0x363: {  	v49 =	vld [tilespmem:$0x1FFB0];
	v24 =	vadd.s32 v24, v8  }
0x364: {  	v10 =	vld [tilespmem:$0x1FDE0];
	v4 =	vadd.s32 v33, v8;
	v15 =	vand.u32 $0x7FFFFFFF, v26;
	v28 =	vpop (erf)  }
0x365: {  	v15 =	vsub.f32 $0.0e+00, v15;
	v55 =	vadd.f32 $2.000000000e+00, v28;
	v23 =	vadd.s32 v23, v8;
	v2 =	vld [tilespmem:$0x1F350]  }
0x366: {  	v39 =	vmul.f32 v39, v56;
	v31 =	vsel vm0, v1, v50;
	v1 =	vld [tilespmem:$0x1F950]  }
0x367: {  	v15 =	vmul.f32 $1.442695020e+00, v15;
	(erf) = vrcp.f32 v55;
	v55 =	vld.idx.msk [tilespmem:v38+s28+$0x0], $0xffff  }
0x368: {  	v37 =	vadd.f32 v39, v37;
	v24 =	vld.idx.msk [tilespmem:v24+s28+$0x0], $0xffff;
	v39 =	vadd.s32 v47, v8  }
0x369: {  	v4 =	vld.idx.msk [tilespmem:v4+s28+$0x0], $0xffff;
	(erf) = vpow2.f32 v15;
	v15 =	vsel vm0, v49, v10  }
0x36a: {  	v13 =	vadd.f32 v41, v13;
	v23 =	vld.idx.msk [tilespmem:v23+s28+$0x0], $0xffff;
	v15 =	vcombine.low v15, v30;
	v30 =	vadd.s32 v53, v8  }
0x36b: {  	v43 =	vcombine.low v2, v1;
	v1 =	vld [tilespmem:$0x1F360]  }
0x36c: {  	v10 =	vadd.f32 v54, v13;
	v61 =	vmul.f32 v55, v6;
	v55 =	vld [tilespmem:$0x1FE20]  }
0x36d: {  	v13 =	vmul.f32 v24, v3;
	v24 =	vld.idx.msk [tilespmem:v39+s28+$0x0], $0xffff;
	v20 =	vadd.s32 v20, v8  }
0x36e: {  	v4 =	vmul.f32 v4, v58;
	v10 =	vsub.f32 $0.0e+00, v10;
	v53 =	vld [tilespmem:$0x1FE40]  }
0x36f: {  	v0 =	vadd.f32 v13, v0;
	v13 =	vld.idx.msk [tilespmem:v30+s28+$0x0], $0xffff  }
0x370: {  	v4 =	vadd.f32 v4, v37;
	v42 =	vand.u32 $0x7FFFFFFF, v10;
	v12 =	vcombine.low v1, v31;
	v1 =	vld [tilespmem:$0x1F370]  }
0x371: {  	v37 =	vsub.f32 $0.0e+00, v42;
	v0 =	vadd.f32 v61, v0;
	v61 =	vcombine.low v51, v7;
	v7 =	vld [tilespmem:$0x1FEA0]  }
0x372: {  	v24 =	vmul.f32 v24, v9;
	v29 =	vadd.s32 v29, v8;
	v20 =	vld.idx.msk [tilespmem:v20+s28+$0x0], $0xffff  }
0x373: {  	v54 =	vmul.f32 $1.442695020e+00, v37;
	v37 =	vld [tilespmem:$0x1FE30];
	v25 =	vadd.s32 v25, v8  }
0x374: {  	v23 =	vmul.f32 v23, v62;
	v47 =	vld [tilespmem:$0x1FE50];
	v30 =	vpop (erf);
	v0 =	vadd.f32 v24, v0;
	v24 =	vsel vm0, v53, v55  }
0x375: {  	v34 =	vpop (erf);
	v13 =	vmul.f32 v13, v18;
	v14 =	vcombine.low v1, v24;
	v1 =	vld [tilespmem:$0x1F380]  }
0x376: {  	v4 =	vadd.f32 v23, v4;
	v50 =	vadd.f32 $2.000000000e+00, v34  }
0x377: {  	v0 =	vadd.f32 v13, v0;
	v13 =	vld.idx.msk [tilespmem:v29+s28+$0x0], $0xffff;
	v20 =	vmul.f32 v20, v3;
	v29 =	vcombine.low v57, v7  }
0x378: {  	v25 =	vld.idx.msk [tilespmem:v25+s28+$0x0], $0xffff;
	(erf) = vrcp.f32 v50;
	v31 =	vadd.s32 v43, v8  }
0x379: {  	v38 =	vld [tilespmem:$0x1FE60];
	v4 =	vadd.f32 v20, v4;
	v20 =	vadd.s32 v29, v8;
	v29 =	vsel vm0, v47, v37  }
0x37a: {  	(erf) = vpow2.f32 v54;
	v16 =	vcombine.low v1, v29;
	v1 =	vld [tilespmem:$0x1F390];
	_ =	sdelay $0x1  }
0x37b: {  	v23 =	vadd.s32 v61, v8  }
0x37c: {  	v24 =	vmul.f32 v25, v17;
	v25 =	vld.idx.msk [tilespmem:v31+s28+$0x0], $0xffff  }
0x37d: {  	v7 =	vld [tilespmem:$0x1FE70]  }
0x37e: {  	v0 =	vadd.f32 v24, v0;
	v19 =	vcombine.low v1, v38;
	v1 =	vld [tilespmem:$0x1F3A0]  }
0x37f: {  	v15 =	vand.u32 $0xFF, v15;
	v13 =	vmul.f32 v13, v6;
	v12 =	vand.u32 $0xFF, v12  }
0x380: {  	v24 =	vadd.s32 v12, v8;
	v12 =	vsub.f32 $0.0e+00, v0;
	v0 =	vadd.f32 v40, v22;
	v22 =	vld.idx.msk [tilespmem:v23+s28+$0x0], $0xffff  }
0x381: {  	v15 =	vadd.s32 v15, v8;
	v4 =	vadd.f32 v13, v4;
	v23 =	vpop (erf);
	v13 =	vmul.f32 v25, v9  }
0x382: {  	v14 =	vand.u32 $0xFF, v14;
	v29 =	vpop (erf)  }
0x383: {  	v4 =	vadd.f32 v13, v4;
	v13 =	vld.idx.msk [tilespmem:v20+s28+$0x0], $0xffff;
	v20 =	vadd.f32 $2.000000000e+00, v29;
	v31 =	vcombine.low v1, v7  }
0x384: {  	v14 =	vadd.s32 v14, v8;
	v25 =	vand.u32 $0x7FFFFFFF, v12  }
0x385: {  	(erf) = vrcp.f32 v20;
	v20 =	vmul.f32 v22, v18;
	v22 =	vand.u32 $0xFF, v31;
	v31 =	vld [tilespmem:$0x1FE90]  }
0x386: {  	v15 =	vld.idx.msk [tilespmem:v15+s28+$0x0], $0xffff;
	v16 =	vand.u32 $0xFF, v16;
	v25 =	vsub.f32 $0.0e+00, v25  }
0x387: {  	v47 =	vld [tilespmem:$0x1FEB0];
	v16 =	vadd.s32 v16, v8  }
0x388: {  	v24 =	vld.idx.msk [tilespmem:v24+s28+$0x0], $0xffff;
	v25 =	vmul.f32 $1.442695020e+00, v25;
	v19 =	vand.u32 $0xFF, v19  }
0x389: {  	v14 =	vld.idx.msk [tilespmem:v14+s28+$0x0], $0xffff;
	v19 =	vadd.s32 v19, v8  }
0x38a: {  	(erf) = vpow2.f32 v25;
	v25 =	vcombine.low v36, v31  }
0x38b: {  	v15 =	vmul.f32 v15, v56;
	v4 =	vadd.f32 v20, v4;
	v20 =	vadd.s32 v22, v8  }
0x38c: {  	v13 =	vmul.f32 v13, v17;
	v16 =	vld.idx.msk [tilespmem:v16+s28+$0x0], $0xffff;
	v22 =	vand.u32 $0xFF, v25;
	v25 =	vcombine.low v60, v47  }
0x38d: {  	v0 =	vadd.f32 v15, v0;
	v15 =	vmul.f32 v24, v58;
	v22 =	vadd.s32 v22, v8  }
0x38e: {  	v14 =	vmul.f32 v14, v62;
	v4 =	vadd.f32 v13, v4;
	v13 =	vld.idx.msk [tilespmem:v19+s28+$0x0], $0xffff;
	v19 =	vand.u32 $0xFF, v25  }
0x38f: {  	v0 =	vadd.f32 v15, v0;
	v15 =	vadd.s32 v19, v8  }
0x390: {  	v19 =	vld.idx.msk [tilespmem:v20+s28+$0x0], $0xffff;
	v8 =	vsub.f32 $0.0e+00, v4  }
0x391: {  	v0 =	vadd.f32 v14, v0;
	v3 =	vmul.f32 v16, v3  }
0x392: {  	v14 =	vpop (erf);
	v16 =	vand.u32 $0x7FFFFFFF, v8;
	v4 =	vld.idx.msk [tilespmem:v22+s28+$0x0], $0xffff  }
0x393: {  	v0 =	vadd.f32 v3, v0;
	v3 =	vmul.f32 v13, v6;
	v6 =	vpop (erf);
	v13 =	vsub.f32 $0.0e+00, v16  }
0x394: {  	v16 =	vadd.f32 $2.000000000e+00, v6;
	v15 =	vld.idx.msk [tilespmem:v15+s28+$0x0], $0xffff  }
0x395: {  	v0 =	vadd.f32 v3, v0;
	v3 =	vmul.f32 v19, v9;
	v48 =	vmul.f32 $1.442695020e+00, v13  }
0x396: {  	(erf) = vrcp.f32 v16  }
0x397: {  	v0 =	vadd.f32 v3, v0;
	(erf) = vpow2.f32 v48;
	v3 =	vmul.f32 v4, v18;
	_ =	sdelay $0x1  }
0x398: {  	v0 =	vadd.f32 v3, v0;
	v3 =	vmul.f32 v15, v17;
	_ =	sdelay $0x1  }
0x399: {  	v0 =	vadd.f32 v3, v0;
	_ =	sdelay $0x1  }
0x39a: {  	v0 =	vsub.f32 $0.0e+00, v0;
	_ =	sdelay $0x1  }
0x39b: {  	v3 =	vpop (erf);
	v4 =	vand.u32 $0x7FFFFFFF, v0  }
0x39c: {  	v9 =	vpop (erf);
	v4 =	vsub.f32 $0.0e+00, v4  }
0x39d: {  	v13 =	vadd.f32 $2.000000000e+00, v9  }
0x39e: {  	v4 =	vmul.f32 $1.442695020e+00, v4  }
0x39f: {  	v15 =	vmul.f32 v30, v28;
	(erf) = vrcp.f32 v13  }
0x3a0: {  	(erf) = vpow2.f32 v4  }
0x3a1: {  	v4 =	vmul.f32 v15, v15;
	_ =	sdelay $0x1  }
0x3a2: {  	v13 =	vmul.f32 $7.692307980e-02, v4;
	_ =	sdelay $0x1  }
0x3a3: {  	v13 =	vadd.f32 $9.090909360e-02, v13;
	_ =	sdelay $0x1  }
0x3a4: {  	v13 =	vmul.f32 v13, v4  }
0x3a5: {  	v16 =	vpop (erf)  }
0x3a6: {  	v18 =	vmul.f32 v23, v34;
	v13 =	vadd.f32 $1.111111120e-01, v13;
	v17 =	vpop (erf)  }
0x3a7: {  	v19 =	vadd.f32 $2.000000000e+00, v17  }
0x3a8: {  	v20 =	vmul.f32 v18, v18;
	v13 =	vmul.f32 v13, v4  }
0x3a9: {  	(erf) = vrcp.f32 v19  }
0x3aa: {  	v13 =	vadd.f32 $1.428571490e-01, v13;
	v19 =	vmul.f32 $7.692307980e-02, v20;
	_ =	sdelay $0x1  }
0x3ab: {  	v14 =	vmul.f32 v14, v29;
	v13 =	vmul.f32 v13, v4;
	v19 =	vadd.f32 $9.090909360e-02, v19  }
0x3ac: {  	v3 =	vmul.f32 v3, v6  }
0x3ad: {  	v13 =	vadd.f32 $2.000000030e-01, v13;
	v6 =	vmul.f32 v19, v20;
	v19 =	vmul.f32 v14, v14  }
0x3ae: {  	v22 =	vmul.f32 v3, v3  }
0x3af: {  	v13 =	vmul.f32 v13, v4;
	v6 =	vadd.f32 $1.111111120e-01, v6;
	v23 =	vmul.f32 $7.692307980e-02, v19  }
0x3b0: {  	v24 =	vmul.f32 $7.692307980e-02, v22;
	v9 =	vmul.f32 v16, v9  }
0x3b1: {  	v13 =	vadd.f32 $3.333333430e-01, v13;
	v6 =	vmul.f32 v6, v20;
	v23 =	vadd.f32 $9.090909360e-02, v23;
	v16 =	vpop (erf)  }
0x3b2: {  	v16 =	vmul.f32 v16, v17;
	v17 =	vmul.f32 v9, v9  }
0x3b3: {  	v4 =	vmul.f32 v13, v4;
	v6 =	vadd.f32 $1.428571490e-01, v6;
	v23 =	vmul.f32 v23, v19  }
0x3b4: {  	v13 =	vadd.f32 $9.090909360e-02, v24;
	v24 =	vmul.f32 v16, v16;
	v25 =	vmul.f32 $7.692307980e-02, v17  }
0x3b5: {  	v15 =	vadd.f32 v15, v15;
	v6 =	vmul.f32 v6, v20;
	v23 =	vadd.f32 $1.111111120e-01, v23  }
0x3b6: {  	v13 =	vmul.f32 v13, v22;
	v28 =	vmul.f32 $7.692307980e-02, v24;
	v25 =	vadd.f32 $9.090909360e-02, v25  }
0x3b7: {  	v4 =	vadd.f32 $1.000000000e+00, v4;
	v6 =	vadd.f32 $2.000000030e-01, v6;
	v23 =	vmul.f32 v23, v19  }
0x3b8: {  	v13 =	vadd.f32 $1.111111120e-01, v13;
	v28 =	vadd.f32 $9.090909360e-02, v28;
	v25 =	vmul.f32 v25, v17  }
0x3b9: {  	v4 =	vmul.f32 v4, v15;
	v6 =	vmul.f32 v6, v20;
	v23 =	vadd.f32 $1.428571490e-01, v23  }
0x3ba: {  	v13 =	vmul.f32 v13, v22;
	v28 =	vmul.f32 v28, v24;
	v15 =	vadd.f32 $1.111111120e-01, v25  }
0x3bb: {  	v11 =	vmin.f32 v11, $0.0e+00;
	v6 =	vadd.f32 $3.333333430e-01, v6;
	v23 =	vmul.f32 v23, v19  }
0x3bc: {  	v13 =	vadd.f32 $1.428571490e-01, v13;
	v25 =	vadd.f32 $1.111111120e-01, v28;
	v15 =	vmul.f32 v15, v17  }
0x3bd: {  	v18 =	vadd.f32 v18, v18;
	v6 =	vmul.f32 v6, v20;
	v20 =	vadd.f32 $2.000000030e-01, v23  }
0x3be: {  	v13 =	vmul.f32 v13, v22;
	v23 =	vmul.f32 v25, v24;
	v15 =	vadd.f32 $1.428571490e-01, v15  }
0x3bf: {  	v14 =	vadd.f32 v14, v14;
	v4 =	vsub.f32 v11, v4;
	v20 =	vmul.f32 v20, v19  }
0x3c0: {  	v46 =	vld [tilespmem:$0x1FD90];
	v13 =	vadd.f32 $2.000000030e-01, v13;
	v23 =	vadd.f32 $1.428571490e-01, v23;
	v15 =	vmul.f32 v15, v17  }
0x3c1: {  	v45 =	vld [tilespmem:$0x1FFF0];
	v6 =	vadd.f32 $1.000000000e+00, v6;
	v50 =	vadd.f32 $3.333333430e-01, v20  }
0x3c2: {  	v27 =	vld [tilespmem:$0x1FFC0];
	v13 =	vmul.f32 v13, v22;
	v20 =	vmul.f32 v23, v24;
	v15 =	vadd.f32 $2.000000030e-01, v15  }
0x3c3: {  	v59 =	vld [tilespmem:$0x1FDA0];
	v6 =	vmul.f32 v6, v18;
	v18 =	vmin.f32 v26, $0.0e+00;
	v11 =	vmul.f32 v50, v19  }
0x3c4: {  	v44 =	vld [tilespmem:$0x1FFE0];
	v13 =	vadd.f32 $3.333333430e-01, v13;
	v19 =	vadd.f32 $2.000000030e-01, v20;
	v15 =	vmul.f32 v15, v17  }
0x3c5: {  	v33 =	vld [tilespmem:$0x1FFD0];
	v10 =	vmin.f32 v10, $0.0e+00;
	v6 =	vsub.f32 v18, v6;
	v11 =	vadd.f32 $1.000000000e+00, v11  }
0x3c6: {  	v42 =	vld [tilespmem:$0x1FD10];
	v13 =	vmul.f32 v13, v22;
	v18 =	vmul.f32 v19, v24;
	v15 =	vadd.f32 $3.333333430e-01, v15  }
0x3c7: {  	v63 =	vld [tilespmem:$0x1FDD0];
	v3 =	vadd.f32 v3, v3;
	v4 =	vadd.f32 v6, v4;
	v11 =	vmul.f32 v11, v14  }
0x3c8: {  	v61 =	vld [tilespmem:$0x1FD40];
	v13 =	vadd.f32 $1.000000000e+00, v13;
	v14 =	vadd.f32 $3.333333430e-01, v18;
	v6 =	vmul.f32 v15, v17  }
0x3c9: {  	v39 =	vld [tilespmem:$0x1FD80];
	v9 =	vadd.f32 v9, v9;
	v10 =	vsub.f32 v10, v11  }
0x3ca: {  	v56 =	vld [tilespmem:$0x1FF90];
	v3 =	vmul.f32 v13, v3;
	v51 =	vmul.f32 v14, v24;
	v6 =	vadd.f32 $1.000000000e+00, v6  }
0x3cb: {  	v53 =	vld [tilespmem:$0x1FD20];
	v12 =	vmin.f32 v12, $0.0e+00;
	v57 =	vadd.f32 v16, v16;
	v4 =	vadd.f32 v10, v4  }
0x3cc: {  	v55 =	vld [tilespmem:$0x1FD70];
	v3 =	vsub.f32 v12, v3;
	v6 =	vmul.f32 v6, v9;
	v54 =	vadd.f32 $1.000000000e+00, v51  }
0x3cd: {  	v58 =	vld [tilespmem:$0x1FFA0];
	v8 =	vmin.f32 v8, $0.0e+00  }
0x3ce: {  	v62 =	vld [tilespmem:$0x1FDC0];
	v3 =	vadd.f32 v3, v4;
	v4 =	vsub.f32 v8, v6;
	v6 =	vmul.f32 v54, v57  }
0x3cf: {  	v7 =	vld [tilespmem:$0x1FD30];
	v0 =	vmin.f32 v0, $0.0e+00  }
0x3d0: {  	v60 =	vld [tilespmem:$0x1FDB0];
	v3 =	vadd.f32 v4, v3;
	v0 =	vsub.f32 v0, v6  }
0x3d1: {  	v34 =	vld [tilespmem:$0x1FF80]  }
0x3d2: {  	p0 =	sne.s32 s20, $0x1F0;
	v0 =	vadd.f32 v0, v3;
	v3 =	vld [tilespmem:$0x1F3B0]  }
.Ltmp0:
0x3d3: {  	v28 =	vld [tilespmem:$0x1FF50];
	(pc) =	sbr.rel @p0 .LBB2_2-.Ltmp0, $4  }
0x3d4: {  	v18 =	vld [tilespmem:$0x1FF00]  }
0x3d5: {  	v15 =	vld [tilespmem:$0x1FD60]  }
0x3d6: {  	v4 =	vld [tilespmem:$0x1FED0]  }
0x3d7: {  	s20 =	sadd.s32 $0x10, s20;
	v21 =	vlaneseq.u32;
	v3 =	vadd.f32 v0, v3;
	v0 =	vld [tilespmem:$0x1FEC0]  }
0x3d8: {  	s19 =	sadd.s32 $0x1, s19  }
0x3d9: {  	p0 =	sne.s32 s19, s9  }
.Ltmp1:
0x3da: {  	[tilespmem:$0x1CE00] =	vst v3;
	(pc) =	sbr.rel @p0 .LBB2_1-.Ltmp1, $4  }
0x3db: {  	[hbm4b:s8+s2] =	stream.linear.scatter [tilespmem:s18], [sflag:$0x2], $0x10, $0x38;
	[tilespmem:$0x1CE10] =	vst v63  }
0x3dc: {  	_ =	swait.ge [sflag:s10], $0x10  }
0x3dd: {  	[sflag:s10] =	ssyncset.done $0x0  }
0x3de: {  	[sflag:s10] =	ssyncadd.s32 $0xFFFFFFF0  }
0x3df: {  	_ =	sfence.sel $0x180000  }
0x3e0: {  	[bflag:$0x0] =	sbarrier.arrive $0xFFFF  }
0x3e1: {  	_ =	strace $0x90000047  }
0x3e2: {  	s0 =	stileid.u32;
	[bflag:$0x2] =	sbarrier.arrive $0xFFFF  }
0x3e3: {  	p0 =	sne.s32 s0, $0x0;
	s0 =	rddreg [dreg:$0x3]  }
0x3e4: {  	s0 =	sadd.s32 @!p0 $0x100000, s0  }
0x3e5: {  	[sflag:s0] =	ssyncadd.tile.s32 @!p0 $0x1;
	_ =	shalt  }
.Lfunc_end2:
_tile_overlayer_lowered:
.L_overlay_start_2:
0x3e6: {  	(tag) =	ssettag $0x2  }
0x3e7: {  	s0 =	rddreg [dreg:$0x0];
	s2 =	stileid.u32  }
0x3e8: {  	s1 =	rddreg [dreg:$0x1];
	p0 =	sne.s32 s2, $0x0  }
0x3e9: {  	s3 =	rddreg [dreg:$0x2];
	[bflag:$0x3] =	sbarrier.arrive $0xFFFF;
	s2 =	simm.s32 @!p0 $0x1C02  }
0x3ea: {  	[timem:s3], [sflag:s2] =	dma.local @!p0 [hbm:s0], s1  }
0x3eb: {  	s0 =	simm.s32 @!p0 $0x2  }
0x3ec: {  	_ =	swait.ge @!p0 [sflag:s0], s1  }
0x3ed: {  	s1 =	ssub.s32 @!p0 $0x0, s1;
	[sflag:s0] =	ssyncset.done @!p0 $0x0  }
0x3ee: {  	[sflag:s0] =	ssyncadd.s32 @!p0 s1  }
0x3ef: {  	[bflag:$0x3] =	sbarrier.arrive $0xFFFF  }
0x3f0: {  	_ =	shalt  }

</sc_bundles>
